<compile_context>
chip_gen: v7x
topology: tpu7x:2x2x1
jax: 0.10.2.dev20260603
libtpu: 0.0.44.dev20260713+nightly
codegen_flags: <defaults>
</compile_context>

<pallas_src>
import functools

import jax
import jax.numpy as jnp
from jax import lax
from jax.experimental import pallas as pl
from jax.experimental.pallas import tpu as pltpu
from jax.experimental.pallas import tpu_sc as plsc

NC = 2
NS = 16
NW = NC * NS
LANES = 16
C = 4096
UNROLL = 8
PAD = LANES


def _sc_segment_sums(data_num, col_num, row_num, data_den, col_den, row_den,
                     wpk, bnd_num, bnd_den, r_num, r_den, f2):
    win_num = r_num // NW
    win_den = r_den // NW

    mesh = plsc.VectorSubcoreMesh(core_axis_name="c", subcore_axis_name="s",
                                  num_cores=NC, num_subcores=NS)

    @functools.partial(
        pl.kernel,
        out_type=[jax.ShapeDtypeStruct((r_num,), jnp.float32),
                  jax.ShapeDtypeStruct((r_den,), jnp.float32)],
        mesh=mesh,
        compiler_params=pltpu.CompilerParams(needs_layout_passes=False),
        scratch_types=[
            pltpu.VMEM((f2,), jnp.int32),
            pltpu.VMEM((C,), jnp.int32),
            pltpu.VMEM((C,), jnp.float32),
            pltpu.VMEM((PAD + C + PAD,), jnp.int32),
            pltpu.VMEM((C,), jnp.int32),
            pltpu.VMEM((C,), jnp.float32),
            pltpu.VMEM((PAD + C + PAD,), jnp.int32),
            pltpu.VMEM((win_den,), jnp.float32),
            pltpu.VMEM((win_num,), jnp.float32),
            pltpu.VMEM((64,), jnp.int32),
            pltpu.VMEM((64,), jnp.int32),
            pltpu.SemaphoreType.DMA,
            pltpu.SemaphoreType.DMA,
        ],
    )
    def sc_kernel(dn_hbm, cn_hbm, rn_hbm, dd_hbm, cd_hbm, rd_hbm, w_hbm,
                  bn_hbm, bd_hbm, out_num, out_den,
                  w_v, colA, datA, rowA, colB, datB, rowB,
                  accd_v, accn_v, bn_v, bd_v, semA, semB):
        cid = lax.axis_index("c")
        sid = lax.axis_index("s")
        wid = cid * NS + sid

        pltpu.sync_copy(w_hbm, w_v)
        pltpu.sync_copy(bn_hbm, bn_v)
        pltpu.sync_copy(bd_hbm, bd_v)

        iota16 = lax.iota(jnp.int32, LANES)
        lane_first = iota16 == 0
        lane_last = iota16 == (LANES - 1)
        idx_prev = jnp.maximum(iota16 - 1, 0)
        idx_next = jnp.minimum(iota16 + 1, LANES - 1)

        def read_scalar(vref, j):
            off = pl.multiple_of((j // LANES) * LANES, 8)
            v = vref[pl.ds(off, LANES)]
            sel = jnp.where(iota16 == (j % LANES), v, 0)
            return jnp.sum(sel)

        zeros16 = jnp.zeros((LANES,), jnp.float32)

        def zd(i, _):
            accd_v[pl.ds(i * LANES, LANES)] = zeros16
            return 0
        lax.fori_loop(0, win_den // LANES, zd, 0)

        def zn(i, _):
            accn_v[pl.ds(i * LANES, LANES)] = zeros16
            return 0
        lax.fori_loop(0, win_num // LANES, zn, 0)

        sent = jnp.full((LANES,), -1, jnp.int32)
        rowA[pl.ds(0, LANES)] = sent
        rowA[pl.ds(PAD + C, LANES)] = sent
        rowB[pl.ds(0, LANES)] = sent
        rowB[pl.ds(PAD + C, LANES)] = sent

        bufs = ((colA, datA, rowA, semA), (colB, datB, rowB, semB))

        def process(col_hbm, dat_hbm, row_hbm, acc_v, b_lo, b_hi, row0, win):
            kb0 = b_lo // C
            kb1 = (b_hi + C - 1) // C
            n = kb1 - kb0
            uwin = jnp.uint32(win)

            def start3(b, k):
                col_v, dat_v, row_v, sem = bufs[b]
                base = pl.multiple_of(k * C, C)
                pltpu.async_copy(col_hbm.at[pl.ds(base, C)], col_v, sem)
                pltpu.async_copy(dat_hbm.at[pl.ds(base, C)], dat_v, sem)
                pltpu.async_copy(row_hbm.at[pl.ds(base, C)],
                                 row_v.at[pl.ds(PAD, C)], sem)

            def wait3(b):
                col_v, dat_v, row_v, sem = bufs[b]
                pltpu.make_async_copy(
                    col_hbm.at[pl.ds(0, C)], col_v, sem).wait()
                pltpu.make_async_copy(
                    dat_hbm.at[pl.ds(0, C)], dat_v, sem).wait()
                pltpu.make_async_copy(
                    row_hbm.at[pl.ds(0, C)],
                    row_v.at[pl.ds(PAD, C)], sem).wait()

            def body16(b, i, masked):
                col_v, dat_v, row_v, _ = bufs[b]
                o = i * LANES
                sl = pl.ds(o, LANES)
                cidx = col_v[sl]
                pair = plsc.load_gather(
                    w_v, [lax.shift_right_logical(cidx, 1)])
                sh = lax.shift_left(cidx & 1, 4)
                wbits = lax.shift_left(lax.shift_right_logical(pair, sh), 16)
                wv = plsc.bitcast(wbits, jnp.float32)
                row = row_v[pl.ds(PAD + o, LANES)]
                rprev = row_v[pl.ds(PAD + o - 1, LANES)]
                rnext = row_v[pl.ds(PAD + o + 1, LANES)]
                idx = row - row0
                val = wv * dat_v[sl]
                if masked:
                    inwin = plsc.bitcast(idx, jnp.uint32) < uwin
                    val = jnp.where(inwin, val, 0.0)
                q = plsc.cumsum(val)
                qx = q - val
                ee = (rnext != row) | lane_last
                ss = (rprev != row) | lane_first
                emit = (jnp.where(ee, q, 0.0) - jnp.where(ss, qx, 0.0))
                m = ee | ss
                if masked:
                    m = m & inwin
                plsc.addupdate_scatter(acc_v, [idx], emit, mask=m)

            def compute(b, k):
                boundary = (k * C < b_lo) | ((k + 1) * C > b_hi)

                def interior():
                    @plsc.parallel_loop(0, C // LANES, unroll=UNROLL)
                    def _(i):
                        body16(b, i, False)

                def edge():
                    @plsc.parallel_loop(0, C // LANES, unroll=UNROLL)
                    def _(i):
                        body16(b, i, True)

                lax.cond(boundary, edge, interior)

            @pl.when(n > 0)
            def _():
                start3(0, kb0)

            def pair(p, _):
                ka = kb0 + 2 * p
                kb = ka + 1

                @pl.when(kb < kb1)
                def _():
                    start3(1, kb)
                wait3(0)
                compute(0, ka)

                @pl.when(ka + 2 < kb1)
                def _():
                    start3(0, ka + 2)

                @pl.when(kb < kb1)
                def _():
                    wait3(1)
                    compute(1, kb)
                return 0
            lax.fori_loop(0, (n + 1) // 2, pair, 0)

        process(cd_hbm, dd_hbm, rd_hbm, accd_v,
                read_scalar(bd_v, wid), read_scalar(bd_v, wid + 1),
                wid * win_den, win_den)
        process(cn_hbm, dn_hbm, rn_hbm, accn_v,
                read_scalar(bn_v, wid), read_scalar(bn_v, wid + 1),
                wid * win_num, win_num)

        pltpu.sync_copy(accd_v, out_den.at[pl.ds(wid * win_den, win_den)])
        pltpu.sync_copy(accn_v, out_num.at[pl.ds(wid * win_num, win_num)])

    return sc_kernel(data_num, col_num, row_num, data_den, col_den, row_den,
                     wpk, bnd_num, bnd_den)


def _tc_finish_body(spn_ref, spd_ref, cn_ref, cd_ref, out_ref):
    i = pl.program_id(0)
    nsum = jnp.sum(jnp.exp(spn_ref[...]) * cn_ref[...], axis=1, keepdims=True)
    dsum = jnp.sum(jnp.exp(spd_ref[...]) * cd_ref[...], axis=1, keepdims=True)
    part = (jnp.sum(jnp.log(dsum), keepdims=True)
            - jnp.sum(jnp.log(nsum), keepdims=True))

    @pl.when(i == 0)
    def _():
        out_ref[...] = jnp.zeros_like(out_ref)
    out_ref[...] += part


def _tc_finish(sp_num2, sp_den2, cnt_num2, cnt_den2):
    n, mr_num = cnt_num2.shape
    mr_den = cnt_den2.shape[1]
    rb = 1024
    grid = (n // rb,)
    return pl.pallas_call(
        _tc_finish_body,
        grid=grid,
        in_specs=[
            pl.BlockSpec((rb, mr_num), lambda i: (i, 0)),
            pl.BlockSpec((rb, mr_den), lambda i: (i, 0)),
            pl.BlockSpec((rb, mr_num), lambda i: (i, 0)),
            pl.BlockSpec((rb, mr_den), lambda i: (i, 0)),
        ],
        out_specs=pl.BlockSpec((1, 1), lambda i: (0, 0)),
        out_shape=jax.ShapeDtypeStruct((1, 1), jnp.float32),
    )(sp_num2, sp_den2, cnt_num2, cnt_den2)


def kernel(data_num, row_num, col_num, cnt_num, data_den, row_den, col_den,
           cnt_den, weights):
    r_num = cnt_num.shape[0]
    r_den = cnt_den.shape[0]
    f = weights.shape[0]
    f2 = (f + 1) // 2

    wb = weights.astype(jnp.bfloat16)
    if f % 2:
        wb = jnp.concatenate([wb, jnp.zeros((1,), jnp.bfloat16)])
    wpk = lax.bitcast_convert_type(wb.reshape(f2, 2), jnp.int32)
    if wpk.ndim == 2:
        wpk = wpk.reshape(f2)

    wnum = jnp.arange(NW + 1, dtype=jnp.int32) * (r_num // NW)
    wden = jnp.arange(NW + 1, dtype=jnp.int32) * (r_den // NW)
    bnd_num = jnp.zeros((64,), jnp.int32).at[: NW + 1].set(
        jnp.searchsorted(row_num, wnum,
                         method="scan_unrolled").astype(jnp.int32))
    bnd_den = jnp.zeros((64,), jnp.int32).at[: NW + 1].set(
        jnp.searchsorted(row_den, wden,
                         method="scan_unrolled").astype(jnp.int32))

    sp_num, sp_den = _sc_segment_sums(data_num, col_num, row_num,
                                      data_den, col_den, row_den,
                                      wpk, bnd_num, bnd_den, r_num, r_den, f2)
    n = 16384
    return sp_num[0] + sp_den[0]

# --- scband reference (transcript-rebuilt; emitter-appended) ---
"""Pipeline reference for scband-log-linear-model-9036611191409 (READ-ONLY COPY).

The authoritative reference and input builder live on the scoring server;
editing this copy changes nothing except your own understanding.
"""

import jax, jax.numpy as jnp
import numpy as np

N = 16384
MAX_R_NUM = 8
MAX_R_DEN = 64
F = 100000
NNZ_NUM = N * MAX_R_NUM * 16
NNZ_DEN = N * MAX_R_DEN * 16


def setup_inputs(seed: int = 0) -> dict:
    key = jax.random.key(seed)
    ks = jax.random.split(key, 8)
    data_num = jax.random.uniform(ks[0], (NNZ_NUM,), dtype=jnp.float32)
    row_num = jnp.sort(jax.random.randint(ks[1], (NNZ_NUM,), 0, N * MAX_R_NUM, dtype=jnp.int32))
    col_num = jax.random.randint(ks[2], (NNZ_NUM,), 0, F, dtype=jnp.int32)
    cnt_num = jnp.ones((N * MAX_R_NUM,), dtype=jnp.float32)
    data_den = jax.random.uniform(ks[3], (NNZ_DEN,), dtype=jnp.float32)
    row_den = jnp.sort(jax.random.randint(ks[4], (NNZ_DEN,), 0, N * MAX_R_DEN, dtype=jnp.int32))
    col_den = jax.random.randint(ks[5], (NNZ_DEN,), 0, F, dtype=jnp.int32)
    cnt_den = jnp.ones((N * MAX_R_DEN,), dtype=jnp.float32)
    weights = jax.random.normal(ks[6], (F,), dtype=jnp.float32) * 0.01
    return {"data_num": data_num, "row_num": row_num, "col_num": col_num, "cnt_num": cnt_num,
            "data_den": data_den, "row_den": row_den, "col_den": col_den, "cnt_den": cnt_den,
            "weights": weights}


def reference(data_num, row_num, col_num, cnt_num, data_den, row_den, col_den, cnt_den, weights):
    # sparse CSR/COO dot(weights): gather weight by feature col, multiply by feature value,
    # scatter-add into the row (one row per (word, candidate) pair)
    s_num = jnp.zeros((N * MAX_R_NUM,), dtype=jnp.float32).at[row_num].add(data_num * weights[col_num])
    s_den = jnp.zeros((N * MAX_R_DEN,), dtype=jnp.float32).at[row_den].add(data_den * weights[col_den])
    # exp, mask by cnt (1.0 for real candidates, 0.0 for padding), reshape to (N, max_r)
    num = (jnp.exp(s_num) * cnt_num).reshape(N, MAX_R_NUM)
    den = (jnp.exp(s_den) * cnt_den).reshape(N, MAX_R_DEN)
    loss = -jnp.sum(jnp.log(jnp.sum(num, axis=1) / jnp.sum(den, axis=1)))
    return loss

if __name__ == "__main__":
    import jax
    _d = setup_inputs()
    print(jax.jit(kernel)(*tuple(_d.values())))

</pallas_src>

<mosaic_0001>
#map = affine_map<(d0, d1) -> (0)>
module attributes {stable_mosaic.version = 14 : i64} {
  func.func @sc_kernel(%arg0: i32, %arg1: i32, %arg2: memref<2097152xf32, #tpu.memory_space<hbm>>, %arg3: memref<2097152xi32, #tpu.memory_space<hbm>>, %arg4: memref<2097152xi32, #tpu.memory_space<hbm>>, %arg5: memref<16777216xf32, #tpu.memory_space<hbm>>, %arg6: memref<16777216xi32, #tpu.memory_space<hbm>>, %arg7: memref<16777216xi32, #tpu.memory_space<hbm>>, %arg8: memref<50000xi32, #tpu.memory_space<hbm>>, %arg9: memref<64xi32, #tpu.memory_space<hbm>>, %arg10: memref<64xi32, #tpu.memory_space<hbm>>, %arg11: memref<131072xf32, #tpu.memory_space<hbm>>, %arg12: memref<1048576xf32, #tpu.memory_space<hbm>>, %arg13: memref<50000xi32, #tpu.memory_space<vmem>>, %arg14: memref<4096xi32, #tpu.memory_space<vmem>>, %arg15: memref<4096xf32, #tpu.memory_space<vmem>>, %arg16: memref<4128xi32, #tpu.memory_space<vmem>>, %arg17: memref<4096xi32, #tpu.memory_space<vmem>>, %arg18: memref<4096xf32, #tpu.memory_space<vmem>>, %arg19: memref<4128xi32, #tpu.memory_space<vmem>>, %arg20: memref<32768xf32, #tpu.memory_space<vmem>>, %arg21: memref<4096xf32, #tpu.memory_space<vmem>>, %arg22: memref<64xi32, #tpu.memory_space<vmem>>, %arg23: memref<64xi32, #tpu.memory_space<vmem>>, %arg24: memref<!tpu.dma_semaphore, #tpu.memory_space<semaphore_mem>>, %arg25: memref<!tpu.dma_semaphore, #tpu.memory_space<semaphore_mem>>) attributes {dimension_semantics = [#tpu.dimension_semantics<core_parallel>, #tpu.dimension_semantics<subcore_parallel>], iteration_bounds = array<i64: 2, 16>, scalar_prefetch = 0 : i64, scratch_operands = 13 : i64, tpu.core_type = #tpu.core_type<sc_vector_subcore>, window_params = [{transform_indices = #map}, {transform_indices = #map}, {transform_indices = #map}, {transform_indices = #map}, {transform_indices = #map}, {transform_indices = #map}, {transform_indices = #map}, {transform_indices = #map}, {transform_indices = #map}, {transform_indices = #map}, {transform_indices = #map}]} {
    %mul3A = arith.constant 16 : i32
    %mul3A_0 = arith.muli %arg0, %mul3A : i32
    %add3A = arith.addi %mul3A_0, %arg1 : i32
    "tpu.region"() ({
      %run_scoped3A = tpu.sem_alloc : memref<!tpu.dma_semaphore, #tpu.memory_space<semaphore_mem>>
      tpu.enqueue_dma source(%arg8 : memref<50000xi32, #tpu.memory_space<hbm>>) target(%arg13 : memref<50000xi32, #tpu.memory_space<vmem>>) target_semaphore(%run_scoped3A : memref<!tpu.dma_semaphore, #tpu.memory_space<semaphore_mem>>)
      tpu.wait_dma2 semaphore(%run_scoped3A : memref<!tpu.dma_semaphore, #tpu.memory_space<semaphore_mem>>) src(%arg8 : memref<50000xi32, #tpu.memory_space<hbm>>) dst(%arg13 : memref<50000xi32, #tpu.memory_space<vmem>>)
      tpu.yield
    }) : () -> ()
    "tpu.region"() ({
      %run_scoped3A = tpu.sem_alloc : memref<!tpu.dma_semaphore, #tpu.memory_space<semaphore_mem>>
      tpu.enqueue_dma source(%arg9 : memref<64xi32, #tpu.memory_space<hbm>>) target(%arg22 : memref<64xi32, #tpu.memory_space<vmem>>) target_semaphore(%run_scoped3A : memref<!tpu.dma_semaphore, #tpu.memory_space<semaphore_mem>>)
      tpu.wait_dma2 semaphore(%run_scoped3A : memref<!tpu.dma_semaphore, #tpu.memory_space<semaphore_mem>>) src(%arg9 : memref<64xi32, #tpu.memory_space<hbm>>) dst(%arg22 : memref<64xi32, #tpu.memory_space<vmem>>)
      tpu.yield
    }) : () -> ()
    "tpu.region"() ({
      %run_scoped3A = tpu.sem_alloc : memref<!tpu.dma_semaphore, #tpu.memory_space<semaphore_mem>>
      tpu.enqueue_dma source(%arg10 : memref<64xi32, #tpu.memory_space<hbm>>) target(%arg23 : memref<64xi32, #tpu.memory_space<vmem>>) target_semaphore(%run_scoped3A : memref<!tpu.dma_semaphore, #tpu.memory_space<semaphore_mem>>)
      tpu.wait_dma2 semaphore(%run_scoped3A : memref<!tpu.dma_semaphore, #tpu.memory_space<semaphore_mem>>) src(%arg10 : memref<64xi32, #tpu.memory_space<hbm>>) dst(%arg23 : memref<64xi32, #tpu.memory_space<vmem>>)
      tpu.yield
    }) : () -> ()
    %iota3A = tpu.iota {dimensions = array<i32: 0>} : vector<16xi32>
    %eq3A = arith.constant 0 : i32
    %eq3A_1 = vector.broadcast %eq3A : i32 to vector<16xi32>
    %eq3A_2 = arith.cmpi eq, %iota3A, %eq3A_1 : vector<16xi32>
    %eq3A_3 = arith.constant 15 : i32
    %eq3A_4 = vector.broadcast %eq3A_3 : i32 to vector<16xi32>
    %eq3A_5 = arith.cmpi eq, %iota3A, %eq3A_4 : vector<16xi32>
    %sub3A = arith.constant 1 : i32
    %sub3A_6 = vector.broadcast %sub3A : i32 to vector<16xi32>
    %sub3A_7 = arith.subi %iota3A, %sub3A_6 : vector<16xi32>
    %max3A = arith.constant 0 : i32
    %max3A_8 = vector.broadcast %max3A : i32 to vector<16xi32>
    %max3A_9 = arith.maxsi %sub3A_7, %max3A_8 : vector<16xi32>
    %add3A_10 = arith.constant 1 : i32
    %add3A_11 = vector.broadcast %add3A_10 : i32 to vector<16xi32>
    %add3A_12 = arith.addi %iota3A, %add3A_11 : vector<16xi32>
    %min3A = arith.constant 15 : i32
    %min3A_13 = vector.broadcast %min3A : i32 to vector<16xi32>
    %min3A_14 = arith.minsi %add3A_12, %min3A_13 : vector<16xi32>
    %broadcast_in_dim3A = arith.constant 0.000000e+00 : f32
    %broadcast_in_dim3A_15 = vector.broadcast %broadcast_in_dim3A : f32 to vector<16xf32>
    %scan3A = arith.constant 0 : i32
    %scan3A_16 = arith.constant 0 : i32
    %scan3A_17 = arith.constant 2048 : i32
    %scan3A_18 = arith.addi %scan3A_16, %scan3A_17 : i32
    %scan3A_19 = arith.constant 1 : i32
    %scan3A_20 = scf.for %scan3A_445 = %scan3A_16 to %scan3A_18 step %scan3A_19 iter_args(%scan3A_446 = %scan3A) -> (i32)  : i32 {
      %mul3A_447 = arith.constant 16 : i32
      %mul3A_448 = arith.muli %scan3A_445, %mul3A_447 : i32
      %swap3A_449 = arith.index_cast %mul3A_448 : i32 to index
      %swap3A_450 = tpu.vector_load %arg20[%swap3A_449] {strides = array<i32>} : memref<32768xf32, #tpu.memory_space<vmem>>, vector<16xf32>,
      tpu.vector_store %arg20[%swap3A_449], %broadcast_in_dim3A_15 {strides = array<i32>} : memref<32768xf32, #tpu.memory_space<vmem>>, vector<16xf32>,
      %scan3A_451 = arith.constant 0 : i32
      scf.yield %scan3A_451 : i32
    }
    %scan3A_21 = arith.constant 2048 : i32
    %scan3A_22 = arith.constant 0 : i32
    %scan3A_23 = arith.constant 0 : i32
    %scan3A_24 = arith.constant 256 : i32
    %scan3A_25 = arith.addi %scan3A_23, %scan3A_24 : i32
    %scan3A_26 = arith.constant 1 : i32
    %scan3A_27 = scf.for %scan3A_445 = %scan3A_23 to %scan3A_25 step %scan3A_26 iter_args(%scan3A_446 = %scan3A_22) -> (i32)  : i32 {
      %mul3A_447 = arith.constant 16 : i32
      %mul3A_448 = arith.muli %scan3A_445, %mul3A_447 : i32
      %swap3A_449 = arith.index_cast %mul3A_448 : i32 to index
      %swap3A_450 = tpu.vector_load %arg21[%swap3A_449] {strides = array<i32>} : memref<4096xf32, #tpu.memory_space<vmem>>, vector<16xf32>,
      tpu.vector_store %arg21[%swap3A_449], %broadcast_in_dim3A_15 {strides = array<i32>} : memref<4096xf32, #tpu.memory_space<vmem>>, vector<16xf32>,
      %scan3A_451 = arith.constant 0 : i32
      scf.yield %scan3A_451 : i32
    }
    %scan3A_28 = arith.constant 256 : i32
    %broadcast_in_dim3A_29 = arith.constant -1 : i32
    %broadcast_in_dim3A_30 = vector.broadcast %broadcast_in_dim3A_29 : i32 to vector<16xi32>
    %swap3A = arith.constant 0 : index
    %swap3A_31 = tpu.vector_load %arg16[%swap3A] {strides = array<i32>} : memref<4128xi32, #tpu.memory_space<vmem>>, vector<16xi32>,
    tpu.vector_store %arg16[%swap3A], %broadcast_in_dim3A_30 {strides = array<i32>} : memref<4128xi32, #tpu.memory_space<vmem>>, vector<16xi32>,
    %swap3A_32 = arith.constant 4112 : index
    %swap3A_33 = tpu.vector_load %arg16[%swap3A_32] {strides = array<i32>} : memref<4128xi32, #tpu.memory_space<vmem>>, vector<16xi32>,
    tpu.vector_store %arg16[%swap3A_32], %broadcast_in_dim3A_30 {strides = array<i32>} : memref<4128xi32, #tpu.memory_space<vmem>>, vector<16xi32>,
    %swap3A_34 = arith.constant 0 : index
    %swap3A_35 = tpu.vector_load %arg19[%swap3A_34] {strides = array<i32>} : memref<4128xi32, #tpu.memory_space<vmem>>, vector<16xi32>,
    tpu.vector_store %arg19[%swap3A_34], %broadcast_in_dim3A_30 {strides = array<i32>} : memref<4128xi32, #tpu.memory_space<vmem>>, vector<16xi32>,
    %swap3A_36 = arith.constant 4112 : index
    %swap3A_37 = tpu.vector_load %arg19[%swap3A_36] {strides = array<i32>} : memref<4128xi32, #tpu.memory_space<vmem>>, vector<16xi32>,
    tpu.vector_store %arg19[%swap3A_36], %broadcast_in_dim3A_30 {strides = array<i32>} : memref<4128xi32, #tpu.memory_space<vmem>>, vector<16xi32>,
    %jit3A = arith.constant 16 : i32
    %div3A = arith.divsi %add3A, %jit3A : i32
    %sign3A = arith.constant 0 : i32
    %sign3A_38 = arith.cmpi sgt, %add3A, %sign3A : i32
    %sign3A_39 = arith.extui %sign3A_38 : i1 to i32
    %sign3A_40 = arith.constant 0 : i32
    %sign3A_41 = arith.cmpi slt, %add3A, %sign3A_40 : i32
    %sign3A_42 = arith.extui %sign3A_41 : i1 to i32
    %sign3A_43 = arith.subi %sign3A_39, %sign3A_42 : i32
    %sign3A_44 = arith.constant 0 : i32
    %sign3A_45 = arith.cmpi sgt, %jit3A, %sign3A_44 : i32
    %sign3A_46 = arith.extui %sign3A_45 : i1 to i32
    %sign3A_47 = arith.constant 0 : i32
    %sign3A_48 = arith.cmpi slt, %jit3A, %sign3A_47 : i32
    %sign3A_49 = arith.extui %sign3A_48 : i1 to i32
    %sign3A_50 = arith.subi %sign3A_46, %sign3A_49 : i32
    %ne3A = arith.cmpi ne, %sign3A_43, %sign3A_50 : i32
    %rem3A = arith.remsi %add3A, %jit3A : i32
    %ne3A_51 = arith.constant 0 : i32
    %ne3A_52 = arith.cmpi ne, %rem3A, %ne3A_51 : i32
    %and3A = arith.andi %ne3A, %ne3A_52 : i1
    %sub3A_53 = arith.constant 1 : i32
    %sub3A_54 = arith.subi %div3A, %sub3A_53 : i32
    %select_n3A = arith.select %and3A, %sub3A_54, %div3A : i32
    %mul3A_55 = arith.constant 16 : i32
    %mul3A_56 = arith.muli %select_n3A, %mul3A_55 : i32
    %multiple_of3A = tpu.assume_multiple %mul3A_56, 8 : i32
    %get3A = arith.index_cast %multiple_of3A : i32 to index
    %get3A_57 = tpu.vector_load %arg23[%get3A] {strides = array<i32>} : memref<64xi32, #tpu.memory_space<vmem>>, vector<16xi32>,
    %jit3A_58 = arith.constant 16 : i32
    %eq3A_59 = arith.constant 0 : i32
    %eq3A_60 = arith.cmpi eq, %jit3A_58, %eq3A_59 : i32
    %jit3A_61 = arith.constant 1 : i32
    %select_n3A_62 = arith.select %eq3A_60, %jit3A_61, %jit3A_58 : i32
    %rem3A_63 = arith.remsi %add3A, %select_n3A_62 : i32
    %ne3A_64 = arith.constant 0 : i32
    %ne3A_65 = arith.cmpi ne, %rem3A_63, %ne3A_64 : i32
    %lt3A = arith.constant 0 : i32
    %lt3A_66 = arith.cmpi slt, %rem3A_63, %lt3A : i32
    %lt3A_67 = arith.constant 0 : i32
    %lt3A_68 = arith.cmpi slt, %select_n3A_62, %lt3A_67 : i32
    %ne3A_69 = arith.xori %lt3A_66, %lt3A_68 : i1
    %and3A_70 = arith.andi %ne3A_69, %ne3A_65 : i1
    %add3A_71 = arith.addi %rem3A_63, %select_n3A_62 : i32
    %select_n3A_72 = arith.select %and3A_70, %add3A_71, %rem3A_63 : i32
    %eq3A_73 = vector.broadcast %select_n3A_72 : i32 to vector<16xi32>
    %eq3A_74 = arith.cmpi eq, %iota3A, %eq3A_73 : vector<16xi32>
    %jit3A_75 = arith.constant 0 : i32
    %broadcast_in_dim3A_76 = vector.broadcast %jit3A_75 : i32 to vector<16xi32>
    %select_n3A_77 = arith.select %eq3A_74, %get3A_57, %broadcast_in_dim3A_76 : vector<16xi1>, vector<16xi32>
    %reduce_sum3A = arith.constant true
    %reduce_sum3A_78 = vector.broadcast %reduce_sum3A : i1 to vector<16xi1>
    %reduce_sum3A_79 = tpu.scan <sum>, %select_n3A_77 masked %reduce_sum3A_78 : vector<16xi32>, vector<16xi1> -> vector<16xi32>
    %reduce_sum3A_80 = vector.extract %reduce_sum3A_79[15] : i32 from vector<16xi32>
    %add3A_81 = arith.constant 1 : i32
    %add3A_82 = arith.addi %add3A, %add3A_81 : i32
    %jit3A_83 = arith.constant 16 : i32
    %div3A_84 = arith.divsi %add3A_82, %jit3A_83 : i32
    %sign3A_85 = arith.constant 0 : i32
    %sign3A_86 = arith.cmpi sgt, %add3A_82, %sign3A_85 : i32
    %sign3A_87 = arith.extui %sign3A_86 : i1 to i32
    %sign3A_88 = arith.constant 0 : i32
    %sign3A_89 = arith.cmpi slt, %add3A_82, %sign3A_88 : i32
    %sign3A_90 = arith.extui %sign3A_89 : i1 to i32
    %sign3A_91 = arith.subi %sign3A_87, %sign3A_90 : i32
    %sign3A_92 = arith.constant 0 : i32
    %sign3A_93 = arith.cmpi sgt, %jit3A_83, %sign3A_92 : i32
    %sign3A_94 = arith.extui %sign3A_93 : i1 to i32
    %sign3A_95 = arith.constant 0 : i32
    %sign3A_96 = arith.cmpi slt, %jit3A_83, %sign3A_95 : i32
    %sign3A_97 = arith.extui %sign3A_96 : i1 to i32
    %sign3A_98 = arith.subi %sign3A_94, %sign3A_97 : i32
    %ne3A_99 = arith.cmpi ne, %sign3A_91, %sign3A_98 : i32
    %rem3A_100 = arith.remsi %add3A_82, %jit3A_83 : i32
    %ne3A_101 = arith.constant 0 : i32
    %ne3A_102 = arith.cmpi ne, %rem3A_100, %ne3A_101 : i32
    %and3A_103 = arith.andi %ne3A_99, %ne3A_102 : i1
    %sub3A_104 = arith.constant 1 : i32
    %sub3A_105 = arith.subi %div3A_84, %sub3A_104 : i32
    %select_n3A_106 = arith.select %and3A_103, %sub3A_105, %div3A_84 : i32
    %mul3A_107 = arith.constant 16 : i32
    %mul3A_108 = arith.muli %select_n3A_106, %mul3A_107 : i32
    %multiple_of3A_109 = tpu.assume_multiple %mul3A_108, 8 : i32
    %get3A_110 = arith.index_cast %multiple_of3A_109 : i32 to index
    %get3A_111 = tpu.vector_load %arg23[%get3A_110] {strides = array<i32>} : memref<64xi32, #tpu.memory_space<vmem>>, vector<16xi32>,
    %jit3A_112 = arith.constant 16 : i32
    %eq3A_113 = arith.constant 0 : i32
    %eq3A_114 = arith.cmpi eq, %jit3A_112, %eq3A_113 : i32
    %jit3A_115 = arith.constant 1 : i32
    %select_n3A_116 = arith.select %eq3A_114, %jit3A_115, %jit3A_112 : i32
    %rem3A_117 = arith.remsi %add3A_82, %select_n3A_116 : i32
    %ne3A_118 = arith.constant 0 : i32
    %ne3A_119 = arith.cmpi ne, %rem3A_117, %ne3A_118 : i32
    %lt3A_120 = arith.constant 0 : i32
    %lt3A_121 = arith.cmpi slt, %rem3A_117, %lt3A_120 : i32
    %lt3A_122 = arith.constant 0 : i32
    %lt3A_123 = arith.cmpi slt, %select_n3A_116, %lt3A_122 : i32
    %ne3A_124 = arith.xori %lt3A_121, %lt3A_123 : i1
    %and3A_125 = arith.andi %ne3A_124, %ne3A_119 : i1
    %add3A_126 = arith.addi %rem3A_117, %select_n3A_116 : i32
    %select_n3A_127 = arith.select %and3A_125, %add3A_126, %rem3A_117 : i32
    %eq3A_128 = vector.broadcast %select_n3A_127 : i32 to vector<16xi32>
    %eq3A_129 = arith.cmpi eq, %iota3A, %eq3A_128 : vector<16xi32>
    %jit3A_130 = arith.constant 0 : i32
    %broadcast_in_dim3A_131 = vector.broadcast %jit3A_130 : i32 to vector<16xi32>
    %select_n3A_132 = arith.select %eq3A_129, %get3A_111, %broadcast_in_dim3A_131 : vector<16xi1>, vector<16xi32>
    %reduce_sum3A_133 = arith.constant true
    %reduce_sum3A_134 = vector.broadcast %reduce_sum3A_133 : i1 to vector<16xi1>
    %reduce_sum3A_135 = tpu.scan <sum>, %select_n3A_132 masked %reduce_sum3A_134 : vector<16xi32>, vector<16xi1> -> vector<16xi32>
    %reduce_sum3A_136 = vector.extract %reduce_sum3A_135[15] : i32 from vector<16xi32>
    %mul3A_137 = arith.constant 32768 : i32
    %mul3A_138 = arith.muli %add3A, %mul3A_137 : i32
    %jit3A_139 = arith.constant 4096 : i32
    %div3A_140 = arith.divsi %reduce_sum3A_80, %jit3A_139 : i32
    %sign3A_141 = arith.constant 0 : i32
    %sign3A_142 = arith.cmpi sgt, %reduce_sum3A_80, %sign3A_141 : i32
    %sign3A_143 = arith.extui %sign3A_142 : i1 to i32
    %sign3A_144 = arith.constant 0 : i32
    %sign3A_145 = arith.cmpi slt, %reduce_sum3A_80, %sign3A_144 : i32
    %sign3A_146 = arith.extui %sign3A_145 : i1 to i32
    %sign3A_147 = arith.subi %sign3A_143, %sign3A_146 : i32
    %sign3A_148 = arith.constant 0 : i32
    %sign3A_149 = arith.cmpi sgt, %jit3A_139, %sign3A_148 : i32
    %sign3A_150 = arith.extui %sign3A_149 : i1 to i32
    %sign3A_151 = arith.constant 0 : i32
    %sign3A_152 = arith.cmpi slt, %jit3A_139, %sign3A_151 : i32
    %sign3A_153 = arith.extui %sign3A_152 : i1 to i32
    %sign3A_154 = arith.subi %sign3A_150, %sign3A_153 : i32
    %ne3A_155 = arith.cmpi ne, %sign3A_147, %sign3A_154 : i32
    %rem3A_156 = arith.remsi %reduce_sum3A_80, %jit3A_139 : i32
    %ne3A_157 = arith.constant 0 : i32
    %ne3A_158 = arith.cmpi ne, %rem3A_156, %ne3A_157 : i32
    %and3A_159 = arith.andi %ne3A_155, %ne3A_158 : i1
    %sub3A_160 = arith.constant 1 : i32
    %sub3A_161 = arith.subi %div3A_140, %sub3A_160 : i32
    %select_n3A_162 = arith.select %and3A_159, %sub3A_161, %div3A_140 : i32
    %add3A_163 = arith.constant 4096 : i32
    %add3A_164 = arith.addi %reduce_sum3A_136, %add3A_163 : i32
    %sub3A_165 = arith.constant 1 : i32
    %sub3A_166 = arith.subi %add3A_164, %sub3A_165 : i32
    %jit3A_167 = arith.constant 4096 : i32
    %div3A_168 = arith.divsi %sub3A_166, %jit3A_167 : i32
    %sign3A_169 = arith.constant 0 : i32
    %sign3A_170 = arith.cmpi sgt, %sub3A_166, %sign3A_169 : i32
    %sign3A_171 = arith.extui %sign3A_170 : i1 to i32
    %sign3A_172 = arith.constant 0 : i32
    %sign3A_173 = arith.cmpi slt, %sub3A_166, %sign3A_172 : i32
    %sign3A_174 = arith.extui %sign3A_173 : i1 to i32
    %sign3A_175 = arith.subi %sign3A_171, %sign3A_174 : i32
    %sign3A_176 = arith.constant 0 : i32
    %sign3A_177 = arith.cmpi sgt, %jit3A_167, %sign3A_176 : i32
    %sign3A_178 = arith.extui %sign3A_177 : i1 to i32
    %sign3A_179 = arith.constant 0 : i32
    %sign3A_180 = arith.cmpi slt, %jit3A_167, %sign3A_179 : i32
    %sign3A_181 = arith.extui %sign3A_180 : i1 to i32
    %sign3A_182 = arith.subi %sign3A_178, %sign3A_181 : i32
    %ne3A_183 = arith.cmpi ne, %sign3A_175, %sign3A_182 : i32
    %rem3A_184 = arith.remsi %sub3A_166, %jit3A_167 : i32
    %ne3A_185 = arith.constant 0 : i32
    %ne3A_186 = arith.cmpi ne, %rem3A_184, %ne3A_185 : i32
    %and3A_187 = arith.andi %ne3A_183, %ne3A_186 : i1
    %sub3A_188 = arith.constant 1 : i32
    %sub3A_189 = arith.subi %div3A_168, %sub3A_188 : i32
    %select_n3A_190 = arith.select %and3A_187, %sub3A_189, %div3A_168 : i32
    %sub3A_191 = arith.subi %select_n3A_190, %select_n3A_162 : i32
    %gt3A = arith.constant 0 : i32
    %gt3A_192 = arith.cmpi sgt, %sub3A_191, %gt3A : i32
    %convert_element_type3A = arith.extui %gt3A_192 : i1 to i32
    %cond3A = arith.constant 0 : i32
    %cond3A_193 = arith.cmpi ne, %convert_element_type3A, %cond3A : i32
    scf.if %cond3A_193 {
      %mul3A_445 = arith.constant 4096 : i32
      %mul3A_446 = arith.muli %select_n3A_162, %mul3A_445 : i32
      %multiple_of3A_447 = tpu.assume_multiple %mul3A_446, 4096 : i32
      %dma_start3A = tpu.memref_slice %arg6[%multiple_of3A_447] : memref<16777216xi32, #tpu.memory_space<hbm>> -> memref<4096xi32, #tpu.memory_space<hbm>>
      %dma_start3A_448 = tpu.memref_slice %arg6[%multiple_of3A_447] : memref<16777216xi32, #tpu.memory_space<hbm>> -> memref<4096xi32, #tpu.memory_space<hbm>>
      tpu.enqueue_dma source(%dma_start3A_448 : memref<4096xi32, #tpu.memory_space<hbm>>) target(%arg14 : memref<4096xi32, #tpu.memory_space<vmem>>) target_semaphore(%arg24 : memref<!tpu.dma_semaphore, #tpu.memory_space<semaphore_mem>>)
      %dma_start3A_449 = tpu.memref_slice %arg5[%multiple_of3A_447] : memref<16777216xf32, #tpu.memory_space<hbm>> -> memref<4096xf32, #tpu.memory_space<hbm>>
      %dma_start3A_450 = tpu.memref_slice %arg5[%multiple_of3A_447] : memref<16777216xf32, #tpu.memory_space<hbm>> -> memref<4096xf32, #tpu.memory_space<hbm>>
      tpu.enqueue_dma source(%dma_start3A_450 : memref<4096xf32, #tpu.memory_space<hbm>>) target(%arg15 : memref<4096xf32, #tpu.memory_space<vmem>>) target_semaphore(%arg24 : memref<!tpu.dma_semaphore, #tpu.memory_space<semaphore_mem>>)
      %dma_start3A_451 = arith.constant 16 : i32
      %dma_start3A_452 = tpu.memref_slice %arg16[%dma_start3A_451] : memref<4128xi32, #tpu.memory_space<vmem>> -> memref<4096xi32, #tpu.memory_space<vmem>>
      %dma_start3A_453 = tpu.memref_slice %arg7[%multiple_of3A_447] : memref<16777216xi32, #tpu.memory_space<hbm>> -> memref<4096xi32, #tpu.memory_space<hbm>>
      %dma_start3A_454 = arith.constant 16 : i32
      %dma_start3A_455 = tpu.memref_slice %arg16[%dma_start3A_454] : memref<4128xi32, #tpu.memory_space<vmem>> -> memref<4096xi32, #tpu.memory_space<vmem>>
      %dma_start3A_456 = tpu.memref_slice %arg7[%multiple_of3A_447] : memref<16777216xi32, #tpu.memory_space<hbm>> -> memref<4096xi32, #tpu.memory_space<hbm>>
      tpu.enqueue_dma source(%dma_start3A_456 : memref<4096xi32, #tpu.memory_space<hbm>>) target(%dma_start3A_455 : memref<4096xi32, #tpu.memory_space<vmem>>) target_semaphore(%arg24 : memref<!tpu.dma_semaphore, #tpu.memory_space<semaphore_mem>>)
    } else {
    }
    %add3A_194 = arith.constant 1 : i32
    %add3A_195 = arith.addi %sub3A_191, %add3A_194 : i32
    %jit3A_196 = arith.constant 2 : i32
    %div3A_197 = arith.divsi %add3A_195, %jit3A_196 : i32
    %sign3A_198 = arith.constant 0 : i32
    %sign3A_199 = arith.cmpi sgt, %add3A_195, %sign3A_198 : i32
    %sign3A_200 = arith.extui %sign3A_199 : i1 to i32
    %sign3A_201 = arith.constant 0 : i32
    %sign3A_202 = arith.cmpi slt, %add3A_195, %sign3A_201 : i32
    %sign3A_203 = arith.extui %sign3A_202 : i1 to i32
    %sign3A_204 = arith.subi %sign3A_200, %sign3A_203 : i32
    %sign3A_205 = arith.constant 0 : i32
    %sign3A_206 = arith.cmpi sgt, %jit3A_196, %sign3A_205 : i32
    %sign3A_207 = arith.extui %sign3A_206 : i1 to i32
    %sign3A_208 = arith.constant 0 : i32
    %sign3A_209 = arith.cmpi slt, %jit3A_196, %sign3A_208 : i32
    %sign3A_210 = arith.extui %sign3A_209 : i1 to i32
    %sign3A_211 = arith.subi %sign3A_207, %sign3A_210 : i32
    %ne3A_212 = arith.cmpi ne, %sign3A_204, %sign3A_211 : i32
    %rem3A_213 = arith.remsi %add3A_195, %jit3A_196 : i32
    %ne3A_214 = arith.constant 0 : i32
    %ne3A_215 = arith.cmpi ne, %rem3A_213, %ne3A_214 : i32
    %and3A_216 = arith.andi %ne3A_212, %ne3A_215 : i1
    %sub3A_217 = arith.constant 1 : i32
    %sub3A_218 = arith.subi %div3A_197, %sub3A_217 : i32
    %select_n3A_219 = arith.select %and3A_216, %sub3A_218, %div3A_197 : i32
    %while3A = arith.constant 32768 : i32
    %while3A_220 = arith.constant 0 : i32
    %while3A_221 = arith.constant 0 : i32
    %while3A_222 = arith.subi %select_n3A_219, %while3A_220 : i32
    %while3A_223 = arith.addi %while3A_220, %while3A_222 : i32
    %while3A_224 = arith.constant 1 : i32
    %while3A_225 = arith.divsi %while3A_222, %while3A_224 : i32
    %while3A_226 = arith.muli %while3A_225, %while3A_224 : i32
    %while3A_227 = arith.addi %while3A_220, %while3A_226 : i32
    %while3A_228 = arith.constant 1 : i32
    %while3A_229 = scf.for %while3A_445 = %while3A_220 to %while3A_227 step %while3A_228 iter_args(%while3A_446 = %while3A_221) -> (i32)  : i32 {
      %mul3A_447 = arith.constant 2 : i32
      %mul3A_448 = arith.muli %mul3A_447, %while3A_445 : i32
      %add3A_449 = arith.addi %select_n3A_162, %mul3A_448 : i32
      %add3A_450 = arith.constant 1 : i32
      %add3A_451 = arith.addi %add3A_449, %add3A_450 : i32
      %lt3A_452 = arith.cmpi slt, %add3A_451, %select_n3A_190 : i32
      %convert_element_type3A_453 = arith.extui %lt3A_452 : i1 to i32
      %cond3A_454 = arith.constant 0 : i32
      %cond3A_455 = arith.cmpi ne, %convert_element_type3A_453, %cond3A_454 : i32
      scf.if %cond3A_455 {
        %mul3A_493 = arith.constant 4096 : i32
        %mul3A_494 = arith.muli %add3A_451, %mul3A_493 : i32
        %multiple_of3A_495 = tpu.assume_multiple %mul3A_494, 4096 : i32
        %dma_start3A = tpu.memref_slice %arg6[%multiple_of3A_495] : memref<16777216xi32, #tpu.memory_space<hbm>> -> memref<4096xi32, #tpu.memory_space<hbm>>
        %dma_start3A_496 = tpu.memref_slice %arg6[%multiple_of3A_495] : memref<16777216xi32, #tpu.memory_space<hbm>> -> memref<4096xi32, #tpu.memory_space<hbm>>
        tpu.enqueue_dma source(%dma_start3A_496 : memref<4096xi32, #tpu.memory_space<hbm>>) target(%arg17 : memref<4096xi32, #tpu.memory_space<vmem>>) target_semaphore(%arg25 : memref<!tpu.dma_semaphore, #tpu.memory_space<semaphore_mem>>)
        %dma_start3A_497 = tpu.memref_slice %arg5[%multiple_of3A_495] : memref<16777216xf32, #tpu.memory_space<hbm>> -> memref<4096xf32, #tpu.memory_space<hbm>>
        %dma_start3A_498 = tpu.memref_slice %arg5[%multiple_of3A_495] : memref<16777216xf32, #tpu.memory_space<hbm>> -> memref<4096xf32, #tpu.memory_space<hbm>>
        tpu.enqueue_dma source(%dma_start3A_498 : memref<4096xf32, #tpu.memory_space<hbm>>) target(%arg18 : memref<4096xf32, #tpu.memory_space<vmem>>) target_semaphore(%arg25 : memref<!tpu.dma_semaphore, #tpu.memory_space<semaphore_mem>>)
        %dma_start3A_499 = arith.constant 16 : i32
        %dma_start3A_500 = tpu.memref_slice %arg19[%dma_start3A_499] : memref<4128xi32, #tpu.memory_space<vmem>> -> memref<4096xi32, #tpu.memory_space<vmem>>
        %dma_start3A_501 = tpu.memref_slice %arg7[%multiple_of3A_495] : memref<16777216xi32, #tpu.memory_space<hbm>> -> memref<4096xi32, #tpu.memory_space<hbm>>
        %dma_start3A_502 = arith.constant 16 : i32
        %dma_start3A_503 = tpu.memref_slice %arg19[%dma_start3A_502] : memref<4128xi32, #tpu.memory_space<vmem>> -> memref<4096xi32, #tpu.memory_space<vmem>>
        %dma_start3A_504 = tpu.memref_slice %arg7[%multiple_of3A_495] : memref<16777216xi32, #tpu.memory_space<hbm>> -> memref<4096xi32, #tpu.memory_space<hbm>>
        tpu.enqueue_dma source(%dma_start3A_504 : memref<4096xi32, #tpu.memory_space<hbm>>) target(%dma_start3A_503 : memref<4096xi32, #tpu.memory_space<vmem>>) target_semaphore(%arg25 : memref<!tpu.dma_semaphore, #tpu.memory_space<semaphore_mem>>)
      } else {
      }
      %dma_wait3A = arith.constant 0 : i32
      %dma_wait3A_456 = tpu.memref_slice %arg6[%dma_wait3A] : memref<16777216xi32, #tpu.memory_space<hbm>> -> memref<4096xi32, #tpu.memory_space<hbm>>
      %dma_wait3A_457 = arith.constant 0 : i32
      %dma_wait3A_458 = tpu.memref_slice %arg6[%dma_wait3A_457] : memref<16777216xi32, #tpu.memory_space<hbm>> -> memref<4096xi32, #tpu.memory_space<hbm>>
      tpu.wait_dma2 semaphore(%arg24 : memref<!tpu.dma_semaphore, #tpu.memory_space<semaphore_mem>>) src(%dma_wait3A_458 : memref<4096xi32, #tpu.memory_space<hbm>>) dst(%arg14 : memref<4096xi32, #tpu.memory_space<vmem>>)
      %dma_wait3A_459 = arith.constant 0 : i32
      %dma_wait3A_460 = tpu.memref_slice %arg5[%dma_wait3A_459] : memref<16777216xf32, #tpu.memory_space<hbm>> -> memref<4096xf32, #tpu.memory_space<hbm>>
      %dma_wait3A_461 = arith.constant 0 : i32
      %dma_wait3A_462 = tpu.memref_slice %arg5[%dma_wait3A_461] : memref<16777216xf32, #tpu.memory_space<hbm>> -> memref<4096xf32, #tpu.memory_space<hbm>>
      tpu.wait_dma2 semaphore(%arg24 : memref<!tpu.dma_semaphore, #tpu.memory_space<semaphore_mem>>) src(%dma_wait3A_462 : memref<4096xf32, #tpu.memory_space<hbm>>) dst(%arg15 : memref<4096xf32, #tpu.memory_space<vmem>>)
      %dma_wait3A_463 = arith.constant 16 : i32
      %dma_wait3A_464 = tpu.memref_slice %arg16[%dma_wait3A_463] : memref<4128xi32, #tpu.memory_space<vmem>> -> memref<4096xi32, #tpu.memory_space<vmem>>
      %dma_wait3A_465 = arith.constant 0 : i32
      %dma_wait3A_466 = tpu.memref_slice %arg7[%dma_wait3A_465] : memref<16777216xi32, #tpu.memory_space<hbm>> -> memref<4096xi32, #tpu.memory_space<hbm>>
      %dma_wait3A_467 = arith.constant 16 : i32
      %dma_wait3A_468 = tpu.memref_slice %arg16[%dma_wait3A_467] : memref<4128xi32, #tpu.memory_space<vmem>> -> memref<4096xi32, #tpu.memory_space<vmem>>
      %dma_wait3A_469 = arith.constant 0 : i32
      %dma_wait3A_470 = tpu.memref_slice %arg7[%dma_wait3A_469] : memref<16777216xi32, #tpu.memory_space<hbm>> -> memref<4096xi32, #tpu.memory_space<hbm>>
      tpu.wait_dma2 semaphore(%arg24 : memref<!tpu.dma_semaphore, #tpu.memory_space<semaphore_mem>>) src(%dma_wait3A_470 : memref<4096xi32, #tpu.memory_space<hbm>>) dst(%dma_wait3A_468 : memref<4096xi32, #tpu.memory_space<vmem>>)
      %mul3A_471 = arith.constant 4096 : i32
      %mul3A_472 = arith.muli %add3A_449, %mul3A_471 : i32
      %lt3A_473 = arith.cmpi slt, %mul3A_472, %reduce_sum3A_80 : i32
      %add3A_474 = arith.constant 1 : i32
      %add3A_475 = arith.addi %add3A_449, %add3A_474 : i32
      %mul3A_476 = arith.constant 4096 : i32
      %mul3A_477 = arith.muli %add3A_475, %mul3A_476 : i32
      %gt3A_478 = arith.cmpi sgt, %mul3A_477, %reduce_sum3A_136 : i32
      %or3A = arith.ori %lt3A_473, %gt3A_478 : i1
      %convert_element_type3A_479 = arith.extui %or3A : i1 to i32
      %cond3A_480 = arith.constant 0 : i32
      %cond3A_481 = arith.cmpi ne, %convert_element_type3A_479, %cond3A_480 : i32
      scf.if %cond3A_481 {
        %parallel_loop3A = arith.constant 0 : i32
        %parallel_loop3A_493 = arith.constant 256 : i32
        %parallel_loop3A_494 = arith.constant 1 : i32
        scf.for %parallel_loop3A_495 = %parallel_loop3A to %parallel_loop3A_493 step %parallel_loop3A_494  : i32 {
          %parallel_loop3A_496 = arith.constant 16 : i32
          %parallel_loop3A_497 = arith.muli %parallel_loop3A_495, %parallel_loop3A_496 : i32
          %parallel_loop3A_498 = arith.index_cast %parallel_loop3A_497 : i32 to index
          %parallel_loop3A_499 = tpu.vector_load %arg14[%parallel_loop3A_498] {strides = array<i32>} : memref<4096xi32, #tpu.memory_space<vmem>>, vector<16xi32>,
          %parallel_loop3A_500 = arith.constant 1 : i32
          %parallel_loop3A_501 = vector.broadcast %parallel_loop3A_500 : i32 to vector<16xi32>
          %parallel_loop3A_502 = arith.shrui %parallel_loop3A_499, %parallel_loop3A_501 : vector<16xi32>
          %parallel_loop3A_503 = tpu.vector_load_idx %arg13[%parallel_loop3A_502] : memref<50000xi32, #tpu.memory_space<vmem>>[vector<16xi32>], vector<16xi32>,
          %parallel_loop3A_504 = arith.constant 1 : i32
          %parallel_loop3A_505 = vector.broadcast %parallel_loop3A_504 : i32 to vector<16xi32>
          %parallel_loop3A_506 = arith.andi %parallel_loop3A_499, %parallel_loop3A_505 : vector<16xi32>
          %parallel_loop3A_507 = arith.constant 4 : i32
          %parallel_loop3A_508 = vector.broadcast %parallel_loop3A_507 : i32 to vector<16xi32>
          %parallel_loop3A_509 = arith.shli %parallel_loop3A_506, %parallel_loop3A_508 : vector<16xi32>
          %parallel_loop3A_510 = arith.shrui %parallel_loop3A_503, %parallel_loop3A_509 : vector<16xi32>
          %parallel_loop3A_511 = arith.constant 16 : i32
          %parallel_loop3A_512 = vector.broadcast %parallel_loop3A_511 : i32 to vector<16xi32>
          %parallel_loop3A_513 = arith.shli %parallel_loop3A_510, %parallel_loop3A_512 : vector<16xi32>
          %parallel_loop3A_514 = vector.bitcast %parallel_loop3A_513 : vector<16xi32> to vector<16xf32>
          %parallel_loop3A_515 = arith.constant 16 : i32
          %parallel_loop3A_516 = arith.addi %parallel_loop3A_515, %parallel_loop3A_497 : i32
          %parallel_loop3A_517 = arith.index_cast %parallel_loop3A_516 : i32 to index
          %parallel_loop3A_518 = tpu.vector_load %arg16[%parallel_loop3A_517] {strides = array<i32>} : memref<4128xi32, #tpu.memory_space<vmem>>, vector<16xi32>,
          %parallel_loop3A_519 = arith.constant 16 : i32
          %parallel_loop3A_520 = arith.addi %parallel_loop3A_519, %parallel_loop3A_497 : i32
          %parallel_loop3A_521 = arith.constant 1 : i32
          %parallel_loop3A_522 = arith.subi %parallel_loop3A_520, %parallel_loop3A_521 : i32
          %parallel_loop3A_523 = arith.index_cast %parallel_loop3A_522 : i32 to index
          %parallel_loop3A_524 = tpu.vector_load %arg16[%parallel_loop3A_523] {strides = array<i32>} : memref<4128xi32, #tpu.memory_space<vmem>>, vector<16xi32>,
          %parallel_loop3A_525 = arith.constant 16 : i32
          %parallel_loop3A_526 = arith.addi %parallel_loop3A_525, %parallel_loop3A_497 : i32
          %parallel_loop3A_527 = arith.constant 1 : i32
          %parallel_loop3A_528 = arith.addi %parallel_loop3A_526, %parallel_loop3A_527 : i32
          %parallel_loop3A_529 = arith.index_cast %parallel_loop3A_528 : i32 to index
          %parallel_loop3A_530 = tpu.vector_load %arg16[%parallel_loop3A_529] {strides = array<i32>} : memref<4128xi32, #tpu.memory_space<vmem>>, vector<16xi32>,
          %parallel_loop3A_531 = vector.broadcast %mul3A_138 : i32 to vector<16xi32>
          %parallel_loop3A_532 = arith.subi %parallel_loop3A_518, %parallel_loop3A_531 : vector<16xi32>
          %parallel_loop3A_533 = arith.index_cast %parallel_loop3A_497 : i32 to index
          %parallel_loop3A_534 = tpu.vector_load %arg15[%parallel_loop3A_533] {strides = array<i32>} : memref<4096xf32, #tpu.memory_space<vmem>>, vector<16xf32>,
          %parallel_loop3A_535 = arith.mulf %parallel_loop3A_514, %parallel_loop3A_534 : vector<16xf32>
          %parallel_loop3A_536 = vector.bitcast %parallel_loop3A_532 : vector<16xi32> to vector<16xi32>
          %parallel_loop3A_537 = vector.broadcast %while3A : i32 to vector<16xi32>
          %parallel_loop3A_538 = arith.cmpi ult, %parallel_loop3A_536, %parallel_loop3A_537 : vector<16xi32>
          %parallel_loop3A_539 = arith.constant 0.000000e+00 : f32
          %parallel_loop3A_540 = vector.broadcast %parallel_loop3A_539 : f32 to vector<16xf32>
          %parallel_loop3A_541 = arith.select %parallel_loop3A_538, %parallel_loop3A_535, %parallel_loop3A_540 : vector<16xi1>, vector<16xf32>
          %parallel_loop3A_542 = arith.constant true
          %parallel_loop3A_543 = vector.broadcast %parallel_loop3A_542 : i1 to vector<16xi1>
          %parallel_loop3A_544 = tpu.scan <sum>, %parallel_loop3A_541 masked %parallel_loop3A_543 : vector<16xf32>, vector<16xi1> -> vector<16xf32>
          %parallel_loop3A_545 = arith.subf %parallel_loop3A_544, %parallel_loop3A_541 : vector<16xf32>
          %parallel_loop3A_546 = arith.cmpi ne, %parallel_loop3A_530, %parallel_loop3A_518 : vector<16xi32>
          %parallel_loop3A_547 = arith.ori %parallel_loop3A_546, %eq3A_5 : vector<16xi1>
          %parallel_loop3A_548 = arith.cmpi ne, %parallel_loop3A_524, %parallel_loop3A_518 : vector<16xi32>
          %parallel_loop3A_549 = arith.ori %parallel_loop3A_548, %eq3A_2 : vector<16xi1>
          %parallel_loop3A_550 = arith.constant 0.000000e+00 : f32
          %parallel_loop3A_551 = vector.broadcast %parallel_loop3A_550 : f32 to vector<16xf32>
          %parallel_loop3A_552 = arith.select %parallel_loop3A_547, %parallel_loop3A_544, %parallel_loop3A_551 : vector<16xi1>, vector<16xf32>
          %parallel_loop3A_553 = arith.constant 0.000000e+00 : f32
          %parallel_loop3A_554 = vector.broadcast %parallel_loop3A_553 : f32 to vector<16xf32>
          %parallel_loop3A_555 = arith.select %parallel_loop3A_549, %parallel_loop3A_545, %parallel_loop3A_554 : vector<16xi1>, vector<16xf32>
          %parallel_loop3A_556 = arith.subf %parallel_loop3A_552, %parallel_loop3A_555 : vector<16xf32>
          %parallel_loop3A_557 = arith.ori %parallel_loop3A_547, %parallel_loop3A_549 : vector<16xi1>
          %parallel_loop3A_558 = arith.andi %parallel_loop3A_557, %parallel_loop3A_538 : vector<16xi1>
          tpu.vector_store_idx %arg20[%parallel_loop3A_532], %parallel_loop3A_556 masked %parallel_loop3A_558 {add = true} : memref<32768xf32, #tpu.memory_space<vmem>>[vector<16xi32>], vector<16xf32>, vector<16xi1>
        } {sc.loop_unroll_factor = 8 : i64, sc.parallel_access}
      } else {
        %parallel_loop3A = arith.constant 0 : i32
        %parallel_loop3A_493 = arith.constant 256 : i32
        %parallel_loop3A_494 = arith.constant 1 : i32
        scf.for %parallel_loop3A_495 = %parallel_loop3A to %parallel_loop3A_493 step %parallel_loop3A_494  : i32 {
          %parallel_loop3A_496 = arith.constant 16 : i32
          %parallel_loop3A_497 = arith.muli %parallel_loop3A_495, %parallel_loop3A_496 : i32
          %parallel_loop3A_498 = arith.index_cast %parallel_loop3A_497 : i32 to index
          %parallel_loop3A_499 = tpu.vector_load %arg14[%parallel_loop3A_498] {strides = array<i32>} : memref<4096xi32, #tpu.memory_space<vmem>>, vector<16xi32>,
          %parallel_loop3A_500 = arith.constant 1 : i32
          %parallel_loop3A_501 = vector.broadcast %parallel_loop3A_500 : i32 to vector<16xi32>
          %parallel_loop3A_502 = arith.shrui %parallel_loop3A_499, %parallel_loop3A_501 : vector<16xi32>
          %parallel_loop3A_503 = tpu.vector_load_idx %arg13[%parallel_loop3A_502] : memref<50000xi32, #tpu.memory_space<vmem>>[vector<16xi32>], vector<16xi32>,
          %parallel_loop3A_504 = arith.constant 1 : i32
          %parallel_loop3A_505 = vector.broadcast %parallel_loop3A_504 : i32 to vector<16xi32>
          %parallel_loop3A_506 = arith.andi %parallel_loop3A_499, %parallel_loop3A_505 : vector<16xi32>
          %parallel_loop3A_507 = arith.constant 4 : i32
          %parallel_loop3A_508 = vector.broadcast %parallel_loop3A_507 : i32 to vector<16xi32>
          %parallel_loop3A_509 = arith.shli %parallel_loop3A_506, %parallel_loop3A_508 : vector<16xi32>
          %parallel_loop3A_510 = arith.shrui %parallel_loop3A_503, %parallel_loop3A_509 : vector<16xi32>
          %parallel_loop3A_511 = arith.constant 16 : i32
          %parallel_loop3A_512 = vector.broadcast %parallel_loop3A_511 : i32 to vector<16xi32>
          %parallel_loop3A_513 = arith.shli %parallel_loop3A_510, %parallel_loop3A_512 : vector<16xi32>
          %parallel_loop3A_514 = vector.bitcast %parallel_loop3A_513 : vector<16xi32> to vector<16xf32>
          %parallel_loop3A_515 = arith.constant 16 : i32
          %parallel_loop3A_516 = arith.addi %parallel_loop3A_515, %parallel_loop3A_497 : i32
          %parallel_loop3A_517 = arith.index_cast %parallel_loop3A_516 : i32 to index
          %parallel_loop3A_518 = tpu.vector_load %arg16[%parallel_loop3A_517] {strides = array<i32>} : memref<4128xi32, #tpu.memory_space<vmem>>, vector<16xi32>,
          %parallel_loop3A_519 = arith.constant 16 : i32
          %parallel_loop3A_520 = arith.addi %parallel_loop3A_519, %parallel_loop3A_497 : i32
          %parallel_loop3A_521 = arith.constant 1 : i32
          %parallel_loop3A_522 = arith.subi %parallel_loop3A_520, %parallel_loop3A_521 : i32
          %parallel_loop3A_523 = arith.index_cast %parallel_loop3A_522 : i32 to index
          %parallel_loop3A_524 = tpu.vector_load %arg16[%parallel_loop3A_523] {strides = array<i32>} : memref<4128xi32, #tpu.memory_space<vmem>>, vector<16xi32>,
          %parallel_loop3A_525 = arith.constant 16 : i32
          %parallel_loop3A_526 = arith.addi %parallel_loop3A_525, %parallel_loop3A_497 : i32
          %parallel_loop3A_527 = arith.constant 1 : i32
          %parallel_loop3A_528 = arith.addi %parallel_loop3A_526, %parallel_loop3A_527 : i32
          %parallel_loop3A_529 = arith.index_cast %parallel_loop3A_528 : i32 to index
          %parallel_loop3A_530 = tpu.vector_load %arg16[%parallel_loop3A_529] {strides = array<i32>} : memref<4128xi32, #tpu.memory_space<vmem>>, vector<16xi32>,
          %parallel_loop3A_531 = vector.broadcast %mul3A_138 : i32 to vector<16xi32>
          %parallel_loop3A_532 = arith.subi %parallel_loop3A_518, %parallel_loop3A_531 : vector<16xi32>
          %parallel_loop3A_533 = arith.index_cast %parallel_loop3A_497 : i32 to index
          %parallel_loop3A_534 = tpu.vector_load %arg15[%parallel_loop3A_533] {strides = array<i32>} : memref<4096xf32, #tpu.memory_space<vmem>>, vector<16xf32>,
          %parallel_loop3A_535 = arith.mulf %parallel_loop3A_514, %parallel_loop3A_534 : vector<16xf32>
          %parallel_loop3A_536 = arith.constant true
          %parallel_loop3A_537 = vector.broadcast %parallel_loop3A_536 : i1 to vector<16xi1>
          %parallel_loop3A_538 = tpu.scan <sum>, %parallel_loop3A_535 masked %parallel_loop3A_537 : vector<16xf32>, vector<16xi1> -> vector<16xf32>
          %parallel_loop3A_539 = arith.subf %parallel_loop3A_538, %parallel_loop3A_535 : vector<16xf32>
          %parallel_loop3A_540 = arith.cmpi ne, %parallel_loop3A_530, %parallel_loop3A_518 : vector<16xi32>
          %parallel_loop3A_541 = arith.ori %parallel_loop3A_540, %eq3A_5 : vector<16xi1>
          %parallel_loop3A_542 = arith.cmpi ne, %parallel_loop3A_524, %parallel_loop3A_518 : vector<16xi32>
          %parallel_loop3A_543 = arith.ori %parallel_loop3A_542, %eq3A_2 : vector<16xi1>
          %parallel_loop3A_544 = arith.constant 0.000000e+00 : f32
          %parallel_loop3A_545 = vector.broadcast %parallel_loop3A_544 : f32 to vector<16xf32>
          %parallel_loop3A_546 = arith.select %parallel_loop3A_541, %parallel_loop3A_538, %parallel_loop3A_545 : vector<16xi1>, vector<16xf32>
          %parallel_loop3A_547 = arith.constant 0.000000e+00 : f32
          %parallel_loop3A_548 = vector.broadcast %parallel_loop3A_547 : f32 to vector<16xf32>
          %parallel_loop3A_549 = arith.select %parallel_loop3A_543, %parallel_loop3A_539, %parallel_loop3A_548 : vector<16xi1>, vector<16xf32>
          %parallel_loop3A_550 = arith.subf %parallel_loop3A_546, %parallel_loop3A_549 : vector<16xf32>
          %parallel_loop3A_551 = arith.ori %parallel_loop3A_541, %parallel_loop3A_543 : vector<16xi1>
          tpu.vector_store_idx %arg20[%parallel_loop3A_532], %parallel_loop3A_550 masked %parallel_loop3A_551 {add = true} : memref<32768xf32, #tpu.memory_space<vmem>>[vector<16xi32>], vector<16xf32>, vector<16xi1>
        } {sc.loop_unroll_factor = 8 : i64, sc.parallel_access}
      }
      %add3A_482 = arith.constant 2 : i32
      %add3A_483 = arith.addi %add3A_449, %add3A_482 : i32
      %lt3A_484 = arith.cmpi slt, %add3A_483, %select_n3A_190 : i32
      %convert_element_type3A_485 = arith.extui %lt3A_484 : i1 to i32
      %cond3A_486 = arith.constant 0 : i32
      %cond3A_487 = arith.cmpi ne, %convert_element_type3A_485, %cond3A_486 : i32
      scf.if %cond3A_487 {
        %add3A_493 = arith.constant 2 : i32
        %add3A_494 = arith.addi %add3A_449, %add3A_493 : i32
        %mul3A_495 = arith.constant 4096 : i32
        %mul3A_496 = arith.muli %add3A_494, %mul3A_495 : i32
        %multiple_of3A_497 = tpu.assume_multiple %mul3A_496, 4096 : i32
        %dma_start3A = tpu.memref_slice %arg6[%multiple_of3A_497] : memref<16777216xi32, #tpu.memory_space<hbm>> -> memref<4096xi32, #tpu.memory_space<hbm>>
        %dma_start3A_498 = tpu.memref_slice %arg6[%multiple_of3A_497] : memref<16777216xi32, #tpu.memory_space<hbm>> -> memref<4096xi32, #tpu.memory_space<hbm>>
        tpu.enqueue_dma source(%dma_start3A_498 : memref<4096xi32, #tpu.memory_space<hbm>>) target(%arg14 : memref<4096xi32, #tpu.memory_space<vmem>>) target_semaphore(%arg24 : memref<!tpu.dma_semaphore, #tpu.memory_space<semaphore_mem>>)
        %dma_start3A_499 = tpu.memref_slice %arg5[%multiple_of3A_497] : memref<16777216xf32, #tpu.memory_space<hbm>> -> memref<4096xf32, #tpu.memory_space<hbm>>
        %dma_start3A_500 = tpu.memref_slice %arg5[%multiple_of3A_497] : memref<16777216xf32, #tpu.memory_space<hbm>> -> memref<4096xf32, #tpu.memory_space<hbm>>
        tpu.enqueue_dma source(%dma_start3A_500 : memref<4096xf32, #tpu.memory_space<hbm>>) target(%arg15 : memref<4096xf32, #tpu.memory_space<vmem>>) target_semaphore(%arg24 : memref<!tpu.dma_semaphore, #tpu.memory_space<semaphore_mem>>)
        %dma_start3A_501 = arith.constant 16 : i32
        %dma_start3A_502 = tpu.memref_slice %arg16[%dma_start3A_501] : memref<4128xi32, #tpu.memory_space<vmem>> -> memref<4096xi32, #tpu.memory_space<vmem>>
        %dma_start3A_503 = tpu.memref_slice %arg7[%multiple_of3A_497] : memref<16777216xi32, #tpu.memory_space<hbm>> -> memref<4096xi32, #tpu.memory_space<hbm>>
        %dma_start3A_504 = arith.constant 16 : i32
        %dma_start3A_505 = tpu.memref_slice %arg16[%dma_start3A_504] : memref<4128xi32, #tpu.memory_space<vmem>> -> memref<4096xi32, #tpu.memory_space<vmem>>
        %dma_start3A_506 = tpu.memref_slice %arg7[%multiple_of3A_497] : memref<16777216xi32, #tpu.memory_space<hbm>> -> memref<4096xi32, #tpu.memory_space<hbm>>
        tpu.enqueue_dma source(%dma_start3A_506 : memref<4096xi32, #tpu.memory_space<hbm>>) target(%dma_start3A_505 : memref<4096xi32, #tpu.memory_space<vmem>>) target_semaphore(%arg24 : memref<!tpu.dma_semaphore, #tpu.memory_space<semaphore_mem>>)
      } else {
      }
      %lt3A_488 = arith.cmpi slt, %add3A_451, %select_n3A_190 : i32
      %convert_element_type3A_489 = arith.extui %lt3A_488 : i1 to i32
      %cond3A_490 = arith.constant 0 : i32
      %cond3A_491 = arith.cmpi ne, %convert_element_type3A_489, %cond3A_490 : i32
      scf.if %cond3A_491 {
        %dma_wait3A_493 = arith.constant 0 : i32
        %dma_wait3A_494 = tpu.memref_slice %arg6[%dma_wait3A_493] : memref<16777216xi32, #tpu.memory_space<hbm>> -> memref<4096xi32, #tpu.memory_space<hbm>>
        %dma_wait3A_495 = arith.constant 0 : i32
        %dma_wait3A_496 = tpu.memref_slice %arg6[%dma_wait3A_495] : memref<16777216xi32, #tpu.memory_space<hbm>> -> memref<4096xi32, #tpu.memory_space<hbm>>
        tpu.wait_dma2 semaphore(%arg25 : memref<!tpu.dma_semaphore, #tpu.memory_space<semaphore_mem>>) src(%dma_wait3A_496 : memref<4096xi32, #tpu.memory_space<hbm>>) dst(%arg17 : memref<4096xi32, #tpu.memory_space<vmem>>)
        %dma_wait3A_497 = arith.constant 0 : i32
        %dma_wait3A_498 = tpu.memref_slice %arg5[%dma_wait3A_497] : memref<16777216xf32, #tpu.memory_space<hbm>> -> memref<4096xf32, #tpu.memory_space<hbm>>
        %dma_wait3A_499 = arith.constant 0 : i32
        %dma_wait3A_500 = tpu.memref_slice %arg5[%dma_wait3A_499] : memref<16777216xf32, #tpu.memory_space<hbm>> -> memref<4096xf32, #tpu.memory_space<hbm>>
        tpu.wait_dma2 semaphore(%arg25 : memref<!tpu.dma_semaphore, #tpu.memory_space<semaphore_mem>>) src(%dma_wait3A_500 : memref<4096xf32, #tpu.memory_space<hbm>>) dst(%arg18 : memref<4096xf32, #tpu.memory_space<vmem>>)
        %dma_wait3A_501 = arith.constant 16 : i32
        %dma_wait3A_502 = tpu.memref_slice %arg19[%dma_wait3A_501] : memref<4128xi32, #tpu.memory_space<vmem>> -> memref<4096xi32, #tpu.memory_space<vmem>>
        %dma_wait3A_503 = arith.constant 0 : i32
        %dma_wait3A_504 = tpu.memref_slice %arg7[%dma_wait3A_503] : memref<16777216xi32, #tpu.memory_space<hbm>> -> memref<4096xi32, #tpu.memory_space<hbm>>
        %dma_wait3A_505 = arith.constant 16 : i32
        %dma_wait3A_506 = tpu.memref_slice %arg19[%dma_wait3A_505] : memref<4128xi32, #tpu.memory_space<vmem>> -> memref<4096xi32, #tpu.memory_space<vmem>>
        %dma_wait3A_507 = arith.constant 0 : i32
        %dma_wait3A_508 = tpu.memref_slice %arg7[%dma_wait3A_507] : memref<16777216xi32, #tpu.memory_space<hbm>> -> memref<4096xi32, #tpu.memory_space<hbm>>
        tpu.wait_dma2 semaphore(%arg25 : memref<!tpu.dma_semaphore, #tpu.memory_space<semaphore_mem>>) src(%dma_wait3A_508 : memref<4096xi32, #tpu.memory_space<hbm>>) dst(%dma_wait3A_506 : memref<4096xi32, #tpu.memory_space<vmem>>)
        %mul3A_509 = arith.constant 4096 : i32
        %mul3A_510 = arith.muli %add3A_451, %mul3A_509 : i32
        %lt3A_511 = arith.cmpi slt, %mul3A_510, %reduce_sum3A_80 : i32
        %add3A_512 = arith.constant 1 : i32
        %add3A_513 = arith.addi %add3A_451, %add3A_512 : i32
        %mul3A_514 = arith.constant 4096 : i32
        %mul3A_515 = arith.muli %add3A_513, %mul3A_514 : i32
        %gt3A_516 = arith.cmpi sgt, %mul3A_515, %reduce_sum3A_136 : i32
        %or3A_517 = arith.ori %lt3A_511, %gt3A_516 : i1
        %convert_element_type3A_518 = arith.extui %or3A_517 : i1 to i32
        %cond3A_519 = arith.constant 0 : i32
        %cond3A_520 = arith.cmpi ne, %convert_element_type3A_518, %cond3A_519 : i32
        scf.if %cond3A_520 {
          %parallel_loop3A = arith.constant 0 : i32
          %parallel_loop3A_521 = arith.constant 256 : i32
          %parallel_loop3A_522 = arith.constant 1 : i32
          scf.for %parallel_loop3A_523 = %parallel_loop3A to %parallel_loop3A_521 step %parallel_loop3A_522  : i32 {
            %parallel_loop3A_524 = arith.constant 16 : i32
            %parallel_loop3A_525 = arith.muli %parallel_loop3A_523, %parallel_loop3A_524 : i32
            %parallel_loop3A_526 = arith.index_cast %parallel_loop3A_525 : i32 to index
            %parallel_loop3A_527 = tpu.vector_load %arg17[%parallel_loop3A_526] {strides = array<i32>} : memref<4096xi32, #tpu.memory_space<vmem>>, vector<16xi32>,
            %parallel_loop3A_528 = arith.constant 1 : i32
            %parallel_loop3A_529 = vector.broadcast %parallel_loop3A_528 : i32 to vector<16xi32>
            %parallel_loop3A_530 = arith.shrui %parallel_loop3A_527, %parallel_loop3A_529 : vector<16xi32>
            %parallel_loop3A_531 = tpu.vector_load_idx %arg13[%parallel_loop3A_530] : memref<50000xi32, #tpu.memory_space<vmem>>[vector<16xi32>], vector<16xi32>,
            %parallel_loop3A_532 = arith.constant 1 : i32
            %parallel_loop3A_533 = vector.broadcast %parallel_loop3A_532 : i32 to vector<16xi32>
            %parallel_loop3A_534 = arith.andi %parallel_loop3A_527, %parallel_loop3A_533 : vector<16xi32>
            %parallel_loop3A_535 = arith.constant 4 : i32
            %parallel_loop3A_536 = vector.broadcast %parallel_loop3A_535 : i32 to vector<16xi32>
            %parallel_loop3A_537 = arith.shli %parallel_loop3A_534, %parallel_loop3A_536 : vector<16xi32>
            %parallel_loop3A_538 = arith.shrui %parallel_loop3A_531, %parallel_loop3A_537 : vector<16xi32>
            %parallel_loop3A_539 = arith.constant 16 : i32
            %parallel_loop3A_540 = vector.broadcast %parallel_loop3A_539 : i32 to vector<16xi32>
            %parallel_loop3A_541 = arith.shli %parallel_loop3A_538, %parallel_loop3A_540 : vector<16xi32>
            %parallel_loop3A_542 = vector.bitcast %parallel_loop3A_541 : vector<16xi32> to vector<16xf32>
            %parallel_loop3A_543 = arith.constant 16 : i32
            %parallel_loop3A_544 = arith.addi %parallel_loop3A_543, %parallel_loop3A_525 : i32
            %parallel_loop3A_545 = arith.index_cast %parallel_loop3A_544 : i32 to index
            %parallel_loop3A_546 = tpu.vector_load %arg19[%parallel_loop3A_545] {strides = array<i32>} : memref<4128xi32, #tpu.memory_space<vmem>>, vector<16xi32>,
            %parallel_loop3A_547 = arith.constant 16 : i32
            %parallel_loop3A_548 = arith.addi %parallel_loop3A_547, %parallel_loop3A_525 : i32
            %parallel_loop3A_549 = arith.constant 1 : i32
            %parallel_loop3A_550 = arith.subi %parallel_loop3A_548, %parallel_loop3A_549 : i32
            %parallel_loop3A_551 = arith.index_cast %parallel_loop3A_550 : i32 to index
            %parallel_loop3A_552 = tpu.vector_load %arg19[%parallel_loop3A_551] {strides = array<i32>} : memref<4128xi32, #tpu.memory_space<vmem>>, vector<16xi32>,
            %parallel_loop3A_553 = arith.constant 16 : i32
            %parallel_loop3A_554 = arith.addi %parallel_loop3A_553, %parallel_loop3A_525 : i32
            %parallel_loop3A_555 = arith.constant 1 : i32
            %parallel_loop3A_556 = arith.addi %parallel_loop3A_554, %parallel_loop3A_555 : i32
            %parallel_loop3A_557 = arith.index_cast %parallel_loop3A_556 : i32 to index
            %parallel_loop3A_558 = tpu.vector_load %arg19[%parallel_loop3A_557] {strides = array<i32>} : memref<4128xi32, #tpu.memory_space<vmem>>, vector<16xi32>,
            %parallel_loop3A_559 = vector.broadcast %mul3A_138 : i32 to vector<16xi32>
            %parallel_loop3A_560 = arith.subi %parallel_loop3A_546, %parallel_loop3A_559 : vector<16xi32>
            %parallel_loop3A_561 = arith.index_cast %parallel_loop3A_525 : i32 to index
            %parallel_loop3A_562 = tpu.vector_load %arg18[%parallel_loop3A_561] {strides = array<i32>} : memref<4096xf32, #tpu.memory_space<vmem>>, vector<16xf32>,
            %parallel_loop3A_563 = arith.mulf %parallel_loop3A_542, %parallel_loop3A_562 : vector<16xf32>
            %parallel_loop3A_564 = vector.bitcast %parallel_loop3A_560 : vector<16xi32> to vector<16xi32>
            %parallel_loop3A_565 = vector.broadcast %while3A : i32 to vector<16xi32>
            %parallel_loop3A_566 = arith.cmpi ult, %parallel_loop3A_564, %parallel_loop3A_565 : vector<16xi32>
            %parallel_loop3A_567 = arith.constant 0.000000e+00 : f32
            %parallel_loop3A_568 = vector.broadcast %parallel_loop3A_567 : f32 to vector<16xf32>
            %parallel_loop3A_569 = arith.select %parallel_loop3A_566, %parallel_loop3A_563, %parallel_loop3A_568 : vector<16xi1>, vector<16xf32>
            %parallel_loop3A_570 = arith.constant true
            %parallel_loop3A_571 = vector.broadcast %parallel_loop3A_570 : i1 to vector<16xi1>
            %parallel_loop3A_572 = tpu.scan <sum>, %parallel_loop3A_569 masked %parallel_loop3A_571 : vector<16xf32>, vector<16xi1> -> vector<16xf32>
            %parallel_loop3A_573 = arith.subf %parallel_loop3A_572, %parallel_loop3A_569 : vector<16xf32>
            %parallel_loop3A_574 = arith.cmpi ne, %parallel_loop3A_558, %parallel_loop3A_546 : vector<16xi32>
            %parallel_loop3A_575 = arith.ori %parallel_loop3A_574, %eq3A_5 : vector<16xi1>
            %parallel_loop3A_576 = arith.cmpi ne, %parallel_loop3A_552, %parallel_loop3A_546 : vector<16xi32>
            %parallel_loop3A_577 = arith.ori %parallel_loop3A_576, %eq3A_2 : vector<16xi1>
            %parallel_loop3A_578 = arith.constant 0.000000e+00 : f32
            %parallel_loop3A_579 = vector.broadcast %parallel_loop3A_578 : f32 to vector<16xf32>
            %parallel_loop3A_580 = arith.select %parallel_loop3A_575, %parallel_loop3A_572, %parallel_loop3A_579 : vector<16xi1>, vector<16xf32>
            %parallel_loop3A_581 = arith.constant 0.000000e+00 : f32
            %parallel_loop3A_582 = vector.broadcast %parallel_loop3A_581 : f32 to vector<16xf32>
            %parallel_loop3A_583 = arith.select %parallel_loop3A_577, %parallel_loop3A_573, %parallel_loop3A_582 : vector<16xi1>, vector<16xf32>
            %parallel_loop3A_584 = arith.subf %parallel_loop3A_580, %parallel_loop3A_583 : vector<16xf32>
            %parallel_loop3A_585 = arith.ori %parallel_loop3A_575, %parallel_loop3A_577 : vector<16xi1>
            %parallel_loop3A_586 = arith.andi %parallel_loop3A_585, %parallel_loop3A_566 : vector<16xi1>
            tpu.vector_store_idx %arg20[%parallel_loop3A_560], %parallel_loop3A_584 masked %parallel_loop3A_586 {add = true} : memref<32768xf32, #tpu.memory_space<vmem>>[vector<16xi32>], vector<16xf32>, vector<16xi1>
          } {sc.loop_unroll_factor = 8 : i64, sc.parallel_access}
        } else {
          %parallel_loop3A = arith.constant 0 : i32
          %parallel_loop3A_521 = arith.constant 256 : i32
          %parallel_loop3A_522 = arith.constant 1 : i32
          scf.for %parallel_loop3A_523 = %parallel_loop3A to %parallel_loop3A_521 step %parallel_loop3A_522  : i32 {
            %parallel_loop3A_524 = arith.constant 16 : i32
            %parallel_loop3A_525 = arith.muli %parallel_loop3A_523, %parallel_loop3A_524 : i32
            %parallel_loop3A_526 = arith.index_cast %parallel_loop3A_525 : i32 to index
            %parallel_loop3A_527 = tpu.vector_load %arg17[%parallel_loop3A_526] {strides = array<i32>} : memref<4096xi32, #tpu.memory_space<vmem>>, vector<16xi32>,
            %parallel_loop3A_528 = arith.constant 1 : i32
            %parallel_loop3A_529 = vector.broadcast %parallel_loop3A_528 : i32 to vector<16xi32>
            %parallel_loop3A_530 = arith.shrui %parallel_loop3A_527, %parallel_loop3A_529 : vector<16xi32>
            %parallel_loop3A_531 = tpu.vector_load_idx %arg13[%parallel_loop3A_530] : memref<50000xi32, #tpu.memory_space<vmem>>[vector<16xi32>], vector<16xi32>,
            %parallel_loop3A_532 = arith.constant 1 : i32
            %parallel_loop3A_533 = vector.broadcast %parallel_loop3A_532 : i32 to vector<16xi32>
            %parallel_loop3A_534 = arith.andi %parallel_loop3A_527, %parallel_loop3A_533 : vector<16xi32>
            %parallel_loop3A_535 = arith.constant 4 : i32
            %parallel_loop3A_536 = vector.broadcast %parallel_loop3A_535 : i32 to vector<16xi32>
            %parallel_loop3A_537 = arith.shli %parallel_loop3A_534, %parallel_loop3A_536 : vector<16xi32>
            %parallel_loop3A_538 = arith.shrui %parallel_loop3A_531, %parallel_loop3A_537 : vector<16xi32>
            %parallel_loop3A_539 = arith.constant 16 : i32
            %parallel_loop3A_540 = vector.broadcast %parallel_loop3A_539 : i32 to vector<16xi32>
            %parallel_loop3A_541 = arith.shli %parallel_loop3A_538, %parallel_loop3A_540 : vector<16xi32>
            %parallel_loop3A_542 = vector.bitcast %parallel_loop3A_541 : vector<16xi32> to vector<16xf32>
            %parallel_loop3A_543 = arith.constant 16 : i32
            %parallel_loop3A_544 = arith.addi %parallel_loop3A_543, %parallel_loop3A_525 : i32
            %parallel_loop3A_545 = arith.index_cast %parallel_loop3A_544 : i32 to index
            %parallel_loop3A_546 = tpu.vector_load %arg19[%parallel_loop3A_545] {strides = array<i32>} : memref<4128xi32, #tpu.memory_space<vmem>>, vector<16xi32>,
            %parallel_loop3A_547 = arith.constant 16 : i32
            %parallel_loop3A_548 = arith.addi %parallel_loop3A_547, %parallel_loop3A_525 : i32
            %parallel_loop3A_549 = arith.constant 1 : i32
            %parallel_loop3A_550 = arith.subi %parallel_loop3A_548, %parallel_loop3A_549 : i32
            %parallel_loop3A_551 = arith.index_cast %parallel_loop3A_550 : i32 to index
            %parallel_loop3A_552 = tpu.vector_load %arg19[%parallel_loop3A_551] {strides = array<i32>} : memref<4128xi32, #tpu.memory_space<vmem>>, vector<16xi32>,
            %parallel_loop3A_553 = arith.constant 16 : i32
            %parallel_loop3A_554 = arith.addi %parallel_loop3A_553, %parallel_loop3A_525 : i32
            %parallel_loop3A_555 = arith.constant 1 : i32
            %parallel_loop3A_556 = arith.addi %parallel_loop3A_554, %parallel_loop3A_555 : i32
            %parallel_loop3A_557 = arith.index_cast %parallel_loop3A_556 : i32 to index
            %parallel_loop3A_558 = tpu.vector_load %arg19[%parallel_loop3A_557] {strides = array<i32>} : memref<4128xi32, #tpu.memory_space<vmem>>, vector<16xi32>,
            %parallel_loop3A_559 = vector.broadcast %mul3A_138 : i32 to vector<16xi32>
            %parallel_loop3A_560 = arith.subi %parallel_loop3A_546, %parallel_loop3A_559 : vector<16xi32>
            %parallel_loop3A_561 = arith.index_cast %parallel_loop3A_525 : i32 to index
            %parallel_loop3A_562 = tpu.vector_load %arg18[%parallel_loop3A_561] {strides = array<i32>} : memref<4096xf32, #tpu.memory_space<vmem>>, vector<16xf32>,
            %parallel_loop3A_563 = arith.mulf %parallel_loop3A_542, %parallel_loop3A_562 : vector<16xf32>
            %parallel_loop3A_564 = arith.constant true
            %parallel_loop3A_565 = vector.broadcast %parallel_loop3A_564 : i1 to vector<16xi1>
            %parallel_loop3A_566 = tpu.scan <sum>, %parallel_loop3A_563 masked %parallel_loop3A_565 : vector<16xf32>, vector<16xi1> -> vector<16xf32>
            %parallel_loop3A_567 = arith.subf %parallel_loop3A_566, %parallel_loop3A_563 : vector<16xf32>
            %parallel_loop3A_568 = arith.cmpi ne, %parallel_loop3A_558, %parallel_loop3A_546 : vector<16xi32>
            %parallel_loop3A_569 = arith.ori %parallel_loop3A_568, %eq3A_5 : vector<16xi1>
            %parallel_loop3A_570 = arith.cmpi ne, %parallel_loop3A_552, %parallel_loop3A_546 : vector<16xi32>
            %parallel_loop3A_571 = arith.ori %parallel_loop3A_570, %eq3A_2 : vector<16xi1>
            %parallel_loop3A_572 = arith.constant 0.000000e+00 : f32
            %parallel_loop3A_573 = vector.broadcast %parallel_loop3A_572 : f32 to vector<16xf32>
            %parallel_loop3A_574 = arith.select %parallel_loop3A_569, %parallel_loop3A_566, %parallel_loop3A_573 : vector<16xi1>, vector<16xf32>
            %parallel_loop3A_575 = arith.constant 0.000000e+00 : f32
            %parallel_loop3A_576 = vector.broadcast %parallel_loop3A_575 : f32 to vector<16xf32>
            %parallel_loop3A_577 = arith.select %parallel_loop3A_571, %parallel_loop3A_567, %parallel_loop3A_576 : vector<16xi1>, vector<16xf32>
            %parallel_loop3A_578 = arith.subf %parallel_loop3A_574, %parallel_loop3A_577 : vector<16xf32>
            %parallel_loop3A_579 = arith.ori %parallel_loop3A_569, %parallel_loop3A_571 : vector<16xi1>
            tpu.vector_store_idx %arg20[%parallel_loop3A_560], %parallel_loop3A_578 masked %parallel_loop3A_579 {add = true} : memref<32768xf32, #tpu.memory_space<vmem>>[vector<16xi32>], vector<16xf32>, vector<16xi1>
          } {sc.loop_unroll_factor = 8 : i64, sc.parallel_access}
        }
      } else {
      }
      %while3A_492 = arith.constant 0 : i32
      scf.yield %while3A_492 : i32
    }
    %while3A_230 = arith.constant 1 : i32
    %while3A_231 = scf.for %while3A_445 = %while3A_227 to %while3A_223 step %while3A_230 iter_args(%while3A_446 = %while3A_229) -> (i32)  : i32 {
      %mul3A_447 = arith.constant 2 : i32
      %mul3A_448 = arith.muli %mul3A_447, %while3A_445 : i32
      %add3A_449 = arith.addi %select_n3A_162, %mul3A_448 : i32
      %add3A_450 = arith.constant 1 : i32
      %add3A_451 = arith.addi %add3A_449, %add3A_450 : i32
      %lt3A_452 = arith.cmpi slt, %add3A_451, %select_n3A_190 : i32
      %convert_element_type3A_453 = arith.extui %lt3A_452 : i1 to i32
      %cond3A_454 = arith.constant 0 : i32
      %cond3A_455 = arith.cmpi ne, %convert_element_type3A_453, %cond3A_454 : i32
      scf.if %cond3A_455 {
        %mul3A_493 = arith.constant 4096 : i32
        %mul3A_494 = arith.muli %add3A_451, %mul3A_493 : i32
        %multiple_of3A_495 = tpu.assume_multiple %mul3A_494, 4096 : i32
        %dma_start3A = tpu.memref_slice %arg6[%multiple_of3A_495] : memref<16777216xi32, #tpu.memory_space<hbm>> -> memref<4096xi32, #tpu.memory_space<hbm>>
        %dma_start3A_496 = tpu.memref_slice %arg6[%multiple_of3A_495] : memref<16777216xi32, #tpu.memory_space<hbm>> -> memref<4096xi32, #tpu.memory_space<hbm>>
        tpu.enqueue_dma source(%dma_start3A_496 : memref<4096xi32, #tpu.memory_space<hbm>>) target(%arg17 : memref<4096xi32, #tpu.memory_space<vmem>>) target_semaphore(%arg25 : memref<!tpu.dma_semaphore, #tpu.memory_space<semaphore_mem>>)
        %dma_start3A_497 = tpu.memref_slice %arg5[%multiple_of3A_495] : memref<16777216xf32, #tpu.memory_space<hbm>> -> memref<4096xf32, #tpu.memory_space<hbm>>
        %dma_start3A_498 = tpu.memref_slice %arg5[%multiple_of3A_495] : memref<16777216xf32, #tpu.memory_space<hbm>> -> memref<4096xf32, #tpu.memory_space<hbm>>
        tpu.enqueue_dma source(%dma_start3A_498 : memref<4096xf32, #tpu.memory_space<hbm>>) target(%arg18 : memref<4096xf32, #tpu.memory_space<vmem>>) target_semaphore(%arg25 : memref<!tpu.dma_semaphore, #tpu.memory_space<semaphore_mem>>)
        %dma_start3A_499 = arith.constant 16 : i32
        %dma_start3A_500 = tpu.memref_slice %arg19[%dma_start3A_499] : memref<4128xi32, #tpu.memory_space<vmem>> -> memref<4096xi32, #tpu.memory_space<vmem>>
        %dma_start3A_501 = tpu.memref_slice %arg7[%multiple_of3A_495] : memref<16777216xi32, #tpu.memory_space<hbm>> -> memref<4096xi32, #tpu.memory_space<hbm>>
        %dma_start3A_502 = arith.constant 16 : i32
        %dma_start3A_503 = tpu.memref_slice %arg19[%dma_start3A_502] : memref<4128xi32, #tpu.memory_space<vmem>> -> memref<4096xi32, #tpu.memory_space<vmem>>
        %dma_start3A_504 = tpu.memref_slice %arg7[%multiple_of3A_495] : memref<16777216xi32, #tpu.memory_space<hbm>> -> memref<4096xi32, #tpu.memory_space<hbm>>
        tpu.enqueue_dma source(%dma_start3A_504 : memref<4096xi32, #tpu.memory_space<hbm>>) target(%dma_start3A_503 : memref<4096xi32, #tpu.memory_space<vmem>>) target_semaphore(%arg25 : memref<!tpu.dma_semaphore, #tpu.memory_space<semaphore_mem>>)
      } else {
      }
      %dma_wait3A = arith.constant 0 : i32
      %dma_wait3A_456 = tpu.memref_slice %arg6[%dma_wait3A] : memref<16777216xi32, #tpu.memory_space<hbm>> -> memref<4096xi32, #tpu.memory_space<hbm>>
      %dma_wait3A_457 = arith.constant 0 : i32
      %dma_wait3A_458 = tpu.memref_slice %arg6[%dma_wait3A_457] : memref<16777216xi32, #tpu.memory_space<hbm>> -> memref<4096xi32, #tpu.memory_space<hbm>>
      tpu.wait_dma2 semaphore(%arg24 : memref<!tpu.dma_semaphore, #tpu.memory_space<semaphore_mem>>) src(%dma_wait3A_458 : memref<4096xi32, #tpu.memory_space<hbm>>) dst(%arg14 : memref<4096xi32, #tpu.memory_space<vmem>>)
      %dma_wait3A_459 = arith.constant 0 : i32
      %dma_wait3A_460 = tpu.memref_slice %arg5[%dma_wait3A_459] : memref<16777216xf32, #tpu.memory_space<hbm>> -> memref<4096xf32, #tpu.memory_space<hbm>>
      %dma_wait3A_461 = arith.constant 0 : i32
      %dma_wait3A_462 = tpu.memref_slice %arg5[%dma_wait3A_461] : memref<16777216xf32, #tpu.memory_space<hbm>> -> memref<4096xf32, #tpu.memory_space<hbm>>
      tpu.wait_dma2 semaphore(%arg24 : memref<!tpu.dma_semaphore, #tpu.memory_space<semaphore_mem>>) src(%dma_wait3A_462 : memref<4096xf32, #tpu.memory_space<hbm>>) dst(%arg15 : memref<4096xf32, #tpu.memory_space<vmem>>)
      %dma_wait3A_463 = arith.constant 16 : i32
      %dma_wait3A_464 = tpu.memref_slice %arg16[%dma_wait3A_463] : memref<4128xi32, #tpu.memory_space<vmem>> -> memref<4096xi32, #tpu.memory_space<vmem>>
      %dma_wait3A_465 = arith.constant 0 : i32
      %dma_wait3A_466 = tpu.memref_slice %arg7[%dma_wait3A_465] : memref<16777216xi32, #tpu.memory_space<hbm>> -> memref<4096xi32, #tpu.memory_space<hbm>>
      %dma_wait3A_467 = arith.constant 16 : i32
      %dma_wait3A_468 = tpu.memref_slice %arg16[%dma_wait3A_467] : memref<4128xi32, #tpu.memory_space<vmem>> -> memref<4096xi32, #tpu.memory_space<vmem>>
      %dma_wait3A_469 = arith.constant 0 : i32
      %dma_wait3A_470 = tpu.memref_slice %arg7[%dma_wait3A_469] : memref<16777216xi32, #tpu.memory_space<hbm>> -> memref<4096xi32, #tpu.memory_space<hbm>>
      tpu.wait_dma2 semaphore(%arg24 : memref<!tpu.dma_semaphore, #tpu.memory_space<semaphore_mem>>) src(%dma_wait3A_470 : memref<4096xi32, #tpu.memory_space<hbm>>) dst(%dma_wait3A_468 : memref<4096xi32, #tpu.memory_space<vmem>>)
      %mul3A_471 = arith.constant 4096 : i32
      %mul3A_472 = arith.muli %add3A_449, %mul3A_471 : i32
      %lt3A_473 = arith.cmpi slt, %mul3A_472, %reduce_sum3A_80 : i32
      %add3A_474 = arith.constant 1 : i32
      %add3A_475 = arith.addi %add3A_449, %add3A_474 : i32
      %mul3A_476 = arith.constant 4096 : i32
      %mul3A_477 = arith.muli %add3A_475, %mul3A_476 : i32
      %gt3A_478 = arith.cmpi sgt, %mul3A_477, %reduce_sum3A_136 : i32
      %or3A = arith.ori %lt3A_473, %gt3A_478 : i1
      %convert_element_type3A_479 = arith.extui %or3A : i1 to i32
      %cond3A_480 = arith.constant 0 : i32
      %cond3A_481 = arith.cmpi ne, %convert_element_type3A_479, %cond3A_480 : i32
      scf.if %cond3A_481 {
        %parallel_loop3A = arith.constant 0 : i32
        %parallel_loop3A_493 = arith.constant 256 : i32
        %parallel_loop3A_494 = arith.constant 1 : i32
        scf.for %parallel_loop3A_495 = %parallel_loop3A to %parallel_loop3A_493 step %parallel_loop3A_494  : i32 {
          %parallel_loop3A_496 = arith.constant 16 : i32
          %parallel_loop3A_497 = arith.muli %parallel_loop3A_495, %parallel_loop3A_496 : i32
          %parallel_loop3A_498 = arith.index_cast %parallel_loop3A_497 : i32 to index
          %parallel_loop3A_499 = tpu.vector_load %arg14[%parallel_loop3A_498] {strides = array<i32>} : memref<4096xi32, #tpu.memory_space<vmem>>, vector<16xi32>,
          %parallel_loop3A_500 = arith.constant 1 : i32
          %parallel_loop3A_501 = vector.broadcast %parallel_loop3A_500 : i32 to vector<16xi32>
          %parallel_loop3A_502 = arith.shrui %parallel_loop3A_499, %parallel_loop3A_501 : vector<16xi32>
          %parallel_loop3A_503 = tpu.vector_load_idx %arg13[%parallel_loop3A_502] : memref<50000xi32, #tpu.memory_space<vmem>>[vector<16xi32>], vector<16xi32>,
          %parallel_loop3A_504 = arith.constant 1 : i32
          %parallel_loop3A_505 = vector.broadcast %parallel_loop3A_504 : i32 to vector<16xi32>
          %parallel_loop3A_506 = arith.andi %parallel_loop3A_499, %parallel_loop3A_505 : vector<16xi32>
          %parallel_loop3A_507 = arith.constant 4 : i32
          %parallel_loop3A_508 = vector.broadcast %parallel_loop3A_507 : i32 to vector<16xi32>
          %parallel_loop3A_509 = arith.shli %parallel_loop3A_506, %parallel_loop3A_508 : vector<16xi32>
          %parallel_loop3A_510 = arith.shrui %parallel_loop3A_503, %parallel_loop3A_509 : vector<16xi32>
          %parallel_loop3A_511 = arith.constant 16 : i32
          %parallel_loop3A_512 = vector.broadcast %parallel_loop3A_511 : i32 to vector<16xi32>
          %parallel_loop3A_513 = arith.shli %parallel_loop3A_510, %parallel_loop3A_512 : vector<16xi32>
          %parallel_loop3A_514 = vector.bitcast %parallel_loop3A_513 : vector<16xi32> to vector<16xf32>
          %parallel_loop3A_515 = arith.constant 16 : i32
          %parallel_loop3A_516 = arith.addi %parallel_loop3A_515, %parallel_loop3A_497 : i32
          %parallel_loop3A_517 = arith.index_cast %parallel_loop3A_516 : i32 to index
          %parallel_loop3A_518 = tpu.vector_load %arg16[%parallel_loop3A_517] {strides = array<i32>} : memref<4128xi32, #tpu.memory_space<vmem>>, vector<16xi32>,
          %parallel_loop3A_519 = arith.constant 16 : i32
          %parallel_loop3A_520 = arith.addi %parallel_loop3A_519, %parallel_loop3A_497 : i32
          %parallel_loop3A_521 = arith.constant 1 : i32
          %parallel_loop3A_522 = arith.subi %parallel_loop3A_520, %parallel_loop3A_521 : i32
          %parallel_loop3A_523 = arith.index_cast %parallel_loop3A_522 : i32 to index
          %parallel_loop3A_524 = tpu.vector_load %arg16[%parallel_loop3A_523] {strides = array<i32>} : memref<4128xi32, #tpu.memory_space<vmem>>, vector<16xi32>,
          %parallel_loop3A_525 = arith.constant 16 : i32
          %parallel_loop3A_526 = arith.addi %parallel_loop3A_525, %parallel_loop3A_497 : i32
          %parallel_loop3A_527 = arith.constant 1 : i32
          %parallel_loop3A_528 = arith.addi %parallel_loop3A_526, %parallel_loop3A_527 : i32
          %parallel_loop3A_529 = arith.index_cast %parallel_loop3A_528 : i32 to index
          %parallel_loop3A_530 = tpu.vector_load %arg16[%parallel_loop3A_529] {strides = array<i32>} : memref<4128xi32, #tpu.memory_space<vmem>>, vector<16xi32>,
          %parallel_loop3A_531 = vector.broadcast %mul3A_138 : i32 to vector<16xi32>
          %parallel_loop3A_532 = arith.subi %parallel_loop3A_518, %parallel_loop3A_531 : vector<16xi32>
          %parallel_loop3A_533 = arith.index_cast %parallel_loop3A_497 : i32 to index
          %parallel_loop3A_534 = tpu.vector_load %arg15[%parallel_loop3A_533] {strides = array<i32>} : memref<4096xf32, #tpu.memory_space<vmem>>, vector<16xf32>,
          %parallel_loop3A_535 = arith.mulf %parallel_loop3A_514, %parallel_loop3A_534 : vector<16xf32>
          %parallel_loop3A_536 = vector.bitcast %parallel_loop3A_532 : vector<16xi32> to vector<16xi32>
          %parallel_loop3A_537 = vector.broadcast %while3A : i32 to vector<16xi32>
          %parallel_loop3A_538 = arith.cmpi ult, %parallel_loop3A_536, %parallel_loop3A_537 : vector<16xi32>
          %parallel_loop3A_539 = arith.constant 0.000000e+00 : f32
          %parallel_loop3A_540 = vector.broadcast %parallel_loop3A_539 : f32 to vector<16xf32>
          %parallel_loop3A_541 = arith.select %parallel_loop3A_538, %parallel_loop3A_535, %parallel_loop3A_540 : vector<16xi1>, vector<16xf32>
          %parallel_loop3A_542 = arith.constant true
          %parallel_loop3A_543 = vector.broadcast %parallel_loop3A_542 : i1 to vector<16xi1>
          %parallel_loop3A_544 = tpu.scan <sum>, %parallel_loop3A_541 masked %parallel_loop3A_543 : vector<16xf32>, vector<16xi1> -> vector<16xf32>
          %parallel_loop3A_545 = arith.subf %parallel_loop3A_544, %parallel_loop3A_541 : vector<16xf32>
          %parallel_loop3A_546 = arith.cmpi ne, %parallel_loop3A_530, %parallel_loop3A_518 : vector<16xi32>
          %parallel_loop3A_547 = arith.ori %parallel_loop3A_546, %eq3A_5 : vector<16xi1>
          %parallel_loop3A_548 = arith.cmpi ne, %parallel_loop3A_524, %parallel_loop3A_518 : vector<16xi32>
          %parallel_loop3A_549 = arith.ori %parallel_loop3A_548, %eq3A_2 : vector<16xi1>
          %parallel_loop3A_550 = arith.constant 0.000000e+00 : f32
          %parallel_loop3A_551 = vector.broadcast %parallel_loop3A_550 : f32 to vector<16xf32>
          %parallel_loop3A_552 = arith.select %parallel_loop3A_547, %parallel_loop3A_544, %parallel_loop3A_551 : vector<16xi1>, vector<16xf32>
          %parallel_loop3A_553 = arith.constant 0.000000e+00 : f32
          %parallel_loop3A_554 = vector.broadcast %parallel_loop3A_553 : f32 to vector<16xf32>
          %parallel_loop3A_555 = arith.select %parallel_loop3A_549, %parallel_loop3A_545, %parallel_loop3A_554 : vector<16xi1>, vector<16xf32>
          %parallel_loop3A_556 = arith.subf %parallel_loop3A_552, %parallel_loop3A_555 : vector<16xf32>
          %parallel_loop3A_557 = arith.ori %parallel_loop3A_547, %parallel_loop3A_549 : vector<16xi1>
          %parallel_loop3A_558 = arith.andi %parallel_loop3A_557, %parallel_loop3A_538 : vector<16xi1>
          tpu.vector_store_idx %arg20[%parallel_loop3A_532], %parallel_loop3A_556 masked %parallel_loop3A_558 {add = true} : memref<32768xf32, #tpu.memory_space<vmem>>[vector<16xi32>], vector<16xf32>, vector<16xi1>
        } {sc.loop_unroll_factor = 8 : i64, sc.parallel_access}
      } else {
        %parallel_loop3A = arith.constant 0 : i32
        %parallel_loop3A_493 = arith.constant 256 : i32
        %parallel_loop3A_494 = arith.constant 1 : i32
        scf.for %parallel_loop3A_495 = %parallel_loop3A to %parallel_loop3A_493 step %parallel_loop3A_494  : i32 {
          %parallel_loop3A_496 = arith.constant 16 : i32
          %parallel_loop3A_497 = arith.muli %parallel_loop3A_495, %parallel_loop3A_496 : i32
          %parallel_loop3A_498 = arith.index_cast %parallel_loop3A_497 : i32 to index
          %parallel_loop3A_499 = tpu.vector_load %arg14[%parallel_loop3A_498] {strides = array<i32>} : memref<4096xi32, #tpu.memory_space<vmem>>, vector<16xi32>,
          %parallel_loop3A_500 = arith.constant 1 : i32
          %parallel_loop3A_501 = vector.broadcast %parallel_loop3A_500 : i32 to vector<16xi32>
          %parallel_loop3A_502 = arith.shrui %parallel_loop3A_499, %parallel_loop3A_501 : vector<16xi32>
          %parallel_loop3A_503 = tpu.vector_load_idx %arg13[%parallel_loop3A_502] : memref<50000xi32, #tpu.memory_space<vmem>>[vector<16xi32>], vector<16xi32>,
          %parallel_loop3A_504 = arith.constant 1 : i32
          %parallel_loop3A_505 = vector.broadcast %parallel_loop3A_504 : i32 to vector<16xi32>
          %parallel_loop3A_506 = arith.andi %parallel_loop3A_499, %parallel_loop3A_505 : vector<16xi32>
          %parallel_loop3A_507 = arith.constant 4 : i32
          %parallel_loop3A_508 = vector.broadcast %parallel_loop3A_507 : i32 to vector<16xi32>
          %parallel_loop3A_509 = arith.shli %parallel_loop3A_506, %parallel_loop3A_508 : vector<16xi32>
          %parallel_loop3A_510 = arith.shrui %parallel_loop3A_503, %parallel_loop3A_509 : vector<16xi32>
          %parallel_loop3A_511 = arith.constant 16 : i32
          %parallel_loop3A_512 = vector.broadcast %parallel_loop3A_511 : i32 to vector<16xi32>
          %parallel_loop3A_513 = arith.shli %parallel_loop3A_510, %parallel_loop3A_512 : vector<16xi32>
          %parallel_loop3A_514 = vector.bitcast %parallel_loop3A_513 : vector<16xi32> to vector<16xf32>
          %parallel_loop3A_515 = arith.constant 16 : i32
          %parallel_loop3A_516 = arith.addi %parallel_loop3A_515, %parallel_loop3A_497 : i32
          %parallel_loop3A_517 = arith.index_cast %parallel_loop3A_516 : i32 to index
          %parallel_loop3A_518 = tpu.vector_load %arg16[%parallel_loop3A_517] {strides = array<i32>} : memref<4128xi32, #tpu.memory_space<vmem>>, vector<16xi32>,
          %parallel_loop3A_519 = arith.constant 16 : i32
          %parallel_loop3A_520 = arith.addi %parallel_loop3A_519, %parallel_loop3A_497 : i32
          %parallel_loop3A_521 = arith.constant 1 : i32
          %parallel_loop3A_522 = arith.subi %parallel_loop3A_520, %parallel_loop3A_521 : i32
          %parallel_loop3A_523 = arith.index_cast %parallel_loop3A_522 : i32 to index
          %parallel_loop3A_524 = tpu.vector_load %arg16[%parallel_loop3A_523] {strides = array<i32>} : memref<4128xi32, #tpu.memory_space<vmem>>, vector<16xi32>,
          %parallel_loop3A_525 = arith.constant 16 : i32
          %parallel_loop3A_526 = arith.addi %parallel_loop3A_525, %parallel_loop3A_497 : i32
          %parallel_loop3A_527 = arith.constant 1 : i32
          %parallel_loop3A_528 = arith.addi %parallel_loop3A_526, %parallel_loop3A_527 : i32
          %parallel_loop3A_529 = arith.index_cast %parallel_loop3A_528 : i32 to index
          %parallel_loop3A_530 = tpu.vector_load %arg16[%parallel_loop3A_529] {strides = array<i32>} : memref<4128xi32, #tpu.memory_space<vmem>>, vector<16xi32>,
          %parallel_loop3A_531 = vector.broadcast %mul3A_138 : i32 to vector<16xi32>
          %parallel_loop3A_532 = arith.subi %parallel_loop3A_518, %parallel_loop3A_531 : vector<16xi32>
          %parallel_loop3A_533 = arith.index_cast %parallel_loop3A_497 : i32 to index
          %parallel_loop3A_534 = tpu.vector_load %arg15[%parallel_loop3A_533] {strides = array<i32>} : memref<4096xf32, #tpu.memory_space<vmem>>, vector<16xf32>,
          %parallel_loop3A_535 = arith.mulf %parallel_loop3A_514, %parallel_loop3A_534 : vector<16xf32>
          %parallel_loop3A_536 = arith.constant true
          %parallel_loop3A_537 = vector.broadcast %parallel_loop3A_536 : i1 to vector<16xi1>
          %parallel_loop3A_538 = tpu.scan <sum>, %parallel_loop3A_535 masked %parallel_loop3A_537 : vector<16xf32>, vector<16xi1> -> vector<16xf32>
          %parallel_loop3A_539 = arith.subf %parallel_loop3A_538, %parallel_loop3A_535 : vector<16xf32>
          %parallel_loop3A_540 = arith.cmpi ne, %parallel_loop3A_530, %parallel_loop3A_518 : vector<16xi32>
          %parallel_loop3A_541 = arith.ori %parallel_loop3A_540, %eq3A_5 : vector<16xi1>
          %parallel_loop3A_542 = arith.cmpi ne, %parallel_loop3A_524, %parallel_loop3A_518 : vector<16xi32>
          %parallel_loop3A_543 = arith.ori %parallel_loop3A_542, %eq3A_2 : vector<16xi1>
          %parallel_loop3A_544 = arith.constant 0.000000e+00 : f32
          %parallel_loop3A_545 = vector.broadcast %parallel_loop3A_544 : f32 to vector<16xf32>
          %parallel_loop3A_546 = arith.select %parallel_loop3A_541, %parallel_loop3A_538, %parallel_loop3A_545 : vector<16xi1>, vector<16xf32>
          %parallel_loop3A_547 = arith.constant 0.000000e+00 : f32
          %parallel_loop3A_548 = vector.broadcast %parallel_loop3A_547 : f32 to vector<16xf32>
          %parallel_loop3A_549 = arith.select %parallel_loop3A_543, %parallel_loop3A_539, %parallel_loop3A_548 : vector<16xi1>, vector<16xf32>
          %parallel_loop3A_550 = arith.subf %parallel_loop3A_546, %parallel_loop3A_549 : vector<16xf32>
          %parallel_loop3A_551 = arith.ori %parallel_loop3A_541, %parallel_loop3A_543 : vector<16xi1>
          tpu.vector_store_idx %arg20[%parallel_loop3A_532], %parallel_loop3A_550 masked %parallel_loop3A_551 {add = true} : memref<32768xf32, #tpu.memory_space<vmem>>[vector<16xi32>], vector<16xf32>, vector<16xi1>
        } {sc.loop_unroll_factor = 8 : i64, sc.parallel_access}
      }
      %add3A_482 = arith.constant 2 : i32
      %add3A_483 = arith.addi %add3A_449, %add3A_482 : i32
      %lt3A_484 = arith.cmpi slt, %add3A_483, %select_n3A_190 : i32
      %convert_element_type3A_485 = arith.extui %lt3A_484 : i1 to i32
      %cond3A_486 = arith.constant 0 : i32
      %cond3A_487 = arith.cmpi ne, %convert_element_type3A_485, %cond3A_486 : i32
      scf.if %cond3A_487 {
        %add3A_493 = arith.constant 2 : i32
        %add3A_494 = arith.addi %add3A_449, %add3A_493 : i32
        %mul3A_495 = arith.constant 4096 : i32
        %mul3A_496 = arith.muli %add3A_494, %mul3A_495 : i32
        %multiple_of3A_497 = tpu.assume_multiple %mul3A_496, 4096 : i32
        %dma_start3A = tpu.memref_slice %arg6[%multiple_of3A_497] : memref<16777216xi32, #tpu.memory_space<hbm>> -> memref<4096xi32, #tpu.memory_space<hbm>>
        %dma_start3A_498 = tpu.memref_slice %arg6[%multiple_of3A_497] : memref<16777216xi32, #tpu.memory_space<hbm>> -> memref<4096xi32, #tpu.memory_space<hbm>>
        tpu.enqueue_dma source(%dma_start3A_498 : memref<4096xi32, #tpu.memory_space<hbm>>) target(%arg14 : memref<4096xi32, #tpu.memory_space<vmem>>) target_semaphore(%arg24 : memref<!tpu.dma_semaphore, #tpu.memory_space<semaphore_mem>>)
        %dma_start3A_499 = tpu.memref_slice %arg5[%multiple_of3A_497] : memref<16777216xf32, #tpu.memory_space<hbm>> -> memref<4096xf32, #tpu.memory_space<hbm>>
        %dma_start3A_500 = tpu.memref_slice %arg5[%multiple_of3A_497] : memref<16777216xf32, #tpu.memory_space<hbm>> -> memref<4096xf32, #tpu.memory_space<hbm>>
        tpu.enqueue_dma source(%dma_start3A_500 : memref<4096xf32, #tpu.memory_space<hbm>>) target(%arg15 : memref<4096xf32, #tpu.memory_space<vmem>>) target_semaphore(%arg24 : memref<!tpu.dma_semaphore, #tpu.memory_space<semaphore_mem>>)
        %dma_start3A_501 = arith.constant 16 : i32
        %dma_start3A_502 = tpu.memref_slice %arg16[%dma_start3A_501] : memref<4128xi32, #tpu.memory_space<vmem>> -> memref<4096xi32, #tpu.memory_space<vmem>>
        %dma_start3A_503 = tpu.memref_slice %arg7[%multiple_of3A_497] : memref<16777216xi32, #tpu.memory_space<hbm>> -> memref<4096xi32, #tpu.memory_space<hbm>>
        %dma_start3A_504 = arith.constant 16 : i32
        %dma_start3A_505 = tpu.memref_slice %arg16[%dma_start3A_504] : memref<4128xi32, #tpu.memory_space<vmem>> -> memref<4096xi32, #tpu.memory_space<vmem>>
        %dma_start3A_506 = tpu.memref_slice %arg7[%multiple_of3A_497] : memref<16777216xi32, #tpu.memory_space<hbm>> -> memref<4096xi32, #tpu.memory_space<hbm>>
        tpu.enqueue_dma source(%dma_start3A_506 : memref<4096xi32, #tpu.memory_space<hbm>>) target(%dma_start3A_505 : memref<4096xi32, #tpu.memory_space<vmem>>) target_semaphore(%arg24 : memref<!tpu.dma_semaphore, #tpu.memory_space<semaphore_mem>>)
      } else {
      }
      %lt3A_488 = arith.cmpi slt, %add3A_451, %select_n3A_190 : i32
      %convert_element_type3A_489 = arith.extui %lt3A_488 : i1 to i32
      %cond3A_490 = arith.constant 0 : i32
      %cond3A_491 = arith.cmpi ne, %convert_element_type3A_489, %cond3A_490 : i32
      scf.if %cond3A_491 {
        %dma_wait3A_493 = arith.constant 0 : i32
        %dma_wait3A_494 = tpu.memref_slice %arg6[%dma_wait3A_493] : memref<16777216xi32, #tpu.memory_space<hbm>> -> memref<4096xi32, #tpu.memory_space<hbm>>
        %dma_wait3A_495 = arith.constant 0 : i32
        %dma_wait3A_496 = tpu.memref_slice %arg6[%dma_wait3A_495] : memref<16777216xi32, #tpu.memory_space<hbm>> -> memref<4096xi32, #tpu.memory_space<hbm>>
        tpu.wait_dma2 semaphore(%arg25 : memref<!tpu.dma_semaphore, #tpu.memory_space<semaphore_mem>>) src(%dma_wait3A_496 : memref<4096xi32, #tpu.memory_space<hbm>>) dst(%arg17 : memref<4096xi32, #tpu.memory_space<vmem>>)
        %dma_wait3A_497 = arith.constant 0 : i32
        %dma_wait3A_498 = tpu.memref_slice %arg5[%dma_wait3A_497] : memref<16777216xf32, #tpu.memory_space<hbm>> -> memref<4096xf32, #tpu.memory_space<hbm>>
        %dma_wait3A_499 = arith.constant 0 : i32
        %dma_wait3A_500 = tpu.memref_slice %arg5[%dma_wait3A_499] : memref<16777216xf32, #tpu.memory_space<hbm>> -> memref<4096xf32, #tpu.memory_space<hbm>>
        tpu.wait_dma2 semaphore(%arg25 : memref<!tpu.dma_semaphore, #tpu.memory_space<semaphore_mem>>) src(%dma_wait3A_500 : memref<4096xf32, #tpu.memory_space<hbm>>) dst(%arg18 : memref<4096xf32, #tpu.memory_space<vmem>>)
        %dma_wait3A_501 = arith.constant 16 : i32
        %dma_wait3A_502 = tpu.memref_slice %arg19[%dma_wait3A_501] : memref<4128xi32, #tpu.memory_space<vmem>> -> memref<4096xi32, #tpu.memory_space<vmem>>
        %dma_wait3A_503 = arith.constant 0 : i32
        %dma_wait3A_504 = tpu.memref_slice %arg7[%dma_wait3A_503] : memref<16777216xi32, #tpu.memory_space<hbm>> -> memref<4096xi32, #tpu.memory_space<hbm>>
        %dma_wait3A_505 = arith.constant 16 : i32
        %dma_wait3A_506 = tpu.memref_slice %arg19[%dma_wait3A_505] : memref<4128xi32, #tpu.memory_space<vmem>> -> memref<4096xi32, #tpu.memory_space<vmem>>
        %dma_wait3A_507 = arith.constant 0 : i32
        %dma_wait3A_508 = tpu.memref_slice %arg7[%dma_wait3A_507] : memref<16777216xi32, #tpu.memory_space<hbm>> -> memref<4096xi32, #tpu.memory_space<hbm>>
        tpu.wait_dma2 semaphore(%arg25 : memref<!tpu.dma_semaphore, #tpu.memory_space<semaphore_mem>>) src(%dma_wait3A_508 : memref<4096xi32, #tpu.memory_space<hbm>>) dst(%dma_wait3A_506 : memref<4096xi32, #tpu.memory_space<vmem>>)
        %mul3A_509 = arith.constant 4096 : i32
        %mul3A_510 = arith.muli %add3A_451, %mul3A_509 : i32
        %lt3A_511 = arith.cmpi slt, %mul3A_510, %reduce_sum3A_80 : i32
        %add3A_512 = arith.constant 1 : i32
        %add3A_513 = arith.addi %add3A_451, %add3A_512 : i32
        %mul3A_514 = arith.constant 4096 : i32
        %mul3A_515 = arith.muli %add3A_513, %mul3A_514 : i32
        %gt3A_516 = arith.cmpi sgt, %mul3A_515, %reduce_sum3A_136 : i32
        %or3A_517 = arith.ori %lt3A_511, %gt3A_516 : i1
        %convert_element_type3A_518 = arith.extui %or3A_517 : i1 to i32
        %cond3A_519 = arith.constant 0 : i32
        %cond3A_520 = arith.cmpi ne, %convert_element_type3A_518, %cond3A_519 : i32
        scf.if %cond3A_520 {
          %parallel_loop3A = arith.constant 0 : i32
          %parallel_loop3A_521 = arith.constant 256 : i32
          %parallel_loop3A_522 = arith.constant 1 : i32
          scf.for %parallel_loop3A_523 = %parallel_loop3A to %parallel_loop3A_521 step %parallel_loop3A_522  : i32 {
            %parallel_loop3A_524 = arith.constant 16 : i32
            %parallel_loop3A_525 = arith.muli %parallel_loop3A_523, %parallel_loop3A_524 : i32
            %parallel_loop3A_526 = arith.index_cast %parallel_loop3A_525 : i32 to index
            %parallel_loop3A_527 = tpu.vector_load %arg17[%parallel_loop3A_526] {strides = array<i32>} : memref<4096xi32, #tpu.memory_space<vmem>>, vector<16xi32>,
            %parallel_loop3A_528 = arith.constant 1 : i32
            %parallel_loop3A_529 = vector.broadcast %parallel_loop3A_528 : i32 to vector<16xi32>
            %parallel_loop3A_530 = arith.shrui %parallel_loop3A_527, %parallel_loop3A_529 : vector<16xi32>
            %parallel_loop3A_531 = tpu.vector_load_idx %arg13[%parallel_loop3A_530] : memref<50000xi32, #tpu.memory_space<vmem>>[vector<16xi32>], vector<16xi32>,
            %parallel_loop3A_532 = arith.constant 1 : i32
            %parallel_loop3A_533 = vector.broadcast %parallel_loop3A_532 : i32 to vector<16xi32>
            %parallel_loop3A_534 = arith.andi %parallel_loop3A_527, %parallel_loop3A_533 : vector<16xi32>
            %parallel_loop3A_535 = arith.constant 4 : i32
            %parallel_loop3A_536 = vector.broadcast %parallel_loop3A_535 : i32 to vector<16xi32>
            %parallel_loop3A_537 = arith.shli %parallel_loop3A_534, %parallel_loop3A_536 : vector<16xi32>
            %parallel_loop3A_538 = arith.shrui %parallel_loop3A_531, %parallel_loop3A_537 : vector<16xi32>
            %parallel_loop3A_539 = arith.constant 16 : i32
            %parallel_loop3A_540 = vector.broadcast %parallel_loop3A_539 : i32 to vector<16xi32>
            %parallel_loop3A_541 = arith.shli %parallel_loop3A_538, %parallel_loop3A_540 : vector<16xi32>
            %parallel_loop3A_542 = vector.bitcast %parallel_loop3A_541 : vector<16xi32> to vector<16xf32>
            %parallel_loop3A_543 = arith.constant 16 : i32
            %parallel_loop3A_544 = arith.addi %parallel_loop3A_543, %parallel_loop3A_525 : i32
            %parallel_loop3A_545 = arith.index_cast %parallel_loop3A_544 : i32 to index
            %parallel_loop3A_546 = tpu.vector_load %arg19[%parallel_loop3A_545] {strides = array<i32>} : memref<4128xi32, #tpu.memory_space<vmem>>, vector<16xi32>,
            %parallel_loop3A_547 = arith.constant 16 : i32
            %parallel_loop3A_548 = arith.addi %parallel_loop3A_547, %parallel_loop3A_525 : i32
            %parallel_loop3A_549 = arith.constant 1 : i32
            %parallel_loop3A_550 = arith.subi %parallel_loop3A_548, %parallel_loop3A_549 : i32
            %parallel_loop3A_551 = arith.index_cast %parallel_loop3A_550 : i32 to index
            %parallel_loop3A_552 = tpu.vector_load %arg19[%parallel_loop3A_551] {strides = array<i32>} : memref<4128xi32, #tpu.memory_space<vmem>>, vector<16xi32>,
            %parallel_loop3A_553 = arith.constant 16 : i32
            %parallel_loop3A_554 = arith.addi %parallel_loop3A_553, %parallel_loop3A_525 : i32
            %parallel_loop3A_555 = arith.constant 1 : i32
            %parallel_loop3A_556 = arith.addi %parallel_loop3A_554, %parallel_loop3A_555 : i32
            %parallel_loop3A_557 = arith.index_cast %parallel_loop3A_556 : i32 to index
            %parallel_loop3A_558 = tpu.vector_load %arg19[%parallel_loop3A_557] {strides = array<i32>} : memref<4128xi32, #tpu.memory_space<vmem>>, vector<16xi32>,
            %parallel_loop3A_559 = vector.broadcast %mul3A_138 : i32 to vector<16xi32>
            %parallel_loop3A_560 = arith.subi %parallel_loop3A_546, %parallel_loop3A_559 : vector<16xi32>
            %parallel_loop3A_561 = arith.index_cast %parallel_loop3A_525 : i32 to index
            %parallel_loop3A_562 = tpu.vector_load %arg18[%parallel_loop3A_561] {strides = array<i32>} : memref<4096xf32, #tpu.memory_space<vmem>>, vector<16xf32>,
            %parallel_loop3A_563 = arith.mulf %parallel_loop3A_542, %parallel_loop3A_562 : vector<16xf32>
            %parallel_loop3A_564 = vector.bitcast %parallel_loop3A_560 : vector<16xi32> to vector<16xi32>
            %parallel_loop3A_565 = vector.broadcast %while3A : i32 to vector<16xi32>
            %parallel_loop3A_566 = arith.cmpi ult, %parallel_loop3A_564, %parallel_loop3A_565 : vector<16xi32>
            %parallel_loop3A_567 = arith.constant 0.000000e+00 : f32
            %parallel_loop3A_568 = vector.broadcast %parallel_loop3A_567 : f32 to vector<16xf32>
            %parallel_loop3A_569 = arith.select %parallel_loop3A_566, %parallel_loop3A_563, %parallel_loop3A_568 : vector<16xi1>, vector<16xf32>
            %parallel_loop3A_570 = arith.constant true
            %parallel_loop3A_571 = vector.broadcast %parallel_loop3A_570 : i1 to vector<16xi1>
            %parallel_loop3A_572 = tpu.scan <sum>, %parallel_loop3A_569 masked %parallel_loop3A_571 : vector<16xf32>, vector<16xi1> -> vector<16xf32>
            %parallel_loop3A_573 = arith.subf %parallel_loop3A_572, %parallel_loop3A_569 : vector<16xf32>
            %parallel_loop3A_574 = arith.cmpi ne, %parallel_loop3A_558, %parallel_loop3A_546 : vector<16xi32>
            %parallel_loop3A_575 = arith.ori %parallel_loop3A_574, %eq3A_5 : vector<16xi1>
            %parallel_loop3A_576 = arith.cmpi ne, %parallel_loop3A_552, %parallel_loop3A_546 : vector<16xi32>
            %parallel_loop3A_577 = arith.ori %parallel_loop3A_576, %eq3A_2 : vector<16xi1>
            %parallel_loop3A_578 = arith.constant 0.000000e+00 : f32
            %parallel_loop3A_579 = vector.broadcast %parallel_loop3A_578 : f32 to vector<16xf32>
            %parallel_loop3A_580 = arith.select %parallel_loop3A_575, %parallel_loop3A_572, %parallel_loop3A_579 : vector<16xi1>, vector<16xf32>
            %parallel_loop3A_581 = arith.constant 0.000000e+00 : f32
            %parallel_loop3A_582 = vector.broadcast %parallel_loop3A_581 : f32 to vector<16xf32>
            %parallel_loop3A_583 = arith.select %parallel_loop3A_577, %parallel_loop3A_573, %parallel_loop3A_582 : vector<16xi1>, vector<16xf32>
            %parallel_loop3A_584 = arith.subf %parallel_loop3A_580, %parallel_loop3A_583 : vector<16xf32>
            %parallel_loop3A_585 = arith.ori %parallel_loop3A_575, %parallel_loop3A_577 : vector<16xi1>
            %parallel_loop3A_586 = arith.andi %parallel_loop3A_585, %parallel_loop3A_566 : vector<16xi1>
            tpu.vector_store_idx %arg20[%parallel_loop3A_560], %parallel_loop3A_584 masked %parallel_loop3A_586 {add = true} : memref<32768xf32, #tpu.memory_space<vmem>>[vector<16xi32>], vector<16xf32>, vector<16xi1>
          } {sc.loop_unroll_factor = 8 : i64, sc.parallel_access}
        } else {
          %parallel_loop3A = arith.constant 0 : i32
          %parallel_loop3A_521 = arith.constant 256 : i32
          %parallel_loop3A_522 = arith.constant 1 : i32
          scf.for %parallel_loop3A_523 = %parallel_loop3A to %parallel_loop3A_521 step %parallel_loop3A_522  : i32 {
            %parallel_loop3A_524 = arith.constant 16 : i32
            %parallel_loop3A_525 = arith.muli %parallel_loop3A_523, %parallel_loop3A_524 : i32
            %parallel_loop3A_526 = arith.index_cast %parallel_loop3A_525 : i32 to index
            %parallel_loop3A_527 = tpu.vector_load %arg17[%parallel_loop3A_526] {strides = array<i32>} : memref<4096xi32, #tpu.memory_space<vmem>>, vector<16xi32>,
            %parallel_loop3A_528 = arith.constant 1 : i32
            %parallel_loop3A_529 = vector.broadcast %parallel_loop3A_528 : i32 to vector<16xi32>
            %parallel_loop3A_530 = arith.shrui %parallel_loop3A_527, %parallel_loop3A_529 : vector<16xi32>
            %parallel_loop3A_531 = tpu.vector_load_idx %arg13[%parallel_loop3A_530] : memref<50000xi32, #tpu.memory_space<vmem>>[vector<16xi32>], vector<16xi32>,
            %parallel_loop3A_532 = arith.constant 1 : i32
            %parallel_loop3A_533 = vector.broadcast %parallel_loop3A_532 : i32 to vector<16xi32>
            %parallel_loop3A_534 = arith.andi %parallel_loop3A_527, %parallel_loop3A_533 : vector<16xi32>
            %parallel_loop3A_535 = arith.constant 4 : i32
            %parallel_loop3A_536 = vector.broadcast %parallel_loop3A_535 : i32 to vector<16xi32>
            %parallel_loop3A_537 = arith.shli %parallel_loop3A_534, %parallel_loop3A_536 : vector<16xi32>
            %parallel_loop3A_538 = arith.shrui %parallel_loop3A_531, %parallel_loop3A_537 : vector<16xi32>
            %parallel_loop3A_539 = arith.constant 16 : i32
            %parallel_loop3A_540 = vector.broadcast %parallel_loop3A_539 : i32 to vector<16xi32>
            %parallel_loop3A_541 = arith.shli %parallel_loop3A_538, %parallel_loop3A_540 : vector<16xi32>
            %parallel_loop3A_542 = vector.bitcast %parallel_loop3A_541 : vector<16xi32> to vector<16xf32>
            %parallel_loop3A_543 = arith.constant 16 : i32
            %parallel_loop3A_544 = arith.addi %parallel_loop3A_543, %parallel_loop3A_525 : i32
            %parallel_loop3A_545 = arith.index_cast %parallel_loop3A_544 : i32 to index
            %parallel_loop3A_546 = tpu.vector_load %arg19[%parallel_loop3A_545] {strides = array<i32>} : memref<4128xi32, #tpu.memory_space<vmem>>, vector<16xi32>,
            %parallel_loop3A_547 = arith.constant 16 : i32
            %parallel_loop3A_548 = arith.addi %parallel_loop3A_547, %parallel_loop3A_525 : i32
            %parallel_loop3A_549 = arith.constant 1 : i32
            %parallel_loop3A_550 = arith.subi %parallel_loop3A_548, %parallel_loop3A_549 : i32
            %parallel_loop3A_551 = arith.index_cast %parallel_loop3A_550 : i32 to index
            %parallel_loop3A_552 = tpu.vector_load %arg19[%parallel_loop3A_551] {strides = array<i32>} : memref<4128xi32, #tpu.memory_space<vmem>>, vector<16xi32>,
            %parallel_loop3A_553 = arith.constant 16 : i32
            %parallel_loop3A_554 = arith.addi %parallel_loop3A_553, %parallel_loop3A_525 : i32
            %parallel_loop3A_555 = arith.constant 1 : i32
            %parallel_loop3A_556 = arith.addi %parallel_loop3A_554, %parallel_loop3A_555 : i32
            %parallel_loop3A_557 = arith.index_cast %parallel_loop3A_556 : i32 to index
            %parallel_loop3A_558 = tpu.vector_load %arg19[%parallel_loop3A_557] {strides = array<i32>} : memref<4128xi32, #tpu.memory_space<vmem>>, vector<16xi32>,
            %parallel_loop3A_559 = vector.broadcast %mul3A_138 : i32 to vector<16xi32>
            %parallel_loop3A_560 = arith.subi %parallel_loop3A_546, %parallel_loop3A_559 : vector<16xi32>
            %parallel_loop3A_561 = arith.index_cast %parallel_loop3A_525 : i32 to index
            %parallel_loop3A_562 = tpu.vector_load %arg18[%parallel_loop3A_561] {strides = array<i32>} : memref<4096xf32, #tpu.memory_space<vmem>>, vector<16xf32>,
            %parallel_loop3A_563 = arith.mulf %parallel_loop3A_542, %parallel_loop3A_562 : vector<16xf32>
            %parallel_loop3A_564 = arith.constant true
            %parallel_loop3A_565 = vector.broadcast %parallel_loop3A_564 : i1 to vector<16xi1>
            %parallel_loop3A_566 = tpu.scan <sum>, %parallel_loop3A_563 masked %parallel_loop3A_565 : vector<16xf32>, vector<16xi1> -> vector<16xf32>
            %parallel_loop3A_567 = arith.subf %parallel_loop3A_566, %parallel_loop3A_563 : vector<16xf32>
            %parallel_loop3A_568 = arith.cmpi ne, %parallel_loop3A_558, %parallel_loop3A_546 : vector<16xi32>
            %parallel_loop3A_569 = arith.ori %parallel_loop3A_568, %eq3A_5 : vector<16xi1>
            %parallel_loop3A_570 = arith.cmpi ne, %parallel_loop3A_552, %parallel_loop3A_546 : vector<16xi32>
            %parallel_loop3A_571 = arith.ori %parallel_loop3A_570, %eq3A_2 : vector<16xi1>
            %parallel_loop3A_572 = arith.constant 0.000000e+00 : f32
            %parallel_loop3A_573 = vector.broadcast %parallel_loop3A_572 : f32 to vector<16xf32>
            %parallel_loop3A_574 = arith.select %parallel_loop3A_569, %parallel_loop3A_566, %parallel_loop3A_573 : vector<16xi1>, vector<16xf32>
            %parallel_loop3A_575 = arith.constant 0.000000e+00 : f32
            %parallel_loop3A_576 = vector.broadcast %parallel_loop3A_575 : f32 to vector<16xf32>
            %parallel_loop3A_577 = arith.select %parallel_loop3A_571, %parallel_loop3A_567, %parallel_loop3A_576 : vector<16xi1>, vector<16xf32>
            %parallel_loop3A_578 = arith.subf %parallel_loop3A_574, %parallel_loop3A_577 : vector<16xf32>
            %parallel_loop3A_579 = arith.ori %parallel_loop3A_569, %parallel_loop3A_571 : vector<16xi1>
            tpu.vector_store_idx %arg20[%parallel_loop3A_560], %parallel_loop3A_578 masked %parallel_loop3A_579 {add = true} : memref<32768xf32, #tpu.memory_space<vmem>>[vector<16xi32>], vector<16xf32>, vector<16xi1>
          } {sc.loop_unroll_factor = 8 : i64, sc.parallel_access}
        }
      } else {
      }
      %while3A_492 = arith.constant 0 : i32
      scf.yield %while3A_492 : i32
    }
    %jit3A_232 = arith.constant 16 : i32
    %div3A_233 = arith.divsi %add3A, %jit3A_232 : i32
    %sign3A_234 = arith.constant 0 : i32
    %sign3A_235 = arith.cmpi sgt, %add3A, %sign3A_234 : i32
    %sign3A_236 = arith.extui %sign3A_235 : i1 to i32
    %sign3A_237 = arith.constant 0 : i32
    %sign3A_238 = arith.cmpi slt, %add3A, %sign3A_237 : i32
    %sign3A_239 = arith.extui %sign3A_238 : i1 to i32
    %sign3A_240 = arith.subi %sign3A_236, %sign3A_239 : i32
    %sign3A_241 = arith.constant 0 : i32
    %sign3A_242 = arith.cmpi sgt, %jit3A_232, %sign3A_241 : i32
    %sign3A_243 = arith.extui %sign3A_242 : i1 to i32
    %sign3A_244 = arith.constant 0 : i32
    %sign3A_245 = arith.cmpi slt, %jit3A_232, %sign3A_244 : i32
    %sign3A_246 = arith.extui %sign3A_245 : i1 to i32
    %sign3A_247 = arith.subi %sign3A_243, %sign3A_246 : i32
    %ne3A_248 = arith.cmpi ne, %sign3A_240, %sign3A_247 : i32
    %rem3A_249 = arith.remsi %add3A, %jit3A_232 : i32
    %ne3A_250 = arith.constant 0 : i32
    %ne3A_251 = arith.cmpi ne, %rem3A_249, %ne3A_250 : i32
    %and3A_252 = arith.andi %ne3A_248, %ne3A_251 : i1
    %sub3A_253 = arith.constant 1 : i32
    %sub3A_254 = arith.subi %div3A_233, %sub3A_253 : i32
    %select_n3A_255 = arith.select %and3A_252, %sub3A_254, %div3A_233 : i32
    %mul3A_256 = arith.constant 16 : i32
    %mul3A_257 = arith.muli %select_n3A_255, %mul3A_256 : i32
    %multiple_of3A_258 = tpu.assume_multiple %mul3A_257, 8 : i32
    %get3A_259 = arith.index_cast %multiple_of3A_258 : i32 to index
    %get3A_260 = tpu.vector_load %arg22[%get3A_259] {strides = array<i32>} : memref<64xi32, #tpu.memory_space<vmem>>, vector<16xi32>,
    %jit3A_261 = arith.constant 16 : i32
    %eq3A_262 = arith.constant 0 : i32
    %eq3A_263 = arith.cmpi eq, %jit3A_261, %eq3A_262 : i32
    %jit3A_264 = arith.constant 1 : i32
    %select_n3A_265 = arith.select %eq3A_263, %jit3A_264, %jit3A_261 : i32
    %rem3A_266 = arith.remsi %add3A, %select_n3A_265 : i32
    %ne3A_267 = arith.constant 0 : i32
    %ne3A_268 = arith.cmpi ne, %rem3A_266, %ne3A_267 : i32
    %lt3A_269 = arith.constant 0 : i32
    %lt3A_270 = arith.cmpi slt, %rem3A_266, %lt3A_269 : i32
    %lt3A_271 = arith.constant 0 : i32
    %lt3A_272 = arith.cmpi slt, %select_n3A_265, %lt3A_271 : i32
    %ne3A_273 = arith.xori %lt3A_270, %lt3A_272 : i1
    %and3A_274 = arith.andi %ne3A_273, %ne3A_268 : i1
    %add3A_275 = arith.addi %rem3A_266, %select_n3A_265 : i32
    %select_n3A_276 = arith.select %and3A_274, %add3A_275, %rem3A_266 : i32
    %eq3A_277 = vector.broadcast %select_n3A_276 : i32 to vector<16xi32>
    %eq3A_278 = arith.cmpi eq, %iota3A, %eq3A_277 : vector<16xi32>
    %jit3A_279 = arith.constant 0 : i32
    %broadcast_in_dim3A_280 = vector.broadcast %jit3A_279 : i32 to vector<16xi32>
    %select_n3A_281 = arith.select %eq3A_278, %get3A_260, %broadcast_in_dim3A_280 : vector<16xi1>, vector<16xi32>
    %reduce_sum3A_282 = arith.constant true
    %reduce_sum3A_283 = vector.broadcast %reduce_sum3A_282 : i1 to vector<16xi1>
    %reduce_sum3A_284 = tpu.scan <sum>, %select_n3A_281 masked %reduce_sum3A_283 : vector<16xi32>, vector<16xi1> -> vector<16xi32>
    %reduce_sum3A_285 = vector.extract %reduce_sum3A_284[15] : i32 from vector<16xi32>
    %add3A_286 = arith.constant 1 : i32
    %add3A_287 = arith.addi %add3A, %add3A_286 : i32
    %jit3A_288 = arith.constant 16 : i32
    %div3A_289 = arith.divsi %add3A_287, %jit3A_288 : i32
    %sign3A_290 = arith.constant 0 : i32
    %sign3A_291 = arith.cmpi sgt, %add3A_287, %sign3A_290 : i32
    %sign3A_292 = arith.extui %sign3A_291 : i1 to i32
    %sign3A_293 = arith.constant 0 : i32
    %sign3A_294 = arith.cmpi slt, %add3A_287, %sign3A_293 : i32
    %sign3A_295 = arith.extui %sign3A_294 : i1 to i32
    %sign3A_296 = arith.subi %sign3A_292, %sign3A_295 : i32
    %sign3A_297 = arith.constant 0 : i32
    %sign3A_298 = arith.cmpi sgt, %jit3A_288, %sign3A_297 : i32
    %sign3A_299 = arith.extui %sign3A_298 : i1 to i32
    %sign3A_300 = arith.constant 0 : i32
    %sign3A_301 = arith.cmpi slt, %jit3A_288, %sign3A_300 : i32
    %sign3A_302 = arith.extui %sign3A_301 : i1 to i32
    %sign3A_303 = arith.subi %sign3A_299, %sign3A_302 : i32
    %ne3A_304 = arith.cmpi ne, %sign3A_296, %sign3A_303 : i32
    %rem3A_305 = arith.remsi %add3A_287, %jit3A_288 : i32
    %ne3A_306 = arith.constant 0 : i32
    %ne3A_307 = arith.cmpi ne, %rem3A_305, %ne3A_306 : i32
    %and3A_308 = arith.andi %ne3A_304, %ne3A_307 : i1
    %sub3A_309 = arith.constant 1 : i32
    %sub3A_310 = arith.subi %div3A_289, %sub3A_309 : i32
    %select_n3A_311 = arith.select %and3A_308, %sub3A_310, %div3A_289 : i32
    %mul3A_312 = arith.constant 16 : i32
    %mul3A_313 = arith.muli %select_n3A_311, %mul3A_312 : i32
    %multiple_of3A_314 = tpu.assume_multiple %mul3A_313, 8 : i32
    %get3A_315 = arith.index_cast %multiple_of3A_314 : i32 to index
    %get3A_316 = tpu.vector_load %arg22[%get3A_315] {strides = array<i32>} : memref<64xi32, #tpu.memory_space<vmem>>, vector<16xi32>,
    %jit3A_317 = arith.constant 16 : i32
    %eq3A_318 = arith.constant 0 : i32
    %eq3A_319 = arith.cmpi eq, %jit3A_317, %eq3A_318 : i32
    %jit3A_320 = arith.constant 1 : i32
    %select_n3A_321 = arith.select %eq3A_319, %jit3A_320, %jit3A_317 : i32
    %rem3A_322 = arith.remsi %add3A_287, %select_n3A_321 : i32
    %ne3A_323 = arith.constant 0 : i32
    %ne3A_324 = arith.cmpi ne, %rem3A_322, %ne3A_323 : i32
    %lt3A_325 = arith.constant 0 : i32
    %lt3A_326 = arith.cmpi slt, %rem3A_322, %lt3A_325 : i32
    %lt3A_327 = arith.constant 0 : i32
    %lt3A_328 = arith.cmpi slt, %select_n3A_321, %lt3A_327 : i32
    %ne3A_329 = arith.xori %lt3A_326, %lt3A_328 : i1
    %and3A_330 = arith.andi %ne3A_329, %ne3A_324 : i1
    %add3A_331 = arith.addi %rem3A_322, %select_n3A_321 : i32
    %select_n3A_332 = arith.select %and3A_330, %add3A_331, %rem3A_322 : i32
    %eq3A_333 = vector.broadcast %select_n3A_332 : i32 to vector<16xi32>
    %eq3A_334 = arith.cmpi eq, %iota3A, %eq3A_333 : vector<16xi32>
    %jit3A_335 = arith.constant 0 : i32
    %broadcast_in_dim3A_336 = vector.broadcast %jit3A_335 : i32 to vector<16xi32>
    %select_n3A_337 = arith.select %eq3A_334, %get3A_316, %broadcast_in_dim3A_336 : vector<16xi1>, vector<16xi32>
    %reduce_sum3A_338 = arith.constant true
    %reduce_sum3A_339 = vector.broadcast %reduce_sum3A_338 : i1 to vector<16xi1>
    %reduce_sum3A_340 = tpu.scan <sum>, %select_n3A_337 masked %reduce_sum3A_339 : vector<16xi32>, vector<16xi1> -> vector<16xi32>
    %reduce_sum3A_341 = vector.extract %reduce_sum3A_340[15] : i32 from vector<16xi32>
    %mul3A_342 = arith.constant 4096 : i32
    %mul3A_343 = arith.muli %add3A, %mul3A_342 : i32
    %jit3A_344 = arith.constant 4096 : i32
    %div3A_345 = arith.divsi %reduce_sum3A_285, %jit3A_344 : i32
    %sign3A_346 = arith.constant 0 : i32
    %sign3A_347 = arith.cmpi sgt, %reduce_sum3A_285, %sign3A_346 : i32
    %sign3A_348 = arith.extui %sign3A_347 : i1 to i32
    %sign3A_349 = arith.constant 0 : i32
    %sign3A_350 = arith.cmpi slt, %reduce_sum3A_285, %sign3A_349 : i32
    %sign3A_351 = arith.extui %sign3A_350 : i1 to i32
    %sign3A_352 = arith.subi %sign3A_348, %sign3A_351 : i32
    %sign3A_353 = arith.constant 0 : i32
    %sign3A_354 = arith.cmpi sgt, %jit3A_344, %sign3A_353 : i32
    %sign3A_355 = arith.extui %sign3A_354 : i1 to i32
    %sign3A_356 = arith.constant 0 : i32
    %sign3A_357 = arith.cmpi slt, %jit3A_344, %sign3A_356 : i32
    %sign3A_358 = arith.extui %sign3A_357 : i1 to i32
    %sign3A_359 = arith.subi %sign3A_355, %sign3A_358 : i32
    %ne3A_360 = arith.cmpi ne, %sign3A_352, %sign3A_359 : i32
    %rem3A_361 = arith.remsi %reduce_sum3A_285, %jit3A_344 : i32
    %ne3A_362 = arith.constant 0 : i32
    %ne3A_363 = arith.cmpi ne, %rem3A_361, %ne3A_362 : i32
    %and3A_364 = arith.andi %ne3A_360, %ne3A_363 : i1
    %sub3A_365 = arith.constant 1 : i32
    %sub3A_366 = arith.subi %div3A_345, %sub3A_365 : i32
    %select_n3A_367 = arith.select %and3A_364, %sub3A_366, %div3A_345 : i32
    %add3A_368 = arith.constant 4096 : i32
    %add3A_369 = arith.addi %reduce_sum3A_341, %add3A_368 : i32
    %sub3A_370 = arith.constant 1 : i32
    %sub3A_371 = arith.subi %add3A_369, %sub3A_370 : i32
    %jit3A_372 = arith.constant 4096 : i32
    %div3A_373 = arith.divsi %sub3A_371, %jit3A_372 : i32
    %sign3A_374 = arith.constant 0 : i32
    %sign3A_375 = arith.cmpi sgt, %sub3A_371, %sign3A_374 : i32
    %sign3A_376 = arith.extui %sign3A_375 : i1 to i32
    %sign3A_377 = arith.constant 0 : i32
    %sign3A_378 = arith.cmpi slt, %sub3A_371, %sign3A_377 : i32
    %sign3A_379 = arith.extui %sign3A_378 : i1 to i32
    %sign3A_380 = arith.subi %sign3A_376, %sign3A_379 : i32
    %sign3A_381 = arith.constant 0 : i32
    %sign3A_382 = arith.cmpi sgt, %jit3A_372, %sign3A_381 : i32
    %sign3A_383 = arith.extui %sign3A_382 : i1 to i32
    %sign3A_384 = arith.constant 0 : i32
    %sign3A_385 = arith.cmpi slt, %jit3A_372, %sign3A_384 : i32
    %sign3A_386 = arith.extui %sign3A_385 : i1 to i32
    %sign3A_387 = arith.subi %sign3A_383, %sign3A_386 : i32
    %ne3A_388 = arith.cmpi ne, %sign3A_380, %sign3A_387 : i32
    %rem3A_389 = arith.remsi %sub3A_371, %jit3A_372 : i32
    %ne3A_390 = arith.constant 0 : i32
    %ne3A_391 = arith.cmpi ne, %rem3A_389, %ne3A_390 : i32
    %and3A_392 = arith.andi %ne3A_388, %ne3A_391 : i1
    %sub3A_393 = arith.constant 1 : i32
    %sub3A_394 = arith.subi %div3A_373, %sub3A_393 : i32
    %select_n3A_395 = arith.select %and3A_392, %sub3A_394, %div3A_373 : i32
    %sub3A_396 = arith.subi %select_n3A_395, %select_n3A_367 : i32
    %gt3A_397 = arith.constant 0 : i32
    %gt3A_398 = arith.cmpi sgt, %sub3A_396, %gt3A_397 : i32
    %convert_element_type3A_399 = arith.extui %gt3A_398 : i1 to i32
    %cond3A_400 = arith.constant 0 : i32
    %cond3A_401 = arith.cmpi ne, %convert_element_type3A_399, %cond3A_400 : i32
    scf.if %cond3A_401 {
      %mul3A_445 = arith.constant 4096 : i32
      %mul3A_446 = arith.muli %select_n3A_367, %mul3A_445 : i32
      %multiple_of3A_447 = tpu.assume_multiple %mul3A_446, 4096 : i32
      %dma_start3A = tpu.memref_slice %arg3[%multiple_of3A_447] : memref<2097152xi32, #tpu.memory_space<hbm>> -> memref<4096xi32, #tpu.memory_space<hbm>>
      %dma_start3A_448 = tpu.memref_slice %arg3[%multiple_of3A_447] : memref<2097152xi32, #tpu.memory_space<hbm>> -> memref<4096xi32, #tpu.memory_space<hbm>>
      tpu.enqueue_dma source(%dma_start3A_448 : memref<4096xi32, #tpu.memory_space<hbm>>) target(%arg14 : memref<4096xi32, #tpu.memory_space<vmem>>) target_semaphore(%arg24 : memref<!tpu.dma_semaphore, #tpu.memory_space<semaphore_mem>>)
      %dma_start3A_449 = tpu.memref_slice %arg2[%multiple_of3A_447] : memref<2097152xf32, #tpu.memory_space<hbm>> -> memref<4096xf32, #tpu.memory_space<hbm>>
      %dma_start3A_450 = tpu.memref_slice %arg2[%multiple_of3A_447] : memref<2097152xf32, #tpu.memory_space<hbm>> -> memref<4096xf32, #tpu.memory_space<hbm>>
      tpu.enqueue_dma source(%dma_start3A_450 : memref<4096xf32, #tpu.memory_space<hbm>>) target(%arg15 : memref<4096xf32, #tpu.memory_space<vmem>>) target_semaphore(%arg24 : memref<!tpu.dma_semaphore, #tpu.memory_space<semaphore_mem>>)
      %dma_start3A_451 = arith.constant 16 : i32
      %dma_start3A_452 = tpu.memref_slice %arg16[%dma_start3A_451] : memref<4128xi32, #tpu.memory_space<vmem>> -> memref<4096xi32, #tpu.memory_space<vmem>>
      %dma_start3A_453 = tpu.memref_slice %arg4[%multiple_of3A_447] : memref<2097152xi32, #tpu.memory_space<hbm>> -> memref<4096xi32, #tpu.memory_space<hbm>>
      %dma_start3A_454 = arith.constant 16 : i32
      %dma_start3A_455 = tpu.memref_slice %arg16[%dma_start3A_454] : memref<4128xi32, #tpu.memory_space<vmem>> -> memref<4096xi32, #tpu.memory_space<vmem>>
      %dma_start3A_456 = tpu.memref_slice %arg4[%multiple_of3A_447] : memref<2097152xi32, #tpu.memory_space<hbm>> -> memref<4096xi32, #tpu.memory_space<hbm>>
      tpu.enqueue_dma source(%dma_start3A_456 : memref<4096xi32, #tpu.memory_space<hbm>>) target(%dma_start3A_455 : memref<4096xi32, #tpu.memory_space<vmem>>) target_semaphore(%arg24 : memref<!tpu.dma_semaphore, #tpu.memory_space<semaphore_mem>>)
    } else {
    }
    %add3A_402 = arith.constant 1 : i32
    %add3A_403 = arith.addi %sub3A_396, %add3A_402 : i32
    %jit3A_404 = arith.constant 2 : i32
    %div3A_405 = arith.divsi %add3A_403, %jit3A_404 : i32
    %sign3A_406 = arith.constant 0 : i32
    %sign3A_407 = arith.cmpi sgt, %add3A_403, %sign3A_406 : i32
    %sign3A_408 = arith.extui %sign3A_407 : i1 to i32
    %sign3A_409 = arith.constant 0 : i32
    %sign3A_410 = arith.cmpi slt, %add3A_403, %sign3A_409 : i32
    %sign3A_411 = arith.extui %sign3A_410 : i1 to i32
    %sign3A_412 = arith.subi %sign3A_408, %sign3A_411 : i32
    %sign3A_413 = arith.constant 0 : i32
    %sign3A_414 = arith.cmpi sgt, %jit3A_404, %sign3A_413 : i32
    %sign3A_415 = arith.extui %sign3A_414 : i1 to i32
    %sign3A_416 = arith.constant 0 : i32
    %sign3A_417 = arith.cmpi slt, %jit3A_404, %sign3A_416 : i32
    %sign3A_418 = arith.extui %sign3A_417 : i1 to i32
    %sign3A_419 = arith.subi %sign3A_415, %sign3A_418 : i32
    %ne3A_420 = arith.cmpi ne, %sign3A_412, %sign3A_419 : i32
    %rem3A_421 = arith.remsi %add3A_403, %jit3A_404 : i32
    %ne3A_422 = arith.constant 0 : i32
    %ne3A_423 = arith.cmpi ne, %rem3A_421, %ne3A_422 : i32
    %and3A_424 = arith.andi %ne3A_420, %ne3A_423 : i1
    %sub3A_425 = arith.constant 1 : i32
    %sub3A_426 = arith.subi %div3A_405, %sub3A_425 : i32
    %select_n3A_427 = arith.select %and3A_424, %sub3A_426, %div3A_405 : i32
    %while3A_428 = arith.constant 4096 : i32
    %while3A_429 = arith.constant 0 : i32
    %while3A_430 = arith.constant 0 : i32
    %while3A_431 = arith.subi %select_n3A_427, %while3A_429 : i32
    %while3A_432 = arith.addi %while3A_429, %while3A_431 : i32
    %while3A_433 = arith.constant 1 : i32
    %while3A_434 = arith.divsi %while3A_431, %while3A_433 : i32
    %while3A_435 = arith.muli %while3A_434, %while3A_433 : i32
    %while3A_436 = arith.addi %while3A_429, %while3A_435 : i32
    %while3A_437 = arith.constant 1 : i32
    %while3A_438 = scf.for %while3A_445 = %while3A_429 to %while3A_436 step %while3A_437 iter_args(%while3A_446 = %while3A_430) -> (i32)  : i32 {
      %mul3A_447 = arith.constant 2 : i32
      %mul3A_448 = arith.muli %mul3A_447, %while3A_445 : i32
      %add3A_449 = arith.addi %select_n3A_367, %mul3A_448 : i32
      %add3A_450 = arith.constant 1 : i32
      %add3A_451 = arith.addi %add3A_449, %add3A_450 : i32
      %lt3A_452 = arith.cmpi slt, %add3A_451, %select_n3A_395 : i32
      %convert_element_type3A_453 = arith.extui %lt3A_452 : i1 to i32
      %cond3A_454 = arith.constant 0 : i32
      %cond3A_455 = arith.cmpi ne, %convert_element_type3A_453, %cond3A_454 : i32
      scf.if %cond3A_455 {
        %mul3A_493 = arith.constant 4096 : i32
        %mul3A_494 = arith.muli %add3A_451, %mul3A_493 : i32
        %multiple_of3A_495 = tpu.assume_multiple %mul3A_494, 4096 : i32
        %dma_start3A = tpu.memref_slice %arg3[%multiple_of3A_495] : memref<2097152xi32, #tpu.memory_space<hbm>> -> memref<4096xi32, #tpu.memory_space<hbm>>
        %dma_start3A_496 = tpu.memref_slice %arg3[%multiple_of3A_495] : memref<2097152xi32, #tpu.memory_space<hbm>> -> memref<4096xi32, #tpu.memory_space<hbm>>
        tpu.enqueue_dma source(%dma_start3A_496 : memref<4096xi32, #tpu.memory_space<hbm>>) target(%arg17 : memref<4096xi32, #tpu.memory_space<vmem>>) target_semaphore(%arg25 : memref<!tpu.dma_semaphore, #tpu.memory_space<semaphore_mem>>)
        %dma_start3A_497 = tpu.memref_slice %arg2[%multiple_of3A_495] : memref<2097152xf32, #tpu.memory_space<hbm>> -> memref<4096xf32, #tpu.memory_space<hbm>>
        %dma_start3A_498 = tpu.memref_slice %arg2[%multiple_of3A_495] : memref<2097152xf32, #tpu.memory_space<hbm>> -> memref<4096xf32, #tpu.memory_space<hbm>>
        tpu.enqueue_dma source(%dma_start3A_498 : memref<4096xf32, #tpu.memory_space<hbm>>) target(%arg18 : memref<4096xf32, #tpu.memory_space<vmem>>) target_semaphore(%arg25 : memref<!tpu.dma_semaphore, #tpu.memory_space<semaphore_mem>>)
        %dma_start3A_499 = arith.constant 16 : i32
        %dma_start3A_500 = tpu.memref_slice %arg19[%dma_start3A_499] : memref<4128xi32, #tpu.memory_space<vmem>> -> memref<4096xi32, #tpu.memory_space<vmem>>
        %dma_start3A_501 = tpu.memref_slice %arg4[%multiple_of3A_495] : memref<2097152xi32, #tpu.memory_space<hbm>> -> memref<4096xi32, #tpu.memory_space<hbm>>
        %dma_start3A_502 = arith.constant 16 : i32
        %dma_start3A_503 = tpu.memref_slice %arg19[%dma_start3A_502] : memref<4128xi32, #tpu.memory_space<vmem>> -> memref<4096xi32, #tpu.memory_space<vmem>>
        %dma_start3A_504 = tpu.memref_slice %arg4[%multiple_of3A_495] : memref<2097152xi32, #tpu.memory_space<hbm>> -> memref<4096xi32, #tpu.memory_space<hbm>>
        tpu.enqueue_dma source(%dma_start3A_504 : memref<4096xi32, #tpu.memory_space<hbm>>) target(%dma_start3A_503 : memref<4096xi32, #tpu.memory_space<vmem>>) target_semaphore(%arg25 : memref<!tpu.dma_semaphore, #tpu.memory_space<semaphore_mem>>)
      } else {
      }
      %dma_wait3A = arith.constant 0 : i32
      %dma_wait3A_456 = tpu.memref_slice %arg3[%dma_wait3A] : memref<2097152xi32, #tpu.memory_space<hbm>> -> memref<4096xi32, #tpu.memory_space<hbm>>
      %dma_wait3A_457 = arith.constant 0 : i32
      %dma_wait3A_458 = tpu.memref_slice %arg3[%dma_wait3A_457] : memref<2097152xi32, #tpu.memory_space<hbm>> -> memref<4096xi32, #tpu.memory_space<hbm>>
      tpu.wait_dma2 semaphore(%arg24 : memref<!tpu.dma_semaphore, #tpu.memory_space<semaphore_mem>>) src(%dma_wait3A_458 : memref<4096xi32, #tpu.memory_space<hbm>>) dst(%arg14 : memref<4096xi32, #tpu.memory_space<vmem>>)
      %dma_wait3A_459 = arith.constant 0 : i32
      %dma_wait3A_460 = tpu.memref_slice %arg2[%dma_wait3A_459] : memref<2097152xf32, #tpu.memory_space<hbm>> -> memref<4096xf32, #tpu.memory_space<hbm>>
      %dma_wait3A_461 = arith.constant 0 : i32
      %dma_wait3A_462 = tpu.memref_slice %arg2[%dma_wait3A_461] : memref<2097152xf32, #tpu.memory_space<hbm>> -> memref<4096xf32, #tpu.memory_space<hbm>>
      tpu.wait_dma2 semaphore(%arg24 : memref<!tpu.dma_semaphore, #tpu.memory_space<semaphore_mem>>) src(%dma_wait3A_462 : memref<4096xf32, #tpu.memory_space<hbm>>) dst(%arg15 : memref<4096xf32, #tpu.memory_space<vmem>>)
      %dma_wait3A_463 = arith.constant 16 : i32
      %dma_wait3A_464 = tpu.memref_slice %arg16[%dma_wait3A_463] : memref<4128xi32, #tpu.memory_space<vmem>> -> memref<4096xi32, #tpu.memory_space<vmem>>
      %dma_wait3A_465 = arith.constant 0 : i32
      %dma_wait3A_466 = tpu.memref_slice %arg4[%dma_wait3A_465] : memref<2097152xi32, #tpu.memory_space<hbm>> -> memref<4096xi32, #tpu.memory_space<hbm>>
      %dma_wait3A_467 = arith.constant 16 : i32
      %dma_wait3A_468 = tpu.memref_slice %arg16[%dma_wait3A_467] : memref<4128xi32, #tpu.memory_space<vmem>> -> memref<4096xi32, #tpu.memory_space<vmem>>
      %dma_wait3A_469 = arith.constant 0 : i32
      %dma_wait3A_470 = tpu.memref_slice %arg4[%dma_wait3A_469] : memref<2097152xi32, #tpu.memory_space<hbm>> -> memref<4096xi32, #tpu.memory_space<hbm>>
      tpu.wait_dma2 semaphore(%arg24 : memref<!tpu.dma_semaphore, #tpu.memory_space<semaphore_mem>>) src(%dma_wait3A_470 : memref<4096xi32, #tpu.memory_space<hbm>>) dst(%dma_wait3A_468 : memref<4096xi32, #tpu.memory_space<vmem>>)
      %mul3A_471 = arith.constant 4096 : i32
      %mul3A_472 = arith.muli %add3A_449, %mul3A_471 : i32
      %lt3A_473 = arith.cmpi slt, %mul3A_472, %reduce_sum3A_285 : i32
      %add3A_474 = arith.constant 1 : i32
      %add3A_475 = arith.addi %add3A_449, %add3A_474 : i32
      %mul3A_476 = arith.constant 4096 : i32
      %mul3A_477 = arith.muli %add3A_475, %mul3A_476 : i32
      %gt3A_478 = arith.cmpi sgt, %mul3A_477, %reduce_sum3A_341 : i32
      %or3A = arith.ori %lt3A_473, %gt3A_478 : i1
      %convert_element_type3A_479 = arith.extui %or3A : i1 to i32
      %cond3A_480 = arith.constant 0 : i32
      %cond3A_481 = arith.cmpi ne, %convert_element_type3A_479, %cond3A_480 : i32
      scf.if %cond3A_481 {
        %parallel_loop3A = arith.constant 0 : i32
        %parallel_loop3A_493 = arith.constant 256 : i32
        %parallel_loop3A_494 = arith.constant 1 : i32
        scf.for %parallel_loop3A_495 = %parallel_loop3A to %parallel_loop3A_493 step %parallel_loop3A_494  : i32 {
          %parallel_loop3A_496 = arith.constant 16 : i32
          %parallel_loop3A_497 = arith.muli %parallel_loop3A_495, %parallel_loop3A_496 : i32
          %parallel_loop3A_498 = arith.index_cast %parallel_loop3A_497 : i32 to index
          %parallel_loop3A_499 = tpu.vector_load %arg14[%parallel_loop3A_498] {strides = array<i32>} : memref<4096xi32, #tpu.memory_space<vmem>>, vector<16xi32>,
          %parallel_loop3A_500 = arith.constant 1 : i32
          %parallel_loop3A_501 = vector.broadcast %parallel_loop3A_500 : i32 to vector<16xi32>
          %parallel_loop3A_502 = arith.shrui %parallel_loop3A_499, %parallel_loop3A_501 : vector<16xi32>
          %parallel_loop3A_503 = tpu.vector_load_idx %arg13[%parallel_loop3A_502] : memref<50000xi32, #tpu.memory_space<vmem>>[vector<16xi32>], vector<16xi32>,
          %parallel_loop3A_504 = arith.constant 1 : i32
          %parallel_loop3A_505 = vector.broadcast %parallel_loop3A_504 : i32 to vector<16xi32>
          %parallel_loop3A_506 = arith.andi %parallel_loop3A_499, %parallel_loop3A_505 : vector<16xi32>
          %parallel_loop3A_507 = arith.constant 4 : i32
          %parallel_loop3A_508 = vector.broadcast %parallel_loop3A_507 : i32 to vector<16xi32>
          %parallel_loop3A_509 = arith.shli %parallel_loop3A_506, %parallel_loop3A_508 : vector<16xi32>
          %parallel_loop3A_510 = arith.shrui %parallel_loop3A_503, %parallel_loop3A_509 : vector<16xi32>
          %parallel_loop3A_511 = arith.constant 16 : i32
          %parallel_loop3A_512 = vector.broadcast %parallel_loop3A_511 : i32 to vector<16xi32>
          %parallel_loop3A_513 = arith.shli %parallel_loop3A_510, %parallel_loop3A_512 : vector<16xi32>
          %parallel_loop3A_514 = vector.bitcast %parallel_loop3A_513 : vector<16xi32> to vector<16xf32>
          %parallel_loop3A_515 = arith.constant 16 : i32
          %parallel_loop3A_516 = arith.addi %parallel_loop3A_515, %parallel_loop3A_497 : i32
          %parallel_loop3A_517 = arith.index_cast %parallel_loop3A_516 : i32 to index
          %parallel_loop3A_518 = tpu.vector_load %arg16[%parallel_loop3A_517] {strides = array<i32>} : memref<4128xi32, #tpu.memory_space<vmem>>, vector<16xi32>,
          %parallel_loop3A_519 = arith.constant 16 : i32
          %parallel_loop3A_520 = arith.addi %parallel_loop3A_519, %parallel_loop3A_497 : i32
          %parallel_loop3A_521 = arith.constant 1 : i32
          %parallel_loop3A_522 = arith.subi %parallel_loop3A_520, %parallel_loop3A_521 : i32
          %parallel_loop3A_523 = arith.index_cast %parallel_loop3A_522 : i32 to index
          %parallel_loop3A_524 = tpu.vector_load %arg16[%parallel_loop3A_523] {strides = array<i32>} : memref<4128xi32, #tpu.memory_space<vmem>>, vector<16xi32>,
          %parallel_loop3A_525 = arith.constant 16 : i32
          %parallel_loop3A_526 = arith.addi %parallel_loop3A_525, %parallel_loop3A_497 : i32
          %parallel_loop3A_527 = arith.constant 1 : i32
          %parallel_loop3A_528 = arith.addi %parallel_loop3A_526, %parallel_loop3A_527 : i32
          %parallel_loop3A_529 = arith.index_cast %parallel_loop3A_528 : i32 to index
          %parallel_loop3A_530 = tpu.vector_load %arg16[%parallel_loop3A_529] {strides = array<i32>} : memref<4128xi32, #tpu.memory_space<vmem>>, vector<16xi32>,
          %parallel_loop3A_531 = vector.broadcast %mul3A_343 : i32 to vector<16xi32>
          %parallel_loop3A_532 = arith.subi %parallel_loop3A_518, %parallel_loop3A_531 : vector<16xi32>
          %parallel_loop3A_533 = arith.index_cast %parallel_loop3A_497 : i32 to index
          %parallel_loop3A_534 = tpu.vector_load %arg15[%parallel_loop3A_533] {strides = array<i32>} : memref<4096xf32, #tpu.memory_space<vmem>>, vector<16xf32>,
          %parallel_loop3A_535 = arith.mulf %parallel_loop3A_514, %parallel_loop3A_534 : vector<16xf32>
          %parallel_loop3A_536 = vector.bitcast %parallel_loop3A_532 : vector<16xi32> to vector<16xi32>
          %parallel_loop3A_537 = vector.broadcast %while3A_428 : i32 to vector<16xi32>
          %parallel_loop3A_538 = arith.cmpi ult, %parallel_loop3A_536, %parallel_loop3A_537 : vector<16xi32>
          %parallel_loop3A_539 = arith.constant 0.000000e+00 : f32
          %parallel_loop3A_540 = vector.broadcast %parallel_loop3A_539 : f32 to vector<16xf32>
          %parallel_loop3A_541 = arith.select %parallel_loop3A_538, %parallel_loop3A_535, %parallel_loop3A_540 : vector<16xi1>, vector<16xf32>
          %parallel_loop3A_542 = arith.constant true
          %parallel_loop3A_543 = vector.broadcast %parallel_loop3A_542 : i1 to vector<16xi1>
          %parallel_loop3A_544 = tpu.scan <sum>, %parallel_loop3A_541 masked %parallel_loop3A_543 : vector<16xf32>, vector<16xi1> -> vector<16xf32>
          %parallel_loop3A_545 = arith.subf %parallel_loop3A_544, %parallel_loop3A_541 : vector<16xf32>
          %parallel_loop3A_546 = arith.cmpi ne, %parallel_loop3A_530, %parallel_loop3A_518 : vector<16xi32>
          %parallel_loop3A_547 = arith.ori %parallel_loop3A_546, %eq3A_5 : vector<16xi1>
          %parallel_loop3A_548 = arith.cmpi ne, %parallel_loop3A_524, %parallel_loop3A_518 : vector<16xi32>
          %parallel_loop3A_549 = arith.ori %parallel_loop3A_548, %eq3A_2 : vector<16xi1>
          %parallel_loop3A_550 = arith.constant 0.000000e+00 : f32
          %parallel_loop3A_551 = vector.broadcast %parallel_loop3A_550 : f32 to vector<16xf32>
          %parallel_loop3A_552 = arith.select %parallel_loop3A_547, %parallel_loop3A_544, %parallel_loop3A_551 : vector<16xi1>, vector<16xf32>
          %parallel_loop3A_553 = arith.constant 0.000000e+00 : f32
          %parallel_loop3A_554 = vector.broadcast %parallel_loop3A_553 : f32 to vector<16xf32>
          %parallel_loop3A_555 = arith.select %parallel_loop3A_549, %parallel_loop3A_545, %parallel_loop3A_554 : vector<16xi1>, vector<16xf32>
          %parallel_loop3A_556 = arith.subf %parallel_loop3A_552, %parallel_loop3A_555 : vector<16xf32>
          %parallel_loop3A_557 = arith.ori %parallel_loop3A_547, %parallel_loop3A_549 : vector<16xi1>
          %parallel_loop3A_558 = arith.andi %parallel_loop3A_557, %parallel_loop3A_538 : vector<16xi1>
          tpu.vector_store_idx %arg21[%parallel_loop3A_532], %parallel_loop3A_556 masked %parallel_loop3A_558 {add = true} : memref<4096xf32, #tpu.memory_space<vmem>>[vector<16xi32>], vector<16xf32>, vector<16xi1>
        } {sc.loop_unroll_factor = 8 : i64, sc.parallel_access}
      } else {
        %parallel_loop3A = arith.constant 0 : i32
        %parallel_loop3A_493 = arith.constant 256 : i32
        %parallel_loop3A_494 = arith.constant 1 : i32
        scf.for %parallel_loop3A_495 = %parallel_loop3A to %parallel_loop3A_493 step %parallel_loop3A_494  : i32 {
          %parallel_loop3A_496 = arith.constant 16 : i32
          %parallel_loop3A_497 = arith.muli %parallel_loop3A_495, %parallel_loop3A_496 : i32
          %parallel_loop3A_498 = arith.index_cast %parallel_loop3A_497 : i32 to index
          %parallel_loop3A_499 = tpu.vector_load %arg14[%parallel_loop3A_498] {strides = array<i32>} : memref<4096xi32, #tpu.memory_space<vmem>>, vector<16xi32>,
          %parallel_loop3A_500 = arith.constant 1 : i32
          %parallel_loop3A_501 = vector.broadcast %parallel_loop3A_500 : i32 to vector<16xi32>
          %parallel_loop3A_502 = arith.shrui %parallel_loop3A_499, %parallel_loop3A_501 : vector<16xi32>
          %parallel_loop3A_503 = tpu.vector_load_idx %arg13[%parallel_loop3A_502] : memref<50000xi32, #tpu.memory_space<vmem>>[vector<16xi32>], vector<16xi32>,
          %parallel_loop3A_504 = arith.constant 1 : i32
          %parallel_loop3A_505 = vector.broadcast %parallel_loop3A_504 : i32 to vector<16xi32>
          %parallel_loop3A_506 = arith.andi %parallel_loop3A_499, %parallel_loop3A_505 : vector<16xi32>
          %parallel_loop3A_507 = arith.constant 4 : i32
          %parallel_loop3A_508 = vector.broadcast %parallel_loop3A_507 : i32 to vector<16xi32>
          %parallel_loop3A_509 = arith.shli %parallel_loop3A_506, %parallel_loop3A_508 : vector<16xi32>
          %parallel_loop3A_510 = arith.shrui %parallel_loop3A_503, %parallel_loop3A_509 : vector<16xi32>
          %parallel_loop3A_511 = arith.constant 16 : i32
          %parallel_loop3A_512 = vector.broadcast %parallel_loop3A_511 : i32 to vector<16xi32>
          %parallel_loop3A_513 = arith.shli %parallel_loop3A_510, %parallel_loop3A_512 : vector<16xi32>
          %parallel_loop3A_514 = vector.bitcast %parallel_loop3A_513 : vector<16xi32> to vector<16xf32>
          %parallel_loop3A_515 = arith.constant 16 : i32
          %parallel_loop3A_516 = arith.addi %parallel_loop3A_515, %parallel_loop3A_497 : i32
          %parallel_loop3A_517 = arith.index_cast %parallel_loop3A_516 : i32 to index
          %parallel_loop3A_518 = tpu.vector_load %arg16[%parallel_loop3A_517] {strides = array<i32>} : memref<4128xi32, #tpu.memory_space<vmem>>, vector<16xi32>,
          %parallel_loop3A_519 = arith.constant 16 : i32
          %parallel_loop3A_520 = arith.addi %parallel_loop3A_519, %parallel_loop3A_497 : i32
          %parallel_loop3A_521 = arith.constant 1 : i32
          %parallel_loop3A_522 = arith.subi %parallel_loop3A_520, %parallel_loop3A_521 : i32
          %parallel_loop3A_523 = arith.index_cast %parallel_loop3A_522 : i32 to index
          %parallel_loop3A_524 = tpu.vector_load %arg16[%parallel_loop3A_523] {strides = array<i32>} : memref<4128xi32, #tpu.memory_space<vmem>>, vector<16xi32>,
          %parallel_loop3A_525 = arith.constant 16 : i32
          %parallel_loop3A_526 = arith.addi %parallel_loop3A_525, %parallel_loop3A_497 : i32
          %parallel_loop3A_527 = arith.constant 1 : i32
          %parallel_loop3A_528 = arith.addi %parallel_loop3A_526, %parallel_loop3A_527 : i32
          %parallel_loop3A_529 = arith.index_cast %parallel_loop3A_528 : i32 to index
          %parallel_loop3A_530 = tpu.vector_load %arg16[%parallel_loop3A_529] {strides = array<i32>} : memref<4128xi32, #tpu.memory_space<vmem>>, vector<16xi32>,
          %parallel_loop3A_531 = vector.broadcast %mul3A_343 : i32 to vector<16xi32>
          %parallel_loop3A_532 = arith.subi %parallel_loop3A_518, %parallel_loop3A_531 : vector<16xi32>
          %parallel_loop3A_533 = arith.index_cast %parallel_loop3A_497 : i32 to index
          %parallel_loop3A_534 = tpu.vector_load %arg15[%parallel_loop3A_533] {strides = array<i32>} : memref<4096xf32, #tpu.memory_space<vmem>>, vector<16xf32>,
          %parallel_loop3A_535 = arith.mulf %parallel_loop3A_514, %parallel_loop3A_534 : vector<16xf32>
          %parallel_loop3A_536 = arith.constant true
          %parallel_loop3A_537 = vector.broadcast %parallel_loop3A_536 : i1 to vector<16xi1>
          %parallel_loop3A_538 = tpu.scan <sum>, %parallel_loop3A_535 masked %parallel_loop3A_537 : vector<16xf32>, vector<16xi1> -> vector<16xf32>
          %parallel_loop3A_539 = arith.subf %parallel_loop3A_538, %parallel_loop3A_535 : vector<16xf32>
          %parallel_loop3A_540 = arith.cmpi ne, %parallel_loop3A_530, %parallel_loop3A_518 : vector<16xi32>
          %parallel_loop3A_541 = arith.ori %parallel_loop3A_540, %eq3A_5 : vector<16xi1>
          %parallel_loop3A_542 = arith.cmpi ne, %parallel_loop3A_524, %parallel_loop3A_518 : vector<16xi32>
          %parallel_loop3A_543 = arith.ori %parallel_loop3A_542, %eq3A_2 : vector<16xi1>
          %parallel_loop3A_544 = arith.constant 0.000000e+00 : f32
          %parallel_loop3A_545 = vector.broadcast %parallel_loop3A_544 : f32 to vector<16xf32>
          %parallel_loop3A_546 = arith.select %parallel_loop3A_541, %parallel_loop3A_538, %parallel_loop3A_545 : vector<16xi1>, vector<16xf32>
          %parallel_loop3A_547 = arith.constant 0.000000e+00 : f32
          %parallel_loop3A_548 = vector.broadcast %parallel_loop3A_547 : f32 to vector<16xf32>
          %parallel_loop3A_549 = arith.select %parallel_loop3A_543, %parallel_loop3A_539, %parallel_loop3A_548 : vector<16xi1>, vector<16xf32>
          %parallel_loop3A_550 = arith.subf %parallel_loop3A_546, %parallel_loop3A_549 : vector<16xf32>
          %parallel_loop3A_551 = arith.ori %parallel_loop3A_541, %parallel_loop3A_543 : vector<16xi1>
          tpu.vector_store_idx %arg21[%parallel_loop3A_532], %parallel_loop3A_550 masked %parallel_loop3A_551 {add = true} : memref<4096xf32, #tpu.memory_space<vmem>>[vector<16xi32>], vector<16xf32>, vector<16xi1>
        } {sc.loop_unroll_factor = 8 : i64, sc.parallel_access}
      }
      %add3A_482 = arith.constant 2 : i32
      %add3A_483 = arith.addi %add3A_449, %add3A_482 : i32
      %lt3A_484 = arith.cmpi slt, %add3A_483, %select_n3A_395 : i32
      %convert_element_type3A_485 = arith.extui %lt3A_484 : i1 to i32
      %cond3A_486 = arith.constant 0 : i32
      %cond3A_487 = arith.cmpi ne, %convert_element_type3A_485, %cond3A_486 : i32
      scf.if %cond3A_487 {
        %add3A_493 = arith.constant 2 : i32
        %add3A_494 = arith.addi %add3A_449, %add3A_493 : i32
        %mul3A_495 = arith.constant 4096 : i32
        %mul3A_496 = arith.muli %add3A_494, %mul3A_495 : i32
        %multiple_of3A_497 = tpu.assume_multiple %mul3A_496, 4096 : i32
        %dma_start3A = tpu.memref_slice %arg3[%multiple_of3A_497] : memref<2097152xi32, #tpu.memory_space<hbm>> -> memref<4096xi32, #tpu.memory_space<hbm>>
        %dma_start3A_498 = tpu.memref_slice %arg3[%multiple_of3A_497] : memref<2097152xi32, #tpu.memory_space<hbm>> -> memref<4096xi32, #tpu.memory_space<hbm>>
        tpu.enqueue_dma source(%dma_start3A_498 : memref<4096xi32, #tpu.memory_space<hbm>>) target(%arg14 : memref<4096xi32, #tpu.memory_space<vmem>>) target_semaphore(%arg24 : memref<!tpu.dma_semaphore, #tpu.memory_space<semaphore_mem>>)
        %dma_start3A_499 = tpu.memref_slice %arg2[%multiple_of3A_497] : memref<2097152xf32, #tpu.memory_space<hbm>> -> memref<4096xf32, #tpu.memory_space<hbm>>
        %dma_start3A_500 = tpu.memref_slice %arg2[%multiple_of3A_497] : memref<2097152xf32, #tpu.memory_space<hbm>> -> memref<4096xf32, #tpu.memory_space<hbm>>
        tpu.enqueue_dma source(%dma_start3A_500 : memref<4096xf32, #tpu.memory_space<hbm>>) target(%arg15 : memref<4096xf32, #tpu.memory_space<vmem>>) target_semaphore(%arg24 : memref<!tpu.dma_semaphore, #tpu.memory_space<semaphore_mem>>)
        %dma_start3A_501 = arith.constant 16 : i32
        %dma_start3A_502 = tpu.memref_slice %arg16[%dma_start3A_501] : memref<4128xi32, #tpu.memory_space<vmem>> -> memref<4096xi32, #tpu.memory_space<vmem>>
        %dma_start3A_503 = tpu.memref_slice %arg4[%multiple_of3A_497] : memref<2097152xi32, #tpu.memory_space<hbm>> -> memref<4096xi32, #tpu.memory_space<hbm>>
        %dma_start3A_504 = arith.constant 16 : i32
        %dma_start3A_505 = tpu.memref_slice %arg16[%dma_start3A_504] : memref<4128xi32, #tpu.memory_space<vmem>> -> memref<4096xi32, #tpu.memory_space<vmem>>
        %dma_start3A_506 = tpu.memref_slice %arg4[%multiple_of3A_497] : memref<2097152xi32, #tpu.memory_space<hbm>> -> memref<4096xi32, #tpu.memory_space<hbm>>
        tpu.enqueue_dma source(%dma_start3A_506 : memref<4096xi32, #tpu.memory_space<hbm>>) target(%dma_start3A_505 : memref<4096xi32, #tpu.memory_space<vmem>>) target_semaphore(%arg24 : memref<!tpu.dma_semaphore, #tpu.memory_space<semaphore_mem>>)
      } else {
      }
      %lt3A_488 = arith.cmpi slt, %add3A_451, %select_n3A_395 : i32
      %convert_element_type3A_489 = arith.extui %lt3A_488 : i1 to i32
      %cond3A_490 = arith.constant 0 : i32
      %cond3A_491 = arith.cmpi ne, %convert_element_type3A_489, %cond3A_490 : i32
      scf.if %cond3A_491 {
        %dma_wait3A_493 = arith.constant 0 : i32
        %dma_wait3A_494 = tpu.memref_slice %arg3[%dma_wait3A_493] : memref<2097152xi32, #tpu.memory_space<hbm>> -> memref<4096xi32, #tpu.memory_space<hbm>>
        %dma_wait3A_495 = arith.constant 0 : i32
        %dma_wait3A_496 = tpu.memref_slice %arg3[%dma_wait3A_495] : memref<2097152xi32, #tpu.memory_space<hbm>> -> memref<4096xi32, #tpu.memory_space<hbm>>
        tpu.wait_dma2 semaphore(%arg25 : memref<!tpu.dma_semaphore, #tpu.memory_space<semaphore_mem>>) src(%dma_wait3A_496 : memref<4096xi32, #tpu.memory_space<hbm>>) dst(%arg17 : memref<4096xi32, #tpu.memory_space<vmem>>)
        %dma_wait3A_497 = arith.constant 0 : i32
        %dma_wait3A_498 = tpu.memref_slice %arg2[%dma_wait3A_497] : memref<2097152xf32, #tpu.memory_space<hbm>> -> memref<4096xf32, #tpu.memory_space<hbm>>
        %dma_wait3A_499 = arith.constant 0 : i32
        %dma_wait3A_500 = tpu.memref_slice %arg2[%dma_wait3A_499] : memref<2097152xf32, #tpu.memory_space<hbm>> -> memref<4096xf32, #tpu.memory_space<hbm>>
        tpu.wait_dma2 semaphore(%arg25 : memref<!tpu.dma_semaphore, #tpu.memory_space<semaphore_mem>>) src(%dma_wait3A_500 : memref<4096xf32, #tpu.memory_space<hbm>>) dst(%arg18 : memref<4096xf32, #tpu.memory_space<vmem>>)
        %dma_wait3A_501 = arith.constant 16 : i32
        %dma_wait3A_502 = tpu.memref_slice %arg19[%dma_wait3A_501] : memref<4128xi32, #tpu.memory_space<vmem>> -> memref<4096xi32, #tpu.memory_space<vmem>>
        %dma_wait3A_503 = arith.constant 0 : i32
        %dma_wait3A_504 = tpu.memref_slice %arg4[%dma_wait3A_503] : memref<2097152xi32, #tpu.memory_space<hbm>> -> memref<4096xi32, #tpu.memory_space<hbm>>
        %dma_wait3A_505 = arith.constant 16 : i32
        %dma_wait3A_506 = tpu.memref_slice %arg19[%dma_wait3A_505] : memref<4128xi32, #tpu.memory_space<vmem>> -> memref<4096xi32, #tpu.memory_space<vmem>>
        %dma_wait3A_507 = arith.constant 0 : i32
        %dma_wait3A_508 = tpu.memref_slice %arg4[%dma_wait3A_507] : memref<2097152xi32, #tpu.memory_space<hbm>> -> memref<4096xi32, #tpu.memory_space<hbm>>
        tpu.wait_dma2 semaphore(%arg25 : memref<!tpu.dma_semaphore, #tpu.memory_space<semaphore_mem>>) src(%dma_wait3A_508 : memref<4096xi32, #tpu.memory_space<hbm>>) dst(%dma_wait3A_506 : memref<4096xi32, #tpu.memory_space<vmem>>)
        %mul3A_509 = arith.constant 4096 : i32
        %mul3A_510 = arith.muli %add3A_451, %mul3A_509 : i32
        %lt3A_511 = arith.cmpi slt, %mul3A_510, %reduce_sum3A_285 : i32
        %add3A_512 = arith.constant 1 : i32
        %add3A_513 = arith.addi %add3A_451, %add3A_512 : i32
        %mul3A_514 = arith.constant 4096 : i32
        %mul3A_515 = arith.muli %add3A_513, %mul3A_514 : i32
        %gt3A_516 = arith.cmpi sgt, %mul3A_515, %reduce_sum3A_341 : i32
        %or3A_517 = arith.ori %lt3A_511, %gt3A_516 : i1
        %convert_element_type3A_518 = arith.extui %or3A_517 : i1 to i32
        %cond3A_519 = arith.constant 0 : i32
        %cond3A_520 = arith.cmpi ne, %convert_element_type3A_518, %cond3A_519 : i32
        scf.if %cond3A_520 {
          %parallel_loop3A = arith.constant 0 : i32
          %parallel_loop3A_521 = arith.constant 256 : i32
          %parallel_loop3A_522 = arith.constant 1 : i32
          scf.for %parallel_loop3A_523 = %parallel_loop3A to %parallel_loop3A_521 step %parallel_loop3A_522  : i32 {
            %parallel_loop3A_524 = arith.constant 16 : i32
            %parallel_loop3A_525 = arith.muli %parallel_loop3A_523, %parallel_loop3A_524 : i32
            %parallel_loop3A_526 = arith.index_cast %parallel_loop3A_525 : i32 to index
            %parallel_loop3A_527 = tpu.vector_load %arg17[%parallel_loop3A_526] {strides = array<i32>} : memref<4096xi32, #tpu.memory_space<vmem>>, vector<16xi32>,
            %parallel_loop3A_528 = arith.constant 1 : i32
            %parallel_loop3A_529 = vector.broadcast %parallel_loop3A_528 : i32 to vector<16xi32>
            %parallel_loop3A_530 = arith.shrui %parallel_loop3A_527, %parallel_loop3A_529 : vector<16xi32>
            %parallel_loop3A_531 = tpu.vector_load_idx %arg13[%parallel_loop3A_530] : memref<50000xi32, #tpu.memory_space<vmem>>[vector<16xi32>], vector<16xi32>,
            %parallel_loop3A_532 = arith.constant 1 : i32
            %parallel_loop3A_533 = vector.broadcast %parallel_loop3A_532 : i32 to vector<16xi32>
            %parallel_loop3A_534 = arith.andi %parallel_loop3A_527, %parallel_loop3A_533 : vector<16xi32>
            %parallel_loop3A_535 = arith.constant 4 : i32
            %parallel_loop3A_536 = vector.broadcast %parallel_loop3A_535 : i32 to vector<16xi32>
            %parallel_loop3A_537 = arith.shli %parallel_loop3A_534, %parallel_loop3A_536 : vector<16xi32>
            %parallel_loop3A_538 = arith.shrui %parallel_loop3A_531, %parallel_loop3A_537 : vector<16xi32>
            %parallel_loop3A_539 = arith.constant 16 : i32
            %parallel_loop3A_540 = vector.broadcast %parallel_loop3A_539 : i32 to vector<16xi32>
            %parallel_loop3A_541 = arith.shli %parallel_loop3A_538, %parallel_loop3A_540 : vector<16xi32>
            %parallel_loop3A_542 = vector.bitcast %parallel_loop3A_541 : vector<16xi32> to vector<16xf32>
            %parallel_loop3A_543 = arith.constant 16 : i32
            %parallel_loop3A_544 = arith.addi %parallel_loop3A_543, %parallel_loop3A_525 : i32
            %parallel_loop3A_545 = arith.index_cast %parallel_loop3A_544 : i32 to index
            %parallel_loop3A_546 = tpu.vector_load %arg19[%parallel_loop3A_545] {strides = array<i32>} : memref<4128xi32, #tpu.memory_space<vmem>>, vector<16xi32>,
            %parallel_loop3A_547 = arith.constant 16 : i32
            %parallel_loop3A_548 = arith.addi %parallel_loop3A_547, %parallel_loop3A_525 : i32
            %parallel_loop3A_549 = arith.constant 1 : i32
            %parallel_loop3A_550 = arith.subi %parallel_loop3A_548, %parallel_loop3A_549 : i32
            %parallel_loop3A_551 = arith.index_cast %parallel_loop3A_550 : i32 to index
            %parallel_loop3A_552 = tpu.vector_load %arg19[%parallel_loop3A_551] {strides = array<i32>} : memref<4128xi32, #tpu.memory_space<vmem>>, vector<16xi32>,
            %parallel_loop3A_553 = arith.constant 16 : i32
            %parallel_loop3A_554 = arith.addi %parallel_loop3A_553, %parallel_loop3A_525 : i32
            %parallel_loop3A_555 = arith.constant 1 : i32
            %parallel_loop3A_556 = arith.addi %parallel_loop3A_554, %parallel_loop3A_555 : i32
            %parallel_loop3A_557 = arith.index_cast %parallel_loop3A_556 : i32 to index
            %parallel_loop3A_558 = tpu.vector_load %arg19[%parallel_loop3A_557] {strides = array<i32>} : memref<4128xi32, #tpu.memory_space<vmem>>, vector<16xi32>,
            %parallel_loop3A_559 = vector.broadcast %mul3A_343 : i32 to vector<16xi32>
            %parallel_loop3A_560 = arith.subi %parallel_loop3A_546, %parallel_loop3A_559 : vector<16xi32>
            %parallel_loop3A_561 = arith.index_cast %parallel_loop3A_525 : i32 to index
            %parallel_loop3A_562 = tpu.vector_load %arg18[%parallel_loop3A_561] {strides = array<i32>} : memref<4096xf32, #tpu.memory_space<vmem>>, vector<16xf32>,
            %parallel_loop3A_563 = arith.mulf %parallel_loop3A_542, %parallel_loop3A_562 : vector<16xf32>
            %parallel_loop3A_564 = vector.bitcast %parallel_loop3A_560 : vector<16xi32> to vector<16xi32>
            %parallel_loop3A_565 = vector.broadcast %while3A_428 : i32 to vector<16xi32>
            %parallel_loop3A_566 = arith.cmpi ult, %parallel_loop3A_564, %parallel_loop3A_565 : vector<16xi32>
            %parallel_loop3A_567 = arith.constant 0.000000e+00 : f32
            %parallel_loop3A_568 = vector.broadcast %parallel_loop3A_567 : f32 to vector<16xf32>
            %parallel_loop3A_569 = arith.select %parallel_loop3A_566, %parallel_loop3A_563, %parallel_loop3A_568 : vector<16xi1>, vector<16xf32>
            %parallel_loop3A_570 = arith.constant true
            %parallel_loop3A_571 = vector.broadcast %parallel_loop3A_570 : i1 to vector<16xi1>
            %parallel_loop3A_572 = tpu.scan <sum>, %parallel_loop3A_569 masked %parallel_loop3A_571 : vector<16xf32>, vector<16xi1> -> vector<16xf32>
            %parallel_loop3A_573 = arith.subf %parallel_loop3A_572, %parallel_loop3A_569 : vector<16xf32>
            %parallel_loop3A_574 = arith.cmpi ne, %parallel_loop3A_558, %parallel_loop3A_546 : vector<16xi32>
            %parallel_loop3A_575 = arith.ori %parallel_loop3A_574, %eq3A_5 : vector<16xi1>
            %parallel_loop3A_576 = arith.cmpi ne, %parallel_loop3A_552, %parallel_loop3A_546 : vector<16xi32>
            %parallel_loop3A_577 = arith.ori %parallel_loop3A_576, %eq3A_2 : vector<16xi1>
            %parallel_loop3A_578 = arith.constant 0.000000e+00 : f32
            %parallel_loop3A_579 = vector.broadcast %parallel_loop3A_578 : f32 to vector<16xf32>
            %parallel_loop3A_580 = arith.select %parallel_loop3A_575, %parallel_loop3A_572, %parallel_loop3A_579 : vector<16xi1>, vector<16xf32>
            %parallel_loop3A_581 = arith.constant 0.000000e+00 : f32
            %parallel_loop3A_582 = vector.broadcast %parallel_loop3A_581 : f32 to vector<16xf32>
            %parallel_loop3A_583 = arith.select %parallel_loop3A_577, %parallel_loop3A_573, %parallel_loop3A_582 : vector<16xi1>, vector<16xf32>
            %parallel_loop3A_584 = arith.subf %parallel_loop3A_580, %parallel_loop3A_583 : vector<16xf32>
            %parallel_loop3A_585 = arith.ori %parallel_loop3A_575, %parallel_loop3A_577 : vector<16xi1>
            %parallel_loop3A_586 = arith.andi %parallel_loop3A_585, %parallel_loop3A_566 : vector<16xi1>
            tpu.vector_store_idx %arg21[%parallel_loop3A_560], %parallel_loop3A_584 masked %parallel_loop3A_586 {add = true} : memref<4096xf32, #tpu.memory_space<vmem>>[vector<16xi32>], vector<16xf32>, vector<16xi1>
          } {sc.loop_unroll_factor = 8 : i64, sc.parallel_access}
        } else {
          %parallel_loop3A = arith.constant 0 : i32
          %parallel_loop3A_521 = arith.constant 256 : i32
          %parallel_loop3A_522 = arith.constant 1 : i32
          scf.for %parallel_loop3A_523 = %parallel_loop3A to %parallel_loop3A_521 step %parallel_loop3A_522  : i32 {
            %parallel_loop3A_524 = arith.constant 16 : i32
            %parallel_loop3A_525 = arith.muli %parallel_loop3A_523, %parallel_loop3A_524 : i32
            %parallel_loop3A_526 = arith.index_cast %parallel_loop3A_525 : i32 to index
            %parallel_loop3A_527 = tpu.vector_load %arg17[%parallel_loop3A_526] {strides = array<i32>} : memref<4096xi32, #tpu.memory_space<vmem>>, vector<16xi32>,
            %parallel_loop3A_528 = arith.constant 1 : i32
            %parallel_loop3A_529 = vector.broadcast %parallel_loop3A_528 : i32 to vector<16xi32>
            %parallel_loop3A_530 = arith.shrui %parallel_loop3A_527, %parallel_loop3A_529 : vector<16xi32>
            %parallel_loop3A_531 = tpu.vector_load_idx %arg13[%parallel_loop3A_530] : memref<50000xi32, #tpu.memory_space<vmem>>[vector<16xi32>], vector<16xi32>,
            %parallel_loop3A_532 = arith.constant 1 : i32
            %parallel_loop3A_533 = vector.broadcast %parallel_loop3A_532 : i32 to vector<16xi32>
            %parallel_loop3A_534 = arith.andi %parallel_loop3A_527, %parallel_loop3A_533 : vector<16xi32>
            %parallel_loop3A_535 = arith.constant 4 : i32
            %parallel_loop3A_536 = vector.broadcast %parallel_loop3A_535 : i32 to vector<16xi32>
            %parallel_loop3A_537 = arith.shli %parallel_loop3A_534, %parallel_loop3A_536 : vector<16xi32>
            %parallel_loop3A_538 = arith.shrui %parallel_loop3A_531, %parallel_loop3A_537 : vector<16xi32>
            %parallel_loop3A_539 = arith.constant 16 : i32
            %parallel_loop3A_540 = vector.broadcast %parallel_loop3A_539 : i32 to vector<16xi32>
            %parallel_loop3A_541 = arith.shli %parallel_loop3A_538, %parallel_loop3A_540 : vector<16xi32>
            %parallel_loop3A_542 = vector.bitcast %parallel_loop3A_541 : vector<16xi32> to vector<16xf32>
            %parallel_loop3A_543 = arith.constant 16 : i32
            %parallel_loop3A_544 = arith.addi %parallel_loop3A_543, %parallel_loop3A_525 : i32
            %parallel_loop3A_545 = arith.index_cast %parallel_loop3A_544 : i32 to index
            %parallel_loop3A_546 = tpu.vector_load %arg19[%parallel_loop3A_545] {strides = array<i32>} : memref<4128xi32, #tpu.memory_space<vmem>>, vector<16xi32>,
            %parallel_loop3A_547 = arith.constant 16 : i32
            %parallel_loop3A_548 = arith.addi %parallel_loop3A_547, %parallel_loop3A_525 : i32
            %parallel_loop3A_549 = arith.constant 1 : i32
            %parallel_loop3A_550 = arith.subi %parallel_loop3A_548, %parallel_loop3A_549 : i32
            %parallel_loop3A_551 = arith.index_cast %parallel_loop3A_550 : i32 to index
            %parallel_loop3A_552 = tpu.vector_load %arg19[%parallel_loop3A_551] {strides = array<i32>} : memref<4128xi32, #tpu.memory_space<vmem>>, vector<16xi32>,
            %parallel_loop3A_553 = arith.constant 16 : i32
            %parallel_loop3A_554 = arith.addi %parallel_loop3A_553, %parallel_loop3A_525 : i32
            %parallel_loop3A_555 = arith.constant 1 : i32
            %parallel_loop3A_556 = arith.addi %parallel_loop3A_554, %parallel_loop3A_555 : i32
            %parallel_loop3A_557 = arith.index_cast %parallel_loop3A_556 : i32 to index
            %parallel_loop3A_558 = tpu.vector_load %arg19[%parallel_loop3A_557] {strides = array<i32>} : memref<4128xi32, #tpu.memory_space<vmem>>, vector<16xi32>,
            %parallel_loop3A_559 = vector.broadcast %mul3A_343 : i32 to vector<16xi32>
            %parallel_loop3A_560 = arith.subi %parallel_loop3A_546, %parallel_loop3A_559 : vector<16xi32>
            %parallel_loop3A_561 = arith.index_cast %parallel_loop3A_525 : i32 to index
            %parallel_loop3A_562 = tpu.vector_load %arg18[%parallel_loop3A_561] {strides = array<i32>} : memref<4096xf32, #tpu.memory_space<vmem>>, vector<16xf32>,
            %parallel_loop3A_563 = arith.mulf %parallel_loop3A_542, %parallel_loop3A_562 : vector<16xf32>
            %parallel_loop3A_564 = arith.constant true
            %parallel_loop3A_565 = vector.broadcast %parallel_loop3A_564 : i1 to vector<16xi1>
            %parallel_loop3A_566 = tpu.scan <sum>, %parallel_loop3A_563 masked %parallel_loop3A_565 : vector<16xf32>, vector<16xi1> -> vector<16xf32>
            %parallel_loop3A_567 = arith.subf %parallel_loop3A_566, %parallel_loop3A_563 : vector<16xf32>
            %parallel_loop3A_568 = arith.cmpi ne, %parallel_loop3A_558, %parallel_loop3A_546 : vector<16xi32>
            %parallel_loop3A_569 = arith.ori %parallel_loop3A_568, %eq3A_5 : vector<16xi1>
            %parallel_loop3A_570 = arith.cmpi ne, %parallel_loop3A_552, %parallel_loop3A_546 : vector<16xi32>
            %parallel_loop3A_571 = arith.ori %parallel_loop3A_570, %eq3A_2 : vector<16xi1>
            %parallel_loop3A_572 = arith.constant 0.000000e+00 : f32
            %parallel_loop3A_573 = vector.broadcast %parallel_loop3A_572 : f32 to vector<16xf32>
            %parallel_loop3A_574 = arith.select %parallel_loop3A_569, %parallel_loop3A_566, %parallel_loop3A_573 : vector<16xi1>, vector<16xf32>
            %parallel_loop3A_575 = arith.constant 0.000000e+00 : f32
            %parallel_loop3A_576 = vector.broadcast %parallel_loop3A_575 : f32 to vector<16xf32>
            %parallel_loop3A_577 = arith.select %parallel_loop3A_571, %parallel_loop3A_567, %parallel_loop3A_576 : vector<16xi1>, vector<16xf32>
            %parallel_loop3A_578 = arith.subf %parallel_loop3A_574, %parallel_loop3A_577 : vector<16xf32>
            %parallel_loop3A_579 = arith.ori %parallel_loop3A_569, %parallel_loop3A_571 : vector<16xi1>
            tpu.vector_store_idx %arg21[%parallel_loop3A_560], %parallel_loop3A_578 masked %parallel_loop3A_579 {add = true} : memref<4096xf32, #tpu.memory_space<vmem>>[vector<16xi32>], vector<16xf32>, vector<16xi1>
          } {sc.loop_unroll_factor = 8 : i64, sc.parallel_access}
        }
      } else {
      }
      %while3A_492 = arith.constant 0 : i32
      scf.yield %while3A_492 : i32
    }
    %while3A_439 = arith.constant 1 : i32
    %while3A_440 = scf.for %while3A_445 = %while3A_436 to %while3A_432 step %while3A_439 iter_args(%while3A_446 = %while3A_438) -> (i32)  : i32 {
      %mul3A_447 = arith.constant 2 : i32
      %mul3A_448 = arith.muli %mul3A_447, %while3A_445 : i32
      %add3A_449 = arith.addi %select_n3A_367, %mul3A_448 : i32
      %add3A_450 = arith.constant 1 : i32
      %add3A_451 = arith.addi %add3A_449, %add3A_450 : i32
      %lt3A_452 = arith.cmpi slt, %add3A_451, %select_n3A_395 : i32
      %convert_element_type3A_453 = arith.extui %lt3A_452 : i1 to i32
      %cond3A_454 = arith.constant 0 : i32
      %cond3A_455 = arith.cmpi ne, %convert_element_type3A_453, %cond3A_454 : i32
      scf.if %cond3A_455 {
        %mul3A_493 = arith.constant 4096 : i32
        %mul3A_494 = arith.muli %add3A_451, %mul3A_493 : i32
        %multiple_of3A_495 = tpu.assume_multiple %mul3A_494, 4096 : i32
        %dma_start3A = tpu.memref_slice %arg3[%multiple_of3A_495] : memref<2097152xi32, #tpu.memory_space<hbm>> -> memref<4096xi32, #tpu.memory_space<hbm>>
        %dma_start3A_496 = tpu.memref_slice %arg3[%multiple_of3A_495] : memref<2097152xi32, #tpu.memory_space<hbm>> -> memref<4096xi32, #tpu.memory_space<hbm>>
        tpu.enqueue_dma source(%dma_start3A_496 : memref<4096xi32, #tpu.memory_space<hbm>>) target(%arg17 : memref<4096xi32, #tpu.memory_space<vmem>>) target_semaphore(%arg25 : memref<!tpu.dma_semaphore, #tpu.memory_space<semaphore_mem>>)
        %dma_start3A_497 = tpu.memref_slice %arg2[%multiple_of3A_495] : memref<2097152xf32, #tpu.memory_space<hbm>> -> memref<4096xf32, #tpu.memory_space<hbm>>
        %dma_start3A_498 = tpu.memref_slice %arg2[%multiple_of3A_495] : memref<2097152xf32, #tpu.memory_space<hbm>> -> memref<4096xf32, #tpu.memory_space<hbm>>
        tpu.enqueue_dma source(%dma_start3A_498 : memref<4096xf32, #tpu.memory_space<hbm>>) target(%arg18 : memref<4096xf32, #tpu.memory_space<vmem>>) target_semaphore(%arg25 : memref<!tpu.dma_semaphore, #tpu.memory_space<semaphore_mem>>)
        %dma_start3A_499 = arith.constant 16 : i32
        %dma_start3A_500 = tpu.memref_slice %arg19[%dma_start3A_499] : memref<4128xi32, #tpu.memory_space<vmem>> -> memref<4096xi32, #tpu.memory_space<vmem>>
        %dma_start3A_501 = tpu.memref_slice %arg4[%multiple_of3A_495] : memref<2097152xi32, #tpu.memory_space<hbm>> -> memref<4096xi32, #tpu.memory_space<hbm>>
        %dma_start3A_502 = arith.constant 16 : i32
        %dma_start3A_503 = tpu.memref_slice %arg19[%dma_start3A_502] : memref<4128xi32, #tpu.memory_space<vmem>> -> memref<4096xi32, #tpu.memory_space<vmem>>
        %dma_start3A_504 = tpu.memref_slice %arg4[%multiple_of3A_495] : memref<2097152xi32, #tpu.memory_space<hbm>> -> memref<4096xi32, #tpu.memory_space<hbm>>
        tpu.enqueue_dma source(%dma_start3A_504 : memref<4096xi32, #tpu.memory_space<hbm>>) target(%dma_start3A_503 : memref<4096xi32, #tpu.memory_space<vmem>>) target_semaphore(%arg25 : memref<!tpu.dma_semaphore, #tpu.memory_space<semaphore_mem>>)
      } else {
      }
      %dma_wait3A = arith.constant 0 : i32
      %dma_wait3A_456 = tpu.memref_slice %arg3[%dma_wait3A] : memref<2097152xi32, #tpu.memory_space<hbm>> -> memref<4096xi32, #tpu.memory_space<hbm>>
      %dma_wait3A_457 = arith.constant 0 : i32
      %dma_wait3A_458 = tpu.memref_slice %arg3[%dma_wait3A_457] : memref<2097152xi32, #tpu.memory_space<hbm>> -> memref<4096xi32, #tpu.memory_space<hbm>>
      tpu.wait_dma2 semaphore(%arg24 : memref<!tpu.dma_semaphore, #tpu.memory_space<semaphore_mem>>) src(%dma_wait3A_458 : memref<4096xi32, #tpu.memory_space<hbm>>) dst(%arg14 : memref<4096xi32, #tpu.memory_space<vmem>>)
      %dma_wait3A_459 = arith.constant 0 : i32
      %dma_wait3A_460 = tpu.memref_slice %arg2[%dma_wait3A_459] : memref<2097152xf32, #tpu.memory_space<hbm>> -> memref<4096xf32, #tpu.memory_space<hbm>>
      %dma_wait3A_461 = arith.constant 0 : i32
      %dma_wait3A_462 = tpu.memref_slice %arg2[%dma_wait3A_461] : memref<2097152xf32, #tpu.memory_space<hbm>> -> memref<4096xf32, #tpu.memory_space<hbm>>
      tpu.wait_dma2 semaphore(%arg24 : memref<!tpu.dma_semaphore, #tpu.memory_space<semaphore_mem>>) src(%dma_wait3A_462 : memref<4096xf32, #tpu.memory_space<hbm>>) dst(%arg15 : memref<4096xf32, #tpu.memory_space<vmem>>)
      %dma_wait3A_463 = arith.constant 16 : i32
      %dma_wait3A_464 = tpu.memref_slice %arg16[%dma_wait3A_463] : memref<4128xi32, #tpu.memory_space<vmem>> -> memref<4096xi32, #tpu.memory_space<vmem>>
      %dma_wait3A_465 = arith.constant 0 : i32
      %dma_wait3A_466 = tpu.memref_slice %arg4[%dma_wait3A_465] : memref<2097152xi32, #tpu.memory_space<hbm>> -> memref<4096xi32, #tpu.memory_space<hbm>>
      %dma_wait3A_467 = arith.constant 16 : i32
      %dma_wait3A_468 = tpu.memref_slice %arg16[%dma_wait3A_467] : memref<4128xi32, #tpu.memory_space<vmem>> -> memref<4096xi32, #tpu.memory_space<vmem>>
      %dma_wait3A_469 = arith.constant 0 : i32
      %dma_wait3A_470 = tpu.memref_slice %arg4[%dma_wait3A_469] : memref<2097152xi32, #tpu.memory_space<hbm>> -> memref<4096xi32, #tpu.memory_space<hbm>>
      tpu.wait_dma2 semaphore(%arg24 : memref<!tpu.dma_semaphore, #tpu.memory_space<semaphore_mem>>) src(%dma_wait3A_470 : memref<4096xi32, #tpu.memory_space<hbm>>) dst(%dma_wait3A_468 : memref<4096xi32, #tpu.memory_space<vmem>>)
      %mul3A_471 = arith.constant 4096 : i32
      %mul3A_472 = arith.muli %add3A_449, %mul3A_471 : i32
      %lt3A_473 = arith.cmpi slt, %mul3A_472, %reduce_sum3A_285 : i32
      %add3A_474 = arith.constant 1 : i32
      %add3A_475 = arith.addi %add3A_449, %add3A_474 : i32
      %mul3A_476 = arith.constant 4096 : i32
      %mul3A_477 = arith.muli %add3A_475, %mul3A_476 : i32
      %gt3A_478 = arith.cmpi sgt, %mul3A_477, %reduce_sum3A_341 : i32
      %or3A = arith.ori %lt3A_473, %gt3A_478 : i1
      %convert_element_type3A_479 = arith.extui %or3A : i1 to i32
      %cond3A_480 = arith.constant 0 : i32
      %cond3A_481 = arith.cmpi ne, %convert_element_type3A_479, %cond3A_480 : i32
      scf.if %cond3A_481 {
        %parallel_loop3A = arith.constant 0 : i32
        %parallel_loop3A_493 = arith.constant 256 : i32
        %parallel_loop3A_494 = arith.constant 1 : i32
        scf.for %parallel_loop3A_495 = %parallel_loop3A to %parallel_loop3A_493 step %parallel_loop3A_494  : i32 {
          %parallel_loop3A_496 = arith.constant 16 : i32
          %parallel_loop3A_497 = arith.muli %parallel_loop3A_495, %parallel_loop3A_496 : i32
          %parallel_loop3A_498 = arith.index_cast %parallel_loop3A_497 : i32 to index
          %parallel_loop3A_499 = tpu.vector_load %arg14[%parallel_loop3A_498] {strides = array<i32>} : memref<4096xi32, #tpu.memory_space<vmem>>, vector<16xi32>,
          %parallel_loop3A_500 = arith.constant 1 : i32
          %parallel_loop3A_501 = vector.broadcast %parallel_loop3A_500 : i32 to vector<16xi32>
          %parallel_loop3A_502 = arith.shrui %parallel_loop3A_499, %parallel_loop3A_501 : vector<16xi32>
          %parallel_loop3A_503 = tpu.vector_load_idx %arg13[%parallel_loop3A_502] : memref<50000xi32, #tpu.memory_space<vmem>>[vector<16xi32>], vector<16xi32>,
          %parallel_loop3A_504 = arith.constant 1 : i32
          %parallel_loop3A_505 = vector.broadcast %parallel_loop3A_504 : i32 to vector<16xi32>
          %parallel_loop3A_506 = arith.andi %parallel_loop3A_499, %parallel_loop3A_505 : vector<16xi32>
          %parallel_loop3A_507 = arith.constant 4 : i32
          %parallel_loop3A_508 = vector.broadcast %parallel_loop3A_507 : i32 to vector<16xi32>
          %parallel_loop3A_509 = arith.shli %parallel_loop3A_506, %parallel_loop3A_508 : vector<16xi32>
          %parallel_loop3A_510 = arith.shrui %parallel_loop3A_503, %parallel_loop3A_509 : vector<16xi32>
          %parallel_loop3A_511 = arith.constant 16 : i32
          %parallel_loop3A_512 = vector.broadcast %parallel_loop3A_511 : i32 to vector<16xi32>
          %parallel_loop3A_513 = arith.shli %parallel_loop3A_510, %parallel_loop3A_512 : vector<16xi32>
          %parallel_loop3A_514 = vector.bitcast %parallel_loop3A_513 : vector<16xi32> to vector<16xf32>
          %parallel_loop3A_515 = arith.constant 16 : i32
          %parallel_loop3A_516 = arith.addi %parallel_loop3A_515, %parallel_loop3A_497 : i32
          %parallel_loop3A_517 = arith.index_cast %parallel_loop3A_516 : i32 to index
          %parallel_loop3A_518 = tpu.vector_load %arg16[%parallel_loop3A_517] {strides = array<i32>} : memref<4128xi32, #tpu.memory_space<vmem>>, vector<16xi32>,
          %parallel_loop3A_519 = arith.constant 16 : i32
          %parallel_loop3A_520 = arith.addi %parallel_loop3A_519, %parallel_loop3A_497 : i32
          %parallel_loop3A_521 = arith.constant 1 : i32
          %parallel_loop3A_522 = arith.subi %parallel_loop3A_520, %parallel_loop3A_521 : i32
          %parallel_loop3A_523 = arith.index_cast %parallel_loop3A_522 : i32 to index
          %parallel_loop3A_524 = tpu.vector_load %arg16[%parallel_loop3A_523] {strides = array<i32>} : memref<4128xi32, #tpu.memory_space<vmem>>, vector<16xi32>,
          %parallel_loop3A_525 = arith.constant 16 : i32
          %parallel_loop3A_526 = arith.addi %parallel_loop3A_525, %parallel_loop3A_497 : i32
          %parallel_loop3A_527 = arith.constant 1 : i32
          %parallel_loop3A_528 = arith.addi %parallel_loop3A_526, %parallel_loop3A_527 : i32
          %parallel_loop3A_529 = arith.index_cast %parallel_loop3A_528 : i32 to index
          %parallel_loop3A_530 = tpu.vector_load %arg16[%parallel_loop3A_529] {strides = array<i32>} : memref<4128xi32, #tpu.memory_space<vmem>>, vector<16xi32>,
          %parallel_loop3A_531 = vector.broadcast %mul3A_343 : i32 to vector<16xi32>
          %parallel_loop3A_532 = arith.subi %parallel_loop3A_518, %parallel_loop3A_531 : vector<16xi32>
          %parallel_loop3A_533 = arith.index_cast %parallel_loop3A_497 : i32 to index
          %parallel_loop3A_534 = tpu.vector_load %arg15[%parallel_loop3A_533] {strides = array<i32>} : memref<4096xf32, #tpu.memory_space<vmem>>, vector<16xf32>,
          %parallel_loop3A_535 = arith.mulf %parallel_loop3A_514, %parallel_loop3A_534 : vector<16xf32>
          %parallel_loop3A_536 = vector.bitcast %parallel_loop3A_532 : vector<16xi32> to vector<16xi32>
          %parallel_loop3A_537 = vector.broadcast %while3A_428 : i32 to vector<16xi32>
          %parallel_loop3A_538 = arith.cmpi ult, %parallel_loop3A_536, %parallel_loop3A_537 : vector<16xi32>
          %parallel_loop3A_539 = arith.constant 0.000000e+00 : f32
          %parallel_loop3A_540 = vector.broadcast %parallel_loop3A_539 : f32 to vector<16xf32>
          %parallel_loop3A_541 = arith.select %parallel_loop3A_538, %parallel_loop3A_535, %parallel_loop3A_540 : vector<16xi1>, vector<16xf32>
          %parallel_loop3A_542 = arith.constant true
          %parallel_loop3A_543 = vector.broadcast %parallel_loop3A_542 : i1 to vector<16xi1>
          %parallel_loop3A_544 = tpu.scan <sum>, %parallel_loop3A_541 masked %parallel_loop3A_543 : vector<16xf32>, vector<16xi1> -> vector<16xf32>
          %parallel_loop3A_545 = arith.subf %parallel_loop3A_544, %parallel_loop3A_541 : vector<16xf32>
          %parallel_loop3A_546 = arith.cmpi ne, %parallel_loop3A_530, %parallel_loop3A_518 : vector<16xi32>
          %parallel_loop3A_547 = arith.ori %parallel_loop3A_546, %eq3A_5 : vector<16xi1>
          %parallel_loop3A_548 = arith.cmpi ne, %parallel_loop3A_524, %parallel_loop3A_518 : vector<16xi32>
          %parallel_loop3A_549 = arith.ori %parallel_loop3A_548, %eq3A_2 : vector<16xi1>
          %parallel_loop3A_550 = arith.constant 0.000000e+00 : f32
          %parallel_loop3A_551 = vector.broadcast %parallel_loop3A_550 : f32 to vector<16xf32>
          %parallel_loop3A_552 = arith.select %parallel_loop3A_547, %parallel_loop3A_544, %parallel_loop3A_551 : vector<16xi1>, vector<16xf32>
          %parallel_loop3A_553 = arith.constant 0.000000e+00 : f32
          %parallel_loop3A_554 = vector.broadcast %parallel_loop3A_553 : f32 to vector<16xf32>
          %parallel_loop3A_555 = arith.select %parallel_loop3A_549, %parallel_loop3A_545, %parallel_loop3A_554 : vector<16xi1>, vector<16xf32>
          %parallel_loop3A_556 = arith.subf %parallel_loop3A_552, %parallel_loop3A_555 : vector<16xf32>
          %parallel_loop3A_557 = arith.ori %parallel_loop3A_547, %parallel_loop3A_549 : vector<16xi1>
          %parallel_loop3A_558 = arith.andi %parallel_loop3A_557, %parallel_loop3A_538 : vector<16xi1>
          tpu.vector_store_idx %arg21[%parallel_loop3A_532], %parallel_loop3A_556 masked %parallel_loop3A_558 {add = true} : memref<4096xf32, #tpu.memory_space<vmem>>[vector<16xi32>], vector<16xf32>, vector<16xi1>
        } {sc.loop_unroll_factor = 8 : i64, sc.parallel_access}
      } else {
        %parallel_loop3A = arith.constant 0 : i32
        %parallel_loop3A_493 = arith.constant 256 : i32
        %parallel_loop3A_494 = arith.constant 1 : i32
        scf.for %parallel_loop3A_495 = %parallel_loop3A to %parallel_loop3A_493 step %parallel_loop3A_494  : i32 {
          %parallel_loop3A_496 = arith.constant 16 : i32
          %parallel_loop3A_497 = arith.muli %parallel_loop3A_495, %parallel_loop3A_496 : i32
          %parallel_loop3A_498 = arith.index_cast %parallel_loop3A_497 : i32 to index
          %parallel_loop3A_499 = tpu.vector_load %arg14[%parallel_loop3A_498] {strides = array<i32>} : memref<4096xi32, #tpu.memory_space<vmem>>, vector<16xi32>,
          %parallel_loop3A_500 = arith.constant 1 : i32
          %parallel_loop3A_501 = vector.broadcast %parallel_loop3A_500 : i32 to vector<16xi32>
          %parallel_loop3A_502 = arith.shrui %parallel_loop3A_499, %parallel_loop3A_501 : vector<16xi32>
          %parallel_loop3A_503 = tpu.vector_load_idx %arg13[%parallel_loop3A_502] : memref<50000xi32, #tpu.memory_space<vmem>>[vector<16xi32>], vector<16xi32>,
          %parallel_loop3A_504 = arith.constant 1 : i32
          %parallel_loop3A_505 = vector.broadcast %parallel_loop3A_504 : i32 to vector<16xi32>
          %parallel_loop3A_506 = arith.andi %parallel_loop3A_499, %parallel_loop3A_505 : vector<16xi32>
          %parallel_loop3A_507 = arith.constant 4 : i32
          %parallel_loop3A_508 = vector.broadcast %parallel_loop3A_507 : i32 to vector<16xi32>
          %parallel_loop3A_509 = arith.shli %parallel_loop3A_506, %parallel_loop3A_508 : vector<16xi32>
          %parallel_loop3A_510 = arith.shrui %parallel_loop3A_503, %parallel_loop3A_509 : vector<16xi32>
          %parallel_loop3A_511 = arith.constant 16 : i32
          %parallel_loop3A_512 = vector.broadcast %parallel_loop3A_511 : i32 to vector<16xi32>
          %parallel_loop3A_513 = arith.shli %parallel_loop3A_510, %parallel_loop3A_512 : vector<16xi32>
          %parallel_loop3A_514 = vector.bitcast %parallel_loop3A_513 : vector<16xi32> to vector<16xf32>
          %parallel_loop3A_515 = arith.constant 16 : i32
          %parallel_loop3A_516 = arith.addi %parallel_loop3A_515, %parallel_loop3A_497 : i32
          %parallel_loop3A_517 = arith.index_cast %parallel_loop3A_516 : i32 to index
          %parallel_loop3A_518 = tpu.vector_load %arg16[%parallel_loop3A_517] {strides = array<i32>} : memref<4128xi32, #tpu.memory_space<vmem>>, vector<16xi32>,
          %parallel_loop3A_519 = arith.constant 16 : i32
          %parallel_loop3A_520 = arith.addi %parallel_loop3A_519, %parallel_loop3A_497 : i32
          %parallel_loop3A_521 = arith.constant 1 : i32
          %parallel_loop3A_522 = arith.subi %parallel_loop3A_520, %parallel_loop3A_521 : i32
          %parallel_loop3A_523 = arith.index_cast %parallel_loop3A_522 : i32 to index
          %parallel_loop3A_524 = tpu.vector_load %arg16[%parallel_loop3A_523] {strides = array<i32>} : memref<4128xi32, #tpu.memory_space<vmem>>, vector<16xi32>,
          %parallel_loop3A_525 = arith.constant 16 : i32
          %parallel_loop3A_526 = arith.addi %parallel_loop3A_525, %parallel_loop3A_497 : i32
          %parallel_loop3A_527 = arith.constant 1 : i32
          %parallel_loop3A_528 = arith.addi %parallel_loop3A_526, %parallel_loop3A_527 : i32
          %parallel_loop3A_529 = arith.index_cast %parallel_loop3A_528 : i32 to index
          %parallel_loop3A_530 = tpu.vector_load %arg16[%parallel_loop3A_529] {strides = array<i32>} : memref<4128xi32, #tpu.memory_space<vmem>>, vector<16xi32>,
          %parallel_loop3A_531 = vector.broadcast %mul3A_343 : i32 to vector<16xi32>
          %parallel_loop3A_532 = arith.subi %parallel_loop3A_518, %parallel_loop3A_531 : vector<16xi32>
          %parallel_loop3A_533 = arith.index_cast %parallel_loop3A_497 : i32 to index
          %parallel_loop3A_534 = tpu.vector_load %arg15[%parallel_loop3A_533] {strides = array<i32>} : memref<4096xf32, #tpu.memory_space<vmem>>, vector<16xf32>,
          %parallel_loop3A_535 = arith.mulf %parallel_loop3A_514, %parallel_loop3A_534 : vector<16xf32>
          %parallel_loop3A_536 = arith.constant true
          %parallel_loop3A_537 = vector.broadcast %parallel_loop3A_536 : i1 to vector<16xi1>
          %parallel_loop3A_538 = tpu.scan <sum>, %parallel_loop3A_535 masked %parallel_loop3A_537 : vector<16xf32>, vector<16xi1> -> vector<16xf32>
          %parallel_loop3A_539 = arith.subf %parallel_loop3A_538, %parallel_loop3A_535 : vector<16xf32>
          %parallel_loop3A_540 = arith.cmpi ne, %parallel_loop3A_530, %parallel_loop3A_518 : vector<16xi32>
          %parallel_loop3A_541 = arith.ori %parallel_loop3A_540, %eq3A_5 : vector<16xi1>
          %parallel_loop3A_542 = arith.cmpi ne, %parallel_loop3A_524, %parallel_loop3A_518 : vector<16xi32>
          %parallel_loop3A_543 = arith.ori %parallel_loop3A_542, %eq3A_2 : vector<16xi1>
          %parallel_loop3A_544 = arith.constant 0.000000e+00 : f32
          %parallel_loop3A_545 = vector.broadcast %parallel_loop3A_544 : f32 to vector<16xf32>
          %parallel_loop3A_546 = arith.select %parallel_loop3A_541, %parallel_loop3A_538, %parallel_loop3A_545 : vector<16xi1>, vector<16xf32>
          %parallel_loop3A_547 = arith.constant 0.000000e+00 : f32
          %parallel_loop3A_548 = vector.broadcast %parallel_loop3A_547 : f32 to vector<16xf32>
          %parallel_loop3A_549 = arith.select %parallel_loop3A_543, %parallel_loop3A_539, %parallel_loop3A_548 : vector<16xi1>, vector<16xf32>
          %parallel_loop3A_550 = arith.subf %parallel_loop3A_546, %parallel_loop3A_549 : vector<16xf32>
          %parallel_loop3A_551 = arith.ori %parallel_loop3A_541, %parallel_loop3A_543 : vector<16xi1>
          tpu.vector_store_idx %arg21[%parallel_loop3A_532], %parallel_loop3A_550 masked %parallel_loop3A_551 {add = true} : memref<4096xf32, #tpu.memory_space<vmem>>[vector<16xi32>], vector<16xf32>, vector<16xi1>
        } {sc.loop_unroll_factor = 8 : i64, sc.parallel_access}
      }
      %add3A_482 = arith.constant 2 : i32
      %add3A_483 = arith.addi %add3A_449, %add3A_482 : i32
      %lt3A_484 = arith.cmpi slt, %add3A_483, %select_n3A_395 : i32
      %convert_element_type3A_485 = arith.extui %lt3A_484 : i1 to i32
      %cond3A_486 = arith.constant 0 : i32
      %cond3A_487 = arith.cmpi ne, %convert_element_type3A_485, %cond3A_486 : i32
      scf.if %cond3A_487 {
        %add3A_493 = arith.constant 2 : i32
        %add3A_494 = arith.addi %add3A_449, %add3A_493 : i32
        %mul3A_495 = arith.constant 4096 : i32
        %mul3A_496 = arith.muli %add3A_494, %mul3A_495 : i32
        %multiple_of3A_497 = tpu.assume_multiple %mul3A_496, 4096 : i32
        %dma_start3A = tpu.memref_slice %arg3[%multiple_of3A_497] : memref<2097152xi32, #tpu.memory_space<hbm>> -> memref<4096xi32, #tpu.memory_space<hbm>>
        %dma_start3A_498 = tpu.memref_slice %arg3[%multiple_of3A_497] : memref<2097152xi32, #tpu.memory_space<hbm>> -> memref<4096xi32, #tpu.memory_space<hbm>>
        tpu.enqueue_dma source(%dma_start3A_498 : memref<4096xi32, #tpu.memory_space<hbm>>) target(%arg14 : memref<4096xi32, #tpu.memory_space<vmem>>) target_semaphore(%arg24 : memref<!tpu.dma_semaphore, #tpu.memory_space<semaphore_mem>>)
        %dma_start3A_499 = tpu.memref_slice %arg2[%multiple_of3A_497] : memref<2097152xf32, #tpu.memory_space<hbm>> -> memref<4096xf32, #tpu.memory_space<hbm>>
        %dma_start3A_500 = tpu.memref_slice %arg2[%multiple_of3A_497] : memref<2097152xf32, #tpu.memory_space<hbm>> -> memref<4096xf32, #tpu.memory_space<hbm>>
        tpu.enqueue_dma source(%dma_start3A_500 : memref<4096xf32, #tpu.memory_space<hbm>>) target(%arg15 : memref<4096xf32, #tpu.memory_space<vmem>>) target_semaphore(%arg24 : memref<!tpu.dma_semaphore, #tpu.memory_space<semaphore_mem>>)
        %dma_start3A_501 = arith.constant 16 : i32
        %dma_start3A_502 = tpu.memref_slice %arg16[%dma_start3A_501] : memref<4128xi32, #tpu.memory_space<vmem>> -> memref<4096xi32, #tpu.memory_space<vmem>>
        %dma_start3A_503 = tpu.memref_slice %arg4[%multiple_of3A_497] : memref<2097152xi32, #tpu.memory_space<hbm>> -> memref<4096xi32, #tpu.memory_space<hbm>>
        %dma_start3A_504 = arith.constant 16 : i32
        %dma_start3A_505 = tpu.memref_slice %arg16[%dma_start3A_504] : memref<4128xi32, #tpu.memory_space<vmem>> -> memref<4096xi32, #tpu.memory_space<vmem>>
        %dma_start3A_506 = tpu.memref_slice %arg4[%multiple_of3A_497] : memref<2097152xi32, #tpu.memory_space<hbm>> -> memref<4096xi32, #tpu.memory_space<hbm>>
        tpu.enqueue_dma source(%dma_start3A_506 : memref<4096xi32, #tpu.memory_space<hbm>>) target(%dma_start3A_505 : memref<4096xi32, #tpu.memory_space<vmem>>) target_semaphore(%arg24 : memref<!tpu.dma_semaphore, #tpu.memory_space<semaphore_mem>>)
      } else {
      }
      %lt3A_488 = arith.cmpi slt, %add3A_451, %select_n3A_395 : i32
      %convert_element_type3A_489 = arith.extui %lt3A_488 : i1 to i32
      %cond3A_490 = arith.constant 0 : i32
      %cond3A_491 = arith.cmpi ne, %convert_element_type3A_489, %cond3A_490 : i32
      scf.if %cond3A_491 {
        %dma_wait3A_493 = arith.constant 0 : i32
        %dma_wait3A_494 = tpu.memref_slice %arg3[%dma_wait3A_493] : memref<2097152xi32, #tpu.memory_space<hbm>> -> memref<4096xi32, #tpu.memory_space<hbm>>
        %dma_wait3A_495 = arith.constant 0 : i32
        %dma_wait3A_496 = tpu.memref_slice %arg3[%dma_wait3A_495] : memref<2097152xi32, #tpu.memory_space<hbm>> -> memref<4096xi32, #tpu.memory_space<hbm>>
        tpu.wait_dma2 semaphore(%arg25 : memref<!tpu.dma_semaphore, #tpu.memory_space<semaphore_mem>>) src(%dma_wait3A_496 : memref<4096xi32, #tpu.memory_space<hbm>>) dst(%arg17 : memref<4096xi32, #tpu.memory_space<vmem>>)
        %dma_wait3A_497 = arith.constant 0 : i32
        %dma_wait3A_498 = tpu.memref_slice %arg2[%dma_wait3A_497] : memref<2097152xf32, #tpu.memory_space<hbm>> -> memref<4096xf32, #tpu.memory_space<hbm>>
        %dma_wait3A_499 = arith.constant 0 : i32
        %dma_wait3A_500 = tpu.memref_slice %arg2[%dma_wait3A_499] : memref<2097152xf32, #tpu.memory_space<hbm>> -> memref<4096xf32, #tpu.memory_space<hbm>>
        tpu.wait_dma2 semaphore(%arg25 : memref<!tpu.dma_semaphore, #tpu.memory_space<semaphore_mem>>) src(%dma_wait3A_500 : memref<4096xf32, #tpu.memory_space<hbm>>) dst(%arg18 : memref<4096xf32, #tpu.memory_space<vmem>>)
        %dma_wait3A_501 = arith.constant 16 : i32
        %dma_wait3A_502 = tpu.memref_slice %arg19[%dma_wait3A_501] : memref<4128xi32, #tpu.memory_space<vmem>> -> memref<4096xi32, #tpu.memory_space<vmem>>
        %dma_wait3A_503 = arith.constant 0 : i32
        %dma_wait3A_504 = tpu.memref_slice %arg4[%dma_wait3A_503] : memref<2097152xi32, #tpu.memory_space<hbm>> -> memref<4096xi32, #tpu.memory_space<hbm>>
        %dma_wait3A_505 = arith.constant 16 : i32
        %dma_wait3A_506 = tpu.memref_slice %arg19[%dma_wait3A_505] : memref<4128xi32, #tpu.memory_space<vmem>> -> memref<4096xi32, #tpu.memory_space<vmem>>
        %dma_wait3A_507 = arith.constant 0 : i32
        %dma_wait3A_508 = tpu.memref_slice %arg4[%dma_wait3A_507] : memref<2097152xi32, #tpu.memory_space<hbm>> -> memref<4096xi32, #tpu.memory_space<hbm>>
        tpu.wait_dma2 semaphore(%arg25 : memref<!tpu.dma_semaphore, #tpu.memory_space<semaphore_mem>>) src(%dma_wait3A_508 : memref<4096xi32, #tpu.memory_space<hbm>>) dst(%dma_wait3A_506 : memref<4096xi32, #tpu.memory_space<vmem>>)
        %mul3A_509 = arith.constant 4096 : i32
        %mul3A_510 = arith.muli %add3A_451, %mul3A_509 : i32
        %lt3A_511 = arith.cmpi slt, %mul3A_510, %reduce_sum3A_285 : i32
        %add3A_512 = arith.constant 1 : i32
        %add3A_513 = arith.addi %add3A_451, %add3A_512 : i32
        %mul3A_514 = arith.constant 4096 : i32
        %mul3A_515 = arith.muli %add3A_513, %mul3A_514 : i32
        %gt3A_516 = arith.cmpi sgt, %mul3A_515, %reduce_sum3A_341 : i32
        %or3A_517 = arith.ori %lt3A_511, %gt3A_516 : i1
        %convert_element_type3A_518 = arith.extui %or3A_517 : i1 to i32
        %cond3A_519 = arith.constant 0 : i32
        %cond3A_520 = arith.cmpi ne, %convert_element_type3A_518, %cond3A_519 : i32
        scf.if %cond3A_520 {
          %parallel_loop3A = arith.constant 0 : i32
          %parallel_loop3A_521 = arith.constant 256 : i32
          %parallel_loop3A_522 = arith.constant 1 : i32
          scf.for %parallel_loop3A_523 = %parallel_loop3A to %parallel_loop3A_521 step %parallel_loop3A_522  : i32 {
            %parallel_loop3A_524 = arith.constant 16 : i32
            %parallel_loop3A_525 = arith.muli %parallel_loop3A_523, %parallel_loop3A_524 : i32
            %parallel_loop3A_526 = arith.index_cast %parallel_loop3A_525 : i32 to index
            %parallel_loop3A_527 = tpu.vector_load %arg17[%parallel_loop3A_526] {strides = array<i32>} : memref<4096xi32, #tpu.memory_space<vmem>>, vector<16xi32>,
            %parallel_loop3A_528 = arith.constant 1 : i32
            %parallel_loop3A_529 = vector.broadcast %parallel_loop3A_528 : i32 to vector<16xi32>
            %parallel_loop3A_530 = arith.shrui %parallel_loop3A_527, %parallel_loop3A_529 : vector<16xi32>
            %parallel_loop3A_531 = tpu.vector_load_idx %arg13[%parallel_loop3A_530] : memref<50000xi32, #tpu.memory_space<vmem>>[vector<16xi32>], vector<16xi32>,
            %parallel_loop3A_532 = arith.constant 1 : i32
            %parallel_loop3A_533 = vector.broadcast %parallel_loop3A_532 : i32 to vector<16xi32>
            %parallel_loop3A_534 = arith.andi %parallel_loop3A_527, %parallel_loop3A_533 : vector<16xi32>
            %parallel_loop3A_535 = arith.constant 4 : i32
            %parallel_loop3A_536 = vector.broadcast %parallel_loop3A_535 : i32 to vector<16xi32>
            %parallel_loop3A_537 = arith.shli %parallel_loop3A_534, %parallel_loop3A_536 : vector<16xi32>
            %parallel_loop3A_538 = arith.shrui %parallel_loop3A_531, %parallel_loop3A_537 : vector<16xi32>
            %parallel_loop3A_539 = arith.constant 16 : i32
            %parallel_loop3A_540 = vector.broadcast %parallel_loop3A_539 : i32 to vector<16xi32>
            %parallel_loop3A_541 = arith.shli %parallel_loop3A_538, %parallel_loop3A_540 : vector<16xi32>
            %parallel_loop3A_542 = vector.bitcast %parallel_loop3A_541 : vector<16xi32> to vector<16xf32>
            %parallel_loop3A_543 = arith.constant 16 : i32
            %parallel_loop3A_544 = arith.addi %parallel_loop3A_543, %parallel_loop3A_525 : i32
            %parallel_loop3A_545 = arith.index_cast %parallel_loop3A_544 : i32 to index
            %parallel_loop3A_546 = tpu.vector_load %arg19[%parallel_loop3A_545] {strides = array<i32>} : memref<4128xi32, #tpu.memory_space<vmem>>, vector<16xi32>,
            %parallel_loop3A_547 = arith.constant 16 : i32
            %parallel_loop3A_548 = arith.addi %parallel_loop3A_547, %parallel_loop3A_525 : i32
            %parallel_loop3A_549 = arith.constant 1 : i32
            %parallel_loop3A_550 = arith.subi %parallel_loop3A_548, %parallel_loop3A_549 : i32
            %parallel_loop3A_551 = arith.index_cast %parallel_loop3A_550 : i32 to index
            %parallel_loop3A_552 = tpu.vector_load %arg19[%parallel_loop3A_551] {strides = array<i32>} : memref<4128xi32, #tpu.memory_space<vmem>>, vector<16xi32>,
            %parallel_loop3A_553 = arith.constant 16 : i32
            %parallel_loop3A_554 = arith.addi %parallel_loop3A_553, %parallel_loop3A_525 : i32
            %parallel_loop3A_555 = arith.constant 1 : i32
            %parallel_loop3A_556 = arith.addi %parallel_loop3A_554, %parallel_loop3A_555 : i32
            %parallel_loop3A_557 = arith.index_cast %parallel_loop3A_556 : i32 to index
            %parallel_loop3A_558 = tpu.vector_load %arg19[%parallel_loop3A_557] {strides = array<i32>} : memref<4128xi32, #tpu.memory_space<vmem>>, vector<16xi32>,
            %parallel_loop3A_559 = vector.broadcast %mul3A_343 : i32 to vector<16xi32>
            %parallel_loop3A_560 = arith.subi %parallel_loop3A_546, %parallel_loop3A_559 : vector<16xi32>
            %parallel_loop3A_561 = arith.index_cast %parallel_loop3A_525 : i32 to index
            %parallel_loop3A_562 = tpu.vector_load %arg18[%parallel_loop3A_561] {strides = array<i32>} : memref<4096xf32, #tpu.memory_space<vmem>>, vector<16xf32>,
            %parallel_loop3A_563 = arith.mulf %parallel_loop3A_542, %parallel_loop3A_562 : vector<16xf32>
            %parallel_loop3A_564 = vector.bitcast %parallel_loop3A_560 : vector<16xi32> to vector<16xi32>
            %parallel_loop3A_565 = vector.broadcast %while3A_428 : i32 to vector<16xi32>
            %parallel_loop3A_566 = arith.cmpi ult, %parallel_loop3A_564, %parallel_loop3A_565 : vector<16xi32>
            %parallel_loop3A_567 = arith.constant 0.000000e+00 : f32
            %parallel_loop3A_568 = vector.broadcast %parallel_loop3A_567 : f32 to vector<16xf32>
            %parallel_loop3A_569 = arith.select %parallel_loop3A_566, %parallel_loop3A_563, %parallel_loop3A_568 : vector<16xi1>, vector<16xf32>
            %parallel_loop3A_570 = arith.constant true
            %parallel_loop3A_571 = vector.broadcast %parallel_loop3A_570 : i1 to vector<16xi1>
            %parallel_loop3A_572 = tpu.scan <sum>, %parallel_loop3A_569 masked %parallel_loop3A_571 : vector<16xf32>, vector<16xi1> -> vector<16xf32>
            %parallel_loop3A_573 = arith.subf %parallel_loop3A_572, %parallel_loop3A_569 : vector<16xf32>
            %parallel_loop3A_574 = arith.cmpi ne, %parallel_loop3A_558, %parallel_loop3A_546 : vector<16xi32>
            %parallel_loop3A_575 = arith.ori %parallel_loop3A_574, %eq3A_5 : vector<16xi1>
            %parallel_loop3A_576 = arith.cmpi ne, %parallel_loop3A_552, %parallel_loop3A_546 : vector<16xi32>
            %parallel_loop3A_577 = arith.ori %parallel_loop3A_576, %eq3A_2 : vector<16xi1>
            %parallel_loop3A_578 = arith.constant 0.000000e+00 : f32
            %parallel_loop3A_579 = vector.broadcast %parallel_loop3A_578 : f32 to vector<16xf32>
            %parallel_loop3A_580 = arith.select %parallel_loop3A_575, %parallel_loop3A_572, %parallel_loop3A_579 : vector<16xi1>, vector<16xf32>
            %parallel_loop3A_581 = arith.constant 0.000000e+00 : f32
            %parallel_loop3A_582 = vector.broadcast %parallel_loop3A_581 : f32 to vector<16xf32>
            %parallel_loop3A_583 = arith.select %parallel_loop3A_577, %parallel_loop3A_573, %parallel_loop3A_582 : vector<16xi1>, vector<16xf32>
            %parallel_loop3A_584 = arith.subf %parallel_loop3A_580, %parallel_loop3A_583 : vector<16xf32>
            %parallel_loop3A_585 = arith.ori %parallel_loop3A_575, %parallel_loop3A_577 : vector<16xi1>
            %parallel_loop3A_586 = arith.andi %parallel_loop3A_585, %parallel_loop3A_566 : vector<16xi1>
            tpu.vector_store_idx %arg21[%parallel_loop3A_560], %parallel_loop3A_584 masked %parallel_loop3A_586 {add = true} : memref<4096xf32, #tpu.memory_space<vmem>>[vector<16xi32>], vector<16xf32>, vector<16xi1>
          } {sc.loop_unroll_factor = 8 : i64, sc.parallel_access}
        } else {
          %parallel_loop3A = arith.constant 0 : i32
          %parallel_loop3A_521 = arith.constant 256 : i32
          %parallel_loop3A_522 = arith.constant 1 : i32
          scf.for %parallel_loop3A_523 = %parallel_loop3A to %parallel_loop3A_521 step %parallel_loop3A_522  : i32 {
            %parallel_loop3A_524 = arith.constant 16 : i32
            %parallel_loop3A_525 = arith.muli %parallel_loop3A_523, %parallel_loop3A_524 : i32
            %parallel_loop3A_526 = arith.index_cast %parallel_loop3A_525 : i32 to index
            %parallel_loop3A_527 = tpu.vector_load %arg17[%parallel_loop3A_526] {strides = array<i32>} : memref<4096xi32, #tpu.memory_space<vmem>>, vector<16xi32>,
            %parallel_loop3A_528 = arith.constant 1 : i32
            %parallel_loop3A_529 = vector.broadcast %parallel_loop3A_528 : i32 to vector<16xi32>
            %parallel_loop3A_530 = arith.shrui %parallel_loop3A_527, %parallel_loop3A_529 : vector<16xi32>
            %parallel_loop3A_531 = tpu.vector_load_idx %arg13[%parallel_loop3A_530] : memref<50000xi32, #tpu.memory_space<vmem>>[vector<16xi32>], vector<16xi32>,
            %parallel_loop3A_532 = arith.constant 1 : i32
            %parallel_loop3A_533 = vector.broadcast %parallel_loop3A_532 : i32 to vector<16xi32>
            %parallel_loop3A_534 = arith.andi %parallel_loop3A_527, %parallel_loop3A_533 : vector<16xi32>
            %parallel_loop3A_535 = arith.constant 4 : i32
            %parallel_loop3A_536 = vector.broadcast %parallel_loop3A_535 : i32 to vector<16xi32>
            %parallel_loop3A_537 = arith.shli %parallel_loop3A_534, %parallel_loop3A_536 : vector<16xi32>
            %parallel_loop3A_538 = arith.shrui %parallel_loop3A_531, %parallel_loop3A_537 : vector<16xi32>
            %parallel_loop3A_539 = arith.constant 16 : i32
            %parallel_loop3A_540 = vector.broadcast %parallel_loop3A_539 : i32 to vector<16xi32>
            %parallel_loop3A_541 = arith.shli %parallel_loop3A_538, %parallel_loop3A_540 : vector<16xi32>
            %parallel_loop3A_542 = vector.bitcast %parallel_loop3A_541 : vector<16xi32> to vector<16xf32>
            %parallel_loop3A_543 = arith.constant 16 : i32
            %parallel_loop3A_544 = arith.addi %parallel_loop3A_543, %parallel_loop3A_525 : i32
            %parallel_loop3A_545 = arith.index_cast %parallel_loop3A_544 : i32 to index
            %parallel_loop3A_546 = tpu.vector_load %arg19[%parallel_loop3A_545] {strides = array<i32>} : memref<4128xi32, #tpu.memory_space<vmem>>, vector<16xi32>,
            %parallel_loop3A_547 = arith.constant 16 : i32
            %parallel_loop3A_548 = arith.addi %parallel_loop3A_547, %parallel_loop3A_525 : i32
            %parallel_loop3A_549 = arith.constant 1 : i32
            %parallel_loop3A_550 = arith.subi %parallel_loop3A_548, %parallel_loop3A_549 : i32
            %parallel_loop3A_551 = arith.index_cast %parallel_loop3A_550 : i32 to index
            %parallel_loop3A_552 = tpu.vector_load %arg19[%parallel_loop3A_551] {strides = array<i32>} : memref<4128xi32, #tpu.memory_space<vmem>>, vector<16xi32>,
            %parallel_loop3A_553 = arith.constant 16 : i32
            %parallel_loop3A_554 = arith.addi %parallel_loop3A_553, %parallel_loop3A_525 : i32
            %parallel_loop3A_555 = arith.constant 1 : i32
            %parallel_loop3A_556 = arith.addi %parallel_loop3A_554, %parallel_loop3A_555 : i32
            %parallel_loop3A_557 = arith.index_cast %parallel_loop3A_556 : i32 to index
            %parallel_loop3A_558 = tpu.vector_load %arg19[%parallel_loop3A_557] {strides = array<i32>} : memref<4128xi32, #tpu.memory_space<vmem>>, vector<16xi32>,
            %parallel_loop3A_559 = vector.broadcast %mul3A_343 : i32 to vector<16xi32>
            %parallel_loop3A_560 = arith.subi %parallel_loop3A_546, %parallel_loop3A_559 : vector<16xi32>
            %parallel_loop3A_561 = arith.index_cast %parallel_loop3A_525 : i32 to index
            %parallel_loop3A_562 = tpu.vector_load %arg18[%parallel_loop3A_561] {strides = array<i32>} : memref<4096xf32, #tpu.memory_space<vmem>>, vector<16xf32>,
            %parallel_loop3A_563 = arith.mulf %parallel_loop3A_542, %parallel_loop3A_562 : vector<16xf32>
            %parallel_loop3A_564 = arith.constant true
            %parallel_loop3A_565 = vector.broadcast %parallel_loop3A_564 : i1 to vector<16xi1>
            %parallel_loop3A_566 = tpu.scan <sum>, %parallel_loop3A_563 masked %parallel_loop3A_565 : vector<16xf32>, vector<16xi1> -> vector<16xf32>
            %parallel_loop3A_567 = arith.subf %parallel_loop3A_566, %parallel_loop3A_563 : vector<16xf32>
            %parallel_loop3A_568 = arith.cmpi ne, %parallel_loop3A_558, %parallel_loop3A_546 : vector<16xi32>
            %parallel_loop3A_569 = arith.ori %parallel_loop3A_568, %eq3A_5 : vector<16xi1>
            %parallel_loop3A_570 = arith.cmpi ne, %parallel_loop3A_552, %parallel_loop3A_546 : vector<16xi32>
            %parallel_loop3A_571 = arith.ori %parallel_loop3A_570, %eq3A_2 : vector<16xi1>
            %parallel_loop3A_572 = arith.constant 0.000000e+00 : f32
            %parallel_loop3A_573 = vector.broadcast %parallel_loop3A_572 : f32 to vector<16xf32>
            %parallel_loop3A_574 = arith.select %parallel_loop3A_569, %parallel_loop3A_566, %parallel_loop3A_573 : vector<16xi1>, vector<16xf32>
            %parallel_loop3A_575 = arith.constant 0.000000e+00 : f32
            %parallel_loop3A_576 = vector.broadcast %parallel_loop3A_575 : f32 to vector<16xf32>
            %parallel_loop3A_577 = arith.select %parallel_loop3A_571, %parallel_loop3A_567, %parallel_loop3A_576 : vector<16xi1>, vector<16xf32>
            %parallel_loop3A_578 = arith.subf %parallel_loop3A_574, %parallel_loop3A_577 : vector<16xf32>
            %parallel_loop3A_579 = arith.ori %parallel_loop3A_569, %parallel_loop3A_571 : vector<16xi1>
            tpu.vector_store_idx %arg21[%parallel_loop3A_560], %parallel_loop3A_578 masked %parallel_loop3A_579 {add = true} : memref<4096xf32, #tpu.memory_space<vmem>>[vector<16xi32>], vector<16xf32>, vector<16xi1>
          } {sc.loop_unroll_factor = 8 : i64, sc.parallel_access}
        }
      } else {
      }
      %while3A_492 = arith.constant 0 : i32
      scf.yield %while3A_492 : i32
    }
    %mul3A_441 = arith.constant 32768 : i32
    %mul3A_442 = arith.muli %add3A, %mul3A_441 : i32
    "tpu.region"() ({
      %run_scoped3A = tpu.sem_alloc : memref<!tpu.dma_semaphore, #tpu.memory_space<semaphore_mem>>
      %dma_start3A = tpu.memref_slice %arg12[%mul3A_442] : memref<1048576xf32, #tpu.memory_space<hbm>> -> memref<32768xf32, #tpu.memory_space<hbm>>
      %dma_start3A_445 = tpu.memref_slice %arg12[%mul3A_442] : memref<1048576xf32, #tpu.memory_space<hbm>> -> memref<32768xf32, #tpu.memory_space<hbm>>
      tpu.enqueue_dma source(%arg20 : memref<32768xf32, #tpu.memory_space<vmem>>) target(%dma_start3A_445 : memref<32768xf32, #tpu.memory_space<hbm>>) target_semaphore(%run_scoped3A : memref<!tpu.dma_semaphore, #tpu.memory_space<semaphore_mem>>)
      %dma_wait3A = tpu.memref_slice %arg12[%mul3A_442] : memref<1048576xf32, #tpu.memory_space<hbm>> -> memref<32768xf32, #tpu.memory_space<hbm>>
      %dma_wait3A_446 = tpu.memref_slice %arg12[%mul3A_442] : memref<1048576xf32, #tpu.memory_space<hbm>> -> memref<32768xf32, #tpu.memory_space<hbm>>
      tpu.wait_dma2 semaphore(%run_scoped3A : memref<!tpu.dma_semaphore, #tpu.memory_space<semaphore_mem>>) src(%arg20 : memref<32768xf32, #tpu.memory_space<vmem>>) dst(%dma_wait3A_446 : memref<32768xf32, #tpu.memory_space<hbm>>)
      tpu.yield
    }) : () -> ()
    %mul3A_443 = arith.constant 4096 : i32
    %mul3A_444 = arith.muli %add3A, %mul3A_443 : i32
    "tpu.region"() ({
      %run_scoped3A = tpu.sem_alloc : memref<!tpu.dma_semaphore, #tpu.memory_space<semaphore_mem>>
      %dma_start3A = tpu.memref_slice %arg11[%mul3A_444] : memref<131072xf32, #tpu.memory_space<hbm>> -> memref<4096xf32, #tpu.memory_space<hbm>>
      %dma_start3A_445 = tpu.memref_slice %arg11[%mul3A_444] : memref<131072xf32, #tpu.memory_space<hbm>> -> memref<4096xf32, #tpu.memory_space<hbm>>
      tpu.enqueue_dma source(%arg21 : memref<4096xf32, #tpu.memory_space<vmem>>) target(%dma_start3A_445 : memref<4096xf32, #tpu.memory_space<hbm>>) target_semaphore(%run_scoped3A : memref<!tpu.dma_semaphore, #tpu.memory_space<semaphore_mem>>)
      %dma_wait3A = tpu.memref_slice %arg11[%mul3A_444] : memref<131072xf32, #tpu.memory_space<hbm>> -> memref<4096xf32, #tpu.memory_space<hbm>>
      %dma_wait3A_446 = tpu.memref_slice %arg11[%mul3A_444] : memref<131072xf32, #tpu.memory_space<hbm>> -> memref<4096xf32, #tpu.memory_space<hbm>>
      tpu.wait_dma2 semaphore(%run_scoped3A : memref<!tpu.dma_semaphore, #tpu.memory_space<semaphore_mem>>) src(%arg21 : memref<4096xf32, #tpu.memory_space<vmem>>) dst(%dma_wait3A_446 : memref<4096xf32, #tpu.memory_space<hbm>>)
      tpu.yield
    }) : () -> ()
    return
  }
}

</mosaic_0001>

<sc_bundles>
// kernel: kernel.3.cloned.1.call-start
scs
__scs_entry_jumppad:
0x0: {  	(pc) =	sbr.rel $0x88, $3  }
0x1: {  	(tag) =	ssettag $0x0;
	lr =	simm.s32 $0x1  }
0x2: {  	[smem:$0x3F9A] =	sst lr;
	_ =	strace $0xD0000000  }
0x3: {  	_ = 	snop  }
0x4: {  	_ = 	snop  }
0x5: {  	_ = 	snop  }
0x6: {  	_ = 	snop  }
0x7: {  	_ = 	snop  }
__scs_overlays_trampoline_lowered:
0x8: {  	[smem:$0x3FA9] =	sst s0  }
0x9: {  	[smem:$0x3FAA] =	sst s1  }
0xa: {  	[smem:$0x3FAB] =	sst s2  }
0xb: {  	[smem:$0x3FAC] =	sst s3  }
0xc: {  	[smem:$0x3FAD] =	sst s4  }
0xd: {  	[smem:$0x3FAE] =	sst s5  }
0xe: {  	[smem:$0x3FAF] =	sst s6  }
0xf: {  	[smem:$0x3FB0] =	sst s7  }
0x10: {  	[smem:$0x3FB1] =	sst s8  }
0x11: {  	[smem:$0x3FB2] =	sst s9;
	s0 =	simm.s32 @!p0 $0x0  }
0x12: {  	s1 =	sld [smem:$0x3F98];
	s0 =	simm.s32 @p0 $0x1  }
0x13: {  	[smem:$0x3FB3] =	sst s0;
	s0 =	simm.s32 @!p1 $0x0  }
0x14: {  	s2 =	sld [smem:$0x3F97];
	s0 =	simm.s32 @p1 $0x1  }
0x15: {  	[smem:$0x3FB4] =	sst s0;
	s0 =	simm.s32 @!p2 $0x0  }
0x16: {  	s3 =	sld [smem:$0x3FDB];
	s0 =	simm.s32 @p2 $0x1  }
0x17: {  	s4 =	simm.s32 $0x1BF5;
	[smem:$0x3FB6] =	sst s0  }
0x18: {  	s0 =	sld [smem:$0x3F99];
	_ =	swait.ge [sflag:s4], $0x0  }
0x19: {  	s7 =	sld [smem:$0x3F9A]  }
0x1a: {  	s8 =	sadd.s32 $0xFFFFE003, lr  }
0x1b: {  	s9 =	sadd.s32 $0xFFFFFEF7, lr;
	s5 =	simm.s32 $0xFFFFFFFF;
	p2 =	slt.u32 s8, $0xFFFFF086  }
0x1c: {  	p1 =	slt.u32 s9, $0xF7A;
	s5 =	simm.s32 @!p2 $0x0  }
0x1d: {  	s5 =	simm.s32 @p1 $0x1;
	p0 =	seq.s32 s7, s2  }
0x1e: {  	s7 =	smul.u32 @!p0 $0xF7A, s2;
	p2 =	seq.s32 @!p0 s5, $0x0  }
0x1f: {  	s9 =	smul.u32 $0xF7A, s1;
	s8 =	simm.s32 @!p0 $0x1BF5;
	p2 =	por !p2, p0  }
0x20: {  	[sflag:s8] =	ssyncset.s32 @!p0 $0xFFFFF086;
	s6 =	sadd.s32 @!p0 s3, s7;
	s7 =	simm.s32 @!p0 $0x108  }
0x21: {  	s3 =	sadd.s32 s3, s9;
	s6 =	sadd.s32 @!p0 $0x88, s6;
	s7 =	simm.s32 @p2 $0x1082  }
0x22: {  	[simem:s7], [sflag:s8] =	dma.local @!p0 [hbm:s6], $0xF7A  }
0x23: {  	s9 =	sor.u32 $0xD0000000, s2;
	s6 =	simm.s32 $0x108;
	_ =	swait.ge @!p0 [sflag:s8], $0x0  }
0x24: {  	s3 =	sadd.s32 $0x88, s3;
	s6 =	simm.s32 @!p1 $0x1082;
	[sflag:s4] =	ssyncset.s32 $0xFFFFF086  }
0x25: {  	[simem:s6], [sflag:s4] =	dma.local [hbm:s3], $0xF7A  }
0x26: {  	[smem:$0x3F9A] =	sst s1;
	(tag) =	ssettag s2;
	_ =	strace s9  }
0x27: {  	s1 =	sld [smem:$0x3FAA]  }
0x28: {  	s2 =	sld [smem:$0x3FAB]  }
0x29: {  	s4 =	sld [smem:$0x3FAD]  }
0x2a: {  	p0 =	seq.s32 s5, $0x0;
	s5 =	sld [smem:$0x3FAE]  }
0x2b: {  	s6 =	sld [smem:$0x3FAF]  }
0x2c: {  	s7 =	sld [smem:$0x3FB0]  }
0x2d: {  	s3 =	simm.s32 $0x108;
	s8 =	sld [smem:$0x3FB1]  }
0x2e: {  	s3 =	simm.s32 @!p0 $0x1082;
	s9 =	sld [smem:$0x3FB2]  }
0x2f: {  	lr =	sadd.s32 s0, s3;
	s0 =	sld [smem:$0x3FA9]  }
0x30: {  	s3 =	sld [smem:$0x3FAC]  }
0x31: {  	[smem:$0x3FB5] =	sst s10  }
0x32: {  	s10 =	sld [smem:$0x3FB3];
	_ =	sdelay $0x3  }
0x33: {  	p0 =	seq.s32 s10, $0x1;
	s10 =	sld [smem:$0x3FB5];
	_ =	sdelay $0x3  }
0x34: {  	[smem:$0x3FB5] =	sst s10  }
0x35: {  	s10 =	sld [smem:$0x3FB4];
	_ =	sdelay $0x3  }
0x36: {  	p1 =	seq.s32 s10, $0x1;
	s10 =	sld [smem:$0x3FB5];
	_ =	sdelay $0x3  }
0x37: {  	[smem:$0x3FB5] =	sst s10  }
0x38: {  	s10 =	sld [smem:$0x3FB6]  }
0x39: {  	_ = 	snop;
	(pc) =	sbr.ind lr, $3  }
0x3a: {  	_ = 	snop  }
0x3b: {  	_ = 	snop  }
0x3c: {  	p2 =	seq.s32 s10, $0x1;
	s10 =	sld [smem:$0x3FB5]  }
0x3d: {  	_ =	shalt  }
0x3e: {  	_ =	shalt  }
0x3f: {  	_ =	shalt  }
0x40: {  	_ =	shalt  }
0x41: {  	_ =	shalt  }
0x42: {  	_ =	shalt  }
0x43: {  	_ =	shalt  }
0x44: {  	_ =	shalt  }
0x45: {  	_ =	shalt  }
0x46: {  	_ =	shalt  }
0x47: {  	_ =	shalt  }
0x48: {  	_ =	shalt  }
0x49: {  	_ =	shalt  }
0x4a: {  	_ =	shalt  }
0x4b: {  	_ =	shalt  }
0x4c: {  	_ =	shalt  }
0x4d: {  	_ =	shalt  }
0x4e: {  	_ =	shalt  }
0x4f: {  	_ =	shalt  }
0x50: {  	_ =	shalt  }
0x51: {  	_ =	shalt  }
0x52: {  	_ =	shalt  }
0x53: {  	_ =	shalt  }
0x54: {  	_ =	shalt  }
0x55: {  	_ =	shalt  }
0x56: {  	_ =	shalt  }
0x57: {  	_ =	shalt  }
0x58: {  	_ =	shalt  }
0x59: {  	_ =	shalt  }
0x5a: {  	_ =	shalt  }
0x5b: {  	_ =	shalt  }
0x5c: {  	_ =	shalt  }
0x5d: {  	_ =	shalt  }
0x5e: {  	_ =	shalt  }
0x5f: {  	_ =	shalt  }
0x60: {  	_ =	shalt  }
0x61: {  	_ =	shalt  }
0x62: {  	_ =	shalt  }
0x63: {  	_ =	shalt  }
0x64: {  	_ =	shalt  }
0x65: {  	_ =	shalt  }
0x66: {  	_ =	shalt  }
0x67: {  	_ =	shalt  }
0x68: {  	_ =	shalt  }
0x69: {  	_ =	shalt  }
0x6a: {  	_ =	shalt  }
0x6b: {  	_ =	shalt  }
0x6c: {  	_ =	shalt  }
0x6d: {  	_ =	shalt  }
0x6e: {  	_ =	shalt  }
0x6f: {  	_ =	shalt  }
0x70: {  	_ =	shalt  }
0x71: {  	_ =	shalt  }
0x72: {  	_ =	shalt  }
0x73: {  	_ =	shalt  }
0x74: {  	_ =	shalt  }
0x75: {  	_ =	shalt  }
0x76: {  	_ =	shalt  }
0x77: {  	_ =	shalt  }
0x78: {  	_ =	shalt  }
0x79: {  	_ =	shalt  }
0x7a: {  	_ =	shalt  }
0x7b: {  	_ =	shalt  }
0x7c: {  	_ =	shalt  }
0x7d: {  	_ =	shalt  }
0x7e: {  	_ =	shalt  }
0x7f: {  	_ =	shalt  }
0x80: {  	_ =	shalt  }
0x81: {  	_ =	shalt  }
0x82: {  	_ =	shalt  }
0x83: {  	_ =	shalt  }
0x84: {  	_ =	shalt  }
0x85: {  	_ =	shalt  }
0x86: {  	_ =	shalt  }
0x87: {  	_ =	shalt  }
.Lfunc_end0:
.L_simem_size_0:
called_computation_lowered:
.L_overlay_start_0:
0x88: {  	s2 =	sld [smem:$0x3FD9]  }
0x89: {  	s3 =	sld [smem:$0x3FFE];
	_ =	sdelay $0x1  }
0x8a: {  	s1 =	srdreg.scid  }
0x8b: {  	s0 =	sand.u32 $0x1, s1  }
0x8c: {  	s17 =	sshll.u32 s0, $0xA;
	s2 =	sadd.s32 s3, s2  }
0x8d: {  	s2 =	sadd.s32 s2, s17  }
0x8e: {  	[smem:$0x3FC1] =	sst s2  }
0x8f: {  	_ = 	snop  }
0x90: {  	s2 =	sld [smem:$0x3FC9]  }
0x91: {  	s18 =	sld [smem:$0x3FC8]  }
0x92: {  	s4 =	sld [smem:$0x3FC7]  }
0x93: {  	s5 =	sld [smem:$0x3FC6]  }
0x94: {  	s6 =	sld [smem:$0x3FC5]  }
0x95: {  	s7 =	sld [smem:$0x3FC4]  }
0x96: {  	s8 =	sld [smem:$0x3FD0];
	(tm) =	ssettm $0x1  }
0x97: {  	s9 =	sld [smem:$0x3FFB];
	_ =	sdelay $0x3  }
0x98: {  	_ =	strace s9  }
0x99: {  	s9 =	sld [smem:$0x3FFC];
	_ =	sdelay $0x3  }
0x9a: {  	_ =	strace s9  }
0x9b: {  	s9 =	sld [smem:$0x3FFD];
	_ =	sdelay $0x3  }
0x9c: {  	_ =	strace s9  }
0x9d: {  	_ =	strace $0x8FFFFFFF  }
0x9e: {  	s19 =	sld [smem:$0x3FDB];
	_ =	sdelay $0x1  }
0x9f: {  	s10 =	simm.s32 $_scs_section_size  }
0xa0: {  	s11 =	simm.s32 $_size__tile_overlayer_lowered;
	s12 =	simm.s32 $_tile_overlayer_lowered  }
0xa1: {  	s22 =	simm.s32 $0x1BFF;
	s21 =	sshll.u32 s12, $0x1;
	s9 =	sadd.s32 s10, s19  }
0xa2: {  	s13 =	simm.s32 $0x0;
	s20 =	sshll.u32 s11, $0x1;
	s11 =	sadd.s32 s21, s9  }
0xa3: {  	[timem:s13], [sflag:s22] =	dma.local [hbm:s11], s20  }
0xa4: {  	_ =	swait.ge [sflag:s22], s20  }
0xa5: {  	s10 =	ssub.s32 $0x0, s20;
	[sflag:s22] =	ssyncset.done $0x0  }
0xa6: {  	[sflag:s22] =	ssyncadd.s32 s10;
	_ =	sdelay $0x1  }
0xa7: {  	s23 =	simm.s32 $0x1B8B  }
0xa8: {  	_ =	swait.ge [sflag:s23], $0x1  }
0xa9: {  	[sflag:s23] =	ssyncset.done $0x0  }
0xaa: {  	s25 =	simm.s32 $0x1B8E;
	s24 =	sld [smem:$0x3FFE];
	[sflag:s23] =	ssyncadd.s32 $0xFFFFFFFF  }
0xab: {  	s26 =	simm.s32 $execute0_lowered;
	[smem:$0x3FD2] =	sst s25  }
0xac: {  	s11 =	sshll.u32 s26, $0x1;
	_ =	strace $0x80000046;
	[dreg:$0x1] =	wrdreg $0xFFFFFFFF  }
0xad: {  	s28 =	simm.s32 $_size_execute0_lowered;
	s9 =	sadd.s32 s9, s11;
	[dreg:$0x0] =	wrdreg $0x0  }
0xae: {  	s11 =	sshll.u32 s28, $0x1;
	[dreg:$0x2] =	wrdreg s9  }
0xaf: {  	[dreg:$0x3] =	wrdreg s11  }
0xb0: {  	[dreg:$0x4] =	wrdreg $0xC0  }
0xb1: {  	_ =	task [dreg:s13], $0x5FFFF  }
0xb2: {  	[dreg:$0x1] =	wrdreg $0xFFFFFFFF  }
0xb3: {  	[dreg:$0x0] =	wrdreg $0x60  }
0xb4: {  	[dreg:$0x2] =	wrdreg s2  }
0xb5: {  	[dreg:$0x3] =	wrdreg s4  }
0xb6: {  	[dreg:$0x4] =	wrdreg s18  }
0xb7: {  	[dreg:$0x5] =	wrdreg s5  }
0xb8: {  	[dreg:$0x6] =	wrdreg s7  }
0xb9: {  	[dreg:$0x7] =	wrdreg s6  }
0xba: {  	[dreg:$0x8] =	wrdreg s24  }
0xbb: {  	[dreg:$0x9] =	wrdreg s8  }
0xbc: {  	[dreg:$0xa] =	wrdreg $0x9  }
0xbd: {  	_ =	task.clear_ibuf [dreg:s13], $0xBFFFF;
	_ =	strace $0x90000046  }
0xbe: {  	s29 =	simm.s32 $0x9;
	_ =	strace $0x80000048  }
0xbf: {  	_ =	swait.ge [sflag:s29], $0x1  }
0xc0: {  	[sflag:s29] =	ssyncadd.s32 $0xFFFFFFFF  }
0xc1: {  	_ =	strace $0x90000048  }
0xc2: {  	_ =	sfence  }
0xc3: {  	s30 =	sld [smem:$0x0];
	_ =	sdelay $0x2  }
0xc4: {  	s31 =	sshll.u32 s1, $0xD;
	s1 =	sshrl.u32 s1, $0x2  }
0xc5: {  	s3 =	sand.u32 $0x4000, s31;
	s1 =	sadd.s32 s1, s30  }
0xc6: {  	s0 =	sor.u32 s3, s0;
	s1 =	sshll.u32 s1, $0x11  }
0xc7: {  	s0 =	sor.u32 s1, s0  }
0xc8: {  	s0 =	sadd.s32 $0x8F2B, s0  }
0xc9: {  	[sflag:s0] =	ssyncadd.remote.s32 $0x1  }
0xca: {  	_ =	sfence.sel $0xFFFF  }
0xcb: {  	[dreg:$0x0] =	wrdreg $0xFFFFFFFF;
	(pc) =	sbr.abs _section_cstart, $3  }
0xcc: {  	[dreg:$0x1] =	wrdreg $0xFFFFFFFF  }
0xcd: {  	_ =	task.clear_ibuf [dreg:s13], $0x2FFFF;
	_ =	strace $0x9FFFFFFF  }
0xce: {  	(tm) =	ssettm $0x7FFFFFFF  }
0xcf: {  	_ =	shalt  }
tec
execute0_lowered:
.L_overlay_start_1:
0x0: {  	(tag) =	ssettag $0x1  }
0x1: {  	s0 =	rddreg [dreg:$0x0]  }
0x2: {  	s1 =	rddreg [dreg:$0x1]  }
0x3: {  	s2 =	rddreg [dreg:$0x2]  }
0x4: {  	s4 =	rddreg [dreg:$0x3]  }
0x5: {  	s5 =	rddreg [dreg:$0x4]  }
0x6: {  	s6 =	rddreg [dreg:$0x5];
	s7 =	srdreg.scid  }
0x7: {  	s3 =	rddreg [dreg:$0x6];
	s7 =	sand.u32 $0x1, s7  }
0x8: {  	s9 =	simm.s32 $0x0;
	s15 =	stileid.u32;
	s10 =	sshll.u32 s7, $0x4  }
0x9: {  	s17 =	simm.s32 $0x3;
	s7 =	ssub.s32 $0x2, s7;
	s8 =	sor.u32 s15, s10  }
0xa: {  	s20 =	simm.s32 $0x1;
	s13 =	sshrl.u32 s7, $0x1;
	s14 =	sadd.s32 $0x1, s8  }
0xb: {  	s7 =	ssub.s32 s7, s13;
	s13 =	sand.u32 $0x30, s14;
	s14 =	sand.u32 $0xF, s14  }
0xc: {  	v5 =	vlaneseq.u32;
	s21 =	simm.s32 $0x12480;
	s22 =	simm.s32 $0x2;
	s23 =	simm.s32 $0x1A480;
	v4 =	vmov s14  }
.Ltmp0:
0xd: {  	s24 =	simm.s32 $0x0;
	[smem:$0x7FF] =	sst s9;
	v3 =	vmov s15;
	vm0 =	veq.s32 v4, v5;
	v4 =	vimm.s32 $0x0;
	(pc) =	sbr.rel .LBB2_1-.Ltmp0, $4  }
0xe: {  	s11 =	sadd.s32 $0x2C00, s3;
	s12 =	sadd.s32 $0x4600, s3;
	_ =	strace $0x80000047;
	vm7 =	veq.s32 v3, v5;
	v3 =	vimm.s32 $0x0;
	v4 =	vsel vm0, $0xFFFFFFFF, v4  }
0xf: {  	vm12 =	vmmov $0x1;
	[dreg:$0x9] =	wrdreg s11;
	v3 =	vsel vm7, $0xFFFFFFFF, v3;
	s31 =	sshll.u32 s8, $0x9;
	s16 =	sshll.u32 s8, $0xC;
	[tilespmem:$0x1FFD0] =	vst v4;
	v4 =	vimm.s32 $0x0  }
0x10: {  	v2 =	vimm.f32 $0.0e+00;
	vm9 =	vcmask $0x3F3C;
	s8 =	sshll.u32 s8, $0xF;
	[tilespmem:$0x1FFE0] =	vst v3;
	s11 =	sadd.s32 s31, s3;
	s3 =	sadd.s32 s16, s3;
	v4 =	vsel vm12, $0xFFFFFFFF, v4  }
0x11: {  	v3 =	vimm.s32 $0xFFFFFFFF;
	v0 =	vmov s8;
	v1 =	vmov s16;
	s16 =	smax.u32 s7, $0x1;
	s14 =	sadd.s32 $0x8800, s3;
	s15 =	sadd.s32 $0x4800, s11;
	[tilespmem:$0x1FFF0] =	vst v4  }
.LBB2_39:
0x12: {  	[hbm4b:s14+s9] =	stream.linear.scatter [tilespmem:s21], [sflag:$0x3], $0x8000, $0x38;
	[tilespmem:$0x1B580] =	vst v63  }
0x13: {  	s24 =	sadd.s32 $0x1, s24;
	_ =	swait.ge [sflag:s17], $0x8000  }
0x14: {  	p0 =	sne.s32 s24, s16;
	[sflag:s17] =	ssyncset.done $0x0  }
.Ltmp1:
0x15: {  	[sflag:s17] =	ssyncadd.s32 $0xFFFF8000;
	(pc) =	sbr.rel @!p0 .LBB2_40-.Ltmp1, $4  }
0x16: {  	[hbm4b:s15+s9] =	stream.linear.scatter [tilespmem:s23], [sflag:$0x3], $0x1000, $0x38;
	[tilespmem:$0x1B580] =	vst v63  }
0x17: {  	_ =	swait.ge [sflag:s17], $0x1000  }
0x18: {  	[sflag:s17] =	ssyncset.done $0x0  }
0x19: {  	[sflag:s17] =	ssyncadd.s32 $0xFFFFF000  }
.LBB2_1:
0x1a: {  	s3 =	rddreg [dreg:$0x9]  }
0x1b: {  	[tilespmem:s9], [sflag:$0x3] =	stream.linear.gather [hbm4b:s3+s9], $0xC380, $0x38;
	[tilespmem:$0x1B580] =	vst v63  }
0x1c: {  	_ =	swait.ge [sflag:s17], $0xC380  }
0x1d: {  	[sflag:s17] =	ssyncset.done $0x0  }
0x1e: {  	[sflag:s17] =	ssyncadd.s32 $0xFFFF3C80  }
0x1f: {  	s7 =	simm.s32 $0x1B480;
	s30 =	rddreg [dreg:$0x7]  }
0x20: {  	[tilespmem:s7], [sflag:$0x3] =	stream.linear.gather [hbm4b:s30+s9], $0x80, $0x38;
	[tilespmem:$0x1B580] =	vst v63  }
0x21: {  	_ =	swait.ge [sflag:s17], $0x80  }
0x22: {  	[sflag:s17] =	ssyncset.done $0x0  }
0x23: {  	s31 =	simm.s32 $0x1B500;
	[sflag:s17] =	ssyncadd.s32 $0xFFFFFF80  }
0x24: {  	[tilespmem:s31], [sflag:$0x3] =	stream.linear.gather [hbm4b:s12+s9], $0x80, $0x38;
	[tilespmem:$0x1B580] =	vst v63  }
0x25: {  	_ =	swait.ge [sflag:s17], $0x80  }
0x26: {  	[sflag:s17] =	ssyncset.done $0x0  }
0x27: {  	s3 =	simm.s32 $0x0;
	[sflag:s17] =	ssyncadd.s32 $0xFFFFFF80  }
.LBB2_2:
0x28: {  	p0 =	sne.s32 s3, $0x1FFC0  }
.Ltmp2:
0x29: {  	_ = 	snop;
	(pc) =	sbr.rel @p0 .LBB2_2-.Ltmp2, $3  }
0x2a: {  	_ =	sdelay $0x1  }
0x2b: {  	s7 =	sshra.s32 s3, $0x2  }
0x2c: {  	s3 =	sadd.s32 $0x40, s3;
	[tilespmem:s7+$0x12480] =	vst v2  }
0x2d: {  	s3 =	simm.s32 $0x40;
	s7 =	simm.s32 $0x0  }
.LBB2_4:
0x2e: {  	p0 =	sne.s32 s3, $0x3FC0;
	[tilespmem:s7+$0x1A480] =	vst v2;
	s7 =	smov.u32 s3;
	s3 =	sadd.s32 $0x40, s3  }
.Ltmp3:
0x2f: {  	(pc) =	sbr.rel @p0 .LBB2_4-.Ltmp3, $2  }
0x30: {  	_ =	sdelay $0x2  }
0x31: {  	s7 =	sshra.s32 s7, $0x2  }
0x32: {  	[tilespmem:s7+$0x1A480] =	vst v2  }
0x33: {  	[tilespmem:$0xE380] =	vst v3  }
0x34: {  	[tilespmem:$0xF390] =	vst v3  }
0x35: {  	[tilespmem:$0x11400] =	vst v3  }
0x36: {  	v6 =	vld [tilespmem:$0x1FFE0];
	[tilespmem:$0x12410] =	vst v3  }
0x37: {  	v4 =	vld [tilespmem:s10+$0x1B500];
	_ =	sdelay $0x3  }
0x38: {  	vm0 =	vnez.u8 v6  }
0x39: {  	v4 =	vnsel vm0, $0x0, v4  }
0x3a: {  	(xrf0) =	vadd.scan.msk.s32 $0xffff, v4;
	v4 =	vld [tilespmem:$0x1FFD0]  }
0x3b: {  	v5 =	vld [tilespmem:s13+$0x1B500];
	_ =	sdelay $0x3  }
0x3c: {  	vm7 =	vnez.u8 v4  }
0x3d: {  	v4 =	vnsel vm7, $0x0, v5  }
0x3e: {  	(xrf0) =	vadd.scan.msk.s32 $0xffff, v4;
	_ =	sdelay $0x3  }
0x3f: {  	v4, _, _ =	vpop (xrf0)  }
0x40: {  	(v2sf) =	vpush v4, $0xF  }
0x41: {  	v4, _, _ =	vpop (xrf0)  }
0x42: {  	(v2sf) =	vpush v4, $0xF;
	_ =	sdelay $0xc  }
0x43: {  	s25 =	spop (v2sf)  }
0x44: {  	s3 =	sshra.s32 s25, $0x1F;
	s11 =	sand.u32 $0xFFF, s25;
	p0 =	slt.s32 s25, $0x1  }
0x45: {  	s3 =	sshrl.u32 s3, $0x14;
	p1 =	sne.s32 s11, $0x0;
	s26 =	spop (v2sf)  }
0x46: {  	s11 =	simm.s32 $0x1;
	s3 =	sadd.s32 s3, s25;
	s8 =	sadd.s32 $0xFFF, s26  }
0x47: {  	p0 =	por !p0, !p1;
	s3 =	sshra.s32 s3, $0xC;
	s18 =	sand.u32 $0xFFF, s8  }
0x48: {  	p4 =	slt.s32 s8, $0x1;
	s19 =	sshra.s32 s8, $0x1F;
	p2 =	sne.s32 s18, $0x0  }
0x49: {  	p0 =	por !p0, !p0;
	s7 =	sshrl.u32 s19, $0x14;
	p1 =	por !p4, !p2  }
0x4a: {  	s7 =	sadd.s32 s7, s8;
	s8 =	simm.s32 $0x1;
	p1 =	por !p1, !p1  }
0x4b: {  	s11 =	simm.s32 @!p0 $0x0;
	s7 =	sshra.s32 s7, $0xC;
	s8 =	simm.s32 @!p1 $0x0  }
0x4c: {  	s28 =	ssub.s32 s3, s11;
	s29 =	ssub.s32 s7, s8  }
0x4d: {  	s3 =	ssub.s32 s29, s28  }
0x4e: {  	p0 =	slt.s32 s3, $0x1  }
0x4f: {  	s7 =	sshll.u32 @!p0 s28, $0x9  }
0x50: {  	s7 =	sand.u32 @!p0 $0x1FFFFE00, s7  }
0x51: {  	s11 =	simm.s32 @!p0 $0x0;
	s18 =	simm.s32 @!p0 $0xC380;
	s8 =	sadd.s32 @!p0 s5, s7  }
0x52: {  	[tilespmem:s18], [sflag:$0x1] =	stream.linear.gather @!p0 [hbm4b:s8+s11], $0x1000, $0x38;
	[tilespmem:$0x1B580] =	vst v63  }
0x53: {  	s8 =	sadd.s32 @!p0 s4, s7;
	s18 =	simm.s32 @!p0 $0xD380  }
0x54: {  	[tilespmem:s18], [sflag:$0x1] =	stream.linear.gather @!p0 [hbm4b:s8+s11], $0x1000, $0x38;
	[tilespmem:$0x1B580] =	vst v63  }
0x55: {  	s7 =	sadd.s32 @!p0 s6, s7;
	s8 =	simm.s32 @!p0 $0xE390  }
0x56: {  	[tilespmem:s8], [sflag:$0x1] =	stream.linear.gather @!p0 [hbm4b:s7+s11], $0x1000, $0x38;
	[tilespmem:$0x1B580] =	vst v63  }
0x57: {  	s11 =	sadd.s32 $0x1, s3  }
0x58: {  	s18 =	sand.u32 $0x1, s11  }
0x59: {  	p5 =	slt.s32 s3, $0x0;
	p6 =	seq.s32 s18, $0x1  }
0x5a: {  	s19 =	sshrl.u32 s11, $0x1F;
	p0 =	por !p5, !p6  }
0x5b: {  	s7 =	simm.s32 $0x1;
	s3 =	sadd.s32 s19, s11;
	p0 =	por !p0, !p0  }
0x5c: {  	s3 =	sshra.s32 s3, $0x1;
	s7 =	simm.s32 @!p0 $0x0  }
0x5d: {  	s30 =	ssub.s32 s3, s7  }
0x5e: {  	p0 =	slt.s32 s30, $0x1  }
.Ltmp4:
0x5f: {  	_ = 	snop;
	(pc) =	sbr.rel @!p0 .LBB2_6-.Ltmp4, $2  }
0x60: {  	_ =	sdelay $0x2  }
0x61: {  	s31 =	simm.s32 $0x0  }
.LBB2_22:
0x62: {  	v6 =	vld [tilespmem:$0x1FFE0]  }
0x63: {  	v4 =	vld [tilespmem:s10+$0x1B480];
	_ =	sdelay $0x3  }
0x64: {  	vm0 =	vnez.u8 v6  }
0x65: {  	v4 =	vnsel vm0, $0x0, v4  }
0x66: {  	(xrf0) =	vadd.scan.msk.s32 $0xffff, v4;
	v4 =	vld [tilespmem:$0x1FFD0]  }
0x67: {  	v5 =	vld [tilespmem:s13+$0x1B480];
	_ =	sdelay $0x3  }
0x68: {  	vm7 =	vnez.u8 v4  }
0x69: {  	v4 =	vnsel vm7, $0x0, v5  }
0x6a: {  	(xrf0) =	vadd.scan.msk.s32 $0xffff, v4;
	_ =	sdelay $0x3  }
0x6b: {  	v4, _, _ =	vpop (xrf0)  }
0x6c: {  	(v2sf) =	vpush v4, $0xF  }
0x6d: {  	v4, _, _ =	vpop (xrf0)  }
0x6e: {  	(v2sf) =	vpush v4, $0xF;
	_ =	sdelay $0xc  }
0x6f: {  	s25 =	spop (v2sf)  }
0x70: {  	s11 =	simm.s32 $0x1;
	s3 =	sshra.s32 s25, $0x1F;
	s7 =	sand.u32 $0xFFF, s25  }
0x71: {  	p0 =	slt.s32 s25, $0x1;
	s3 =	sshrl.u32 s3, $0x14;
	s26 =	spop (v2sf)  }
0x72: {  	p1 =	sne.s32 s7, $0x0;
	s3 =	sadd.s32 s3, s25;
	s8 =	sadd.s32 $0xFFF, s26  }
0x73: {  	p0 =	por !p0, !p1;
	s3 =	sshra.s32 s3, $0xC;
	s18 =	sand.u32 $0xFFF, s8  }
0x74: {  	p4 =	slt.s32 s8, $0x1;
	s19 =	sshra.s32 s8, $0x1F;
	p2 =	sne.s32 s18, $0x0  }
0x75: {  	p0 =	por !p0, !p0;
	s7 =	sshrl.u32 s19, $0x14;
	p1 =	por !p4, !p2  }
0x76: {  	s7 =	sadd.s32 s7, s8;
	s8 =	simm.s32 $0x1;
	p1 =	por !p1, !p1  }
0x77: {  	s11 =	simm.s32 @!p0 $0x0;
	s7 =	sshra.s32 s7, $0xC;
	s8 =	simm.s32 @!p1 $0x0  }
0x78: {  	s28 =	ssub.s32 s3, s11;
	s29 =	ssub.s32 s7, s8  }
0x79: {  	s3 =	ssub.s32 s29, s28  }
0x7a: {  	p0 =	slt.s32 s3, $0x1  }
0x7b: {  	s7 =	sshll.u32 @!p0 s28, $0x9  }
0x7c: {  	s7 =	sand.u32 @!p0 $0x1FFFFE00, s7  }
0x7d: {  	s11 =	simm.s32 @!p0 $0x0;
	s18 =	simm.s32 @!p0 $0xC380;
	s8 =	sadd.s32 @!p0 s1, s7  }
0x7e: {  	[tilespmem:s18], [sflag:$0x1] =	stream.linear.gather @!p0 [hbm4b:s8+s11], $0x1000, $0x38;
	[tilespmem:$0x1B580] =	vst v63  }
0x7f: {  	s8 =	sadd.s32 @!p0 s0, s7;
	s18 =	simm.s32 @!p0 $0xD380  }
0x80: {  	[tilespmem:s18], [sflag:$0x1] =	stream.linear.gather @!p0 [hbm4b:s8+s11], $0x1000, $0x38;
	[tilespmem:$0x1B580] =	vst v63  }
0x81: {  	s7 =	sadd.s32 @!p0 s2, s7;
	s8 =	simm.s32 @!p0 $0xE390  }
0x82: {  	[tilespmem:s8], [sflag:$0x1] =	stream.linear.gather @!p0 [hbm4b:s7+s11], $0x1000, $0x38;
	[tilespmem:$0x1B580] =	vst v63  }
0x83: {  	s11 =	sadd.s32 $0x1, s3  }
0x84: {  	s18 =	sand.u32 $0x1, s11  }
0x85: {  	p5 =	slt.s32 s3, $0x0;
	p6 =	seq.s32 s18, $0x1  }
0x86: {  	s19 =	sshrl.u32 s11, $0x1F;
	p0 =	por !p5, !p6  }
0x87: {  	s7 =	simm.s32 $0x1;
	s3 =	sadd.s32 s19, s11;
	p0 =	por !p0, !p0  }
0x88: {  	s3 =	sshra.s32 s3, $0x1;
	s7 =	simm.s32 @!p0 $0x0  }
0x89: {  	s30 =	ssub.s32 s3, s7  }
0x8a: {  	p0 =	slt.s32 s30, $0x1  }
.Ltmp5:
0x8b: {  	_ = 	snop;
	(pc) =	sbr.rel @!p0 .LBB2_23-.Ltmp5, $4  }
.Ltmp6:
0x8c: {  	_ = 	snop;
	(pc) =	sbr.rel @p0 .LBB2_39-.Ltmp6, $4  }
0x8d: {  	_ = 	snop  }
0x8e: {  	_ = 	snop  }
0x8f: {  	s31 =	simm.s32 $0x0  }
0x90: {  	_ = 	snop  }
.LBB2_17:
0x91: {  	v26 =	vld [tilespmem:$0x1FDE0]  }
0x92: {  	v54 =	vld [tilespmem:$0x1FDF0]  }
0x93: {  	v55 =	vld [tilespmem:$0x1FE00]  }
0x94: {  	vm2 =	vmor vm2, vm11;
	vm3 =	vmor vm3, vm12;
	vm11 =	vmor vm13, vm14;
	v56 =	vld [tilespmem:$0x1FE10]  }
0x95: {  	vm1 =	vmor vm15, vm1;
	vm4 =	vmor vm4, vm6;
	v4 =	vor.u32 v5, v4;
	v5 =	vld [tilespmem:$0x1FE20]  }
0x96: {  	v6 =	vand.u32 $0x7F, v6;
	vm7 =	vmor vm0, vm7;
	vm6 =	vnez.u8 v26  }
0x97: {  	v57 =	vand.u32 $0x7F, v9;
	v59 =	vld [tilespmem:$0x1FE30];
	vm2 =	vmand vm6, vm2;
	vm6 =	vnez.u8 v54  }
0x98: {  	v58 =	vand.u32 $0x7F, v14;
	v60 =	vld [tilespmem:$0x1FE40];
	vm3 =	vmand vm6, vm3;
	vm6 =	vnez.u8 v55  }
0x99: {  	v6 =	vor.u32 v6, v17;
	vm6 =	vmand vm6, vm11;
	vm11 =	vnez.u8 v56  }
0x9a: {  	vm1 =	vmand vm11, vm1;
	vm11 =	vnez.u8 v5;
	v5 =	vand.u32 $0x7F, v7  }
0x9b: {  	v8 =	vand.u32 $0x7F, v8;
	v9 =	vor.u32 v58, v19;
	v5 =	vor.u32 v5, v16  }
0x9c: {  	v7 =	vor.u32 v57, v18;
	vm4 =	vmand vm11, vm4;
	vm11 =	vnez.u8 v59  }
0x9d: {  	vm12 =	vnez.u8 v60;
	vm7 =	vmand vm11, vm7;
	vm11 =	vmor vm5, vm8  }
0x9e: {  	v10 =	vand.u32 $0x7F, v10;
	v8 =	vor.u32 v8, v20;
	vm11 =	vmand vm12, vm11;
	[tilespmem:v4+s21+$0x0] =	vst.idx.add.f32.msk vm2, v11;
	v4, _, _ =	vpop (xrf2)  }
0x9f: {  	v10 =	vor.u32 v10, v21;
	[tilespmem:v6+s21+$0x0] =	vst.idx.add.f32.msk vm3, v15;
	v61 =	vsub.f32 v4, v25  }
0xa0: {  	v62 =	vnsel vm0, $0x0, v24;
	[tilespmem:v5+s21+$0x0] =	vst.idx.add.f32.msk vm6, v13;
	v5 =	vsub.f32 v22, v27  }
0xa1: {  	v63 =	vsub.f32 v23, v62;
	v4 =	vnsel vm8, $0x0, v4;
	v6 =	vnsel vm5, $0x0, v61;
	[tilespmem:v7+s21+$0x0] =	vst.idx.add.f32.msk vm1, v12  }
0xa2: {  	v4 =	vsub.f32 v4, v6;
	[tilespmem:v9+s21+$0x0] =	vst.idx.add.f32.msk vm4, v5  }
0xa3: {  	[tilespmem:v8+s21+$0x0] =	vst.idx.add.f32.msk vm7, v63  }
0xa4: {  	[tilespmem:v10+s21+$0x0] =	vst.idx.add.f32.msk vm11, v4  }
0xa5: {  	v4 =	vld [tilespmem:$0x1FFF0];
	_ =	sdelay $0x4  }
0xa6: {  	vm12 =	vnez.u8 v4  }
.LBB2_21:
0xa7: {  	s31 =	sadd.s32 $0x1, s31  }
0xa8: {  	p0 =	sne.s32 s31, s30  }
.Ltmp7:
0xa9: {  	_ = 	snop;
	(pc) =	sbr.rel @!p0 .LBB2_22-.Ltmp7, $1  }
0xaa: {  	_ =	sdelay $0x3  }
.LBB2_6:
0xab: {  	s3 =	sshll.u32 s31, $0x1  }
0xac: {  	s3 =	sadd.s32 s28, s3  }
0xad: {  	s7 =	sadd.s32 $0x1, s3  }
0xae: {  	p0 =	sge.s32 s7, s29  }
0xaf: {  	s8 =	sshll.u32 @!p0 s7, $0x9  }
0xb0: {  	s8 =	sand.u32 @!p0 $0x1FFFFE00, s8  }
0xb1: {  	s18 =	simm.s32 @!p0 $0x0;
	s19 =	simm.s32 @!p0 $0xF400;
	s11 =	sadd.s32 @!p0 s5, s8  }
0xb2: {  	[tilespmem:s19], [sflag:$0x2] =	stream.linear.gather @!p0 [hbm4b:s11+s18], $0x1000, $0x38;
	[tilespmem:$0x1B580] =	vst v63  }
0xb3: {  	s11 =	sadd.s32 @!p0 s4, s8;
	s19 =	simm.s32 @!p0 $0x10400  }
0xb4: {  	[tilespmem:s19], [sflag:$0x2] =	stream.linear.gather @!p0 [hbm4b:s11+s18], $0x1000, $0x38;
	[tilespmem:$0x1B580] =	vst v63  }
0xb5: {  	s8 =	sadd.s32 @!p0 s6, s8;
	s11 =	simm.s32 @!p0 $0x11410  }
0xb6: {  	[tilespmem:s11], [sflag:$0x2] =	stream.linear.gather @!p0 [hbm4b:s8+s18], $0x1000, $0x38;
	[tilespmem:$0x1B580] =	vst v63  }
0xb7: {  	s19 =	sshll.u32 s3, $0xC;
	_ =	swait.ge [sflag:s20], $0x1000  }
0xb8: {  	p1 =	slt.s32 s19, s25;
	s8 =	sshll.u32 s7, $0xC;
	[sflag:s20] =	ssyncset.done $0x0  }
0xb9: {  	p2 =	sle.s32 @!p1 s8, s26;
	[sflag:s20] =	ssyncadd.s32 $0xFFFFF000  }
0xba: {  	p2 =	por p1, !p2;
	_ =	swait.ge [sflag:s20], $0x1000  }
.Ltmp8:
0xbb: {  	[sflag:s20] =	ssyncset.done $0x0;
	(pc) =	sbr.rel @p2 .LBB2_7-.Ltmp8, $4  }
0xbc: {  	[sflag:s20] =	ssyncadd.s32 $0xFFFFF000  }
0xbd: {  	_ =	swait.ge [sflag:s20], $0x1000  }
0xbe: {  	s19 =	simm.s32 $0xFFFFFFF8;
	s7 =	simm.s32 $0xE3C1;
	[sflag:s20] =	ssyncset.done $0x0  }
0xbf: {  	s18 =	simm.s32 $0xD3C0;
	s11 =	simm.s32 $0xC3C0;
	[sflag:s20] =	ssyncadd.s32 $0xFFFFF000  }
0xc0: {  	v4 =	vld [tilespmem:s11+$0x30]  }
0xc1: {  	v5 =	vld [tilespmem:s11+$0xFFFFFFD0]  }
0xc2: {  	v6 =	vld [tilespmem:s11+$0xFFFFFFE0]  }
0xc3: {  	v7 =	vld [tilespmem:s11+$0xFFFFFFF0]  }
0xc4: {  	v8 =	vld [tilespmem:s11+$0x0]  }
0xc5: {  	v12 =	vld [tilespmem:s11+$0xFFFFFFC0];
	v9 =	vshrl.u32 v4, $0x1  }
0xc6: {  	v10 =	vld [tilespmem:s11+$0x10]  }
0xc7: {  	v14 =	vld [tilespmem:s11+$0x20];
	v11 =	vshrl.u32 v5, $0x1  }
0xc8: {  	v20 =	vld [tilespmem:s18+$0x30];
	v13 =	vshrl.u32 v6, $0x1  }
0xc9: {  	v21 =	vld [tilespmem:s7+$0x3F];
	v15 =	vshrl.u32 v7, $0x1  }
0xca: {  	v18 =	vshrl.u32 v12, $0x1;
	v9 =	vld.idx.msk [tilespmem:v9+s9+$0x0], $0xffff  }
0xcb: {  	v22 =	vld [tilespmem:s7+$0x3E];
	v16 =	vshrl.u32 v8, $0x1  }
0xcc: {  	v17 =	vshrl.u32 v10, $0x1;
	v11 =	vld.idx.msk [tilespmem:v11+s9+$0x0], $0xffff  }
0xcd: {  	v19 =	vshrl.u32 v14, $0x1;
	v4 =	vshll.u32 v4, $0x4;
	v13 =	vld.idx.msk [tilespmem:v13+s9+$0x0], $0xffff  }
0xce: {  	v4 =	vand.u32 $0x10, v4;
	v15 =	vld.idx.msk [tilespmem:v15+s9+$0x0], $0xffff  }
0xcf: {  	v4 =	vshrl.u32 v9, v4;
	v9 =	vld.idx.msk [tilespmem:v18+s9+$0x0], $0xffff  }
0xd0: {  	v16 =	vld.idx.msk [tilespmem:v16+s9+$0x0], $0xffff  }
0xd1: {  	v5 =	vshll.u32 v5, $0x4;
	v6 =	vshll.u32 v6, $0x4;
	v17 =	vld.idx.msk [tilespmem:v17+s9+$0x0], $0xffff;
	v4 =	vshll.u32 v4, $0x10  }
0xd2: {  	v7 =	vshll.u32 v7, $0x4;
	v12 =	vshll.u32 v12, $0x4;
	v18 =	vld.idx.msk [tilespmem:v19+s9+$0x0], $0xffff;
	v4 =	vmul.f32 v4, v20  }
0xd3: {  	v8 =	vshll.u32 v8, $0x4;
	v10 =	vshll.u32 v10, $0x4;
	v12 =	vand.u32 $0x10, v12;
	v19 =	vld [tilespmem:s18+$0xFFFFFFC0]  }
0xd4: {  	v14 =	vshll.u32 v14, $0x4;
	vm1 =	vne.s32 v22, v21;
	(xrf2) =	vadd.scan.msk.f32 $0xffff, v4;
	v9 =	vshrl.u32 v9, v12;
	v12 =	vld [tilespmem:s7+$0x40]  }
0xd5: {  	v5 =	vand.u32 $0x10, v5;
	v6 =	vand.u32 $0x10, v6;
	v7 =	vand.u32 $0x10, v7;
	v20 =	vld [tilespmem:s18+$0xFFFFFFD0]  }
0xd6: {  	v8 =	vand.u32 $0x10, v8;
	v10 =	vand.u32 $0x10, v10;
	v14 =	vand.u32 $0x10, v14  }
0xd7: {  	vm1 =	vmor vm1, vm12;
	v5 =	vshrl.u32 v11, v5;
	v6 =	vshrl.u32 v13, v6;
	v11 =	vld [tilespmem:s18+$0xFFFFFFE0]  }
0xd8: {  	v13 =	vld [tilespmem:s18+$0xFFFFFFF0];
	v7 =	vshrl.u32 v15, v7;
	v8 =	vshrl.u32 v16, v8;
	v10 =	vshrl.u32 v17, v10  }
0xd9: {  	v15 =	vld [tilespmem:s18+$0x0];
	v5 =	vshll.u32 v5, $0x10;
	v9 =	vshll.u32 v9, $0x10;
	vm0 =	vne.s32 v12, v21  }
0xda: {  	v9 =	vmul.f32 v9, v19;
	v5 =	vmul.f32 v5, v20;
	v19 =	vld [tilespmem:s7+$0xFFFFFFCE];
	vm0 =	vmor vm0, vm9  }
0xdb: {  	v20 =	vimm.s32 $0x0;
	v12 =	vshrl.u32 v18, v14;
	v14 =	vld [tilespmem:s7+$0xFFFFFFCF];
	vm2 =	vmor vm1, vm0  }
0xdc: {  	v16 =	vld [tilespmem:s18+$0x10];
	v6 =	vshll.u32 v6, $0x10;
	v7 =	vshll.u32 v7, $0x10;
	(xrf2) =	vadd.scan.msk.f32 $0xffff, v9;
	v20 =	vsel vm2, $0xFFFFFFFF, v20  }
0xdd: {  	v17 =	vld [tilespmem:s18+$0x20];
	v8 =	vshll.u32 v8, $0x10;
	v10 =	vshll.u32 v10, $0x10;
	v18 =	vsub.s32 v21, v0;
	[tilespmem:$0x1FEB0] =	vst v20  }
0xde: {  	v23 =	vmul.f32 v6, v11;
	(xrf2) =	vadd.scan.msk.f32 $0xffff, v5;
	v18 =	vand.u32 $0xFFFFFF80, v18;
	v20 =	vand.u32 $0x7F, v21;
	v21, _, _ =	vpop (xrf2);
	v22 =	vld [tilespmem:s7+$0xFFFFFFD0]  }
0xdf: {  	v15 =	vmul.f32 v8, v15;
	v4 =	vsub.f32 v21, v4;
	v18 =	vor.u32 v20, v18;
	v11 =	vld [tilespmem:s7+$0xFFFFFFDF]  }
0xe0: {  	(xrf2) =	vadd.scan.msk.f32 $0xffff, v23;
	v20 =	vmul.f32 v7, v13;
	v13 =	vld [tilespmem:s7+$0xFFFFFFDE];
	v6 =	vnsel vm0, $0x0, v21;
	vm0 =	vne.s32 v19, v14  }
0xe1: {  	v8 =	vimm.s32 $0x0;
	v4 =	vnsel vm1, $0x0, v4;
	vm1 =	vmor vm0, vm12  }
0xe2: {  	v16 =	vmul.f32 v10, v16;
	v10 =	vld [tilespmem:s7+$0xFFFFFFE0];
	v8 =	vsel vm1, $0xFFFFFFFF, v8  }
0xe3: {  	v7 =	vsub.s32 v14, v0;
	v21 =	vsub.f32 v6, v4;
	v4 =	vld [tilespmem:s7+$0xFFFFFFEF];
	[tilespmem:$0x1FEC0] =	vst v8  }
0xe4: {  	v6 =	vand.u32 $0xFFFFFF80, v7;
	v7 =	vand.u32 $0x7F, v14;
	vm2 =	vne.s32 v22, v14;
	v14 =	vld [tilespmem:s7+$0xFFFFFFEE]  }
0xe5: {  	v12 =	vshll.u32 v12, $0x10;
	(xrf2) =	vadd.scan.msk.f32 $0xffff, v20;
	vm0 =	vne.s32 v13, v11;
	v13 =	vld [tilespmem:s7+$0xFFFFFFF0]  }
0xe6: {  	v17 =	vmul.f32 v12, v17;
	v19, _, _ =	vpop (xrf2);
	v12 =	vsub.s32 v11, v0;
	v24 =	vld [tilespmem:s7+$0xFFFFFFFF]  }
0xe7: {  	v8 =	vand.u32 $0x7F, v11;
	v22 =	vsub.f32 v19, v9;
	vm4 =	vne.s32 v10, v11;
	v26 =	vld [tilespmem:s7+$0xF]  }
0xe8: {  	v25, _, _ =	vpop (xrf2);
	v28 =	vld [tilespmem:s7+$0x10];
	vm7 =	vmor vm2, vm9;
	vm3 =	vmor vm0, vm12;
	vm4 =	vmor vm4, vm9  }
0xe9: {  	(xrf2) =	vadd.scan.msk.f32 $0xffff, v15;
	v5 =	vsub.f32 v25, v5;
	v19 =	vnsel vm7, $0x0, v19;
	v10 =	vnsel vm1, $0x0, v22;
	v22 =	vld [tilespmem:s7+$0xFFFFFFFE]  }
0xea: {  	v11 =	vsub.f32 v19, v10;
	v19 =	vnsel vm4, $0x0, v25;
	v25 =	vld [tilespmem:s7+$0x0];
	vm0 =	vne.s32 v14, v4;
	v14, _, _ =	vpop (xrf2)  }
0xeb: {  	vm5 =	vmmov vm9;
	s19 =	simm.s32 $0xC440;
	v29 =	vld [tilespmem:s7+$0x20];
	v9 =	vand.u32 $0xFFFFFF80, v12;
	v23 =	vsub.f32 v14, v23  }
0xec: {  	(xrf2) =	vadd.scan.msk.f32 $0xffff, v16;
	v34 =	vld [tilespmem:s19+$0xFFFFFFE0];
	v12 =	vsub.s32 v4, v0;
	v5 =	vnsel vm3, $0x0, v5;
	vm1 =	vne.s32 v13, v4  }
0xed: {  	v10 =	vand.u32 $0xFFFFFF80, v12;
	v12 =	vand.u32 $0x7F, v4;
	v4 =	vld [tilespmem:s7+$0xE];
	vm10 =	vmor vm1, vm5  }
0xee: {  	v13 =	vsub.f32 v19, v5;
	v19 =	vld [tilespmem:s7+$0x1F];
	vm9 =	vmor vm0, vm12;
	v5 =	vnsel vm10, $0x0, v14  }
0xef: {  	vm0 =	vne.s32 v22, v24;
	v22 =	vld [tilespmem:s7+$0x1E];
	v14 =	vnsel vm9, $0x0, v23;
	vm1 =	vne.s32 v25, v24;
	v23, _, _ =	vpop (xrf2)  }
0xf0: {  	v32 =	vld [tilespmem:s7+$0x30];
	vm14 =	vmor vm1, vm5;
	v20 =	vsub.f32 v23, v20  }
0xf1: {  	(xrf2) =	vadd.scan.msk.f32 $0xffff, v17;
	vm2 =	vmor vm0, vm12;
	v14 =	vsub.f32 v5, v14;
	v5 =	vnsel vm14, $0x0, v23;
	v23 =	vld [tilespmem:s7+$0x2F]  }
0xf2: {  	vm0 =	vne.s32 v4, v26;
	v4 =	vnsel vm2, $0x0, v20;
	v20 =	vld [tilespmem:s7+$0x2E]  }
0xf3: {  	v39 =	vld [tilespmem:$0x1FEB0];
	vm6 =	vne.s32 v28, v26;
	v37 =	vshrl.u32 v34, $0x1;
	vm8 =	vne.s32 v29, v19;
	v28, _, _ =	vpop (xrf2)  }
0xf4: {  	vm1 =	vmor vm0, vm12;
	v30 =	vsub.f32 v28, v15;
	vm0 =	vne.s32 v22, v19  }
0xf5: {  	vm6 =	vmor vm6, vm5;
	vm13 =	vmor vm8, vm5;
	v22 =	vld [tilespmem:s19+$0x30];
	vm11 =	vmor vm0, vm12  }
0xf6: {  	v15 =	vsub.f32 v5, v4;
	v4 =	vnsel vm6, $0x0, v28;
	v5 =	vnsel vm1, $0x0, v30;
	v28, _, _ =	vpop (xrf2)  }
0xf7: {  	v29 =	vld [tilespmem:s19+$0xFFFFFFD0];
	v30 =	vsub.f32 v28, v16;
	vm8 =	vne.s32 v32, v23;
	vm0 =	vne.s32 v20, v23  }
0xf8: {  	v48 =	vld [tilespmem:s19+$0x10];
	vm15 =	vmor vm0, vm12;
	vm0 =	vmor vm8, vm5;
	vm8 =	vnez.u8 v39  }
0xf9: {  	v38 =	vld [tilespmem:s19+$0x20];
	v25 =	vsub.s32 v26, v0;
	v16 =	vsub.f32 v4, v5  }
0xfa: {  	v4 =	vnsel vm13, $0x0, v28;
	v28 =	vld [tilespmem:s19+$0xFFFFFFF0];
	v5 =	vnsel vm11, $0x0, v30;
	v30 =	vshrl.u32 v22, $0x1  }
0xfb: {  	v36 =	vand.u32 $0xFFFFFF80, v25;
	v25 =	vld [tilespmem:s19+$0xFFFFFFC0];
	v20, _, _ =	vpop (xrf2)  }
0xfc: {  	v37 =	vld.idx.msk [tilespmem:v37+s9+$0x0], $0xffff;
	v35 =	vshrl.u32 v29, $0x1;
	v4 =	vsub.f32 v4, v5;
	v5 =	vsub.f32 v20, v17  }
0xfd: {  	v40 =	vimm.s32 $0x0;
	v27 =	vsub.s32 v24, v0;
	v17 =	vld [tilespmem:s19+$0x0]  }
0xfe: {  	vm2 =	vmor vm2, vm14;
	v20 =	vnsel vm0, $0x0, v20;
	v5 =	vnsel vm15, $0x0, v5;
	[tilespmem:v18+s21+$0x0] =	vst.idx.add.f32.msk vm8, v21  }
0xff: {  	v18 =	vand.u32 $0x7F, v24;
	v21 =	vand.u32 $0x7F, v26;
	v24 =	vshrl.u32 v28, $0x1;
	v26 =	vld.idx.msk [tilespmem:v30+s9+$0x0], $0xffff  }
0x100: {  	v50 =	vshrl.u32 v38, $0x1;
	v40 =	vsel vm2, $0xFFFFFFFF, v40;
	v5 =	vsub.f32 v20, v5;
	v20 =	vld [tilespmem:$0x1FEC0]  }
0x101: {  	v34 =	vshll.u32 v34, $0x4;
	v27 =	vand.u32 $0xFFFFFF80, v27;
	v31 =	vsub.s32 v19, v0;
	s7 =	simm.s32 $0xD440;
	v35 =	vld.idx.msk [tilespmem:v35+s9+$0x0], $0xffff;
	[tilespmem:$0x1FEF0] =	vst v40  }
0x102: {  	v49 =	vshrl.u32 v25, $0x1;
	v33 =	vsub.s32 v23, v0;
	v22 =	vshll.u32 v22, $0x4;
	v41 =	vld [tilespmem:s7+$0x30]  }
0x103: {  	v22 =	vand.u32 $0x10, v22;
	v30 =	vand.u32 $0x7F, v23;
	v23 =	vshrl.u32 v48, $0x1  }
0x104: {  	vm0 =	vmor vm15, vm0;
	v42 =	vld.idx.msk [tilespmem:v24+s9+$0x0], $0xffff;
	v24 =	vshll.u32 v28, $0x4;
	v22 =	vshrl.u32 v26, v22  }
0x105: {  	vm8 =	vnez.u8 v20;
	v20 =	vshrl.u32 v17, $0x1;
	v28 =	vand.u32 $0x10, v24  }
0x106: {  	v51 =	vld.idx.msk [tilespmem:v50+s9+$0x0], $0xffff;
	v22 =	vshll.u32 v22, $0x10;
	v24 =	vshll.u32 v38, $0x4;
	vm7 =	vmor vm8, vm7  }
0x107: {  	v44 =	vld [tilespmem:s7+$0xFFFFFFC0];
	vm8 =	vmor vm3, vm4;
	v52 =	vmul.f32 v22, v41;
	v54 =	vand.u32 $0x10, v24  }
0x108: {  	v43 =	vld.idx.msk [tilespmem:v23+s9+$0x0], $0xffff;
	vm4 =	vmor vm1, vm6;
	vm1 =	vmor vm11, vm13;
	v22 =	vimm.s32 $0x0  }
0x109: {  	v26 =	vld.idx.msk [tilespmem:v49+s9+$0x0], $0xffff;
	v24 =	vor.u32 v7, v6;
	v6 =	vimm.s32 $0x0;
	v22 =	vsel vm1, $0xFFFFFFFF, v22  }
0x10a: {  	v34 =	vand.u32 $0x10, v34;
	v31 =	vand.u32 $0xFFFFFF80, v31;
	v6 =	vsel vm0, $0xFFFFFFFF, v6;
	v20 =	vld.idx.msk [tilespmem:v20+s9+$0x0], $0xffff;
	[tilespmem:$0x1FED0] =	vst v22  }
0x10b: {  	s18 =	simm.s32 $0xE441;
	v19 =	vand.u32 $0x7F, v19;
	v25 =	vshll.u32 v25, $0x4;
	v29 =	vshll.u32 v29, $0x4;
	v45 =	vld [tilespmem:s7+$0xFFFFFFD0];
	[tilespmem:$0x1FEE0] =	vst v6  }
0x10c: {  	v55 =	vand.u32 $0x10, v25;
	v25 =	vor.u32 v8, v9;
	v23 =	vshll.u32 v48, $0x4;
	v8 =	vld [tilespmem:s18+$0x3F]  }
0x10d: {  	v29 =	vand.u32 $0x10, v29;
	v33 =	vand.u32 $0xFFFFFF80, v33;
	v53 =	vand.u32 $0x10, v23;
	v9 =	vld [tilespmem:s18+$0x3E]  }
0x10e: {  	v23 =	vor.u32 v12, v10;
	(xrf2) =	vadd.scan.msk.f32 $0xffff, v52;
	v12 =	vshrl.u32 v26, v55;
	v22 =	vor.u32 v18, v27;
	v18 =	vld [tilespmem:s18+$0x40]  }
0x10f: {  	v17 =	vshll.u32 v17, $0x4;
	v10 =	vshrl.u32 v37, v34;
	v12 =	vshll.u32 v12, $0x10;
	v26 =	vld [tilespmem:s7+$0xFFFFFFE0]  }
0x110: {  	v17 =	vand.u32 $0x10, v17;
	v27 =	vshrl.u32 v42, v28;
	v12 =	vmul.f32 v12, v44;
	v28 =	vld [tilespmem:s7+$0xFFFFFFF0]  }
0x111: {  	v7 =	vshrl.u32 v35, v29;
	v10 =	vshll.u32 v10, $0x10;
	v6 =	vor.u32 v19, v31;
	v29 =	vld [tilespmem:s7+$0x0]  }
0x112: {  	v19 =	vshll.u32 v7, $0x10;
	v7 =	vor.u32 v30, v33;
	v27 =	vshll.u32 v27, $0x10;
	v31 =	vld [tilespmem:s7+$0x10];
	(xrf2) =	vadd.scan.msk.f32 $0xffff, v12  }
0x113: {  	v30 =	vshrl.u32 v51, v54;
	v56 =	vld [tilespmem:s7+$0x20];
	v17 =	vshrl.u32 v20, v17;
	v20 =	vshrl.u32 v43, v53  }
0x114: {  	v17 =	vshll.u32 v17, $0x10;
	v20 =	vshll.u32 v20, $0x10;
	vm0 =	vne.s32 v18, v8;
	v18 =	vld [tilespmem:s18+$0xFFFFFFCF]  }
0x115: {  	v57 =	vld [tilespmem:s18+$0xFFFFFFCE];
	v19 =	vmul.f32 v19, v45;
	vm1 =	vne.s32 v9, v8;
	v9 =	vsub.s32 v8, v0  }
0x116: {  	v59 =	vld [tilespmem:s18+$0xFFFFFFD0];
	v8 =	vand.u32 $0x7F, v8;
	v60 =	vmul.f32 v10, v26;
	v61 =	vmul.f32 v27, v28  }
0x117: {  	v48 =	vld [tilespmem:s18+$0x0];
	v62 =	vmul.f32 v17, v29;
	vm0 =	vmor vm0, vm5;
	vm1 =	vmor vm1, vm12  }
0x118: {  	v27 =	vld [tilespmem:s18+$0xFFFFFFDE];
	v63 =	vmul.f32 v20, v31;
	v9 =	vand.u32 $0xFFFFFF80, v9;
	v58, _, _ =	vpop (xrf2);
	vm2 =	vmor vm1, vm0  }
0x119: {  	v29 =	vld [tilespmem:s18+$0xFFFFFFEF];
	(xrf2) =	vadd.scan.msk.f32 $0xffff, v19;
	v10 =	vsub.f32 v58, v52;
	v26 =	vor.u32 v8, v9;
	v20 =	vsub.s32 v18, v0  }
0x11a: {  	v8 =	vshll.u32 v30, $0x10;
	v30 =	vld [tilespmem:s18+$0xFFFFFFDF];
	(xrf2) =	vadd.scan.msk.f32 $0xffff, v60  }
0x11b: {  	vm9 =	vmor vm9, vm10;
	v49 =	vld [tilespmem:s18+$0xE];
	v9 =	vnsel vm0, $0x0, v58;
	(xrf2) =	vadd.scan.msk.f32 $0xffff, v61;
	v10 =	vnsel vm1, $0x0, v10  }
0x11c: {  	v45 =	vld [tilespmem:s18+$0xFFFFFFF0];
	v17 =	vmul.f32 v8, v56;
	v10 =	vsub.f32 v9, v10;
	v8 =	vand.u32 $0xFFFFFF80, v20;
	v20, _, _ =	vpop (xrf2);
	(xrf2) =	vadd.scan.msk.f32 $0xffff, v62  }
0x11d: {  	v28 =	vld [tilespmem:s18+$0xFFFFFFE0];
	vm0 =	vne.s32 v57, v18;
	v9 =	vand.u32 $0x7F, v18;
	vm1 =	vne.s32 v59, v18  }
0x11e: {  	vm10 =	vmor vm0, vm12;
	vm11 =	vmor vm1, vm5;
	[tilespmem:v26+s21+$0x0] =	vst.idx.add.f32.msk vm2, v10;
	v26 =	vsub.f32 v20, v12  }
0x11f: {  	v31 =	vld [tilespmem:s18+$0xFFFFFFEE];
	v18 =	vsub.s32 v30, v0;
	vm0 =	vne.s32 v27, v30;
	v27 =	vsub.s32 v29, v0  }
0x120: {  	v44 =	vnsel vm11, $0x0, v20;
	v12 =	vand.u32 $0xFFFFFF80, v18;
	v20 =	vld [tilespmem:s18+$0xFFFFFFFF];
	v18 =	vnsel vm10, $0x0, v26  }
0x121: {  	v26 =	vsub.f32 v44, v18;
	v18 =	vand.u32 $0xFFFFFF80, v27;
	v27 =	vld [tilespmem:s18+$0xF]  }
0x122: {  	v52 =	vld [tilespmem:s18+$0x10]  }
0x123: {  	[tilespmem:v24+s21+$0x0] =	vst.idx.add.f32.msk vm7, v11;
	vm3 =	vne.s32 v45, v29;
	vm1 =	vne.s32 v28, v30;
	v10 =	vand.u32 $0x7F, v30;
	v30, _, _ =	vpop (xrf2)  }
0x124: {  	vm14 =	vmor vm3, vm5;
	v28 =	vld [tilespmem:s18+$0xFFFFFFFE];
	vm13 =	vmor vm0, vm12;
	vm0 =	vmor vm1, vm5;
	v50, _, _ =	vpop (xrf2)  }
0x125: {  	vm1 =	vne.s32 v31, v29;
	v51 =	vsub.f32 v50, v60;
	v55, _, _ =	vpop (xrf2);
	vm3 =	vne.s32 v48, v20  }
0x126: {  	[tilespmem:v25+s21+$0x0] =	vst.idx.add.f32.msk vm8, v13;
	v56 =	vsub.f32 v55, v61;
	vm6 =	vmor vm3, vm5;
	vm3 =	vne.s32 v49, v27;
	v60, _, _ =	vpop (xrf2)  }
0x127: {  	[tilespmem:v23+s21+$0x0] =	vst.idx.add.f32.msk vm9, v14;
	vm15 =	vmor vm3, vm12;
	vm3 =	vne.s32 v52, v27;
	v61 =	vsub.f32 v60, v62  }
0x128: {  	v57 =	vld [tilespmem:s18+$0x20];
	vm2 =	vmor vm1, vm12;
	(xrf2) =	vadd.scan.msk.f32 $0xffff, v63;
	vm3 =	vmor vm3, vm5  }
0x129: {  	vm1 =	vne.s32 v28, v20;
	v28 =	vld [tilespmem:s18+$0x1F];
	v11 =	vnsel vm3, $0x0, v60;
	v13 =	vnsel vm15, $0x0, v61  }
0x12a: {  	v46 =	vsub.f32 v30, v19;
	v23 =	vsub.f32 v11, v13;
	v11 =	vld [tilespmem:$0x1FEF0]  }
0x12b: {  	(xrf2) =	vadd.scan.msk.f32 $0xffff, v17  }
0x12c: {  	v47 =	vnsel vm0, $0x0, v30;
	v31 =	vnsel vm13, $0x0, v46  }
0x12d: {  	v21 =	vor.u32 v21, v36;
	v54 =	vld [tilespmem:s18+$0x1E];
	v19 =	vand.u32 $0x7F, v29;
	v29 =	vsub.f32 v47, v31  }
0x12e: {  	v59 =	vld [tilespmem:s18+$0x2E];
	v31 =	vnsel vm14, $0x0, v50;
	v53 =	vnsel vm2, $0x0, v51;
	vm8 =	vne.s32 v57, v28  }
0x12f: {  	v32 =	vsub.f32 v31, v53;
	v31 =	vld [tilespmem:s18+$0x2F];
	vm9 =	vmor vm8, vm5;
	vm5 =	vnez.u8 v11  }
0x130: {  	vm1 =	vmor vm1, vm12;
	v62 =	vld [tilespmem:s18+$0x30]  }
0x131: {  	v30 =	vsub.s32 v20, v0;
	v34 =	vnsel vm6, $0x0, v55;
	v58 =	vnsel vm1, $0x0, v56  }
0x132: {  	v33 =	vsub.s32 v27, v0;
	v34 =	vsub.f32 v34, v58;
	vm7 =	vne.s32 v54, v28;
	v25, _, _ =	vpop (xrf2)  }
0x133: {  	v35 =	vsub.s32 v28, v0;
	vm7 =	vmor vm7, vm12;
	v63 =	vsub.f32 v25, v63  }
0x134: {  	v24 =	vsub.s32 v31, v0;
	vm8 =	vne.s32 v59, v31;
	v14 =	vnsel vm9, $0x0, v25;
	[tilespmem:v21+s21+$0x0] =	vst.idx.add.f32.msk vm4, v16  }
0x135: {  	s11 =	simm.s32 $0x8;
	s19 =	simm.s32 $0xC4C0;
	vm8 =	vmor vm8, vm12;
	v13 =	vnsel vm7, $0x0, v63;
	vm4 =	vne.s32 v62, v31;
	[tilespmem:v22+s21+$0x0] =	vst.idx.add.f32.msk vm5, v15;
	v15, _, _ =	vpop (xrf2)  }
.LBB2_11:
0x136: {  	v11 =	vmov v23;
	v23 =	vld [tilespmem:s19+$0xFFFFFFF0]  }
0x137: {  	v36 =	vsub.f32 v15, v17;
	v41 =	vld [tilespmem:$0x1FED0]  }
0x138: {  	vm0 =	vmor vm13, vm0;
	v50 =	vimm.s32 $0x0;
	v51 =	vimm.s32 $0x0  }
0x139: {  	v62 =	vnsel vm8, $0x0, v36;
	v36 =	vsel vm0, $0xFFFFFFFF, v50;
	vm0 =	vmor vm2, vm14  }
0x13a: {  	v38 =	vimm.s32 $0x0;
	[tilespmem:$0x1FE70] =	vst v36;
	v36 =	vsel vm0, $0xFFFFFFFF, v51;
	vm0 =	vmor vm1, vm6  }
0x13b: {  	v21 =	vld [tilespmem:s19+$0x30];
	v38 =	vsel vm0, $0xFFFFFFFF, v38  }
0x13c: {  	v17 =	vld [tilespmem:s19+$0xFFFFFFD0];
	v40 =	vshrl.u32 v23, $0x1;
	v23 =	vshll.u32 v23, $0x4;
	vm0 =	vnez.u8 v41  }
0x13d: {  	vm5 =	vcmask $0x3F3C;
	v54 =	vand.u32 $0x10, v23;
	v23 =	vld [tilespmem:$0x1FEE0]  }
0x13e: {  	v48 =	vld [tilespmem:s19+$0x10];
	vm4 =	vmor vm4, vm5  }
0x13f: {  	v37 =	vld [tilespmem:s19+$0x20];
	v25 =	vnsel vm4, $0x0, v15  }
0x140: {  	v63 =	vand.u32 $0xFFFFFF80, v24;
	v24 =	vsub.f32 v25, v62;
	v25 =	vld [tilespmem:s19+$0x0]  }
0x141: {  	v53 =	vld [tilespmem:s19+$0xFFFFFFC0];
	v49 =	vshrl.u32 v21, $0x1  }
0x142: {  	v52 =	vshrl.u32 v17, $0x1;
	[tilespmem:v6+s21+$0x0] =	vst.idx.add.f32.msk vm0, v4;
	vm0 =	vnez.u8 v23  }
0x143: {  	v22 =	vsub.f32 v14, v13;
	s7 =	sadd.s32 $0x80, s7;
	v16 =	vmov v26;
	v26 =	vand.u32 $0xFFFFFF80, v30;
	v30 =	vld [tilespmem:s19+$0xFFFFFFE0]  }
0x144: {  	s18 =	sadd.s32 $0x80, s18;
	v45 =	vld [tilespmem:s7+$0x30]  }
0x145: {  	v50 =	vld [tilespmem:s18+$0xE];
	v4 =	vmov v22;
	v22 =	vshll.u32 v25, $0x4  }
0x146: {  	v58 =	vshrl.u32 v53, $0x1;
	v55 =	vld.idx.msk [tilespmem:v49+s9+$0x0], $0xffff;
	v42 =	vand.u32 $0x10, v22;
	v22 =	vshll.u32 v48, $0x4  }
0x147: {  	v56 =	vld.idx.msk [tilespmem:v52+s9+$0x0], $0xffff;
	v6 =	vshrl.u32 v25, $0x1;
	v57 =	vand.u32 $0x10, v22;
	v22 =	vshll.u32 v37, $0x4  }
0x148: {  	v60 =	vand.u32 $0x10, v22;
	v22 =	vimm.s32 $0x0;
	[tilespmem:v7+s21+$0x0] =	vst.idx.add.f32.msk vm0, v5;
	vm0 =	vmor vm15, vm3  }
0x149: {  	v43 =	vshrl.u32 v37, $0x1;
	v39 =	vshrl.u32 v30, $0x1;
	v40 =	vld.idx.msk [tilespmem:v40+s9+$0x0], $0xffff;
	v22 =	vsel vm0, $0xFFFFFFFF, v22  }
0x14a: {  	v49 =	vld [tilespmem:s18+$0x0];
	v25 =	vor.u32 v9, v8;
	vm0 =	vmor vm7, vm9;
	[tilespmem:$0x1FEA0] =	vst v22;
	v22 =	vimm.s32 $0x0  }
0x14b: {  	v52 =	vld [tilespmem:s18+$0x10];
	v8 =	vimm.s32 $0x0;
	v22 =	vsel vm0, $0xFFFFFFFF, v22;
	vm0 =	vmor vm8, vm4  }
0x14c: {  	v21 =	vshll.u32 v21, $0x4;
	v5 =	vmovc v24;
	v24 =	vor.u32 v10, v12;
	v10 =	vld.idx.msk [tilespmem:v58+s9+$0x0], $0xffff;
	v8 =	vsel vm0, $0xFFFFFFFF, v8  }
0x14d: {  	v20 =	vand.u32 $0x7F, v20;
	[tilespmem:$0x1FEE0] =	vst v8;
	v8 =	vld.idx.msk [tilespmem:v6+s9+$0x0], $0xffff;
	v6 =	vand.u32 $0x10, v21  }
0x14e: {  	v23 =	vshll.u32 v53, $0x4;
	v59 =	vld.idx.msk [tilespmem:v39+s9+$0x0], $0xffff;
	v7 =	vshrl.u32 v48, $0x1;
	v6 =	vshrl.u32 v55, v6  }
0x14f: {  	v44 =	vand.u32 $0x10, v23;
	v23 =	vor.u32 v19, v18;
	v19 =	vld [tilespmem:s7+$0xFFFFFFC0];
	v12 =	vshll.u32 v6, $0x10  }
0x150: {  	v14 =	vmovc v29;
	v29 =	vand.u32 $0xFFFFFF80, v33;
	[tilespmem:$0x1FED0] =	vst v22;
	v22 =	vor.u32 v20, v26;
	v26 =	vld [tilespmem:s7+$0xFFFFFFD0];
	v12 =	vmul.f32 v12, v45  }
0x151: {  	v61 =	vand.u32 $0xFFFFFF80, v35;
	v28 =	vand.u32 $0x7F, v28;
	v17 =	vshll.u32 v17, $0x4;
	v18 =	vld.idx.msk [tilespmem:v43+s9+$0x0], $0xffff  }
0x152: {  	v17 =	vand.u32 $0x10, v17;
	v30 =	vshll.u32 v30, $0x4;
	v43 =	vld [tilespmem:s18+$0xFFFFFFD0];
	v10 =	vshrl.u32 v10, v44;
	(xrf2) =	vadd.scan.msk.f32 $0xffff, v12  }
0x153: {  	v30 =	vand.u32 $0x10, v30;
	v9 =	vld.idx.msk [tilespmem:v7+s9+$0x0], $0xffff;
	v7 =	vshrl.u32 v56, v17;
	v10 =	vshll.u32 v10, $0x10  }
0x154: {  	v17 =	vshll.u32 v7, $0x10;
	v7 =	vshrl.u32 v59, v30;
	v30 =	vld [tilespmem:s18+$0x40];
	v19 =	vmul.f32 v10, v19  }
0x155: {  	v27 =	vand.u32 $0x7F, v27;
	v6 =	vor.u32 v28, v61;
	v28 =	vld [tilespmem:s18+$0x3F];
	v61 =	vmul.f32 v17, v26  }
0x156: {  	v21 =	vor.u32 v27, v29;
	v29 =	vld [tilespmem:s18+$0x3E];
	(xrf2) =	vadd.scan.msk.f32 $0xffff, v19  }
0x157: {  	vm10 =	vmor vm10, vm11;
	v31 =	vand.u32 $0x7F, v31;
	v27 =	vshrl.u32 v40, v54;
	v10 =	vld [tilespmem:s7+$0xFFFFFFF0];
	(xrf2) =	vadd.scan.msk.f32 $0xffff, v61  }
0x158: {  	v18 =	vshrl.u32 v18, v60;
	v20 =	vshll.u32 v7, $0x10;
	v7 =	vor.u32 v31, v63;
	v31 =	vld [tilespmem:s7+$0xFFFFFFE0]  }
0x159: {  	v47 =	vimm.s32 $0x0;
	v27 =	vshll.u32 v27, $0x10;
	v63 =	vld [tilespmem:s18+$0xFFFFFFCE];
	v17 =	vshll.u32 v18, $0x10  }
0x15a: {  	v26 =	vld [tilespmem:s7+$0x10];
	v8 =	vshrl.u32 v8, v42;
	v9 =	vshrl.u32 v9, v57;
	vm0 =	vne.s32 v30, v28  }
0x15b: {  	v18 =	vld [tilespmem:s7+$0x0];
	vm1 =	vne.s32 v29, v28;
	v30 =	vsub.s32 v28, v0;
	v28 =	vand.u32 $0x7F, v28  }
0x15c: {  	v29 =	vld [tilespmem:s18+$0xFFFFFFCF];
	v44 =	vmul.f32 v27, v10;
	vm2 =	vmor vm0, vm5;
	vm1 =	vmor vm1, vm12;
	v42, _, _ =	vpop (xrf2)  }
0x15d: {  	v27 =	vld [tilespmem:s18+$0xFFFFFFEE];
	v30 =	vand.u32 $0xFFFFFF80, v30;
	vm0 =	vmor vm1, vm2;
	v12 =	vsub.f32 v42, v12  }
0x15e: {  	v9 =	vshll.u32 v9, $0x10;
	v31 =	vmul.f32 v20, v31;
	v20 =	vor.u32 v28, v30;
	v28 =	vld [tilespmem:s18+$0xFFFFFFDF]  }
0x15f: {  	v8 =	vshll.u32 v8, $0x10;
	v46 =	vmul.f32 v9, v26;
	v9 =	vnsel vm1, $0x0, v12;
	v12 =	vld [tilespmem:s18+$0xFFFFFFE0]  }
0x160: {  	v33 =	vsel vm10, $0xFFFFFFFF, v47;
	v45 =	vmul.f32 v8, v18;
	v18 =	vld [tilespmem:s18+$0xFFFFFFDE];
	v8 =	vnsel vm2, $0x0, v42;
	v26, _, _ =	vpop (xrf2)  }
0x161: {  	[tilespmem:$0x1FE60] =	vst v33;
	v30 =	vld [tilespmem:s18+$0xFFFFFFEF];
	v48, _, _ =	vpop (xrf2);
	v47 =	vsub.f32 v8, v9  }
0x162: {  	v15 =	vmov v32;
	v10 =	vsub.s32 v29, v0;
	v32 =	vsub.f32 v48, v61;
	v61 =	vld [tilespmem:$0x1FE60]  }
0x163: {  	vm1 =	vne.s32 v63, v29;
	[tilespmem:v20+s21+$0x0] =	vst.idx.add.f32.msk vm0, v47;
	v20 =	vsub.s32 v28, v0  }
0x164: {  	vm10 =	vmor vm1, vm12;
	vm1 =	vne.s32 v12, v28;
	v12 =	vand.u32 $0xFFFFFF80, v20;
	v20 =	vld [tilespmem:s18+$0xFFFFFFFF]  }
0x165: {  	v8 =	vand.u32 $0xFFFFFF80, v10;
	v10 =	vand.u32 $0x7F, v28;
	vm0 =	vne.s32 v18, v28;
	v28 =	vld [tilespmem:s18+$0xFFFFFFFE]  }
0x166: {  	v62 =	vld [tilespmem:s7+$0x20]  }
0x167: {  	vm2 =	vne.s32 v43, v29;
	v9 =	vand.u32 $0x7F, v29;
	v29 =	vld [tilespmem:s18+$0xFFFFFFF0]  }
0x168: {  	v54 =	vld [tilespmem:s18+$0x1E];
	vm11 =	vmor vm2, vm5  }
0x169: {  	vm13 =	vmor vm0, vm12;
	vm0 =	vmor vm1, vm5;
	vm1 =	vne.s32 v27, v30;
	v27 =	vld [tilespmem:s18+$0xF]  }
0x16a: {  	vm7 =	vnez.u8 v61;
	vm2 =	vmor vm1, vm12;
	vm1 =	vne.s32 v28, v20;
	v28 =	vld [tilespmem:s18+$0x1F]  }
0x16b: {  	v17 =	vmul.f32 v17, v62;
	v62 =	vld [tilespmem:$0x1FE70]  }
0x16c: {  	vm3 =	vne.s32 v29, v30  }
0x16d: {  	vm14 =	vmor vm3, vm5;
	vm3 =	vne.s32 v49, v20  }
0x16e: {  	vm6 =	vmor vm3, vm5;
	vm3 =	vne.s32 v50, v27;
	vm4 =	vne.s32 v52, v27  }
0x16f: {  	vm15 =	vmor vm3, vm12;
	vm3 =	vmor vm4, vm5;
	vm4 =	vne.s32 v54, v28  }
0x170: {  	[tilespmem:v25+s21+$0x0] =	vst.idx.add.f32.msk vm7, v16;
	vm7 =	vmor vm4, vm12;
	vm4 =	vnez.u8 v62;
	_ =	sdelay $0x3  }
0x171: {  	(xrf2) =	vadd.scan.msk.f32 $0xffff, v31  }
0x172: {  	[tilespmem:$0x1FE80] =	vst v36;
	(xrf2) =	vadd.scan.msk.f32 $0xffff, v44  }
0x173: {  	(xrf2) =	vadd.scan.msk.f32 $0xffff, v45;
	[tilespmem:v24+s21+$0x0] =	vst.idx.add.f32.msk vm4, v14  }
0x174: {  	v14 =	vld [tilespmem:$0x1FE80];
	_ =	sdelay $0x4  }
0x175: {  	vm4 =	vnez.u8 v14;
	_ =	sdelay $0x1  }
0x176: {  	v51, _, _ =	vpop (xrf2)  }
0x177: {  	v55, _, _ =	vpop (xrf2)  }
0x178: {  	v58, _, _ =	vpop (xrf2)  }
0x179: {  	[tilespmem:$0x1FE90] =	vst v38;
	v56 =	vld [tilespmem:s18+$0x20];
	v38 =	vsub.f32 v58, v45  }
0x17a: {  	(xrf2) =	vadd.scan.msk.f32 $0xffff, v46;
	[tilespmem:v23+s21+$0x0] =	vst.idx.add.f32.msk vm4, v15  }
0x17b: {  	v60 =	vnsel vm3, $0x0, v58;
	v16 =	vnsel vm15, $0x0, v38;
	v15 =	vld [tilespmem:$0x1FE90]  }
0x17c: {  	v19 =	vsub.f32 v26, v19;
	v23 =	vsub.f32 v60, v16;
	v16 =	vld [tilespmem:$0x1FEA0]  }
0x17d: {  	v26 =	vnsel vm11, $0x0, v26;
	(xrf2) =	vadd.scan.msk.f32 $0xffff, v17;
	v31 =	vsub.f32 v51, v31  }
0x17e: {  	v18 =	vnsel vm10, $0x0, v19;
	v32 =	vnsel vm13, $0x0, v32;
	v33 =	vnsel vm0, $0x0, v48  }
0x17f: {  	v57 =	vld [tilespmem:s18+$0x2E];
	v29 =	vsub.f32 v33, v32;
	v53 =	vnsel vm14, $0x0, v51;
	v31 =	vnsel vm2, $0x0, v31  }
0x180: {  	v32 =	vsub.f32 v53, v31;
	v31 =	vld [tilespmem:s18+$0x2F];
	vm8 =	vne.s32 v56, v28;
	vm4 =	vnez.u8 v15  }
0x181: {  	s11 =	sadd.s32 $0x8, s11;
	v19 =	vsub.s32 v30, v0;
	vm9 =	vmor vm8, vm5;
	vm5 =	vnez.u8 v16  }
0x182: {  	p1 =	slt.u32 s11, $0xF8;
	v59 =	vld [tilespmem:s18+$0x30];
	v26 =	vsub.f32 v26, v18;
	v18 =	vand.u32 $0xFFFFFF80, v19;
	v37 =	vsub.f32 v55, v44  }
.Ltmp9:
0x183: {  	v13 =	vmovc v34;
	v19 =	vand.u32 $0x7F, v30;
	v30 =	vsub.s32 v20, v0;
	vm1 =	vmor vm1, vm12;
	(pc) =	sbr.rel @p1 .LBB2_11-.Ltmp9, $4  }
0x184: {  	v33 =	vsub.s32 v27, v0;
	v25, _, _ =	vpop (xrf2);
	v34 =	vnsel vm6, $0x0, v55;
	v37 =	vnsel vm1, $0x0, v37  }
0x185: {  	v63 =	vsub.f32 v25, v46;
	v34 =	vsub.f32 v34, v37;
	vm8 =	vne.s32 v57, v31  }
0x186: {  	v35 =	vsub.s32 v28, v0;
	vm8 =	vmor vm8, vm12;
	v24 =	vsub.s32 v31, v0;
	[tilespmem:v22+s21+$0x0] =	vst.idx.add.f32.msk vm4, v13  }
0x187: {  	s19 =	sadd.s32 $0x80, s19;
	v14 =	vnsel vm9, $0x0, v25;
	v15, _, _ =	vpop (xrf2);
	v13 =	vnsel vm7, $0x0, v63;
	vm4 =	vne.s32 v59, v31;
	[tilespmem:v21+s21+$0x0] =	vst.idx.add.f32.msk vm5, v11  }
0x188: {  	v55 =	vld [tilespmem:$0x1FED0];
	_ =	sdelay $0x4  }
0x189: {  	vm0 =	vmor vm13, vm0;
	vm13 =	vnez.u8 v55;
	_ =	sdelay $0x5  }
0x18a: {  	[tilespmem:v6+s21+$0x0] =	vst.idx.add.f32.msk vm13, v4  }
0x18b: {  	v57 =	vld [tilespmem:$0x1FEE0];
	_ =	sdelay $0x3  }
0x18c: {  	vm10 =	vmor vm10, vm11;
	vm2 =	vmor vm2, vm14  }
0x18d: {  	vm1 =	vmor vm1, vm6;
	v8 =	vor.u32 v9, v8;
	vm14 =	vnez.u8 v57  }
0x18e: {  	vm3 =	vmor vm15, vm3;
	vm12 =	vmor vm7, vm9;
	vm9 =	vcmask $0x3F3C  }
0x18f: {  	v53 =	vand.u32 $0xFFFFFF80, v30;
	v10 =	vor.u32 v10, v12;
	v11 =	vand.u32 $0xFFFFFF80, v33  }
0x190: {  	v54 =	vand.u32 $0x7F, v20;
	v16 =	vor.u32 v19, v18;
	v56 =	vand.u32 $0x7F, v27  }
0x191: {  	v58 =	vand.u32 $0x7F, v28;
	v59 =	vand.u32 $0x7F, v31;
	v9 =	vor.u32 v54, v53  }
0x192: {  	vm4 =	vmor vm4, vm9;
	v4 =	vand.u32 $0xFFFFFF80, v35;
	v6 =	vor.u32 v56, v11;
	[tilespmem:v8+s21+$0x0] =	vst.idx.add.f32.msk vm10, v26  }
0x193: {  	vm15 =	vmor vm8, vm4;
	v4 =	vor.u32 v58, v4;
	[tilespmem:v7+s21+$0x0] =	vst.idx.add.f32.msk vm14, v5;
	v5 =	vand.u32 $0xFFFFFF80, v24  }
0x194: {  	v60 =	vsub.f32 v15, v17;
	[tilespmem:v10+s21+$0x0] =	vst.idx.add.f32.msk vm0, v29;
	v5 =	vor.u32 v59, v5  }
.Ltmp10:
0x195: {  	[tilespmem:v16+s21+$0x0] =	vst.idx.add.f32.msk vm2, v32;
	(pc) =	sbr.rel .LBB2_13-.Ltmp10, $4  }
0x196: {  	v62 =	vsub.f32 v14, v13;
	v61 =	vnsel vm4, $0x0, v15;
	[tilespmem:v9+s21+$0x0] =	vst.idx.add.f32.msk vm1, v34;
	v7 =	vnsel vm8, $0x0, v60  }
0x197: {  	[tilespmem:v6+s21+$0x0] =	vst.idx.add.f32.msk vm3, v23;
	v63 =	vsub.f32 v61, v7  }
0x198: {  	[tilespmem:v4+s21+$0x0] =	vst.idx.add.f32.msk vm12, v62  }
0x199: {  	[tilespmem:v5+s21+$0x0] =	vst.idx.add.f32.msk vm15, v63  }
.LBB2_7:
0x19a: {  	s11 =	simm.s32 @p1 $0xC3C0  }
0x19b: {  	v4 =	vld [tilespmem:s11+$0x30]  }
0x19c: {  	v5 =	vld [tilespmem:s11+$0xFFFFFFD0]  }
0x19d: {  	v6 =	vld [tilespmem:s11+$0xFFFFFFE0]  }
0x19e: {  	v7 =	vld [tilespmem:s11+$0xFFFFFFF0]  }
0x19f: {  	v9 =	vld [tilespmem:s11+$0x0]  }
0x1a0: {  	v11 =	vld [tilespmem:s11+$0xFFFFFFC0];
	v8 =	vshrl.u32 v4, $0x1  }
0x1a1: {  	v12 =	vld [tilespmem:s11+$0x10];
	v10 =	vshrl.u32 v5, $0x1  }
0x1a2: {  	s7 =	simm.s32 @p1 $0xE3C1;
	v13 =	vld [tilespmem:s11+$0x20];
	v14 =	vshrl.u32 v6, $0x1  }
0x1a3: {  	s18 =	simm.s32 @p1 $0xD3C0;
	v18 =	vld [tilespmem:s7+$0x3F];
	v15 =	vshrl.u32 v7, $0x1  }
0x1a4: {  	v20 =	vld [tilespmem:s18+$0x30];
	v16 =	vshrl.u32 v9, $0x1  }
0x1a5: {  	v17 =	vshrl.u32 v11, $0x1;
	v8 =	vld.idx.msk [tilespmem:v8+s9+$0x0], $0xffff  }
0x1a6: {  	v19 =	vshrl.u32 v12, $0x1;
	v10 =	vld.idx.msk [tilespmem:v10+s9+$0x0], $0xffff  }
0x1a7: {  	v21 =	vshrl.u32 v13, $0x1;
	v14 =	vld.idx.msk [tilespmem:v14+s9+$0x0], $0xffff  }
0x1a8: {  	v5 =	vshll.u32 v5, $0x4;
	v4 =	vshll.u32 v4, $0x4;
	v6 =	vshll.u32 v6, $0x4;
	v15 =	vld.idx.msk [tilespmem:v15+s9+$0x0], $0xffff  }
0x1a9: {  	v7 =	vshll.u32 v7, $0x4;
	v12 =	vshll.u32 v12, $0x4;
	v4 =	vand.u32 $0x10, v4;
	v16 =	vld.idx.msk [tilespmem:v16+s9+$0x0], $0xffff  }
0x1aa: {  	v13 =	vshll.u32 v13, $0x4;
	v4 =	vshrl.u32 v8, v4;
	v8 =	vshll.u32 v9, $0x4;
	v9 =	vld.idx.msk [tilespmem:v17+s9+$0x0], $0xffff  }
0x1ab: {  	v11 =	vshll.u32 v11, $0x4;
	v5 =	vand.u32 $0x10, v5;
	v17 =	vld.idx.msk [tilespmem:v19+s9+$0x0], $0xffff;
	v4 =	vshll.u32 v4, $0x10  }
0x1ac: {  	v6 =	vand.u32 $0x10, v6;
	v19 =	vsub.s32 v18, v0;
	v4 =	vmul.f32 v4, v20;
	v20 =	vld.idx.msk [tilespmem:v21+s9+$0x0], $0xffff  }
0x1ad: {  	v7 =	vand.u32 $0x10, v7;
	v12 =	vand.u32 $0x10, v12;
	vm0 =	vlt.u32 v19, $0x8000;
	v21 =	vld [tilespmem:s7+$0xFFFFFFCF]  }
0x1ae: {  	v11 =	vand.u32 $0x10, v11;
	v5 =	vshrl.u32 v10, v5;
	v22 =	vnsel vm0, $0x0, v4  }
0x1af: {  	v4 =	vand.u32 $0x10, v13;
	v13 =	vshll.u32 v5, $0x10;
	v5 =	vshrl.u32 v14, v6  }
0x1b0: {  	v10 =	vld [tilespmem:s18+$0xFFFFFFC0];
	v8 =	vand.u32 $0x10, v8;
	v6 =	vshrl.u32 v15, v7;
	v15 =	vshll.u32 v5, $0x10  }
0x1b1: {  	v14 =	vld [tilespmem:s7+$0x3E];
	v23 =	vshll.u32 v6, $0x10;
	v5 =	vshrl.u32 v16, v8;
	v7 =	vshrl.u32 v9, v11  }
0x1b2: {  	(xrf2) =	vadd.scan.msk.f32 $0xffff, v22;
	v8 =	vld [tilespmem:s7+$0x40];
	v11 =	vshll.u32 v5, $0x10;
	v5 =	vshrl.u32 v17, v12;
	v9 =	vsub.s32 v21, v0  }
0x1b3: {  	v6 =	vld [tilespmem:s7+$0xFFFFFFDF];
	v7 =	vshll.u32 v7, $0x10;
	v4 =	vshrl.u32 v20, v4;
	vm1 =	vlt.u32 v9, $0x8000  }
0x1b4: {  	v12 =	vld [tilespmem:s18+$0xFFFFFFD0];
	v20 =	vshll.u32 v4, $0x10;
	v4 =	vand.u32 $0xFFFFFF80, v9;
	v9 =	vimm.s32 $0x0  }
0x1b5: {  	v17 =	vld [tilespmem:s18+$0xFFFFFFE0];
	v10 =	vmul.f32 v7, v10;
	v9 =	vsel vm1, $0xFFFFFFFF, v9  }
0x1b6: {  	v19 =	vand.u32 $0xFFFFFF80, v19;
	v16 =	vshll.u32 v5, $0x10;
	v7 =	vld [tilespmem:s7+$0xFFFFFFEF];
	[tilespmem:$0x1FF50] =	vst v9  }
0x1b7: {  	v24 =	vnsel vm1, $0x0, v10;
	vm2 =	vne.s32 v14, v18;
	vm1 =	vne.s32 v8, v18;
	v9 =	vld [tilespmem:s7+$0xFFFFFFFF]  }
0x1b8: {  	v25 =	vsub.s32 v6, v0;
	vm2 =	vmor vm2, vm12;
	v10 =	vld [tilespmem:s18+$0xFFFFFFF0];
	vm1 =	vmor vm1, vm9  }
0x1b9: {  	v8 =	vimm.s32 $0x0;
	v18 =	vand.u32 $0x7F, v18;
	v14 =	vld [tilespmem:s7+$0xF];
	vm3 =	vmor vm2, vm1  }
0x1ba: {  	v12 =	vmul.f32 v13, v12;
	vm4 =	vlt.u32 v25, $0x8000;
	v13 =	vld [tilespmem:s18+$0x0];
	vm0 =	vmand vm0, vm3  }
0x1bb: {  	v27 =	vor.u32 v18, v19;
	v18 =	vimm.s32 $0x0;
	v8 =	vsel vm0, $0xFFFFFFFF, v8  }
0x1bc: {  	(xrf2) =	vadd.scan.msk.f32 $0xffff, v24;
	v15 =	vmul.f32 v15, v17;
	v18 =	vsel vm4, $0xFFFFFFFF, v18;
	[tilespmem:$0x1FFC0] =	vst v8;
	v26, _, _ =	vpop (xrf2)  }
0x1bd: {  	v12 =	vnsel vm4, $0x0, v12;
	v8 =	vld [tilespmem:s7+$0x1F];
	v17 =	vsub.f32 v26, v22;
	[tilespmem:$0x1FF60] =	vst v18;
	v18 =	vsub.s32 v7, v0  }
0x1be: {  	v19 =	vsub.s32 v9, v0;
	v23 =	vmul.f32 v23, v10;
	v26 =	vnsel vm1, $0x0, v26  }
0x1bf: {  	v28 =	vsub.s32 v14, v0;
	v11 =	vmul.f32 v11, v13;
	v13 =	vimm.s32 $0x0;
	v22 =	vld [tilespmem:s18+$0x10]  }
0x1c0: {  	v10 =	vld [tilespmem:s7+$0x2F];
	vm0 =	vlt.u32 v18, $0x8000;
	vm1 =	vlt.u32 v28, $0x8000;
	v17 =	vnsel vm2, $0x0, v17  }
0x1c1: {  	(xrf2) =	vadd.scan.msk.f32 $0xffff, v12;
	v29 =	vld [tilespmem:s18+$0x20];
	vm2 =	vlt.u32 v19, $0x8000;
	v13 =	vsel vm0, $0xFFFFFFFF, v13;
	v26 =	vsub.f32 v26, v17  }
0x1c2: {  	v30 =	vld [tilespmem:s7+$0xFFFFFFCE];
	[tilespmem:$0x1FF70] =	vst v13;
	v13 =	vnsel vm0, $0x0, v15;
	v15 =	vimm.s32 $0x0;
	v17 =	vimm.s32 $0x0  }
0x1c3: {  	v32 =	vnsel vm1, $0x0, v11;
	v15 =	vsel vm2, $0xFFFFFFFF, v15;
	v17 =	vsel vm1, $0xFFFFFFFF, v17;
	(xrf2) =	vadd.scan.msk.f32 $0xffff, v13  }
0x1c4: {  	[tilespmem:$0x1FF80] =	vst v15;
	v15 =	vnsel vm2, $0x0, v23;
	v23 =	vsub.s32 v8, v0;
	v11 =	vmul.f32 v16, v22  }
0x1c5: {  	v31 =	vld [tilespmem:s7+$0xFFFFFFD0];
	[tilespmem:$0x1FF90] =	vst v17;
	vm0 =	vlt.u32 v23, $0x8000;
	v16 =	vand.u32 $0xFFFFFF80, v18;
	v18 =	vimm.s32 $0x0  }
0x1c6: {  	v34, _, _ =	vpop (xrf2);
	v17 =	vand.u32 $0xFFFFFF80, v25;
	v33 =	vsub.s32 v10, v0;
	(xrf2) =	vadd.scan.msk.f32 $0xffff, v15;
	v22 =	vld [tilespmem:s7+$0xFFFFFFDE];
	v18 =	vsel vm0, $0xFFFFFFFF, v18  }
0x1c7: {  	v25 =	vimm.s32 $0x0;
	v35 =	vld [tilespmem:s7+$0xFFFFFFE0];
	vm1 =	vlt.u32 v33, $0x8000;
	[tilespmem:$0x1FFA0] =	vst v18;
	v36 =	vnsel vm0, $0x0, v11  }
0x1c8: {  	v11 =	vmul.f32 v20, v29;
	v20 =	vsub.f32 v34, v24;
	v25 =	vsel vm1, $0xFFFFFFFF, v25;
	v24 =	vld [tilespmem:s7+$0xFFFFFFEE]  }
0x1c9: {  	v29 =	vld [tilespmem:s7+$0xFFFFFFF0];
	[tilespmem:$0x1FFB0] =	vst v25  }
0x1ca: {  	vm0 =	vne.s32 v30, v21;
	v18 =	vand.u32 $0xFFFFFF80, v19;
	v19 =	vand.u32 $0xFFFFFF80, v28;
	v28 =	vld [tilespmem:s7+$0xFFFFFFFE]  }
0x1cb: {  	(xrf2) =	vadd.scan.msk.f32 $0xffff, v32;
	vm2 =	vmor vm0, vm12;
	vm0 =	vne.s32 v31, v21  }
0x1cc: {  	vm11 =	vmor vm0, vm9;
	vm0 =	vne.s32 v22, v6;
	v22 =	vld [tilespmem:s7+$0x0]  }
0x1cd: {  	vm10 =	vmmov vm12;
	v25 =	vnsel vm1, $0x0, v11;
	v11 =	vnsel vm2, $0x0, v20;
	v59 =	vld [tilespmem:s7+$0xE]  }
0x1ce: {  	v20 =	vand.u32 $0xFFFFFF80, v23;
	v23, _, _ =	vpop (xrf2);
	vm3 =	vmor vm0, vm12;
	vm0 =	vne.s32 v24, v7;
	v24 =	vld [tilespmem:s7+$0x10]  }
0x1cf: {  	vm1 =	vne.s32 v35, v6;
	v61, _, _ =	vpop (xrf2);
	vm13 =	vmor vm0, vm10;
	vm0 =	vne.s32 v28, v9;
	v28 =	vld [tilespmem:s7+$0x20]  }
0x1d0: {  	vm12 =	vmor vm1, vm9;
	vm1 =	vne.s32 v29, v7;
	v29 =	vld [tilespmem:s7+$0x1E];
	v63, _, _ =	vpop (xrf2)  }
0x1d1: {  	vm14 =	vmor vm1, vm9;
	vm1 =	vne.s32 v22, v9;
	v22 =	vld [tilespmem:s7+$0x2E];
	v15 =	vsub.f32 v63, v15  }
0x1d2: {  	vm15 =	vmor vm0, vm10;
	vm0 =	vne.s32 v59, v14  }
0x1d3: {  	vm4 =	vmor vm0, vm10;
	vm0 =	vne.s32 v24, v14  }
0x1d4: {  	vm6 =	vmor vm0, vm9;
	vm5 =	vne.s32 v28, v8  }
0x1d5: {  	vm0 =	vne.s32 v29, v8;
	v28 =	vnsel vm15, $0x0, v15;
	vm7 =	vmor vm5, vm9;
	v15, _, _ =	vpop (xrf2)  }
0x1d6: {  	(xrf2) =	vadd.scan.msk.f32 $0xffff, v36;
	v29 =	vsub.f32 v15, v32;
	vm5 =	vne.s32 v22, v10;
	v22 =	vnsel vm6, $0x0, v15;
	v15 =	vld [tilespmem:$0x1FFC0];
	_ =	sdelay $0x3  }
0x1d7: {  	s19 =	simm.s32 @p1 $0xFFFFFFF8;
	v5 =	vand.u32 $0x7F, v21;
	v62 =	vld [tilespmem:s7+$0x30];
	v12 =	vsub.f32 v23, v12  }
0x1d8: {  	s19 =	sadd.s32 $0x8, s19;
	vm0 =	vmor vm0, vm10;
	vm5 =	vmor vm5, vm10;
	vm10 =	vnez.u8 v15  }
0x1d9: {  	p1 =	slt.u32 s19, $0xF8;
	v21 =	vand.u32 $0xFFFFFF80, v33;
	v60 =	vnsel vm11, $0x0, v34;
	v13 =	vsub.f32 v61, v13  }
.Ltmp11:
0x1da: {  	v12 =	vnsel vm3, $0x0, v12;
	v23 =	vnsel vm12, $0x0, v23;
	v11 =	vsub.f32 v60, v11;
	(pc) =	sbr.rel @!p1 .LBB2_9-.Ltmp11, $4  }
0x1db: {  	v33 =	vnsel vm14, $0x0, v61;
	v13 =	vnsel vm13, $0x0, v13;
	vm1 =	vmor vm1, vm9  }
0x1dc: {  	vm8 =	vne.s32 v62, v10;
	v13 =	vsub.f32 v33, v13;
	v24 =	vnsel vm1, $0x0, v63  }
0x1dd: {  	vm8 =	vmor vm8, vm9;
	(xrf2) =	vadd.scan.msk.f32 $0xffff, v25;
	v15 =	vsub.f32 v23, v12;
	v23, _, _ =	vpop (xrf2);
	v12 =	vsub.f32 v24, v28  }
0x1de: {  	s11 =	sadd.s32 $0x80, s11;
	v24 =	vsub.f32 v23, v36;
	v23 =	vnsel vm7, $0x0, v23;
	[tilespmem:v27+s21+$0x0] =	vst.idx.add.f32.msk vm10, v26;
	v27 =	vnsel vm4, $0x0, v29  }
.LBB2_8:
0x1df: {  	_ =	sdelay $0x7  }
0x1e0: {  	v26 =	vld [tilespmem:s11+$0x30];
	v24 =	vnsel vm0, $0x0, v24;
	v28, _, _ =	vpop (xrf2)  }
0x1e1: {  	v23 =	vsub.f32 v23, v24;
	v24 =	vsub.f32 v28, v25;
	v25 =	vnsel vm8, $0x0, v28;
	v28 =	vld [tilespmem:s11+$0xFFFFFFF0]  }
0x1e2: {  	v30 =	vld [tilespmem:s11+$0x0]  }
0x1e3: {  	vm2 =	vmor vm2, vm11;
	v22 =	vsub.f32 v22, v27;
	v27 =	vld [tilespmem:s11+$0xFFFFFFD0]  }
0x1e4: {  	vm3 =	vmor vm3, vm12;
	vm11 =	vmor vm13, vm14;
	vm1 =	vmor vm15, vm1;
	v29 =	vld [tilespmem:s11+$0xFFFFFFE0]  }
0x1e5: {  	vm6 =	vmor vm4, vm6;
	vm7 =	vmor vm0, vm7;
	vm4 =	vmor vm5, vm8;
	v31 =	vld [tilespmem:s11+$0x10]  }
0x1e6: {  	v6 =	vand.u32 $0x7F, v6;
	v43 =	vld [tilespmem:$0x1FF50];
	v36 =	vshrl.u32 v28, $0x1;
	v28 =	vshll.u32 v28, $0x4  }
0x1e7: {  	v7 =	vand.u32 $0x7F, v7;
	v33 =	vld [tilespmem:s11+$0x20];
	v37 =	vand.u32 $0x10, v28;
	v28 =	vshrl.u32 v30, $0x1  }
0x1e8: {  	v9 =	vand.u32 $0x7F, v9;
	v14 =	vand.u32 $0x7F, v14;
	v8 =	vand.u32 $0x7F, v8;
	v55 =	vld [tilespmem:$0x1FF60]  }
0x1e9: {  	v34 =	vld [tilespmem:s11+$0xFFFFFFC0];
	v10 =	vand.u32 $0x7F, v10;
	v56 =	vimm.s32 $0x0;
	v58 =	vimm.s32 $0x0  }
0x1ea: {  	v57 =	vld [tilespmem:$0x1FF70];
	v32 =	vshrl.u32 v26, $0x1;
	v35 =	vshrl.u32 v29, $0x1;
	v29 =	vshll.u32 v29, $0x4  }
0x1eb: {  	v59 =	vld [tilespmem:$0x1FF80];
	v38 =	vshrl.u32 v31, $0x1;
	v31 =	vshll.u32 v31, $0x4;
	vm0 =	vnez.u8 v43  }
0x1ec: {  	v54 =	vshrl.u32 v33, $0x1;
	vm0 =	vmand vm0, vm2;
	v24 =	vnsel vm5, $0x0, v24;
	v60 =	vld.idx.msk [tilespmem:v28+s9+$0x0], $0xffff  }
0x1ed: {  	s7 =	sadd.s32 $0x80, s7;
	vm2 =	vnez.u8 v55;
	v24 =	vsub.f32 v25, v24;
	v25 =	vshrl.u32 v27, $0x1;
	v28 =	vld [tilespmem:$0x1FF90]  }
0x1ee: {  	v41 =	vld [tilespmem:s7+$0x3F];
	v33 =	vshll.u32 v33, $0x4;
	v40 =	vshrl.u32 v34, $0x1;
	vm2 =	vmand vm2, vm3  }
0x1ef: {  	v45 =	vld [tilespmem:s7+$0xFFFFFFCF];
	v34 =	vshll.u32 v34, $0x4;
	v43 =	vsel vm2, $0xFFFFFFFF, v56;
	vm2 =	vnez.u8 v57  }
0x1f0: {  	v26 =	vshll.u32 v26, $0x4;
	v29 =	vand.u32 $0x10, v29;
	vm2 =	vmand vm2, vm11;
	v32 =	vld.idx.msk [tilespmem:v32+s9+$0x0], $0xffff  }
0x1f1: {  	v39 =	vand.u32 $0x10, v31;
	[tilespmem:$0x1FF00] =	vst v43;
	v35 =	vld.idx.msk [tilespmem:v35+s9+$0x0], $0xffff;
	v43 =	vsel vm2, $0xFFFFFFFF, v58;
	vm2 =	vnez.u8 v59  }
0x1f2: {  	v33 =	vand.u32 $0x10, v33;
	vm8 =	vmand vm2, vm1;
	v25 =	vld.idx.msk [tilespmem:v25+s9+$0x0], $0xffff;
	vm1 =	vnez.u8 v28  }
0x1f3: {  	s18 =	sadd.s32 $0x80, s18;
	v34 =	vand.u32 $0x10, v34;
	v61 =	vld.idx.msk [tilespmem:v54+s9+$0x0], $0xffff;
	v28 =	vimm.s32 $0x0;
	vm1 =	vmand vm1, vm6  }
0x1f4: {  	v42 =	vld [tilespmem:s18+$0x30];
	v26 =	vand.u32 $0x10, v26;
	v44 =	vsub.s32 v41, v0;
	v28 =	vsel vm1, $0xFFFFFFFF, v28  }
0x1f5: {  	v31 =	vor.u32 v8, v20;
	v8 =	vsub.s32 v45, v0;
	v27 =	vshll.u32 v27, $0x4;
	[tilespmem:$0x1FF20] =	vst v28;
	v28 =	vld [tilespmem:$0x1FFA0]  }
0x1f6: {  	vm2 =	vlt.u32 v8, $0x8000;
	v27 =	vand.u32 $0x10, v27;
	v26 =	vshrl.u32 v32, v26  }
0x1f7: {  	v32 =	vor.u32 v5, v4;
	v4 =	vshrl.u32 v35, v29;
	v25 =	vshrl.u32 v25, v27;
	v27 =	vld [tilespmem:$0x1FFB0]  }
0x1f8: {  	v29 =	vor.u32 v9, v18;
	v9 =	vshrl.u32 v61, v33;
	v30 =	vshll.u32 v30, $0x4  }
0x1f9: {  	v26 =	vshll.u32 v26, $0x10;
	v33 =	vshll.u32 v9, $0x10;
	v9 =	vimm.s32 $0x0;
	v36 =	vld.idx.msk [tilespmem:v36+s9+$0x0], $0xffff  }
0x1fa: {  	v62 =	vld [tilespmem:s7+$0x3E];
	v30 =	vand.u32 $0x10, v30;
	v26 =	vmul.f32 v26, v42;
	vm1 =	vnez.u8 v28  }
0x1fb: {  	v40 =	vld.idx.msk [tilespmem:v40+s9+$0x0], $0xffff;
	v9 =	vsel vm2, $0xFFFFFFFF, v9;
	v28 =	vimm.s32 $0x0;
	vm1 =	vmand vm1, vm7  }
0x1fc: {  	v46 =	vld [tilespmem:s18+$0xFFFFFFF0];
	v28 =	vsel vm1, $0xFFFFFFFF, v28;
	vm1 =	vnez.u8 v27;
	v27 =	vimm.s32 $0x0  }
0x1fd: {  	v5 =	vld [tilespmem:s18+$0xFFFFFFC0];
	[tilespmem:$0x1FF30] =	vst v28;
	vm1 =	vmand vm1, vm4;
	v28 =	vor.u32 v7, v16;
	v16 =	vshll.u32 v4, $0x10  }
0x1fe: {  	v38 =	vld.idx.msk [tilespmem:v38+s9+$0x0], $0xffff;
	v4 =	vshrl.u32 v36, v37;
	v27 =	vsel vm1, $0xFFFFFFFF, v27;
	vm1 =	vlt.u32 v44, $0x8000  }
0x1ff: {  	[tilespmem:$0x1FF50] =	vst v9;
	v18 =	vshll.u32 v4, $0x10;
	v4 =	vshrl.u32 v60, v30;
	v30 =	vor.u32 v14, v19;
	v14 =	vld [tilespmem:s7+$0x40]  }
0x200: {  	v9 =	vld [tilespmem:s7+$0xFFFFFFFF];
	[tilespmem:$0x1FF40] =	vst v27;
	v27 =	vor.u32 v6, v17;
	v17 =	vnsel vm1, $0x0, v26;
	v6 =	vshrl.u32 v40, v34  }
0x201: {  	v19 =	vshll.u32 v4, $0x10;
	v26 =	vor.u32 v10, v21;
	v10 =	vld [tilespmem:s18+$0xFFFFFFD0];
	v4 =	vshll.u32 v6, $0x10  }
0x202: {  	(xrf2) =	vadd.scan.msk.f32 $0xffff, v17;
	v6 =	vld [tilespmem:s7+$0xFFFFFFDF];
	v21 =	vmul.f32 v4, v5  }
0x203: {  	v4 =	vand.u32 $0xFFFFFF80, v8;
	v8 =	vld [tilespmem:s18+$0xFFFFFFE0]  }
0x204: {  	v21 =	vnsel vm2, $0x0, v21;
	vm2 =	vne.s32 v14, v41;
	v14 =	vld [tilespmem:$0x1FFF0]  }
0x205: {  	v50 =	vimm.s32 $0x0;
	v48 =	vand.u32 $0x7F, v41;
	v7 =	vshrl.u32 v38, v39  }
0x206: {  	vm3 =	vne.s32 v62, v41;
	v25 =	vshll.u32 v25, $0x10;
	v20 =	vshll.u32 v7, $0x10;
	v7 =	vld [tilespmem:s7+$0xFFFFFFEF]  }
0x207: {  	v47 =	vand.u32 $0xFFFFFF80, v44;
	v52 =	vsub.s32 v9, v0;
	v10 =	vmul.f32 v25, v10;
	v25 =	vld [tilespmem:s18+$0x0]  }
0x208: {  	v53 =	vld [tilespmem:s18+$0x10];
	v36 =	vor.u32 v48, v47;
	v18 =	vmul.f32 v18, v46;
	v63 =	vsub.s32 v6, v0  }
0x209: {  	vm5 =	vlt.u32 v63, $0x8000;
	v16 =	vmul.f32 v16, v8;
	v8 =	vld [tilespmem:s7+$0x1F];
	vm10 =	vnez.u8 v14  }
0x20a: {  	v56 =	vld [tilespmem:s18+$0x20];
	vm2 =	vmor vm2, vm9;
	v37 =	vsel vm5, $0xFFFFFFFF, v50;
	vm3 =	vmor vm3, vm10  }
0x20b: {  	v51 =	vsub.s32 v7, v0;
	v14 =	vld [tilespmem:s7+$0xF];
	[tilespmem:$0x1FF60] =	vst v37;
	v37 =	vnsel vm5, $0x0, v10;
	vm4 =	vmor vm3, vm2  }
0x20c: {  	v10 =	vld [tilespmem:s7+$0x2F];
	v19 =	vmul.f32 v19, v25;
	v25 =	vimm.s32 $0x0;
	v49, _, _ =	vpop (xrf2);
	vm1 =	vmand vm1, vm4  }
0x20d: {  	v17 =	vsub.f32 v49, v17;
	v54 =	vnsel vm2, $0x0, v49;
	vm2 =	vlt.u32 v51, $0x8000  }
0x20e: {  	vm4 =	vlt.u32 v52, $0x8000;
	v46 =	vsub.s32 v8, v0;
	v25 =	vsel vm2, $0xFFFFFFFF, v25  }
0x20f: {  	[tilespmem:$0x1FF10] =	vst v43;
	v43 =	vnsel vm2, $0x0, v16;
	v16 =	vimm.s32 $0x0;
	v44 =	vnsel vm4, $0x0, v18  }
0x210: {  	v57 =	vld [tilespmem:s7+$0xFFFFFFCE];
	v18 =	vmul.f32 v20, v53;
	v20 =	vmul.f32 v33, v56;
	v17 =	vnsel vm3, $0x0, v17  }
0x211: {  	v58 =	vld [tilespmem:s7+$0xFFFFFFD0];
	v55 =	vsub.s32 v14, v0;
	v16 =	vsel vm4, $0xFFFFFFFF, v16;
	v60 =	vsub.s32 v10, v0  }
0x212: {  	v59 =	vld [tilespmem:s7+$0xFFFFFFDE];
	v17 =	vsub.f32 v54, v17;
	vm3 =	vlt.u32 v55, $0x8000;
	[tilespmem:$0x1FF80] =	vst v16;
	v16 =	vimm.s32 $0x0  }
0x213: {  	v62 =	vld [tilespmem:s7+$0xFFFFFFEE];
	[tilespmem:$0x1FF70] =	vst v25;
	v25 =	vimm.s32 $0x0;
	v16 =	vsel vm3, $0xFFFFFFFF, v16;
	v47 =	vnsel vm3, $0x0, v19  }
0x214: {  	v19 =	vimm.s32 $0x0;
	vm3 =	vlt.u32 v60, $0x8000;
	[tilespmem:v36+s21+$0x0] =	vst.idx.add.f32.msk vm1, v17;
	vm1 =	vlt.u32 v46, $0x8000  }
0x215: {  	v19 =	vsel vm1, $0xFFFFFFFF, v19;
	v49 =	vnsel vm1, $0x0, v18;
	vm1 =	vne.s32 v57, v45  }
0x216: {  	v25 =	vsel vm3, $0xFFFFFFFF, v25;
	vm2 =	vmor vm1, vm10;
	vm1 =	vne.s32 v58, v45  }
0x217: {  	[tilespmem:$0x1FFA0] =	vst v19;
	v19 =	vand.u32 $0xFFFFFF80, v55;
	v55 =	vld [tilespmem:s7+$0x10];
	vm11 =	vmor vm1, vm9;
	vm1 =	vne.s32 v59, v6  }
0x218: {  	[tilespmem:$0x1FFB0] =	vst v25;
	v25 =	vnsel vm3, $0x0, v20;
	vm3 =	vmor vm1, vm10;
	vm1 =	vne.s32 v62, v7;
	v62 =	vld [tilespmem:$0x1FF00]  }
0x219: {  	(xrf2) =	vadd.scan.msk.f32 $0xffff, v21;
	_ =	sdelay $0x2  }
0x21a: {  	vm5 =	vne.s32 v55, v14  }
0x21b: {  	vm6 =	vmor vm5, vm9;
	vm5 =	vnez.u8 v62;
	_ =	sdelay $0x3  }
0x21c: {  	(xrf2) =	vadd.scan.msk.f32 $0xffff, v37  }
0x21d: {  	v48 =	vld [tilespmem:s7+$0xFFFFFFE0];
	(xrf2) =	vadd.scan.msk.f32 $0xffff, v43  }
0x21e: {  	v61, _, _ =	vpop (xrf2);
	(xrf2) =	vadd.scan.msk.f32 $0xffff, v44;
	[tilespmem:v27+s21+$0x0] =	vst.idx.add.f32.msk vm5, v15  }
0x21f: {  	v15 =	vld [tilespmem:$0x1FF10];
	_ =	sdelay $0x2  }
0x220: {  	[tilespmem:v32+s21+$0x0] =	vst.idx.add.f32.msk vm0, v11  }
0x221: {  	v56 =	vld [tilespmem:s7+$0x1E]  }
0x222: {  	[tilespmem:$0x1FF90] =	vst v16;
	v16 =	vand.u32 $0xFFFFFF80, v51;
	v51 =	vld [tilespmem:s7+$0xFFFFFFFE];
	vm7 =	vnez.u8 v15  }
0x223: {  	v54 =	vld [tilespmem:s7+$0xE]  }
0x224: {  	v17 =	vand.u32 $0xFFFFFF80, v63;
	v63 =	vld [tilespmem:s7+$0xFFFFFFF0];
	v53, _, _ =	vpop (xrf2)  }
0x225: {  	v18 =	vand.u32 $0xFFFFFF80, v52;
	v52 =	vld [tilespmem:s7+$0x0];
	v58, _, _ =	vpop (xrf2)  }
0x226: {  	v21 =	vsub.f32 v61, v21;
	v57 =	vld [tilespmem:s7+$0x20];
	v39 =	vnsel vm11, $0x0, v61;
	v61, _, _ =	vpop (xrf2)  }
0x227: {  	v59 =	vld [tilespmem:s7+$0x2E];
	vm13 =	vmor vm1, vm10;
	vm1 =	vne.s32 v51, v9;
	v11 =	vsub.f32 v61, v44  }
0x228: {  	vm15 =	vmor vm1, vm10;
	[tilespmem:v28+s21+$0x0] =	vst.idx.add.f32.msk vm7, v13  }
0x229: {  	vm4 =	vne.s32 v48, v6;
	v28 =	vnsel vm15, $0x0, v11;
	v11 =	vld [tilespmem:$0x1FF20]  }
0x22a: {  	vm12 =	vmor vm4, vm9;
	(xrf2) =	vadd.scan.msk.f32 $0xffff, v47;
	vm4 =	vne.s32 v63, v7  }
0x22b: {  	vm0 =	vne.s32 v56, v8;
	vm14 =	vmor vm4, vm9;
	vm4 =	vne.s32 v52, v9  }
0x22c: {  	vm0 =	vmor vm0, vm10;
	vm1 =	vmor vm4, vm9;
	vm5 =	vne.s32 v57, v8  }
0x22d: {  	vm4 =	vne.s32 v54, v14;
	vm7 =	vmor vm5, vm9;
	vm5 =	vne.s32 v59, v10  }
0x22e: {  	vm4 =	vmor vm4, vm10;
	vm5 =	vmor vm5, vm10;
	vm10 =	vnez.u8 v11;
	_ =	sdelay $0x4  }
0x22f: {  	[tilespmem:v29+s21+$0x0] =	vst.idx.add.f32.msk vm8, v12  }
0x230: {  	v13, _, _ =	vpop (xrf2);
	[tilespmem:v30+s21+$0x0] =	vst.idx.add.f32.msk vm10, v22  }
0x231: {  	v12 =	vsub.f32 v13, v47;
	v22 =	vnsel vm6, $0x0, v13;
	v13 =	vld [tilespmem:$0x1FF30];
	_ =	sdelay $0x4  }
0x232: {  	vm10 =	vnez.u8 v13  }
0x233: {  	(xrf2) =	vadd.scan.msk.f32 $0xffff, v49;
	v27 =	vnsel vm4, $0x0, v12;
	v12 =	vld [tilespmem:$0x1FF40];
	_ =	sdelay $0x3  }
0x234: {  	v50 =	vnsel vm2, $0x0, v21;
	v21 =	vand.u32 $0xFFFFFF80, v60;
	v60 =	vld [tilespmem:s7+$0x30]  }
0x235: {  	s19 =	sadd.s32 $0x8, s19;
	[tilespmem:v31+s21+$0x0] =	vst.idx.add.f32.msk vm10, v23;
	vm10 =	vnez.u8 v12  }
0x236: {  	p1 =	slt.u32 s19, $0xF8;
	v5 =	vand.u32 $0x7F, v45;
	v37 =	vsub.f32 v53, v37  }
.Ltmp12:
0x237: {  	v20 =	vand.u32 $0xFFFFFF80, v46;
	v34 =	vnsel vm12, $0x0, v53;
	v43 =	vsub.f32 v58, v43;
	(pc) =	sbr.rel @p1 .LBB2_8-.Ltmp12, $4  }
0x238: {  	v37 =	vnsel vm3, $0x0, v37;
	v42 =	vnsel vm14, $0x0, v58;
	v63 =	vnsel vm1, $0x0, v61  }
0x239: {  	vm8 =	vne.s32 v60, v10;
	v43 =	vnsel vm13, $0x0, v43;
	v15 =	vsub.f32 v34, v37  }
0x23a: {  	(xrf2) =	vadd.scan.msk.f32 $0xffff, v25;
	vm8 =	vmor vm8, vm9;
	v11 =	vsub.f32 v39, v50;
	v13 =	vsub.f32 v42, v43;
	v23, _, _ =	vpop (xrf2)  }
0x23b: {  	s11 =	sadd.s32 $0x80, s11;
	v12 =	vsub.f32 v63, v28;
	[tilespmem:v26+s21+$0x0] =	vst.idx.add.f32.msk vm10, v24;
	v24 =	vsub.f32 v23, v49;
	v23 =	vnsel vm7, $0x0, v23  }
.LBB2_9:
0x23c: {  	v26 =	vld [tilespmem:$0x1FF50]  }
0x23d: {  	v54 =	vld [tilespmem:$0x1FF60]  }
0x23e: {  	v55 =	vld [tilespmem:$0x1FF70]  }
0x23f: {  	vm2 =	vmor vm2, vm11;
	vm3 =	vmor vm3, vm12;
	vm11 =	vmor vm13, vm14;
	v56 =	vld [tilespmem:$0x1FF80]  }
0x240: {  	vm1 =	vmor vm15, vm1;
	vm4 =	vmor vm4, vm6;
	v4 =	vor.u32 v5, v4;
	v5 =	vld [tilespmem:$0x1FF90]  }
0x241: {  	v6 =	vand.u32 $0x7F, v6;
	vm7 =	vmor vm0, vm7;
	v57 =	vand.u32 $0x7F, v9  }
0x242: {  	v58 =	vand.u32 $0x7F, v14;
	v59 =	vld [tilespmem:$0x1FFA0];
	v6 =	vor.u32 v6, v17;
	vm13 =	vnez.u8 v26  }
0x243: {  	v60 =	vld [tilespmem:$0x1FFB0];
	vm14 =	vnez.u8 v54;
	vm15 =	vnez.u8 v55;
	vm2 =	vmand vm13, vm2  }
0x244: {  	vm10 =	vnez.u8 v56;
	vm3 =	vmand vm14, vm3;
	vm6 =	vmand vm15, vm11  }
0x245: {  	vm1 =	vmand vm10, vm1;
	vm10 =	vnez.u8 v5;
	v5 =	vand.u32 $0x7F, v7  }
0x246: {  	v8 =	vand.u32 $0x7F, v8;
	v9 =	vor.u32 v58, v19;
	v5 =	vor.u32 v5, v16  }
0x247: {  	v7 =	vor.u32 v57, v18;
	vm4 =	vmand vm10, vm4;
	vm10 =	vnez.u8 v59  }
0x248: {  	vm11 =	vmor vm5, vm8;
	vm7 =	vmand vm10, vm7;
	vm10 =	vnez.u8 v60  }
0x249: {  	v10 =	vand.u32 $0x7F, v10;
	v8 =	vor.u32 v8, v20;
	vm10 =	vmand vm10, vm11;
	[tilespmem:v4+s21+$0x0] =	vst.idx.add.f32.msk vm2, v11;
	v4, _, _ =	vpop (xrf2)  }
0x24a: {  	v10 =	vor.u32 v10, v21;
	[tilespmem:v6+s21+$0x0] =	vst.idx.add.f32.msk vm3, v15;
	v61 =	vsub.f32 v4, v25  }
0x24b: {  	v62 =	vnsel vm0, $0x0, v24;
	[tilespmem:v5+s21+$0x0] =	vst.idx.add.f32.msk vm6, v13;
	v5 =	vsub.f32 v22, v27  }
0x24c: {  	v63 =	vsub.f32 v23, v62;
	[tilespmem:v7+s21+$0x0] =	vst.idx.add.f32.msk vm1, v12;
	v4 =	vnsel vm8, $0x0, v4;
	v6 =	vnsel vm5, $0x0, v61  }
0x24d: {  	[tilespmem:v9+s21+$0x0] =	vst.idx.add.f32.msk vm4, v5;
	v4 =	vsub.f32 v4, v6  }
0x24e: {  	[tilespmem:v8+s21+$0x0] =	vst.idx.add.f32.msk vm7, v63  }
0x24f: {  	[tilespmem:v10+s21+$0x0] =	vst.idx.add.f32.msk vm10, v4  }
.LBB2_13:
0x250: {  	s3 =	sadd.s32 $0x2, s3  }
0x251: {  	p1 =	sge.s32 s3, s29  }
0x252: {  	s7 =	sshll.u32 @!p1 s3, $0x9  }
0x253: {  	s7 =	sand.u32 @!p1 $0x1FFFFE00, s7  }
0x254: {  	s18 =	simm.s32 @!p1 $0x0;
	s19 =	simm.s32 @!p1 $0xC380;
	s11 =	sadd.s32 @!p1 s5, s7  }
0x255: {  	v4 =	vld [tilespmem:$0x1FFF0];
	[tilespmem:s19], [sflag:$0x1] =	stream.linear.gather @!p1 [hbm4b:s11+s18], $0x1000, $0x38  }
.Ltmp13:
0x256: {  	_ = 	snop;
	(pc) =	sbr.rel @p0 .LBB2_21-.Ltmp13, $4  }
0x257: {  	s11 =	sadd.s32 @!p1 s4, s7;
	s19 =	simm.s32 @!p1 $0xD380  }
0x258: {  	[tilespmem:s19], [sflag:$0x1] =	stream.linear.gather @!p1 [hbm4b:s11+s18], $0x1000, $0x38;
	[tilespmem:$0x1B580] =	vst v63  }
0x259: {  	s7 =	sadd.s32 @!p1 s6, s7;
	s11 =	simm.s32 @!p1 $0xE390  }
0x25a: {  	vm12 =	vnez.u8 v4;
	[tilespmem:s11], [sflag:$0x1] =	stream.linear.gather @!p1 [hbm4b:s7+s18], $0x1000, $0x38;
	[tilespmem:$0x1B580] =	vst v63  }
0x25b: {  	_ =	swait.ge [sflag:s22], $0x1000  }
0x25c: {  	p0 =	slt.s32 s8, s25;
	s3 =	sshll.u32 s3, $0xC;
	[sflag:s22] =	ssyncset.done $0x0  }
0x25d: {  	p1 =	sle.s32 @!p0 s3, s26;
	[sflag:s22] =	ssyncadd.s32 $0xFFFFF000  }
0x25e: {  	p1 =	por p0, !p1;
	_ =	swait.ge [sflag:s22], $0x1000  }
.Ltmp14:
0x25f: {  	[sflag:s22] =	ssyncset.done $0x0;
	(pc) =	sbr.rel @p1 .LBB2_15-.Ltmp14, $4  }
0x260: {  	[sflag:s22] =	ssyncadd.s32 $0xFFFFF000  }
0x261: {  	_ =	swait.ge [sflag:s22], $0x1000  }
0x262: {  	s8 =	simm.s32 $0xFFFFFFF8;
	s7 =	simm.s32 $0x10440;
	[sflag:s22] =	ssyncset.done $0x0  }
0x263: {  	s11 =	simm.s32 $0xF440;
	s3 =	simm.s32 $0x11441;
	[sflag:s22] =	ssyncadd.s32 $0xFFFFF000  }
0x264: {  	v4 =	vld [tilespmem:s11+$0x30]  }
0x265: {  	v5 =	vld [tilespmem:s11+$0xFFFFFFD0]  }
0x266: {  	v6 =	vld [tilespmem:s11+$0xFFFFFFE0]  }
0x267: {  	v7 =	vld [tilespmem:s11+$0xFFFFFFF0]  }
0x268: {  	v8 =	vld [tilespmem:s11+$0x0]  }
0x269: {  	v12 =	vld [tilespmem:s11+$0xFFFFFFC0];
	v9 =	vshrl.u32 v4, $0x1  }
0x26a: {  	v10 =	vld [tilespmem:s11+$0x10]  }
0x26b: {  	v14 =	vld [tilespmem:s11+$0x20];
	v11 =	vshrl.u32 v5, $0x1  }
0x26c: {  	v20 =	vld [tilespmem:s7+$0x30];
	v13 =	vshrl.u32 v6, $0x1  }
0x26d: {  	v21 =	vld [tilespmem:s3+$0x3F];
	v15 =	vshrl.u32 v7, $0x1  }
0x26e: {  	v18 =	vshrl.u32 v12, $0x1;
	v9 =	vld.idx.msk [tilespmem:v9+s9+$0x0], $0xffff  }
0x26f: {  	v22 =	vld [tilespmem:s3+$0x3E];
	v16 =	vshrl.u32 v8, $0x1  }
0x270: {  	v17 =	vshrl.u32 v10, $0x1;
	v11 =	vld.idx.msk [tilespmem:v11+s9+$0x0], $0xffff  }
0x271: {  	v19 =	vshrl.u32 v14, $0x1;
	v4 =	vshll.u32 v4, $0x4;
	v13 =	vld.idx.msk [tilespmem:v13+s9+$0x0], $0xffff  }
0x272: {  	v4 =	vand.u32 $0x10, v4;
	v15 =	vld.idx.msk [tilespmem:v15+s9+$0x0], $0xffff  }
0x273: {  	v4 =	vshrl.u32 v9, v4;
	v9 =	vld.idx.msk [tilespmem:v18+s9+$0x0], $0xffff  }
0x274: {  	v16 =	vld.idx.msk [tilespmem:v16+s9+$0x0], $0xffff  }
0x275: {  	v5 =	vshll.u32 v5, $0x4;
	v6 =	vshll.u32 v6, $0x4;
	v17 =	vld.idx.msk [tilespmem:v17+s9+$0x0], $0xffff;
	v4 =	vshll.u32 v4, $0x10  }
0x276: {  	v7 =	vshll.u32 v7, $0x4;
	v12 =	vshll.u32 v12, $0x4;
	v18 =	vld.idx.msk [tilespmem:v19+s9+$0x0], $0xffff;
	v4 =	vmul.f32 v4, v20  }
0x277: {  	v8 =	vshll.u32 v8, $0x4;
	v10 =	vshll.u32 v10, $0x4;
	v12 =	vand.u32 $0x10, v12;
	v19 =	vld [tilespmem:s7+$0xFFFFFFC0]  }
0x278: {  	v14 =	vshll.u32 v14, $0x4;
	vm1 =	vne.s32 v22, v21;
	(xrf2) =	vadd.scan.msk.f32 $0xffff, v4;
	v9 =	vshrl.u32 v9, v12;
	v12 =	vld [tilespmem:s3+$0x40]  }
0x279: {  	v5 =	vand.u32 $0x10, v5;
	v6 =	vand.u32 $0x10, v6;
	v7 =	vand.u32 $0x10, v7;
	v20 =	vld [tilespmem:s7+$0xFFFFFFD0]  }
0x27a: {  	v8 =	vand.u32 $0x10, v8;
	v10 =	vand.u32 $0x10, v10;
	v14 =	vand.u32 $0x10, v14  }
0x27b: {  	vm1 =	vmor vm1, vm12;
	v5 =	vshrl.u32 v11, v5;
	v6 =	vshrl.u32 v13, v6;
	v11 =	vld [tilespmem:s7+$0xFFFFFFE0]  }
0x27c: {  	v13 =	vld [tilespmem:s7+$0xFFFFFFF0];
	v7 =	vshrl.u32 v15, v7;
	v8 =	vshrl.u32 v16, v8;
	v10 =	vshrl.u32 v17, v10  }
0x27d: {  	v15 =	vld [tilespmem:s7+$0x0];
	v5 =	vshll.u32 v5, $0x10;
	v9 =	vshll.u32 v9, $0x10;
	vm0 =	vne.s32 v12, v21  }
0x27e: {  	v9 =	vmul.f32 v9, v19;
	v5 =	vmul.f32 v5, v20;
	v19 =	vld [tilespmem:s3+$0xFFFFFFCE];
	vm0 =	vmor vm0, vm9  }
0x27f: {  	v20 =	vimm.s32 $0x0;
	v12 =	vshrl.u32 v18, v14;
	v14 =	vld [tilespmem:s3+$0xFFFFFFCF];
	vm2 =	vmor vm1, vm0  }
0x280: {  	v16 =	vld [tilespmem:s7+$0x10];
	v6 =	vshll.u32 v6, $0x10;
	v7 =	vshll.u32 v7, $0x10;
	(xrf2) =	vadd.scan.msk.f32 $0xffff, v9;
	v20 =	vsel vm2, $0xFFFFFFFF, v20  }
0x281: {  	v17 =	vld [tilespmem:s7+$0x20];
	v8 =	vshll.u32 v8, $0x10;
	v10 =	vshll.u32 v10, $0x10;
	v18 =	vsub.s32 v21, v0;
	[tilespmem:$0x1FD40] =	vst v20  }
0x282: {  	v23 =	vmul.f32 v6, v11;
	(xrf2) =	vadd.scan.msk.f32 $0xffff, v5;
	v18 =	vand.u32 $0xFFFFFF80, v18;
	v20 =	vand.u32 $0x7F, v21;
	v21, _, _ =	vpop (xrf2);
	v22 =	vld [tilespmem:s3+$0xFFFFFFD0]  }
0x283: {  	v15 =	vmul.f32 v8, v15;
	v4 =	vsub.f32 v21, v4;
	v18 =	vor.u32 v20, v18;
	v11 =	vld [tilespmem:s3+$0xFFFFFFDF]  }
0x284: {  	(xrf2) =	vadd.scan.msk.f32 $0xffff, v23;
	v20 =	vmul.f32 v7, v13;
	v13 =	vld [tilespmem:s3+$0xFFFFFFDE];
	v6 =	vnsel vm0, $0x0, v21;
	vm0 =	vne.s32 v19, v14  }
0x285: {  	v8 =	vimm.s32 $0x0;
	v4 =	vnsel vm1, $0x0, v4;
	vm1 =	vmor vm0, vm12  }
0x286: {  	v16 =	vmul.f32 v10, v16;
	v10 =	vld [tilespmem:s3+$0xFFFFFFE0];
	v8 =	vsel vm1, $0xFFFFFFFF, v8  }
0x287: {  	v7 =	vsub.s32 v14, v0;
	v21 =	vsub.f32 v6, v4;
	v4 =	vld [tilespmem:s3+$0xFFFFFFEF];
	[tilespmem:$0x1FD50] =	vst v8  }
0x288: {  	v6 =	vand.u32 $0xFFFFFF80, v7;
	v7 =	vand.u32 $0x7F, v14;
	vm2 =	vne.s32 v22, v14;
	v14 =	vld [tilespmem:s3+$0xFFFFFFEE]  }
0x289: {  	v12 =	vshll.u32 v12, $0x10;
	(xrf2) =	vadd.scan.msk.f32 $0xffff, v20;
	vm0 =	vne.s32 v13, v11;
	v13 =	vld [tilespmem:s3+$0xFFFFFFF0]  }
0x28a: {  	v17 =	vmul.f32 v12, v17;
	v19, _, _ =	vpop (xrf2);
	v12 =	vsub.s32 v11, v0;
	v24 =	vld [tilespmem:s3+$0xFFFFFFFF]  }
0x28b: {  	v8 =	vand.u32 $0x7F, v11;
	v22 =	vsub.f32 v19, v9;
	vm4 =	vne.s32 v10, v11;
	v26 =	vld [tilespmem:s3+$0xF]  }
0x28c: {  	v25, _, _ =	vpop (xrf2);
	v28 =	vld [tilespmem:s3+$0x10];
	vm7 =	vmor vm2, vm9;
	vm3 =	vmor vm0, vm12;
	vm4 =	vmor vm4, vm9  }
0x28d: {  	(xrf2) =	vadd.scan.msk.f32 $0xffff, v15;
	v5 =	vsub.f32 v25, v5;
	v19 =	vnsel vm7, $0x0, v19;
	v10 =	vnsel vm1, $0x0, v22;
	v22 =	vld [tilespmem:s3+$0xFFFFFFFE]  }
0x28e: {  	v11 =	vsub.f32 v19, v10;
	v19 =	vnsel vm4, $0x0, v25;
	v25 =	vld [tilespmem:s3+$0x0];
	vm0 =	vne.s32 v14, v4;
	v14, _, _ =	vpop (xrf2)  }
0x28f: {  	vm5 =	vmmov vm9;
	s19 =	simm.s32 $0xF4C0;
	v29 =	vld [tilespmem:s3+$0x20];
	v9 =	vand.u32 $0xFFFFFF80, v12;
	v23 =	vsub.f32 v14, v23  }
0x290: {  	(xrf2) =	vadd.scan.msk.f32 $0xffff, v16;
	v34 =	vld [tilespmem:s19+$0xFFFFFFE0];
	v12 =	vsub.s32 v4, v0;
	v5 =	vnsel vm3, $0x0, v5;
	vm1 =	vne.s32 v13, v4  }
0x291: {  	v10 =	vand.u32 $0xFFFFFF80, v12;
	v12 =	vand.u32 $0x7F, v4;
	v4 =	vld [tilespmem:s3+$0xE];
	vm10 =	vmor vm1, vm5  }
0x292: {  	v13 =	vsub.f32 v19, v5;
	v19 =	vld [tilespmem:s3+$0x1F];
	vm9 =	vmor vm0, vm12;
	v5 =	vnsel vm10, $0x0, v14  }
0x293: {  	vm0 =	vne.s32 v22, v24;
	v22 =	vld [tilespmem:s3+$0x1E];
	v14 =	vnsel vm9, $0x0, v23;
	vm1 =	vne.s32 v25, v24;
	v23, _, _ =	vpop (xrf2)  }
0x294: {  	v32 =	vld [tilespmem:s3+$0x30];
	vm14 =	vmor vm1, vm5;
	v20 =	vsub.f32 v23, v20  }
0x295: {  	(xrf2) =	vadd.scan.msk.f32 $0xffff, v17;
	vm2 =	vmor vm0, vm12;
	v14 =	vsub.f32 v5, v14;
	v5 =	vnsel vm14, $0x0, v23;
	v23 =	vld [tilespmem:s3+$0x2F]  }
0x296: {  	vm0 =	vne.s32 v4, v26;
	v4 =	vnsel vm2, $0x0, v20;
	v20 =	vld [tilespmem:s3+$0x2E]  }
0x297: {  	v39 =	vld [tilespmem:$0x1FD40];
	vm6 =	vne.s32 v28, v26;
	v37 =	vshrl.u32 v34, $0x1;
	vm8 =	vne.s32 v29, v19;
	v28, _, _ =	vpop (xrf2)  }
0x298: {  	vm1 =	vmor vm0, vm12;
	v30 =	vsub.f32 v28, v15;
	vm0 =	vne.s32 v22, v19  }
0x299: {  	vm6 =	vmor vm6, vm5;
	vm13 =	vmor vm8, vm5;
	v22 =	vld [tilespmem:s19+$0x30];
	vm11 =	vmor vm0, vm12  }
0x29a: {  	v15 =	vsub.f32 v5, v4;
	v4 =	vnsel vm6, $0x0, v28;
	v5 =	vnsel vm1, $0x0, v30;
	v28, _, _ =	vpop (xrf2)  }
0x29b: {  	v29 =	vld [tilespmem:s19+$0xFFFFFFD0];
	v30 =	vsub.f32 v28, v16;
	vm8 =	vne.s32 v32, v23;
	vm0 =	vne.s32 v20, v23  }
0x29c: {  	v48 =	vld [tilespmem:s19+$0x10];
	vm15 =	vmor vm0, vm12;
	vm0 =	vmor vm8, vm5;
	vm8 =	vnez.u8 v39  }
0x29d: {  	v38 =	vld [tilespmem:s19+$0x20];
	v25 =	vsub.s32 v26, v0;
	v16 =	vsub.f32 v4, v5  }
0x29e: {  	v4 =	vnsel vm13, $0x0, v28;
	v28 =	vld [tilespmem:s19+$0xFFFFFFF0];
	v5 =	vnsel vm11, $0x0, v30;
	v30 =	vshrl.u32 v22, $0x1  }
0x29f: {  	v36 =	vand.u32 $0xFFFFFF80, v25;
	v25 =	vld [tilespmem:s19+$0xFFFFFFC0];
	v20, _, _ =	vpop (xrf2)  }
0x2a0: {  	v37 =	vld.idx.msk [tilespmem:v37+s9+$0x0], $0xffff;
	v35 =	vshrl.u32 v29, $0x1;
	v4 =	vsub.f32 v4, v5;
	v5 =	vsub.f32 v20, v17  }
0x2a1: {  	v40 =	vimm.s32 $0x0;
	v27 =	vsub.s32 v24, v0;
	v17 =	vld [tilespmem:s19+$0x0]  }
0x2a2: {  	vm2 =	vmor vm2, vm14;
	v20 =	vnsel vm0, $0x0, v20;
	v5 =	vnsel vm15, $0x0, v5;
	[tilespmem:v18+s21+$0x0] =	vst.idx.add.f32.msk vm8, v21  }
0x2a3: {  	v18 =	vand.u32 $0x7F, v24;
	v21 =	vand.u32 $0x7F, v26;
	v24 =	vshrl.u32 v28, $0x1;
	v26 =	vld.idx.msk [tilespmem:v30+s9+$0x0], $0xffff  }
0x2a4: {  	v50 =	vshrl.u32 v38, $0x1;
	v40 =	vsel vm2, $0xFFFFFFFF, v40;
	v5 =	vsub.f32 v20, v5;
	v20 =	vld [tilespmem:$0x1FD50]  }
0x2a5: {  	v34 =	vshll.u32 v34, $0x4;
	v27 =	vand.u32 $0xFFFFFF80, v27;
	v31 =	vsub.s32 v19, v0;
	s3 =	simm.s32 $0x104C0;
	v35 =	vld.idx.msk [tilespmem:v35+s9+$0x0], $0xffff;
	[tilespmem:$0x1FD80] =	vst v40  }
0x2a6: {  	v49 =	vshrl.u32 v25, $0x1;
	v33 =	vsub.s32 v23, v0;
	v22 =	vshll.u32 v22, $0x4;
	v41 =	vld [tilespmem:s3+$0x30]  }
0x2a7: {  	v22 =	vand.u32 $0x10, v22;
	v30 =	vand.u32 $0x7F, v23;
	v23 =	vshrl.u32 v48, $0x1  }
0x2a8: {  	vm0 =	vmor vm15, vm0;
	v42 =	vld.idx.msk [tilespmem:v24+s9+$0x0], $0xffff;
	v24 =	vshll.u32 v28, $0x4;
	v22 =	vshrl.u32 v26, v22  }
0x2a9: {  	vm8 =	vnez.u8 v20;
	v20 =	vshrl.u32 v17, $0x1;
	v28 =	vand.u32 $0x10, v24  }
0x2aa: {  	v51 =	vld.idx.msk [tilespmem:v50+s9+$0x0], $0xffff;
	v22 =	vshll.u32 v22, $0x10;
	v24 =	vshll.u32 v38, $0x4;
	vm7 =	vmor vm8, vm7  }
0x2ab: {  	v44 =	vld [tilespmem:s3+$0xFFFFFFC0];
	vm8 =	vmor vm3, vm4;
	v52 =	vmul.f32 v22, v41;
	v54 =	vand.u32 $0x10, v24  }
0x2ac: {  	v43 =	vld.idx.msk [tilespmem:v23+s9+$0x0], $0xffff;
	vm4 =	vmor vm1, vm6;
	vm1 =	vmor vm11, vm13;
	v22 =	vimm.s32 $0x0  }
0x2ad: {  	v26 =	vld.idx.msk [tilespmem:v49+s9+$0x0], $0xffff;
	v24 =	vor.u32 v7, v6;
	v6 =	vimm.s32 $0x0;
	v22 =	vsel vm1, $0xFFFFFFFF, v22  }
0x2ae: {  	v34 =	vand.u32 $0x10, v34;
	v31 =	vand.u32 $0xFFFFFF80, v31;
	v6 =	vsel vm0, $0xFFFFFFFF, v6;
	v20 =	vld.idx.msk [tilespmem:v20+s9+$0x0], $0xffff;
	[tilespmem:$0x1FD60] =	vst v22  }
0x2af: {  	s7 =	simm.s32 $0x114C1;
	v19 =	vand.u32 $0x7F, v19;
	v25 =	vshll.u32 v25, $0x4;
	v29 =	vshll.u32 v29, $0x4;
	v45 =	vld [tilespmem:s3+$0xFFFFFFD0];
	[tilespmem:$0x1FD70] =	vst v6  }
0x2b0: {  	v55 =	vand.u32 $0x10, v25;
	v25 =	vor.u32 v8, v9;
	v23 =	vshll.u32 v48, $0x4;
	v8 =	vld [tilespmem:s7+$0x3F]  }
0x2b1: {  	v29 =	vand.u32 $0x10, v29;
	v33 =	vand.u32 $0xFFFFFF80, v33;
	v53 =	vand.u32 $0x10, v23;
	(xrf2) =	vadd.scan.msk.f32 $0xffff, v52;
	v9 =	vld [tilespmem:s7+$0x3E]  }
0x2b2: {  	v23 =	vor.u32 v12, v10;
	v12 =	vshrl.u32 v26, v55;
	v22 =	vor.u32 v18, v27;
	v18 =	vld [tilespmem:s7+$0x40]  }
0x2b3: {  	v17 =	vshll.u32 v17, $0x4;
	v10 =	vshrl.u32 v37, v34;
	v12 =	vshll.u32 v12, $0x10;
	v26 =	vld [tilespmem:s3+$0xFFFFFFE0]  }
0x2b4: {  	v17 =	vand.u32 $0x10, v17;
	v27 =	vshrl.u32 v42, v28;
	v12 =	vmul.f32 v12, v44;
	v28 =	vld [tilespmem:s3+$0xFFFFFFF0]  }
0x2b5: {  	v7 =	vshrl.u32 v35, v29;
	v10 =	vshll.u32 v10, $0x10;
	v6 =	vor.u32 v19, v31;
	v29 =	vld [tilespmem:s3+$0x0]  }
0x2b6: {  	v19 =	vshll.u32 v7, $0x10;
	v7 =	vor.u32 v30, v33;
	v27 =	vshll.u32 v27, $0x10;
	v31 =	vld [tilespmem:s3+$0x10];
	(xrf2) =	vadd.scan.msk.f32 $0xffff, v12  }
0x2b7: {  	v30 =	vshrl.u32 v51, v54;
	v56 =	vld [tilespmem:s3+$0x20];
	v17 =	vshrl.u32 v20, v17;
	v20 =	vshrl.u32 v43, v53  }
0x2b8: {  	v17 =	vshll.u32 v17, $0x10;
	v20 =	vshll.u32 v20, $0x10;
	vm0 =	vne.s32 v18, v8;
	v18 =	vld [tilespmem:s7+$0xFFFFFFCF]  }
0x2b9: {  	v57 =	vld [tilespmem:s7+$0xFFFFFFCE];
	v19 =	vmul.f32 v19, v45;
	vm1 =	vne.s32 v9, v8;
	v9 =	vsub.s32 v8, v0  }
0x2ba: {  	v59 =	vld [tilespmem:s7+$0xFFFFFFD0];
	v8 =	vand.u32 $0x7F, v8;
	v60 =	vmul.f32 v10, v26;
	v61 =	vmul.f32 v27, v28  }
0x2bb: {  	v27 =	vld [tilespmem:s7+$0xFFFFFFDE];
	v63 =	vmul.f32 v20, v31;
	vm0 =	vmor vm0, vm5;
	vm1 =	vmor vm1, vm12;
	v58, _, _ =	vpop (xrf2)  }
0x2bc: {  	v28 =	vld [tilespmem:s7+$0xFFFFFFE0];
	v9 =	vand.u32 $0xFFFFFF80, v9;
	vm2 =	vmor vm1, vm0;
	v10 =	vsub.f32 v58, v52  }
0x2bd: {  	(xrf2) =	vadd.scan.msk.f32 $0xffff, v19;
	v26 =	vor.u32 v8, v9;
	v8 =	vshll.u32 v30, $0x10;
	v30 =	vld [tilespmem:s7+$0xFFFFFFDF];
	v20 =	vsub.s32 v18, v0  }
0x2be: {  	vm9 =	vmor vm9, vm10;
	v62 =	vmul.f32 v17, v29;
	v29 =	vld [tilespmem:s7+$0xFFFFFFEF];
	(xrf2) =	vadd.scan.msk.f32 $0xffff, v60  }
0x2bf: {  	v49 =	vld [tilespmem:s7+$0xE];
	v9 =	vnsel vm0, $0x0, v58;
	v17 =	vmul.f32 v8, v56;
	(xrf2) =	vadd.scan.msk.f32 $0xffff, v61;
	v10 =	vnsel vm1, $0x0, v10  }
0x2c0: {  	v45 =	vld [tilespmem:s7+$0xFFFFFFF0];
	v10 =	vsub.f32 v9, v10;
	vm0 =	vne.s32 v57, v18;
	v8 =	vand.u32 $0xFFFFFF80, v20;
	v20, _, _ =	vpop (xrf2);
	(xrf2) =	vadd.scan.msk.f32 $0xffff, v62  }
0x2c1: {  	v31 =	vld [tilespmem:s7+$0xFFFFFFEE];
	v9 =	vand.u32 $0x7F, v18;
	vm1 =	vne.s32 v59, v18;
	vm10 =	vmor vm0, vm12  }
0x2c2: {  	vm11 =	vmor vm1, vm5;
	v18 =	vsub.s32 v30, v0;
	[tilespmem:v26+s21+$0x0] =	vst.idx.add.f32.msk vm2, v10;
	v26 =	vsub.f32 v20, v12  }
0x2c3: {  	vm0 =	vne.s32 v27, v30;
	vm1 =	vne.s32 v28, v30;
	v27 =	vsub.s32 v29, v0;
	v28 =	vld [tilespmem:s7+$0xFFFFFFFE]  }
0x2c4: {  	v44 =	vnsel vm11, $0x0, v20;
	v12 =	vand.u32 $0xFFFFFF80, v18;
	v20 =	vld [tilespmem:s7+$0xFFFFFFFF];
	v18 =	vnsel vm10, $0x0, v26  }
0x2c5: {  	v26 =	vsub.f32 v44, v18;
	v18 =	vand.u32 $0xFFFFFF80, v27;
	v27 =	vld [tilespmem:s7+$0xF]  }
0x2c6: {  	v52 =	vld [tilespmem:s7+$0x10];
	vm3 =	vne.s32 v45, v29  }
0x2c7: {  	vm14 =	vmor vm3, vm5;
	v10 =	vand.u32 $0x7F, v30;
	v30, _, _ =	vpop (xrf2)  }
0x2c8: {  	v48 =	vld [tilespmem:s7+$0x0];
	vm13 =	vmor vm0, vm12;
	vm0 =	vmor vm1, vm5;
	vm1 =	vne.s32 v31, v29;
	v50, _, _ =	vpop (xrf2)  }
0x2c9: {  	[tilespmem:v24+s21+$0x0] =	vst.idx.add.f32.msk vm7, v11;
	vm2 =	vmor vm1, vm12;
	v51 =	vsub.f32 v50, v60;
	v55, _, _ =	vpop (xrf2);
	vm1 =	vne.s32 v28, v20  }
0x2ca: {  	[tilespmem:v25+s21+$0x0] =	vst.idx.add.f32.msk vm8, v13;
	v56 =	vsub.f32 v55, v61;
	vm3 =	vmor vm1, vm12;
	vm1 =	vne.s32 v49, v27;
	v60, _, _ =	vpop (xrf2)  }
0x2cb: {  	[tilespmem:v23+s21+$0x0] =	vst.idx.add.f32.msk vm9, v14;
	vm15 =	vmor vm1, vm12;
	vm1 =	vne.s32 v52, v27;
	v61 =	vsub.f32 v60, v62  }
0x2cc: {  	v57 =	vld [tilespmem:s7+$0x20];
	(xrf2) =	vadd.scan.msk.f32 $0xffff, v63;
	vm1 =	vmor vm1, vm5  }
0x2cd: {  	v28 =	vld [tilespmem:s7+$0x1F];
	v11 =	vnsel vm1, $0x0, v60;
	v13 =	vnsel vm15, $0x0, v61  }
0x2ce: {  	v46 =	vsub.f32 v30, v19;
	v23 =	vsub.f32 v11, v13;
	v11 =	vld [tilespmem:$0x1FD80]  }
0x2cf: {  	v21 =	vor.u32 v21, v36;
	(xrf2) =	vadd.scan.msk.f32 $0xffff, v17  }
0x2d0: {  	v47 =	vnsel vm0, $0x0, v30;
	v19 =	vand.u32 $0x7F, v29;
	v31 =	vnsel vm13, $0x0, v46  }
0x2d1: {  	v54 =	vld [tilespmem:s7+$0x1E];
	vm6 =	vne.s32 v48, v20;
	v29 =	vsub.f32 v47, v31;
	v31 =	vnsel vm14, $0x0, v50  }
0x2d2: {  	v59 =	vld [tilespmem:s7+$0x2E];
	v53 =	vnsel vm2, $0x0, v51;
	vm6 =	vmor vm6, vm5;
	vm8 =	vne.s32 v57, v28  }
0x2d3: {  	v32 =	vsub.f32 v31, v53;
	v31 =	vld [tilespmem:s7+$0x2F];
	vm9 =	vmor vm8, vm5;
	vm5 =	vnez.u8 v11  }
0x2d4: {  	v62 =	vld [tilespmem:s7+$0x30]  }
0x2d5: {  	v30 =	vsub.s32 v20, v0;
	v34 =	vnsel vm6, $0x0, v55;
	v58 =	vnsel vm3, $0x0, v56  }
0x2d6: {  	v33 =	vsub.s32 v27, v0;
	v34 =	vsub.f32 v34, v58;
	vm7 =	vne.s32 v54, v28;
	v25, _, _ =	vpop (xrf2)  }
0x2d7: {  	v35 =	vsub.s32 v28, v0;
	vm7 =	vmor vm7, vm12;
	v63 =	vsub.f32 v25, v63  }
0x2d8: {  	v24 =	vsub.s32 v31, v0;
	vm8 =	vne.s32 v59, v31;
	v14 =	vnsel vm9, $0x0, v25;
	[tilespmem:v21+s21+$0x0] =	vst.idx.add.f32.msk vm4, v16  }
0x2d9: {  	s8 =	simm.s32 $0x8;
	s11 =	simm.s32 $0xF540;
	vm8 =	vmor vm8, vm12;
	v13 =	vnsel vm7, $0x0, v63;
	vm4 =	vne.s32 v62, v31;
	[tilespmem:v22+s21+$0x0] =	vst.idx.add.f32.msk vm5, v15;
	v15, _, _ =	vpop (xrf2)  }
.LBB2_19:
0x2da: {  	v11 =	vmov v23;
	v23 =	vld [tilespmem:s11+$0xFFFFFFF0]  }
0x2db: {  	v36 =	vsub.f32 v15, v17;
	v41 =	vld [tilespmem:$0x1FD60]  }
0x2dc: {  	vm0 =	vmor vm13, vm0;
	v50 =	vimm.s32 $0x0;
	v51 =	vimm.s32 $0x0  }
0x2dd: {  	v62 =	vnsel vm8, $0x0, v36;
	v36 =	vsel vm0, $0xFFFFFFFF, v50;
	vm0 =	vmor vm2, vm14  }
0x2de: {  	v38 =	vimm.s32 $0x0;
	[tilespmem:$0x1FD00] =	vst v36;
	v36 =	vsel vm0, $0xFFFFFFFF, v51;
	vm0 =	vmor vm3, vm6  }
0x2df: {  	v21 =	vld [tilespmem:s11+$0x30];
	v38 =	vsel vm0, $0xFFFFFFFF, v38  }
0x2e0: {  	v17 =	vld [tilespmem:s11+$0xFFFFFFD0];
	v40 =	vshrl.u32 v23, $0x1;
	v23 =	vshll.u32 v23, $0x4;
	vm0 =	vnez.u8 v41  }
0x2e1: {  	vm5 =	vcmask $0x3F3C;
	v54 =	vand.u32 $0x10, v23;
	v23 =	vld [tilespmem:$0x1FD70]  }
0x2e2: {  	v48 =	vld [tilespmem:s11+$0x10];
	vm4 =	vmor vm4, vm5  }
0x2e3: {  	v37 =	vld [tilespmem:s11+$0x20];
	v25 =	vnsel vm4, $0x0, v15  }
0x2e4: {  	v63 =	vand.u32 $0xFFFFFF80, v24;
	v24 =	vsub.f32 v25, v62;
	v25 =	vld [tilespmem:s11+$0x0]  }
0x2e5: {  	v53 =	vld [tilespmem:s11+$0xFFFFFFC0];
	v49 =	vshrl.u32 v21, $0x1  }
0x2e6: {  	v52 =	vshrl.u32 v17, $0x1;
	[tilespmem:v6+s21+$0x0] =	vst.idx.add.f32.msk vm0, v4;
	vm0 =	vnez.u8 v23  }
0x2e7: {  	v22 =	vsub.f32 v14, v13;
	s3 =	sadd.s32 $0x80, s3;
	v16 =	vmov v26;
	v26 =	vand.u32 $0xFFFFFF80, v30;
	v30 =	vld [tilespmem:s11+$0xFFFFFFE0]  }
0x2e8: {  	s7 =	sadd.s32 $0x80, s7;
	v45 =	vld [tilespmem:s3+$0x30]  }
0x2e9: {  	v50 =	vld [tilespmem:s7+$0xE];
	v4 =	vmov v22;
	v22 =	vshll.u32 v25, $0x4  }
0x2ea: {  	v58 =	vshrl.u32 v53, $0x1;
	v55 =	vld.idx.msk [tilespmem:v49+s9+$0x0], $0xffff;
	v42 =	vand.u32 $0x10, v22;
	v22 =	vshll.u32 v48, $0x4  }
0x2eb: {  	v56 =	vld.idx.msk [tilespmem:v52+s9+$0x0], $0xffff;
	v6 =	vshrl.u32 v25, $0x1;
	v57 =	vand.u32 $0x10, v22;
	v22 =	vshll.u32 v37, $0x4  }
0x2ec: {  	v60 =	vand.u32 $0x10, v22;
	v22 =	vimm.s32 $0x0;
	[tilespmem:v7+s21+$0x0] =	vst.idx.add.f32.msk vm0, v5;
	vm0 =	vmor vm15, vm1  }
0x2ed: {  	v43 =	vshrl.u32 v37, $0x1;
	v39 =	vshrl.u32 v30, $0x1;
	v40 =	vld.idx.msk [tilespmem:v40+s9+$0x0], $0xffff;
	v22 =	vsel vm0, $0xFFFFFFFF, v22  }
0x2ee: {  	v49 =	vld [tilespmem:s7+$0x0];
	v25 =	vor.u32 v9, v8;
	vm0 =	vmor vm7, vm9;
	[tilespmem:$0x1FD30] =	vst v22;
	v22 =	vimm.s32 $0x0  }
0x2ef: {  	v52 =	vld [tilespmem:s7+$0x10];
	v8 =	vimm.s32 $0x0;
	v22 =	vsel vm0, $0xFFFFFFFF, v22;
	vm0 =	vmor vm8, vm4  }
0x2f0: {  	v21 =	vshll.u32 v21, $0x4;
	v5 =	vmovc v24;
	v24 =	vor.u32 v10, v12;
	v10 =	vld.idx.msk [tilespmem:v58+s9+$0x0], $0xffff;
	v8 =	vsel vm0, $0xFFFFFFFF, v8  }
0x2f1: {  	v20 =	vand.u32 $0x7F, v20;
	[tilespmem:$0x1FD70] =	vst v8;
	v8 =	vld.idx.msk [tilespmem:v6+s9+$0x0], $0xffff;
	v6 =	vand.u32 $0x10, v21  }
0x2f2: {  	v23 =	vshll.u32 v53, $0x4;
	v59 =	vld.idx.msk [tilespmem:v39+s9+$0x0], $0xffff;
	v7 =	vshrl.u32 v48, $0x1;
	v6 =	vshrl.u32 v55, v6  }
0x2f3: {  	v44 =	vand.u32 $0x10, v23;
	v23 =	vor.u32 v19, v18;
	v19 =	vld [tilespmem:s3+$0xFFFFFFC0];
	v12 =	vshll.u32 v6, $0x10  }
0x2f4: {  	v14 =	vmovc v29;
	v29 =	vand.u32 $0xFFFFFF80, v33;
	[tilespmem:$0x1FD60] =	vst v22;
	v22 =	vor.u32 v20, v26;
	v26 =	vld [tilespmem:s3+$0xFFFFFFD0];
	v12 =	vmul.f32 v12, v45  }
0x2f5: {  	v61 =	vand.u32 $0xFFFFFF80, v35;
	v28 =	vand.u32 $0x7F, v28;
	v17 =	vshll.u32 v17, $0x4;
	v18 =	vld.idx.msk [tilespmem:v43+s9+$0x0], $0xffff  }
0x2f6: {  	v17 =	vand.u32 $0x10, v17;
	v30 =	vshll.u32 v30, $0x4;
	v43 =	vld [tilespmem:s7+$0xFFFFFFD0];
	v10 =	vshrl.u32 v10, v44;
	(xrf2) =	vadd.scan.msk.f32 $0xffff, v12  }
0x2f7: {  	v30 =	vand.u32 $0x10, v30;
	v9 =	vld.idx.msk [tilespmem:v7+s9+$0x0], $0xffff;
	v7 =	vshrl.u32 v56, v17;
	v10 =	vshll.u32 v10, $0x10  }
0x2f8: {  	v17 =	vshll.u32 v7, $0x10;
	v7 =	vshrl.u32 v59, v30;
	v30 =	vld [tilespmem:s7+$0x40];
	v19 =	vmul.f32 v10, v19  }
0x2f9: {  	v27 =	vand.u32 $0x7F, v27;
	v6 =	vor.u32 v28, v61;
	v28 =	vld [tilespmem:s7+$0x3F];
	v61 =	vmul.f32 v17, v26  }
0x2fa: {  	v21 =	vor.u32 v27, v29;
	v29 =	vld [tilespmem:s7+$0x3E];
	(xrf2) =	vadd.scan.msk.f32 $0xffff, v19  }
0x2fb: {  	vm10 =	vmor vm10, vm11;
	v31 =	vand.u32 $0x7F, v31;
	v27 =	vshrl.u32 v40, v54;
	v10 =	vld [tilespmem:s3+$0xFFFFFFF0];
	(xrf2) =	vadd.scan.msk.f32 $0xffff, v61  }
0x2fc: {  	v18 =	vshrl.u32 v18, v60;
	v20 =	vshll.u32 v7, $0x10;
	v7 =	vor.u32 v31, v63;
	v31 =	vld [tilespmem:s3+$0xFFFFFFE0]  }
0x2fd: {  	v47 =	vimm.s32 $0x0;
	v27 =	vshll.u32 v27, $0x10;
	v63 =	vld [tilespmem:s7+$0xFFFFFFCE];
	v17 =	vshll.u32 v18, $0x10  }
0x2fe: {  	v26 =	vld [tilespmem:s3+$0x10];
	v8 =	vshrl.u32 v8, v42;
	v9 =	vshrl.u32 v9, v57;
	vm0 =	vne.s32 v30, v28  }
0x2ff: {  	v18 =	vld [tilespmem:s3+$0x0];
	vm1 =	vne.s32 v29, v28;
	v30 =	vsub.s32 v28, v0;
	v28 =	vand.u32 $0x7F, v28  }
0x300: {  	v29 =	vld [tilespmem:s7+$0xFFFFFFCF];
	v44 =	vmul.f32 v27, v10;
	vm2 =	vmor vm0, vm5;
	vm1 =	vmor vm1, vm12;
	v42, _, _ =	vpop (xrf2)  }
0x301: {  	v27 =	vld [tilespmem:s7+$0xFFFFFFEE];
	v30 =	vand.u32 $0xFFFFFF80, v30;
	vm0 =	vmor vm1, vm2;
	v12 =	vsub.f32 v42, v12  }
0x302: {  	v9 =	vshll.u32 v9, $0x10;
	v31 =	vmul.f32 v20, v31;
	v20 =	vor.u32 v28, v30;
	v28 =	vld [tilespmem:s7+$0xFFFFFFDF]  }
0x303: {  	v8 =	vshll.u32 v8, $0x10;
	v46 =	vmul.f32 v9, v26;
	v9 =	vnsel vm1, $0x0, v12;
	v12 =	vld [tilespmem:s7+$0xFFFFFFE0]  }
0x304: {  	v33 =	vsel vm10, $0xFFFFFFFF, v47;
	v45 =	vmul.f32 v8, v18;
	v18 =	vld [tilespmem:s7+$0xFFFFFFDE];
	v8 =	vnsel vm2, $0x0, v42;
	v26, _, _ =	vpop (xrf2)  }
0x305: {  	[tilespmem:$0x1FCF0] =	vst v33;
	v30 =	vld [tilespmem:s7+$0xFFFFFFEF];
	v48, _, _ =	vpop (xrf2);
	v47 =	vsub.f32 v8, v9  }
0x306: {  	v15 =	vmov v32;
	v10 =	vsub.s32 v29, v0;
	v32 =	vsub.f32 v48, v61;
	v61 =	vld [tilespmem:$0x1FCF0]  }
0x307: {  	vm1 =	vne.s32 v63, v29;
	[tilespmem:v20+s21+$0x0] =	vst.idx.add.f32.msk vm0, v47;
	v20 =	vsub.s32 v28, v0  }
0x308: {  	vm10 =	vmor vm1, vm12;
	vm1 =	vne.s32 v12, v28;
	v12 =	vand.u32 $0xFFFFFF80, v20;
	v20 =	vld [tilespmem:s7+$0xFFFFFFFF]  }
0x309: {  	v8 =	vand.u32 $0xFFFFFF80, v10;
	v10 =	vand.u32 $0x7F, v28;
	vm0 =	vne.s32 v18, v28;
	v28 =	vld [tilespmem:s7+$0xFFFFFFFE]  }
0x30a: {  	v62 =	vld [tilespmem:s3+$0x20]  }
0x30b: {  	vm2 =	vne.s32 v43, v29;
	v9 =	vand.u32 $0x7F, v29;
	v29 =	vld [tilespmem:s7+$0xFFFFFFF0]  }
0x30c: {  	v54 =	vld [tilespmem:s7+$0x1E];
	vm11 =	vmor vm2, vm5  }
0x30d: {  	vm13 =	vmor vm0, vm12;
	vm0 =	vmor vm1, vm5;
	vm1 =	vne.s32 v27, v30;
	v27 =	vld [tilespmem:s7+$0xF]  }
0x30e: {  	vm7 =	vnez.u8 v61;
	vm2 =	vmor vm1, vm12;
	vm1 =	vne.s32 v28, v20;
	v28 =	vld [tilespmem:s7+$0x1F]  }
0x30f: {  	v17 =	vmul.f32 v17, v62;
	v62 =	vld [tilespmem:$0x1FD00]  }
0x310: {  	vm3 =	vne.s32 v29, v30  }
0x311: {  	vm14 =	vmor vm3, vm5;
	vm4 =	vne.s32 v49, v20;
	vm3 =	vmor vm1, vm12  }
0x312: {  	vm6 =	vmor vm4, vm5;
	vm1 =	vne.s32 v50, v27;
	vm4 =	vne.s32 v52, v27  }
0x313: {  	vm15 =	vmor vm1, vm12;
	vm1 =	vmor vm4, vm5;
	vm4 =	vne.s32 v54, v28  }
0x314: {  	[tilespmem:v25+s21+$0x0] =	vst.idx.add.f32.msk vm7, v16;
	vm7 =	vmor vm4, vm12;
	vm4 =	vnez.u8 v62;
	_ =	sdelay $0x3  }
0x315: {  	(xrf2) =	vadd.scan.msk.f32 $0xffff, v31  }
0x316: {  	[tilespmem:$0x1FD10] =	vst v36;
	(xrf2) =	vadd.scan.msk.f32 $0xffff, v44  }
0x317: {  	(xrf2) =	vadd.scan.msk.f32 $0xffff, v45;
	[tilespmem:v24+s21+$0x0] =	vst.idx.add.f32.msk vm4, v14  }
0x318: {  	v14 =	vld [tilespmem:$0x1FD10];
	_ =	sdelay $0x4  }
0x319: {  	vm4 =	vnez.u8 v14;
	_ =	sdelay $0x1  }
0x31a: {  	v51, _, _ =	vpop (xrf2)  }
0x31b: {  	v55, _, _ =	vpop (xrf2)  }
0x31c: {  	v58, _, _ =	vpop (xrf2)  }
0x31d: {  	[tilespmem:$0x1FD20] =	vst v38;
	v56 =	vld [tilespmem:s7+$0x20];
	v38 =	vsub.f32 v58, v45  }
0x31e: {  	(xrf2) =	vadd.scan.msk.f32 $0xffff, v46;
	[tilespmem:v23+s21+$0x0] =	vst.idx.add.f32.msk vm4, v15  }
0x31f: {  	v60 =	vnsel vm1, $0x0, v58;
	v16 =	vnsel vm15, $0x0, v38;
	v15 =	vld [tilespmem:$0x1FD20]  }
0x320: {  	v23 =	vsub.f32 v60, v16;
	v16 =	vld [tilespmem:$0x1FD30]  }
0x321: {  	v19 =	vsub.f32 v26, v19;
	(xrf2) =	vadd.scan.msk.f32 $0xffff, v17;
	v31 =	vsub.f32 v51, v31  }
0x322: {  	v26 =	vnsel vm11, $0x0, v26;
	v32 =	vnsel vm13, $0x0, v32;
	v33 =	vnsel vm0, $0x0, v48  }
0x323: {  	v57 =	vld [tilespmem:s7+$0x2E];
	v29 =	vsub.f32 v33, v32;
	v53 =	vnsel vm14, $0x0, v51;
	v31 =	vnsel vm2, $0x0, v31  }
0x324: {  	v32 =	vsub.f32 v53, v31;
	v31 =	vld [tilespmem:s7+$0x2F];
	vm8 =	vne.s32 v56, v28;
	vm4 =	vnez.u8 v15  }
0x325: {  	s8 =	sadd.s32 $0x8, s8;
	v18 =	vnsel vm10, $0x0, v19;
	vm9 =	vmor vm8, vm5;
	vm5 =	vnez.u8 v16  }
0x326: {  	p0 =	slt.u32 s8, $0xF8;
	v59 =	vld [tilespmem:s7+$0x30];
	v19 =	vsub.s32 v30, v0;
	v26 =	vsub.f32 v26, v18;
	v37 =	vsub.f32 v55, v44  }
.Ltmp15:
0x327: {  	v13 =	vmovc v34;
	v18 =	vand.u32 $0xFFFFFF80, v19;
	v19 =	vand.u32 $0x7F, v30;
	v30 =	vsub.s32 v20, v0;
	(pc) =	sbr.rel @p0 .LBB2_19-.Ltmp15, $4  }
0x328: {  	v33 =	vsub.s32 v27, v0;
	v25, _, _ =	vpop (xrf2);
	v34 =	vnsel vm6, $0x0, v55;
	v37 =	vnsel vm3, $0x0, v37  }
0x329: {  	v63 =	vsub.f32 v25, v46;
	v34 =	vsub.f32 v34, v37;
	vm8 =	vne.s32 v57, v31  }
0x32a: {  	v35 =	vsub.s32 v28, v0;
	vm8 =	vmor vm8, vm12;
	v24 =	vsub.s32 v31, v0;
	[tilespmem:v22+s21+$0x0] =	vst.idx.add.f32.msk vm4, v13  }
0x32b: {  	s11 =	sadd.s32 $0x80, s11;
	v14 =	vnsel vm9, $0x0, v25;
	v15, _, _ =	vpop (xrf2);
	v13 =	vnsel vm7, $0x0, v63;
	vm4 =	vne.s32 v59, v31;
	[tilespmem:v21+s21+$0x0] =	vst.idx.add.f32.msk vm5, v11  }
0x32c: {  	v55 =	vld [tilespmem:$0x1FD60];
	_ =	sdelay $0x4  }
0x32d: {  	vm3 =	vmor vm3, vm6;
	vm6 =	vmor vm7, vm9;
	vm7 =	vnez.u8 v55;
	_ =	sdelay $0x5  }
0x32e: {  	[tilespmem:v6+s21+$0x0] =	vst.idx.add.f32.msk vm7, v4  }
0x32f: {  	v57 =	vld [tilespmem:$0x1FD70];
	_ =	sdelay $0x3  }
0x330: {  	vm10 =	vmor vm10, vm11  }
0x331: {  	vm0 =	vmor vm13, vm0;
	v8 =	vor.u32 v9, v8;
	vm7 =	vnez.u8 v57  }
0x332: {  	vm2 =	vmor vm2, vm14;
	vm1 =	vmor vm15, vm1;
	vm9 =	vcmask $0x3F3C  }
0x333: {  	v53 =	vand.u32 $0xFFFFFF80, v30;
	v10 =	vor.u32 v10, v12;
	v11 =	vand.u32 $0xFFFFFF80, v33  }
0x334: {  	v54 =	vand.u32 $0x7F, v20;
	v16 =	vor.u32 v19, v18;
	v56 =	vand.u32 $0x7F, v27  }
0x335: {  	v58 =	vand.u32 $0x7F, v28;
	v59 =	vand.u32 $0x7F, v31;
	v9 =	vor.u32 v54, v53  }
0x336: {  	vm4 =	vmor vm4, vm9;
	v4 =	vand.u32 $0xFFFFFF80, v35;
	v6 =	vor.u32 v56, v11;
	[tilespmem:v8+s21+$0x0] =	vst.idx.add.f32.msk vm10, v26  }
0x337: {  	v4 =	vor.u32 v58, v4;
	[tilespmem:v7+s21+$0x0] =	vst.idx.add.f32.msk vm7, v5;
	v5 =	vand.u32 $0xFFFFFF80, v24;
	vm7 =	vmor vm8, vm4  }
0x338: {  	v60 =	vsub.f32 v15, v17;
	[tilespmem:v10+s21+$0x0] =	vst.idx.add.f32.msk vm0, v29;
	v5 =	vor.u32 v59, v5  }
.Ltmp16:
0x339: {  	[tilespmem:v16+s21+$0x0] =	vst.idx.add.f32.msk vm2, v32;
	(pc) =	sbr.rel .LBB2_21-.Ltmp16, $4  }
0x33a: {  	v62 =	vsub.f32 v14, v13;
	v61 =	vnsel vm4, $0x0, v15;
	[tilespmem:v9+s21+$0x0] =	vst.idx.add.f32.msk vm3, v34;
	v7 =	vnsel vm8, $0x0, v60  }
0x33b: {  	[tilespmem:v6+s21+$0x0] =	vst.idx.add.f32.msk vm1, v23;
	v63 =	vsub.f32 v61, v7  }
0x33c: {  	[tilespmem:v4+s21+$0x0] =	vst.idx.add.f32.msk vm6, v62  }
0x33d: {  	[tilespmem:v5+s21+$0x0] =	vst.idx.add.f32.msk vm7, v63  }
.LBB2_15:
0x33e: {  	s11 =	simm.s32 @p0 $0xF440  }
0x33f: {  	v4 =	vld [tilespmem:s11+$0x30]  }
0x340: {  	v5 =	vld [tilespmem:s11+$0xFFFFFFD0]  }
0x341: {  	v6 =	vld [tilespmem:s11+$0xFFFFFFE0]  }
0x342: {  	v7 =	vld [tilespmem:s11+$0xFFFFFFF0]  }
0x343: {  	v9 =	vld [tilespmem:s11+$0x0]  }
0x344: {  	v11 =	vld [tilespmem:s11+$0xFFFFFFC0];
	v8 =	vshrl.u32 v4, $0x1  }
0x345: {  	v12 =	vld [tilespmem:s11+$0x10];
	v10 =	vshrl.u32 v5, $0x1  }
0x346: {  	s3 =	simm.s32 @p0 $0x11441;
	v13 =	vld [tilespmem:s11+$0x20];
	v14 =	vshrl.u32 v6, $0x1  }
0x347: {  	s7 =	simm.s32 @p0 $0x10440;
	v18 =	vld [tilespmem:s3+$0x3F];
	v15 =	vshrl.u32 v7, $0x1  }
0x348: {  	v20 =	vld [tilespmem:s7+$0x30];
	v16 =	vshrl.u32 v9, $0x1  }
0x349: {  	v17 =	vshrl.u32 v11, $0x1;
	v8 =	vld.idx.msk [tilespmem:v8+s9+$0x0], $0xffff  }
0x34a: {  	v19 =	vshrl.u32 v12, $0x1;
	v10 =	vld.idx.msk [tilespmem:v10+s9+$0x0], $0xffff  }
0x34b: {  	v21 =	vshrl.u32 v13, $0x1;
	v14 =	vld.idx.msk [tilespmem:v14+s9+$0x0], $0xffff  }
0x34c: {  	v5 =	vshll.u32 v5, $0x4;
	v4 =	vshll.u32 v4, $0x4;
	v6 =	vshll.u32 v6, $0x4;
	v15 =	vld.idx.msk [tilespmem:v15+s9+$0x0], $0xffff  }
0x34d: {  	v7 =	vshll.u32 v7, $0x4;
	v12 =	vshll.u32 v12, $0x4;
	v4 =	vand.u32 $0x10, v4;
	v16 =	vld.idx.msk [tilespmem:v16+s9+$0x0], $0xffff  }
0x34e: {  	v13 =	vshll.u32 v13, $0x4;
	v4 =	vshrl.u32 v8, v4;
	v8 =	vshll.u32 v9, $0x4;
	v9 =	vld.idx.msk [tilespmem:v17+s9+$0x0], $0xffff  }
0x34f: {  	v11 =	vshll.u32 v11, $0x4;
	v5 =	vand.u32 $0x10, v5;
	v17 =	vld.idx.msk [tilespmem:v19+s9+$0x0], $0xffff;
	v4 =	vshll.u32 v4, $0x10  }
0x350: {  	v6 =	vand.u32 $0x10, v6;
	v19 =	vsub.s32 v18, v0;
	v4 =	vmul.f32 v4, v20;
	v20 =	vld.idx.msk [tilespmem:v21+s9+$0x0], $0xffff  }
0x351: {  	v7 =	vand.u32 $0x10, v7;
	v12 =	vand.u32 $0x10, v12;
	vm0 =	vlt.u32 v19, $0x8000;
	v21 =	vld [tilespmem:s3+$0xFFFFFFCF]  }
0x352: {  	v11 =	vand.u32 $0x10, v11;
	v5 =	vshrl.u32 v10, v5;
	v22 =	vnsel vm0, $0x0, v4  }
0x353: {  	v4 =	vand.u32 $0x10, v13;
	v13 =	vshll.u32 v5, $0x10;
	v5 =	vshrl.u32 v14, v6  }
0x354: {  	v10 =	vld [tilespmem:s7+$0xFFFFFFC0];
	v8 =	vand.u32 $0x10, v8;
	v6 =	vshrl.u32 v15, v7;
	v15 =	vshll.u32 v5, $0x10  }
0x355: {  	v14 =	vld [tilespmem:s3+$0x3E];
	v23 =	vshll.u32 v6, $0x10;
	v5 =	vshrl.u32 v16, v8;
	v7 =	vshrl.u32 v9, v11  }
0x356: {  	(xrf2) =	vadd.scan.msk.f32 $0xffff, v22;
	v8 =	vld [tilespmem:s3+$0x40];
	v11 =	vshll.u32 v5, $0x10;
	v5 =	vshrl.u32 v17, v12;
	v9 =	vsub.s32 v21, v0  }
0x357: {  	v6 =	vld [tilespmem:s3+$0xFFFFFFDF];
	v7 =	vshll.u32 v7, $0x10;
	v4 =	vshrl.u32 v20, v4;
	vm1 =	vlt.u32 v9, $0x8000  }
0x358: {  	v12 =	vld [tilespmem:s7+$0xFFFFFFD0];
	v20 =	vshll.u32 v4, $0x10;
	v4 =	vand.u32 $0xFFFFFF80, v9;
	v9 =	vimm.s32 $0x0  }
0x359: {  	v17 =	vld [tilespmem:s7+$0xFFFFFFE0];
	v10 =	vmul.f32 v7, v10;
	v9 =	vsel vm1, $0xFFFFFFFF, v9  }
0x35a: {  	v19 =	vand.u32 $0xFFFFFF80, v19;
	v16 =	vshll.u32 v5, $0x10;
	v7 =	vld [tilespmem:s3+$0xFFFFFFEF];
	[tilespmem:$0x1FDE0] =	vst v9  }
0x35b: {  	v24 =	vnsel vm1, $0x0, v10;
	vm2 =	vne.s32 v14, v18;
	vm1 =	vne.s32 v8, v18;
	v9 =	vld [tilespmem:s3+$0xFFFFFFFF]  }
0x35c: {  	v25 =	vsub.s32 v6, v0;
	vm2 =	vmor vm2, vm12;
	v10 =	vld [tilespmem:s7+$0xFFFFFFF0];
	vm1 =	vmor vm1, vm9  }
0x35d: {  	v8 =	vimm.s32 $0x0;
	v18 =	vand.u32 $0x7F, v18;
	v14 =	vld [tilespmem:s3+$0xF];
	vm3 =	vmor vm2, vm1  }
0x35e: {  	v12 =	vmul.f32 v13, v12;
	vm4 =	vlt.u32 v25, $0x8000;
	v13 =	vld [tilespmem:s7+$0x0];
	vm0 =	vmand vm0, vm3  }
0x35f: {  	v27 =	vor.u32 v18, v19;
	v18 =	vimm.s32 $0x0;
	v8 =	vsel vm0, $0xFFFFFFFF, v8  }
0x360: {  	(xrf2) =	vadd.scan.msk.f32 $0xffff, v24;
	v15 =	vmul.f32 v15, v17;
	v18 =	vsel vm4, $0xFFFFFFFF, v18;
	[tilespmem:$0x1FE50] =	vst v8;
	v26, _, _ =	vpop (xrf2)  }
0x361: {  	v12 =	vnsel vm4, $0x0, v12;
	v8 =	vld [tilespmem:s3+$0x1F];
	v17 =	vsub.f32 v26, v22;
	[tilespmem:$0x1FDF0] =	vst v18;
	v18 =	vsub.s32 v7, v0  }
0x362: {  	v19 =	vsub.s32 v9, v0;
	v23 =	vmul.f32 v23, v10;
	v26 =	vnsel vm1, $0x0, v26  }
0x363: {  	v28 =	vsub.s32 v14, v0;
	v11 =	vmul.f32 v11, v13;
	v13 =	vimm.s32 $0x0;
	v22 =	vld [tilespmem:s7+$0x10]  }
0x364: {  	v10 =	vld [tilespmem:s3+$0x2F];
	vm0 =	vlt.u32 v18, $0x8000;
	vm1 =	vlt.u32 v28, $0x8000;
	v17 =	vnsel vm2, $0x0, v17  }
0x365: {  	(xrf2) =	vadd.scan.msk.f32 $0xffff, v12;
	v29 =	vld [tilespmem:s7+$0x20];
	vm2 =	vlt.u32 v19, $0x8000;
	v13 =	vsel vm0, $0xFFFFFFFF, v13;
	v26 =	vsub.f32 v26, v17  }
0x366: {  	v30 =	vld [tilespmem:s3+$0xFFFFFFCE];
	[tilespmem:$0x1FE00] =	vst v13;
	v13 =	vnsel vm0, $0x0, v15;
	v15 =	vimm.s32 $0x0;
	v17 =	vimm.s32 $0x0  }
0x367: {  	v32 =	vnsel vm1, $0x0, v11;
	v15 =	vsel vm2, $0xFFFFFFFF, v15;
	v17 =	vsel vm1, $0xFFFFFFFF, v17;
	(xrf2) =	vadd.scan.msk.f32 $0xffff, v13  }
0x368: {  	[tilespmem:$0x1FE10] =	vst v15;
	v15 =	vnsel vm2, $0x0, v23;
	v23 =	vsub.s32 v8, v0;
	v11 =	vmul.f32 v16, v22  }
0x369: {  	v31 =	vld [tilespmem:s3+$0xFFFFFFD0];
	[tilespmem:$0x1FE20] =	vst v17;
	vm0 =	vlt.u32 v23, $0x8000;
	v16 =	vand.u32 $0xFFFFFF80, v18;
	v18 =	vimm.s32 $0x0  }
0x36a: {  	v34, _, _ =	vpop (xrf2);
	v17 =	vand.u32 $0xFFFFFF80, v25;
	v33 =	vsub.s32 v10, v0;
	(xrf2) =	vadd.scan.msk.f32 $0xffff, v15;
	v22 =	vld [tilespmem:s3+$0xFFFFFFDE];
	v18 =	vsel vm0, $0xFFFFFFFF, v18  }
0x36b: {  	v25 =	vimm.s32 $0x0;
	v35 =	vld [tilespmem:s3+$0xFFFFFFE0];
	vm1 =	vlt.u32 v33, $0x8000;
	[tilespmem:$0x1FE30] =	vst v18;
	v36 =	vnsel vm0, $0x0, v11  }
0x36c: {  	v11 =	vmul.f32 v20, v29;
	v20 =	vsub.f32 v34, v24;
	v25 =	vsel vm1, $0xFFFFFFFF, v25;
	v24 =	vld [tilespmem:s3+$0xFFFFFFEE]  }
0x36d: {  	v29 =	vld [tilespmem:s3+$0xFFFFFFF0];
	[tilespmem:$0x1FE40] =	vst v25  }
0x36e: {  	vm0 =	vne.s32 v30, v21;
	v18 =	vand.u32 $0xFFFFFF80, v19;
	v19 =	vand.u32 $0xFFFFFF80, v28;
	v28 =	vld [tilespmem:s3+$0xFFFFFFFE]  }
0x36f: {  	(xrf2) =	vadd.scan.msk.f32 $0xffff, v32;
	vm2 =	vmor vm0, vm12;
	vm0 =	vne.s32 v31, v21  }
0x370: {  	vm11 =	vmor vm0, vm9;
	vm0 =	vne.s32 v22, v6;
	v22 =	vld [tilespmem:s3+$0x0]  }
0x371: {  	vm10 =	vmmov vm12;
	v25 =	vnsel vm1, $0x0, v11;
	v11 =	vnsel vm2, $0x0, v20;
	v59 =	vld [tilespmem:s3+$0xE]  }
0x372: {  	v20 =	vand.u32 $0xFFFFFF80, v23;
	v23, _, _ =	vpop (xrf2);
	vm3 =	vmor vm0, vm12;
	vm0 =	vne.s32 v24, v7;
	v24 =	vld [tilespmem:s3+$0x10]  }
0x373: {  	vm1 =	vne.s32 v35, v6;
	v61, _, _ =	vpop (xrf2);
	vm13 =	vmor vm0, vm10;
	vm0 =	vne.s32 v28, v9;
	v28 =	vld [tilespmem:s3+$0x20]  }
0x374: {  	vm12 =	vmor vm1, vm9;
	vm1 =	vne.s32 v29, v7;
	v29 =	vld [tilespmem:s3+$0x1E];
	v63, _, _ =	vpop (xrf2)  }
0x375: {  	vm14 =	vmor vm1, vm9;
	vm1 =	vne.s32 v22, v9;
	v22 =	vld [tilespmem:s3+$0x2E];
	v15 =	vsub.f32 v63, v15  }
0x376: {  	vm15 =	vmor vm0, vm10;
	vm0 =	vne.s32 v59, v14  }
0x377: {  	vm4 =	vmor vm0, vm10;
	vm0 =	vne.s32 v24, v14  }
0x378: {  	vm6 =	vmor vm0, vm9;
	vm5 =	vne.s32 v28, v8  }
0x379: {  	vm0 =	vne.s32 v29, v8;
	v28 =	vnsel vm15, $0x0, v15;
	vm7 =	vmor vm5, vm9;
	v15, _, _ =	vpop (xrf2)  }
0x37a: {  	(xrf2) =	vadd.scan.msk.f32 $0xffff, v36;
	v29 =	vsub.f32 v15, v32;
	vm5 =	vne.s32 v22, v10;
	v22 =	vnsel vm6, $0x0, v15;
	v15 =	vld [tilespmem:$0x1FE50];
	_ =	sdelay $0x3  }
0x37b: {  	s8 =	simm.s32 @p0 $0xFFFFFFF8;
	v5 =	vand.u32 $0x7F, v21;
	v62 =	vld [tilespmem:s3+$0x30];
	v12 =	vsub.f32 v23, v12  }
0x37c: {  	s8 =	sadd.s32 $0x8, s8;
	vm0 =	vmor vm0, vm10;
	(xrf2) =	vadd.scan.msk.f32 $0xffff, v25;
	vm5 =	vmor vm5, vm10;
	vm10 =	vnez.u8 v15  }
0x37d: {  	p0 =	slt.u32 s8, $0xF8;
	v21 =	vand.u32 $0xFFFFFF80, v33;
	v60 =	vnsel vm11, $0x0, v34;
	v13 =	vsub.f32 v61, v13  }
.Ltmp17:
0x37e: {  	v12 =	vnsel vm3, $0x0, v12;
	v23 =	vnsel vm12, $0x0, v23;
	v11 =	vsub.f32 v60, v11;
	(pc) =	sbr.rel @!p0 .LBB2_17-.Ltmp17, $4  }
0x37f: {  	v33 =	vnsel vm14, $0x0, v61;
	v13 =	vnsel vm13, $0x0, v13;
	vm1 =	vmor vm1, vm9  }
0x380: {  	vm8 =	vne.s32 v62, v10;
	v13 =	vsub.f32 v33, v13;
	v24 =	vnsel vm1, $0x0, v63  }
0x381: {  	vm8 =	vmor vm8, vm9;
	v15 =	vsub.f32 v23, v12;
	v23, _, _ =	vpop (xrf2);
	v12 =	vsub.f32 v24, v28  }
0x382: {  	s11 =	sadd.s32 $0x80, s11;
	v24 =	vsub.f32 v23, v36;
	v23 =	vnsel vm7, $0x0, v23;
	[tilespmem:v27+s21+$0x0] =	vst.idx.add.f32.msk vm10, v26;
	v27 =	vnsel vm4, $0x0, v29  }
.LBB2_16:
0x383: {  	_ =	sdelay $0x2  }
0x384: {  	v26 =	vld [tilespmem:s11+$0x30];
	v24 =	vnsel vm0, $0x0, v24;
	v28, _, _ =	vpop (xrf2)  }
0x385: {  	v23 =	vsub.f32 v23, v24;
	v24 =	vsub.f32 v28, v25;
	v25 =	vnsel vm8, $0x0, v28;
	v28 =	vld [tilespmem:s11+$0xFFFFFFF0]  }
0x386: {  	v30 =	vld [tilespmem:s11+$0x0]  }
0x387: {  	vm2 =	vmor vm2, vm11;
	v22 =	vsub.f32 v22, v27;
	v27 =	vld [tilespmem:s11+$0xFFFFFFD0]  }
0x388: {  	vm3 =	vmor vm3, vm12;
	vm11 =	vmor vm13, vm14;
	vm1 =	vmor vm15, vm1;
	v29 =	vld [tilespmem:s11+$0xFFFFFFE0]  }
0x389: {  	vm6 =	vmor vm4, vm6;
	vm7 =	vmor vm0, vm7;
	vm4 =	vmor vm5, vm8;
	v31 =	vld [tilespmem:s11+$0x10]  }
0x38a: {  	v6 =	vand.u32 $0x7F, v6;
	v43 =	vld [tilespmem:$0x1FDE0];
	v36 =	vshrl.u32 v28, $0x1;
	v28 =	vshll.u32 v28, $0x4  }
0x38b: {  	v7 =	vand.u32 $0x7F, v7;
	v33 =	vld [tilespmem:s11+$0x20];
	v37 =	vand.u32 $0x10, v28;
	v28 =	vshrl.u32 v30, $0x1  }
0x38c: {  	v9 =	vand.u32 $0x7F, v9;
	v14 =	vand.u32 $0x7F, v14;
	v8 =	vand.u32 $0x7F, v8;
	v55 =	vld [tilespmem:$0x1FDF0]  }
0x38d: {  	v34 =	vld [tilespmem:s11+$0xFFFFFFC0];
	v10 =	vand.u32 $0x7F, v10;
	v56 =	vimm.s32 $0x0;
	v58 =	vimm.s32 $0x0  }
0x38e: {  	v57 =	vld [tilespmem:$0x1FE00];
	v32 =	vshrl.u32 v26, $0x1;
	v35 =	vshrl.u32 v29, $0x1;
	v29 =	vshll.u32 v29, $0x4  }
0x38f: {  	v59 =	vld [tilespmem:$0x1FE10];
	v38 =	vshrl.u32 v31, $0x1;
	v31 =	vshll.u32 v31, $0x4;
	vm0 =	vnez.u8 v43  }
0x390: {  	v54 =	vshrl.u32 v33, $0x1;
	vm0 =	vmand vm0, vm2;
	v24 =	vnsel vm5, $0x0, v24;
	v60 =	vld.idx.msk [tilespmem:v28+s9+$0x0], $0xffff  }
0x391: {  	s3 =	sadd.s32 $0x80, s3;
	vm2 =	vnez.u8 v55;
	v24 =	vsub.f32 v25, v24;
	v25 =	vshrl.u32 v27, $0x1;
	v28 =	vld [tilespmem:$0x1FE20]  }
0x392: {  	v41 =	vld [tilespmem:s3+$0x3F];
	v33 =	vshll.u32 v33, $0x4;
	v40 =	vshrl.u32 v34, $0x1;
	vm2 =	vmand vm2, vm3  }
0x393: {  	v45 =	vld [tilespmem:s3+$0xFFFFFFCF];
	v34 =	vshll.u32 v34, $0x4;
	v43 =	vsel vm2, $0xFFFFFFFF, v56;
	vm2 =	vnez.u8 v57  }
0x394: {  	v26 =	vshll.u32 v26, $0x4;
	v29 =	vand.u32 $0x10, v29;
	vm2 =	vmand vm2, vm11;
	v32 =	vld.idx.msk [tilespmem:v32+s9+$0x0], $0xffff  }
0x395: {  	v39 =	vand.u32 $0x10, v31;
	[tilespmem:$0x1FD90] =	vst v43;
	v35 =	vld.idx.msk [tilespmem:v35+s9+$0x0], $0xffff;
	v43 =	vsel vm2, $0xFFFFFFFF, v58;
	vm2 =	vnez.u8 v59  }
0x396: {  	v33 =	vand.u32 $0x10, v33;
	vm8 =	vmand vm2, vm1;
	v25 =	vld.idx.msk [tilespmem:v25+s9+$0x0], $0xffff;
	vm1 =	vnez.u8 v28  }
0x397: {  	s7 =	sadd.s32 $0x80, s7;
	v34 =	vand.u32 $0x10, v34;
	v61 =	vld.idx.msk [tilespmem:v54+s9+$0x0], $0xffff;
	v28 =	vimm.s32 $0x0;
	vm1 =	vmand vm1, vm6  }
0x398: {  	v42 =	vld [tilespmem:s7+$0x30];
	v26 =	vand.u32 $0x10, v26;
	v44 =	vsub.s32 v41, v0;
	v28 =	vsel vm1, $0xFFFFFFFF, v28  }
0x399: {  	v31 =	vor.u32 v8, v20;
	v8 =	vsub.s32 v45, v0;
	v27 =	vshll.u32 v27, $0x4;
	[tilespmem:$0x1FDB0] =	vst v28;
	v28 =	vld [tilespmem:$0x1FE30]  }
0x39a: {  	v27 =	vand.u32 $0x10, v27;
	v30 =	vshll.u32 v30, $0x4;
	vm2 =	vlt.u32 v8, $0x8000  }
0x39b: {  	v26 =	vshrl.u32 v32, v26;
	v32 =	vor.u32 v5, v4;
	v25 =	vshrl.u32 v25, v27;
	v27 =	vld [tilespmem:$0x1FE40]  }
0x39c: {  	v4 =	vshrl.u32 v35, v29;
	v29 =	vor.u32 v9, v18;
	v9 =	vshrl.u32 v61, v33  }
0x39d: {  	v30 =	vand.u32 $0x10, v30;
	v36 =	vld.idx.msk [tilespmem:v36+s9+$0x0], $0xffff;
	v26 =	vshll.u32 v26, $0x10;
	v33 =	vshll.u32 v9, $0x10  }
0x39e: {  	v62 =	vld [tilespmem:s3+$0x3E];
	v9 =	vimm.s32 $0x0;
	v26 =	vmul.f32 v26, v42;
	vm1 =	vnez.u8 v28  }
0x39f: {  	v40 =	vld.idx.msk [tilespmem:v40+s9+$0x0], $0xffff;
	v9 =	vsel vm2, $0xFFFFFFFF, v9;
	v28 =	vimm.s32 $0x0;
	vm1 =	vmand vm1, vm7  }
0x3a0: {  	v46 =	vld [tilespmem:s7+$0xFFFFFFF0];
	v28 =	vsel vm1, $0xFFFFFFFF, v28;
	vm1 =	vnez.u8 v27;
	v27 =	vimm.s32 $0x0  }
0x3a1: {  	v5 =	vld [tilespmem:s7+$0xFFFFFFC0];
	[tilespmem:$0x1FDC0] =	vst v28;
	vm1 =	vmand vm1, vm4;
	v28 =	vor.u32 v7, v16;
	v16 =	vshll.u32 v4, $0x10  }
0x3a2: {  	v38 =	vld.idx.msk [tilespmem:v38+s9+$0x0], $0xffff;
	v4 =	vshrl.u32 v36, v37;
	v27 =	vsel vm1, $0xFFFFFFFF, v27;
	vm1 =	vlt.u32 v44, $0x8000  }
0x3a3: {  	[tilespmem:$0x1FDE0] =	vst v9;
	v18 =	vshll.u32 v4, $0x10;
	v4 =	vshrl.u32 v60, v30;
	v30 =	vor.u32 v14, v19;
	v14 =	vld [tilespmem:s3+$0x40]  }
0x3a4: {  	v9 =	vld [tilespmem:s3+$0xFFFFFFFF];
	[tilespmem:$0x1FDD0] =	vst v27;
	v27 =	vor.u32 v6, v17;
	v17 =	vnsel vm1, $0x0, v26;
	v6 =	vshrl.u32 v40, v34  }
0x3a5: {  	v19 =	vshll.u32 v4, $0x10;
	v26 =	vor.u32 v10, v21;
	v10 =	vld [tilespmem:s7+$0xFFFFFFD0];
	v4 =	vshll.u32 v6, $0x10  }
0x3a6: {  	(xrf2) =	vadd.scan.msk.f32 $0xffff, v17;
	v6 =	vld [tilespmem:s3+$0xFFFFFFDF];
	v21 =	vmul.f32 v4, v5  }
0x3a7: {  	v4 =	vand.u32 $0xFFFFFF80, v8;
	v8 =	vld [tilespmem:s7+$0xFFFFFFE0]  }
0x3a8: {  	v21 =	vnsel vm2, $0x0, v21;
	vm2 =	vne.s32 v14, v41;
	v14 =	vld [tilespmem:$0x1FFF0]  }
0x3a9: {  	v50 =	vimm.s32 $0x0;
	v48 =	vand.u32 $0x7F, v41;
	v7 =	vshrl.u32 v38, v39  }
0x3aa: {  	vm3 =	vne.s32 v62, v41;
	v25 =	vshll.u32 v25, $0x10;
	v20 =	vshll.u32 v7, $0x10;
	v7 =	vld [tilespmem:s3+$0xFFFFFFEF]  }
0x3ab: {  	v47 =	vand.u32 $0xFFFFFF80, v44;
	v52 =	vsub.s32 v9, v0;
	v10 =	vmul.f32 v25, v10;
	v25 =	vld [tilespmem:s7+$0x0]  }
0x3ac: {  	v53 =	vld [tilespmem:s7+$0x10];
	v36 =	vor.u32 v48, v47;
	v18 =	vmul.f32 v18, v46;
	v63 =	vsub.s32 v6, v0  }
0x3ad: {  	vm5 =	vlt.u32 v63, $0x8000;
	v16 =	vmul.f32 v16, v8;
	v8 =	vld [tilespmem:s3+$0x1F];
	vm10 =	vnez.u8 v14  }
0x3ae: {  	v56 =	vld [tilespmem:s7+$0x20];
	vm2 =	vmor vm2, vm9;
	v37 =	vsel vm5, $0xFFFFFFFF, v50;
	vm3 =	vmor vm3, vm10  }
0x3af: {  	v51 =	vsub.s32 v7, v0;
	v14 =	vld [tilespmem:s3+$0xF];
	[tilespmem:$0x1FDF0] =	vst v37;
	v37 =	vnsel vm5, $0x0, v10;
	vm4 =	vmor vm3, vm2  }
0x3b0: {  	v10 =	vld [tilespmem:s3+$0x2F];
	v19 =	vmul.f32 v19, v25;
	v25 =	vimm.s32 $0x0;
	v49, _, _ =	vpop (xrf2);
	vm1 =	vmand vm1, vm4  }
0x3b1: {  	v17 =	vsub.f32 v49, v17;
	v54 =	vnsel vm2, $0x0, v49;
	vm2 =	vlt.u32 v51, $0x8000  }
0x3b2: {  	vm4 =	vlt.u32 v52, $0x8000;
	v46 =	vsub.s32 v8, v0;
	v25 =	vsel vm2, $0xFFFFFFFF, v25  }
0x3b3: {  	[tilespmem:$0x1FDA0] =	vst v43;
	v43 =	vnsel vm2, $0x0, v16;
	v16 =	vimm.s32 $0x0;
	v44 =	vnsel vm4, $0x0, v18  }
0x3b4: {  	v57 =	vld [tilespmem:s3+$0xFFFFFFCE];
	v18 =	vmul.f32 v20, v53;
	v20 =	vmul.f32 v33, v56;
	v17 =	vnsel vm3, $0x0, v17  }
0x3b5: {  	v58 =	vld [tilespmem:s3+$0xFFFFFFD0];
	v55 =	vsub.s32 v14, v0;
	v16 =	vsel vm4, $0xFFFFFFFF, v16;
	v60 =	vsub.s32 v10, v0  }
0x3b6: {  	v59 =	vld [tilespmem:s3+$0xFFFFFFDE];
	v17 =	vsub.f32 v54, v17;
	vm3 =	vlt.u32 v55, $0x8000;
	[tilespmem:$0x1FE10] =	vst v16;
	v16 =	vimm.s32 $0x0  }
0x3b7: {  	v62 =	vld [tilespmem:s3+$0xFFFFFFEE];
	[tilespmem:$0x1FE00] =	vst v25;
	v25 =	vimm.s32 $0x0;
	v16 =	vsel vm3, $0xFFFFFFFF, v16;
	v47 =	vnsel vm3, $0x0, v19  }
0x3b8: {  	v19 =	vimm.s32 $0x0;
	vm3 =	vlt.u32 v60, $0x8000;
	[tilespmem:v36+s21+$0x0] =	vst.idx.add.f32.msk vm1, v17;
	vm1 =	vlt.u32 v46, $0x8000  }
0x3b9: {  	v19 =	vsel vm1, $0xFFFFFFFF, v19;
	v49 =	vnsel vm1, $0x0, v18;
	vm1 =	vne.s32 v57, v45  }
0x3ba: {  	v25 =	vsel vm3, $0xFFFFFFFF, v25;
	vm2 =	vmor vm1, vm10;
	vm1 =	vne.s32 v58, v45  }
0x3bb: {  	[tilespmem:$0x1FE30] =	vst v19;
	v19 =	vand.u32 $0xFFFFFF80, v55;
	v55 =	vld [tilespmem:s3+$0x10];
	vm11 =	vmor vm1, vm9;
	vm1 =	vne.s32 v59, v6  }
0x3bc: {  	[tilespmem:$0x1FE40] =	vst v25;
	v25 =	vnsel vm3, $0x0, v20;
	vm3 =	vmor vm1, vm10;
	vm1 =	vne.s32 v62, v7;
	v62 =	vld [tilespmem:$0x1FD90]  }
0x3bd: {  	(xrf2) =	vadd.scan.msk.f32 $0xffff, v21;
	_ =	sdelay $0x2  }
0x3be: {  	vm5 =	vne.s32 v55, v14  }
0x3bf: {  	vm6 =	vmor vm5, vm9;
	vm5 =	vnez.u8 v62;
	_ =	sdelay $0x3  }
0x3c0: {  	(xrf2) =	vadd.scan.msk.f32 $0xffff, v37  }
0x3c1: {  	v48 =	vld [tilespmem:s3+$0xFFFFFFE0];
	(xrf2) =	vadd.scan.msk.f32 $0xffff, v43  }
0x3c2: {  	v61, _, _ =	vpop (xrf2);
	(xrf2) =	vadd.scan.msk.f32 $0xffff, v44;
	[tilespmem:v27+s21+$0x0] =	vst.idx.add.f32.msk vm5, v15  }
0x3c3: {  	v15 =	vld [tilespmem:$0x1FDA0];
	_ =	sdelay $0x2  }
0x3c4: {  	[tilespmem:v32+s21+$0x0] =	vst.idx.add.f32.msk vm0, v11  }
0x3c5: {  	v56 =	vld [tilespmem:s3+$0x1E]  }
0x3c6: {  	[tilespmem:$0x1FE20] =	vst v16;
	v16 =	vand.u32 $0xFFFFFF80, v51;
	v51 =	vld [tilespmem:s3+$0xFFFFFFFE];
	vm7 =	vnez.u8 v15  }
0x3c7: {  	v54 =	vld [tilespmem:s3+$0xE]  }
0x3c8: {  	v17 =	vand.u32 $0xFFFFFF80, v63;
	v63 =	vld [tilespmem:s3+$0xFFFFFFF0];
	v53, _, _ =	vpop (xrf2)  }
0x3c9: {  	v18 =	vand.u32 $0xFFFFFF80, v52;
	v52 =	vld [tilespmem:s3+$0x0];
	v58, _, _ =	vpop (xrf2)  }
0x3ca: {  	v21 =	vsub.f32 v61, v21;
	v57 =	vld [tilespmem:s3+$0x20];
	v39 =	vnsel vm11, $0x0, v61;
	v61, _, _ =	vpop (xrf2)  }
0x3cb: {  	v59 =	vld [tilespmem:s3+$0x2E];
	vm13 =	vmor vm1, vm10;
	vm1 =	vne.s32 v51, v9;
	v11 =	vsub.f32 v61, v44  }
0x3cc: {  	vm15 =	vmor vm1, vm10;
	[tilespmem:v28+s21+$0x0] =	vst.idx.add.f32.msk vm7, v13  }
0x3cd: {  	vm4 =	vne.s32 v48, v6;
	v28 =	vnsel vm15, $0x0, v11;
	v11 =	vld [tilespmem:$0x1FDB0]  }
0x3ce: {  	vm12 =	vmor vm4, vm9;
	(xrf2) =	vadd.scan.msk.f32 $0xffff, v47;
	vm4 =	vne.s32 v63, v7  }
0x3cf: {  	vm0 =	vne.s32 v56, v8;
	vm14 =	vmor vm4, vm9;
	vm4 =	vne.s32 v52, v9  }
0x3d0: {  	vm0 =	vmor vm0, vm10;
	vm1 =	vmor vm4, vm9;
	vm5 =	vne.s32 v57, v8  }
0x3d1: {  	vm4 =	vne.s32 v54, v14;
	vm7 =	vmor vm5, vm9;
	vm5 =	vne.s32 v59, v10  }
0x3d2: {  	vm4 =	vmor vm4, vm10;
	vm5 =	vmor vm5, vm10;
	vm10 =	vnez.u8 v11;
	_ =	sdelay $0x4  }
0x3d3: {  	[tilespmem:v29+s21+$0x0] =	vst.idx.add.f32.msk vm8, v12  }
0x3d4: {  	v13, _, _ =	vpop (xrf2);
	[tilespmem:v30+s21+$0x0] =	vst.idx.add.f32.msk vm10, v22  }
0x3d5: {  	v12 =	vsub.f32 v13, v47;
	v22 =	vnsel vm6, $0x0, v13;
	v13 =	vld [tilespmem:$0x1FDC0];
	_ =	sdelay $0x4  }
0x3d6: {  	vm10 =	vnez.u8 v13  }
0x3d7: {  	(xrf2) =	vadd.scan.msk.f32 $0xffff, v49;
	v27 =	vnsel vm4, $0x0, v12;
	v12 =	vld [tilespmem:$0x1FDD0];
	_ =	sdelay $0x3  }
0x3d8: {  	v50 =	vnsel vm2, $0x0, v21;
	v21 =	vand.u32 $0xFFFFFF80, v60;
	v60 =	vld [tilespmem:s3+$0x30]  }
0x3d9: {  	s8 =	sadd.s32 $0x8, s8;
	[tilespmem:v31+s21+$0x0] =	vst.idx.add.f32.msk vm10, v23;
	vm10 =	vnez.u8 v12  }
0x3da: {  	p0 =	slt.u32 s8, $0xF8;
	v5 =	vand.u32 $0x7F, v45;
	v37 =	vsub.f32 v53, v37  }
.Ltmp18:
0x3db: {  	v20 =	vand.u32 $0xFFFFFF80, v46;
	v34 =	vnsel vm12, $0x0, v53;
	v43 =	vsub.f32 v58, v43;
	(pc) =	sbr.rel @p0 .LBB2_16-.Ltmp18, $4  }
0x3dc: {  	v37 =	vnsel vm3, $0x0, v37;
	v42 =	vnsel vm14, $0x0, v58;
	v63 =	vnsel vm1, $0x0, v61  }
0x3dd: {  	vm8 =	vne.s32 v60, v10;
	v43 =	vnsel vm13, $0x0, v43;
	v15 =	vsub.f32 v34, v37  }
0x3de: {  	(xrf2) =	vadd.scan.msk.f32 $0xffff, v25;
	vm8 =	vmor vm8, vm9;
	v11 =	vsub.f32 v39, v50;
	v13 =	vsub.f32 v42, v43;
	v23, _, _ =	vpop (xrf2)  }
0x3df: {  	s11 =	sadd.s32 $0x80, s11;
	v12 =	vsub.f32 v63, v28;
	[tilespmem:v26+s21+$0x0] =	vst.idx.add.f32.msk vm10, v24;
	v24 =	vsub.f32 v23, v49;
	v23 =	vnsel vm7, $0x0, v23  }
.Ltmp19:
0x3e0: {  	_ = 	snop;
	(pc) =	sbr.rel .LBB2_17-.Ltmp19, $1  }
0x3e1: {  	_ =	sdelay $0x3  }
.LBB2_34:
0x3e2: {  	v26 =	vld [tilespmem:$0x1FB00]  }
0x3e3: {  	v54 =	vld [tilespmem:$0x1FB10]  }
0x3e4: {  	v55 =	vld [tilespmem:$0x1FB20]  }
0x3e5: {  	vm2 =	vmor vm2, vm11;
	vm3 =	vmor vm3, vm12;
	vm11 =	vmor vm13, vm14;
	v56 =	vld [tilespmem:$0x1FB30]  }
0x3e6: {  	vm1 =	vmor vm15, vm1;
	vm4 =	vmor vm4, vm6;
	v4 =	vor.u32 v5, v4;
	v5 =	vld [tilespmem:$0x1FB40]  }
0x3e7: {  	v6 =	vand.u32 $0x7F, v6;
	vm7 =	vmor vm0, vm7;
	vm6 =	vnez.u8 v26  }
0x3e8: {  	v57 =	vand.u32 $0x7F, v9;
	v59 =	vld [tilespmem:$0x1FB50];
	vm2 =	vmand vm6, vm2;
	vm6 =	vnez.u8 v54  }
0x3e9: {  	v58 =	vand.u32 $0x7F, v14;
	v60 =	vld [tilespmem:$0x1FB60];
	vm3 =	vmand vm6, vm3;
	vm6 =	vnez.u8 v55  }
0x3ea: {  	v6 =	vor.u32 v6, v17;
	vm6 =	vmand vm6, vm11;
	vm11 =	vnez.u8 v56  }
0x3eb: {  	vm1 =	vmand vm11, vm1;
	vm11 =	vnez.u8 v5;
	v5 =	vand.u32 $0x7F, v7  }
0x3ec: {  	v8 =	vand.u32 $0x7F, v8;
	v9 =	vor.u32 v58, v19;
	v5 =	vor.u32 v5, v16  }
0x3ed: {  	v7 =	vor.u32 v57, v18;
	vm4 =	vmand vm11, vm4;
	vm11 =	vnez.u8 v59  }
0x3ee: {  	vm12 =	vnez.u8 v60;
	vm7 =	vmand vm11, vm7;
	vm11 =	vmor vm5, vm8  }
0x3ef: {  	v10 =	vand.u32 $0x7F, v10;
	v8 =	vor.u32 v8, v20;
	vm11 =	vmand vm12, vm11;
	[tilespmem:v4+s23+$0x0] =	vst.idx.add.f32.msk vm2, v11;
	v4, _, _ =	vpop (xrf2)  }
0x3f0: {  	v10 =	vor.u32 v10, v21;
	[tilespmem:v6+s23+$0x0] =	vst.idx.add.f32.msk vm3, v15;
	v61 =	vsub.f32 v4, v25  }
0x3f1: {  	v62 =	vnsel vm0, $0x0, v24;
	[tilespmem:v5+s23+$0x0] =	vst.idx.add.f32.msk vm6, v13;
	v5 =	vsub.f32 v22, v27  }
0x3f2: {  	v63 =	vsub.f32 v23, v62;
	v4 =	vnsel vm8, $0x0, v4;
	v6 =	vnsel vm5, $0x0, v61;
	[tilespmem:v7+s23+$0x0] =	vst.idx.add.f32.msk vm1, v12  }
0x3f3: {  	v4 =	vsub.f32 v4, v6;
	[tilespmem:v9+s23+$0x0] =	vst.idx.add.f32.msk vm4, v5  }
0x3f4: {  	[tilespmem:v8+s23+$0x0] =	vst.idx.add.f32.msk vm7, v63  }
0x3f5: {  	[tilespmem:v10+s23+$0x0] =	vst.idx.add.f32.msk vm11, v4  }
0x3f6: {  	v4 =	vld [tilespmem:$0x1FFF0];
	_ =	sdelay $0x4  }
0x3f7: {  	vm12 =	vnez.u8 v4  }
.LBB2_38:
0x3f8: {  	s31 =	sadd.s32 $0x1, s31  }
0x3f9: {  	p0 =	sne.s32 s31, s30  }
.Ltmp20:
0x3fa: {  	_ = 	snop;
	(pc) =	sbr.rel @!p0 .LBB2_39-.Ltmp20, $1  }
0x3fb: {  	_ =	sdelay $0x3  }
.LBB2_23:
0x3fc: {  	s3 =	sshll.u32 s31, $0x1  }
0x3fd: {  	s3 =	sadd.s32 s28, s3  }
0x3fe: {  	s7 =	sadd.s32 $0x1, s3  }
0x3ff: {  	p0 =	sge.s32 s7, s29  }
0x400: {  	s8 =	sshll.u32 @!p0 s7, $0x9  }
0x401: {  	s8 =	sand.u32 @!p0 $0x1FFFFE00, s8  }
0x402: {  	s18 =	simm.s32 @!p0 $0x0;
	s19 =	simm.s32 @!p0 $0xF400;
	s11 =	sadd.s32 @!p0 s1, s8  }
0x403: {  	[tilespmem:s19], [sflag:$0x2] =	stream.linear.gather @!p0 [hbm4b:s11+s18], $0x1000, $0x38;
	[tilespmem:$0x1B580] =	vst v63  }
0x404: {  	s11 =	sadd.s32 @!p0 s0, s8;
	s19 =	simm.s32 @!p0 $0x10400  }
0x405: {  	[tilespmem:s19], [sflag:$0x2] =	stream.linear.gather @!p0 [hbm4b:s11+s18], $0x1000, $0x38;
	[tilespmem:$0x1B580] =	vst v63  }
0x406: {  	s8 =	sadd.s32 @!p0 s2, s8;
	s11 =	simm.s32 @!p0 $0x11410  }
0x407: {  	[tilespmem:s11], [sflag:$0x2] =	stream.linear.gather @!p0 [hbm4b:s8+s18], $0x1000, $0x38;
	[tilespmem:$0x1B580] =	vst v63  }
0x408: {  	s19 =	sshll.u32 s3, $0xC;
	_ =	swait.ge [sflag:s20], $0x1000  }
0x409: {  	p1 =	slt.s32 s19, s25;
	s8 =	sshll.u32 s7, $0xC;
	[sflag:s20] =	ssyncset.done $0x0  }
0x40a: {  	p2 =	sle.s32 @!p1 s8, s26;
	[sflag:s20] =	ssyncadd.s32 $0xFFFFF000  }
0x40b: {  	p2 =	por p1, !p2;
	_ =	swait.ge [sflag:s20], $0x1000  }
.Ltmp21:
0x40c: {  	[sflag:s20] =	ssyncset.done $0x0;
	(pc) =	sbr.rel @p2 .LBB2_24-.Ltmp21, $4  }
0x40d: {  	[sflag:s20] =	ssyncadd.s32 $0xFFFFF000  }
0x40e: {  	_ =	swait.ge [sflag:s20], $0x1000  }
0x40f: {  	s19 =	simm.s32 $0xFFFFFFF8;
	s7 =	simm.s32 $0xE3C1;
	[sflag:s20] =	ssyncset.done $0x0  }
0x410: {  	s18 =	simm.s32 $0xD3C0;
	s11 =	simm.s32 $0xC3C0;
	[sflag:s20] =	ssyncadd.s32 $0xFFFFF000  }
0x411: {  	v4 =	vld [tilespmem:s11+$0x30]  }
0x412: {  	v5 =	vld [tilespmem:s11+$0xFFFFFFD0]  }
0x413: {  	v6 =	vld [tilespmem:s11+$0xFFFFFFE0]  }
0x414: {  	v7 =	vld [tilespmem:s11+$0xFFFFFFF0]  }
0x415: {  	v8 =	vld [tilespmem:s11+$0x0]  }
0x416: {  	v12 =	vld [tilespmem:s11+$0xFFFFFFC0];
	v9 =	vshrl.u32 v4, $0x1  }
0x417: {  	v10 =	vld [tilespmem:s11+$0x10]  }
0x418: {  	v14 =	vld [tilespmem:s11+$0x20];
	v11 =	vshrl.u32 v5, $0x1  }
0x419: {  	v20 =	vld [tilespmem:s18+$0x30];
	v13 =	vshrl.u32 v6, $0x1  }
0x41a: {  	v21 =	vld [tilespmem:s7+$0x3F];
	v15 =	vshrl.u32 v7, $0x1  }
0x41b: {  	v18 =	vshrl.u32 v12, $0x1;
	v9 =	vld.idx.msk [tilespmem:v9+s9+$0x0], $0xffff  }
0x41c: {  	v22 =	vld [tilespmem:s7+$0x3E];
	v16 =	vshrl.u32 v8, $0x1  }
0x41d: {  	v17 =	vshrl.u32 v10, $0x1;
	v11 =	vld.idx.msk [tilespmem:v11+s9+$0x0], $0xffff  }
0x41e: {  	v19 =	vshrl.u32 v14, $0x1;
	v4 =	vshll.u32 v4, $0x4;
	v13 =	vld.idx.msk [tilespmem:v13+s9+$0x0], $0xffff  }
0x41f: {  	v4 =	vand.u32 $0x10, v4;
	v15 =	vld.idx.msk [tilespmem:v15+s9+$0x0], $0xffff  }
0x420: {  	v4 =	vshrl.u32 v9, v4;
	v9 =	vld.idx.msk [tilespmem:v18+s9+$0x0], $0xffff  }
0x421: {  	v16 =	vld.idx.msk [tilespmem:v16+s9+$0x0], $0xffff  }
0x422: {  	v5 =	vshll.u32 v5, $0x4;
	v6 =	vshll.u32 v6, $0x4;
	v17 =	vld.idx.msk [tilespmem:v17+s9+$0x0], $0xffff;
	v4 =	vshll.u32 v4, $0x10  }
0x423: {  	v7 =	vshll.u32 v7, $0x4;
	v12 =	vshll.u32 v12, $0x4;
	v18 =	vld.idx.msk [tilespmem:v19+s9+$0x0], $0xffff;
	v4 =	vmul.f32 v4, v20  }
0x424: {  	v8 =	vshll.u32 v8, $0x4;
	v10 =	vshll.u32 v10, $0x4;
	v12 =	vand.u32 $0x10, v12;
	v19 =	vld [tilespmem:s18+$0xFFFFFFC0]  }
0x425: {  	v14 =	vshll.u32 v14, $0x4;
	vm1 =	vne.s32 v22, v21;
	(xrf2) =	vadd.scan.msk.f32 $0xffff, v4;
	v9 =	vshrl.u32 v9, v12;
	v12 =	vld [tilespmem:s7+$0x40]  }
0x426: {  	v5 =	vand.u32 $0x10, v5;
	v6 =	vand.u32 $0x10, v6;
	v7 =	vand.u32 $0x10, v7;
	v20 =	vld [tilespmem:s18+$0xFFFFFFD0]  }
0x427: {  	v8 =	vand.u32 $0x10, v8;
	v10 =	vand.u32 $0x10, v10;
	v14 =	vand.u32 $0x10, v14  }
0x428: {  	vm1 =	vmor vm1, vm12;
	v5 =	vshrl.u32 v11, v5;
	v6 =	vshrl.u32 v13, v6;
	v11 =	vld [tilespmem:s18+$0xFFFFFFE0]  }
0x429: {  	v13 =	vld [tilespmem:s18+$0xFFFFFFF0];
	v7 =	vshrl.u32 v15, v7;
	v8 =	vshrl.u32 v16, v8;
	v10 =	vshrl.u32 v17, v10  }
0x42a: {  	v15 =	vld [tilespmem:s18+$0x0];
	v5 =	vshll.u32 v5, $0x10;
	v9 =	vshll.u32 v9, $0x10;
	vm0 =	vne.s32 v12, v21  }
0x42b: {  	v9 =	vmul.f32 v9, v19;
	v5 =	vmul.f32 v5, v20;
	v19 =	vld [tilespmem:s7+$0xFFFFFFCE];
	vm0 =	vmor vm0, vm9  }
0x42c: {  	v20 =	vimm.s32 $0x0;
	v12 =	vshrl.u32 v18, v14;
	v14 =	vld [tilespmem:s7+$0xFFFFFFCF];
	vm2 =	vmor vm1, vm0  }
0x42d: {  	v16 =	vld [tilespmem:s18+$0x10];
	v6 =	vshll.u32 v6, $0x10;
	v7 =	vshll.u32 v7, $0x10;
	(xrf2) =	vadd.scan.msk.f32 $0xffff, v9;
	v20 =	vsel vm2, $0xFFFFFFFF, v20  }
0x42e: {  	v17 =	vld [tilespmem:s18+$0x20];
	v8 =	vshll.u32 v8, $0x10;
	v10 =	vshll.u32 v10, $0x10;
	v18 =	vsub.s32 v21, v1;
	[tilespmem:$0x1FBD0] =	vst v20  }
0x42f: {  	v23 =	vmul.f32 v6, v11;
	(xrf2) =	vadd.scan.msk.f32 $0xffff, v5;
	v18 =	vand.u32 $0xFFFFFF80, v18;
	v20 =	vand.u32 $0x7F, v21;
	v21, _, _ =	vpop (xrf2);
	v22 =	vld [tilespmem:s7+$0xFFFFFFD0]  }
0x430: {  	v15 =	vmul.f32 v8, v15;
	v4 =	vsub.f32 v21, v4;
	v18 =	vor.u32 v20, v18;
	v11 =	vld [tilespmem:s7+$0xFFFFFFDF]  }
0x431: {  	(xrf2) =	vadd.scan.msk.f32 $0xffff, v23;
	v20 =	vmul.f32 v7, v13;
	v13 =	vld [tilespmem:s7+$0xFFFFFFDE];
	v6 =	vnsel vm0, $0x0, v21;
	vm0 =	vne.s32 v19, v14  }
0x432: {  	v8 =	vimm.s32 $0x0;
	v4 =	vnsel vm1, $0x0, v4;
	vm1 =	vmor vm0, vm12  }
0x433: {  	v16 =	vmul.f32 v10, v16;
	v10 =	vld [tilespmem:s7+$0xFFFFFFE0];
	v8 =	vsel vm1, $0xFFFFFFFF, v8  }
0x434: {  	v7 =	vsub.s32 v14, v1;
	v21 =	vsub.f32 v6, v4;
	v4 =	vld [tilespmem:s7+$0xFFFFFFEF];
	[tilespmem:$0x1FBE0] =	vst v8  }
0x435: {  	v6 =	vand.u32 $0xFFFFFF80, v7;
	v7 =	vand.u32 $0x7F, v14;
	vm2 =	vne.s32 v22, v14;
	v14 =	vld [tilespmem:s7+$0xFFFFFFEE]  }
0x436: {  	v12 =	vshll.u32 v12, $0x10;
	(xrf2) =	vadd.scan.msk.f32 $0xffff, v20;
	vm0 =	vne.s32 v13, v11;
	v13 =	vld [tilespmem:s7+$0xFFFFFFF0]  }
0x437: {  	v17 =	vmul.f32 v12, v17;
	v19, _, _ =	vpop (xrf2);
	v12 =	vsub.s32 v11, v1;
	v24 =	vld [tilespmem:s7+$0xFFFFFFFF]  }
0x438: {  	v8 =	vand.u32 $0x7F, v11;
	v22 =	vsub.f32 v19, v9;
	vm4 =	vne.s32 v10, v11;
	v26 =	vld [tilespmem:s7+$0xF]  }
0x439: {  	v25, _, _ =	vpop (xrf2);
	v28 =	vld [tilespmem:s7+$0x10];
	vm7 =	vmor vm2, vm9;
	vm3 =	vmor vm0, vm12;
	vm4 =	vmor vm4, vm9  }
0x43a: {  	(xrf2) =	vadd.scan.msk.f32 $0xffff, v15;
	v5 =	vsub.f32 v25, v5;
	v19 =	vnsel vm7, $0x0, v19;
	v10 =	vnsel vm1, $0x0, v22;
	v22 =	vld [tilespmem:s7+$0xFFFFFFFE]  }
0x43b: {  	v11 =	vsub.f32 v19, v10;
	v19 =	vnsel vm4, $0x0, v25;
	v25 =	vld [tilespmem:s7+$0x0];
	vm0 =	vne.s32 v14, v4;
	v14, _, _ =	vpop (xrf2)  }
0x43c: {  	vm5 =	vmmov vm9;
	s19 =	simm.s32 $0xC440;
	v29 =	vld [tilespmem:s7+$0x20];
	v9 =	vand.u32 $0xFFFFFF80, v12;
	v23 =	vsub.f32 v14, v23  }
0x43d: {  	(xrf2) =	vadd.scan.msk.f32 $0xffff, v16;
	v34 =	vld [tilespmem:s19+$0xFFFFFFE0];
	v12 =	vsub.s32 v4, v1;
	v5 =	vnsel vm3, $0x0, v5;
	vm1 =	vne.s32 v13, v4  }
0x43e: {  	v10 =	vand.u32 $0xFFFFFF80, v12;
	v12 =	vand.u32 $0x7F, v4;
	v4 =	vld [tilespmem:s7+$0xE];
	vm10 =	vmor vm1, vm5  }
0x43f: {  	v13 =	vsub.f32 v19, v5;
	v19 =	vld [tilespmem:s7+$0x1F];
	vm9 =	vmor vm0, vm12;
	v5 =	vnsel vm10, $0x0, v14  }
0x440: {  	vm0 =	vne.s32 v22, v24;
	v22 =	vld [tilespmem:s7+$0x1E];
	v14 =	vnsel vm9, $0x0, v23;
	vm1 =	vne.s32 v25, v24;
	v23, _, _ =	vpop (xrf2)  }
0x441: {  	v32 =	vld [tilespmem:s7+$0x30];
	vm14 =	vmor vm1, vm5;
	v20 =	vsub.f32 v23, v20  }
0x442: {  	(xrf2) =	vadd.scan.msk.f32 $0xffff, v17;
	vm2 =	vmor vm0, vm12;
	v14 =	vsub.f32 v5, v14;
	v5 =	vnsel vm14, $0x0, v23;
	v23 =	vld [tilespmem:s7+$0x2F]  }
0x443: {  	vm0 =	vne.s32 v4, v26;
	v4 =	vnsel vm2, $0x0, v20;
	v20 =	vld [tilespmem:s7+$0x2E]  }
0x444: {  	v39 =	vld [tilespmem:$0x1FBD0];
	vm6 =	vne.s32 v28, v26;
	v37 =	vshrl.u32 v34, $0x1;
	vm8 =	vne.s32 v29, v19;
	v28, _, _ =	vpop (xrf2)  }
0x445: {  	vm1 =	vmor vm0, vm12;
	v30 =	vsub.f32 v28, v15;
	vm0 =	vne.s32 v22, v19  }
0x446: {  	vm6 =	vmor vm6, vm5;
	vm13 =	vmor vm8, vm5;
	v22 =	vld [tilespmem:s19+$0x30];
	vm11 =	vmor vm0, vm12  }
0x447: {  	v15 =	vsub.f32 v5, v4;
	v4 =	vnsel vm6, $0x0, v28;
	v5 =	vnsel vm1, $0x0, v30;
	v28, _, _ =	vpop (xrf2)  }
0x448: {  	v29 =	vld [tilespmem:s19+$0xFFFFFFD0];
	v30 =	vsub.f32 v28, v16;
	vm8 =	vne.s32 v32, v23;
	vm0 =	vne.s32 v20, v23  }
0x449: {  	v48 =	vld [tilespmem:s19+$0x10];
	vm15 =	vmor vm0, vm12;
	vm0 =	vmor vm8, vm5;
	vm8 =	vnez.u8 v39  }
0x44a: {  	v38 =	vld [tilespmem:s19+$0x20];
	v25 =	vsub.s32 v26, v1;
	v16 =	vsub.f32 v4, v5  }
0x44b: {  	v4 =	vnsel vm13, $0x0, v28;
	v28 =	vld [tilespmem:s19+$0xFFFFFFF0];
	v5 =	vnsel vm11, $0x0, v30;
	v30 =	vshrl.u32 v22, $0x1  }
0x44c: {  	v36 =	vand.u32 $0xFFFFFF80, v25;
	v25 =	vld [tilespmem:s19+$0xFFFFFFC0];
	v20, _, _ =	vpop (xrf2)  }
0x44d: {  	v37 =	vld.idx.msk [tilespmem:v37+s9+$0x0], $0xffff;
	v35 =	vshrl.u32 v29, $0x1;
	v4 =	vsub.f32 v4, v5;
	v5 =	vsub.f32 v20, v17  }
0x44e: {  	v40 =	vimm.s32 $0x0;
	v27 =	vsub.s32 v24, v1;
	v17 =	vld [tilespmem:s19+$0x0]  }
0x44f: {  	vm2 =	vmor vm2, vm14;
	v20 =	vnsel vm0, $0x0, v20;
	v5 =	vnsel vm15, $0x0, v5;
	[tilespmem:v18+s23+$0x0] =	vst.idx.add.f32.msk vm8, v21  }
0x450: {  	v18 =	vand.u32 $0x7F, v24;
	v21 =	vand.u32 $0x7F, v26;
	v24 =	vshrl.u32 v28, $0x1;
	v26 =	vld.idx.msk [tilespmem:v30+s9+$0x0], $0xffff  }
0x451: {  	v50 =	vshrl.u32 v38, $0x1;
	v40 =	vsel vm2, $0xFFFFFFFF, v40;
	v5 =	vsub.f32 v20, v5;
	v20 =	vld [tilespmem:$0x1FBE0]  }
0x452: {  	v34 =	vshll.u32 v34, $0x4;
	v27 =	vand.u32 $0xFFFFFF80, v27;
	v31 =	vsub.s32 v19, v1;
	s7 =	simm.s32 $0xD440;
	v35 =	vld.idx.msk [tilespmem:v35+s9+$0x0], $0xffff;
	[tilespmem:$0x1FC10] =	vst v40  }
0x453: {  	v49 =	vshrl.u32 v25, $0x1;
	v33 =	vsub.s32 v23, v1;
	v22 =	vshll.u32 v22, $0x4;
	v41 =	vld [tilespmem:s7+$0x30]  }
0x454: {  	v22 =	vand.u32 $0x10, v22;
	v30 =	vand.u32 $0x7F, v23;
	v23 =	vshrl.u32 v48, $0x1  }
0x455: {  	vm0 =	vmor vm15, vm0;
	v42 =	vld.idx.msk [tilespmem:v24+s9+$0x0], $0xffff;
	v24 =	vshll.u32 v28, $0x4;
	v22 =	vshrl.u32 v26, v22  }
0x456: {  	vm8 =	vnez.u8 v20;
	v20 =	vshrl.u32 v17, $0x1;
	v28 =	vand.u32 $0x10, v24  }
0x457: {  	v51 =	vld.idx.msk [tilespmem:v50+s9+$0x0], $0xffff;
	v22 =	vshll.u32 v22, $0x10;
	v24 =	vshll.u32 v38, $0x4;
	vm7 =	vmor vm8, vm7  }
0x458: {  	v44 =	vld [tilespmem:s7+$0xFFFFFFC0];
	vm8 =	vmor vm3, vm4;
	v52 =	vmul.f32 v22, v41;
	v54 =	vand.u32 $0x10, v24  }
0x459: {  	v43 =	vld.idx.msk [tilespmem:v23+s9+$0x0], $0xffff;
	vm4 =	vmor vm1, vm6;
	vm1 =	vmor vm11, vm13;
	v22 =	vimm.s32 $0x0  }
0x45a: {  	v26 =	vld.idx.msk [tilespmem:v49+s9+$0x0], $0xffff;
	v24 =	vor.u32 v7, v6;
	v6 =	vimm.s32 $0x0;
	v22 =	vsel vm1, $0xFFFFFFFF, v22  }
0x45b: {  	v34 =	vand.u32 $0x10, v34;
	v31 =	vand.u32 $0xFFFFFF80, v31;
	v6 =	vsel vm0, $0xFFFFFFFF, v6;
	v20 =	vld.idx.msk [tilespmem:v20+s9+$0x0], $0xffff;
	[tilespmem:$0x1FBF0] =	vst v22  }
0x45c: {  	s18 =	simm.s32 $0xE441;
	v19 =	vand.u32 $0x7F, v19;
	v25 =	vshll.u32 v25, $0x4;
	v29 =	vshll.u32 v29, $0x4;
	v45 =	vld [tilespmem:s7+$0xFFFFFFD0];
	[tilespmem:$0x1FC00] =	vst v6  }
0x45d: {  	v55 =	vand.u32 $0x10, v25;
	v25 =	vor.u32 v8, v9;
	v23 =	vshll.u32 v48, $0x4;
	v8 =	vld [tilespmem:s18+$0x3F]  }
0x45e: {  	v29 =	vand.u32 $0x10, v29;
	v33 =	vand.u32 $0xFFFFFF80, v33;
	v53 =	vand.u32 $0x10, v23;
	(xrf2) =	vadd.scan.msk.f32 $0xffff, v52;
	v9 =	vld [tilespmem:s18+$0x3E]  }
0x45f: {  	v23 =	vor.u32 v12, v10;
	v12 =	vshrl.u32 v26, v55;
	v22 =	vor.u32 v18, v27;
	v18 =	vld [tilespmem:s18+$0x40]  }
0x460: {  	v17 =	vshll.u32 v17, $0x4;
	v10 =	vshrl.u32 v37, v34;
	v12 =	vshll.u32 v12, $0x10;
	v26 =	vld [tilespmem:s7+$0xFFFFFFE0]  }
0x461: {  	v17 =	vand.u32 $0x10, v17;
	v27 =	vshrl.u32 v42, v28;
	v12 =	vmul.f32 v12, v44;
	v28 =	vld [tilespmem:s7+$0xFFFFFFF0]  }
0x462: {  	v7 =	vshrl.u32 v35, v29;
	v10 =	vshll.u32 v10, $0x10;
	v6 =	vor.u32 v19, v31;
	v29 =	vld [tilespmem:s7+$0x0]  }
0x463: {  	v19 =	vshll.u32 v7, $0x10;
	v7 =	vor.u32 v30, v33;
	v27 =	vshll.u32 v27, $0x10;
	v31 =	vld [tilespmem:s7+$0x10];
	(xrf2) =	vadd.scan.msk.f32 $0xffff, v12  }
0x464: {  	v30 =	vshrl.u32 v51, v54;
	v56 =	vld [tilespmem:s7+$0x20];
	v17 =	vshrl.u32 v20, v17;
	v20 =	vshrl.u32 v43, v53  }
0x465: {  	v17 =	vshll.u32 v17, $0x10;
	v20 =	vshll.u32 v20, $0x10;
	vm0 =	vne.s32 v18, v8;
	v18 =	vld [tilespmem:s18+$0xFFFFFFCF]  }
0x466: {  	v57 =	vld [tilespmem:s18+$0xFFFFFFCE];
	v19 =	vmul.f32 v19, v45;
	vm1 =	vne.s32 v9, v8;
	v9 =	vsub.s32 v8, v1  }
0x467: {  	v59 =	vld [tilespmem:s18+$0xFFFFFFD0];
	v8 =	vand.u32 $0x7F, v8;
	v60 =	vmul.f32 v10, v26;
	v61 =	vmul.f32 v27, v28  }
0x468: {  	v27 =	vld [tilespmem:s18+$0xFFFFFFDE];
	v63 =	vmul.f32 v20, v31;
	vm0 =	vmor vm0, vm5;
	vm1 =	vmor vm1, vm12;
	v58, _, _ =	vpop (xrf2)  }
0x469: {  	v28 =	vld [tilespmem:s18+$0xFFFFFFE0];
	v9 =	vand.u32 $0xFFFFFF80, v9;
	vm2 =	vmor vm1, vm0;
	v10 =	vsub.f32 v58, v52  }
0x46a: {  	(xrf2) =	vadd.scan.msk.f32 $0xffff, v19;
	v26 =	vor.u32 v8, v9;
	v8 =	vshll.u32 v30, $0x10;
	v30 =	vld [tilespmem:s18+$0xFFFFFFDF];
	v20 =	vsub.s32 v18, v1  }
0x46b: {  	vm9 =	vmor vm9, vm10;
	v62 =	vmul.f32 v17, v29;
	v29 =	vld [tilespmem:s18+$0xFFFFFFEF];
	(xrf2) =	vadd.scan.msk.f32 $0xffff, v60  }
0x46c: {  	v49 =	vld [tilespmem:s18+$0xE];
	v9 =	vnsel vm0, $0x0, v58;
	v17 =	vmul.f32 v8, v56;
	(xrf2) =	vadd.scan.msk.f32 $0xffff, v61;
	v10 =	vnsel vm1, $0x0, v10  }
0x46d: {  	v45 =	vld [tilespmem:s18+$0xFFFFFFF0];
	v10 =	vsub.f32 v9, v10;
	vm0 =	vne.s32 v57, v18;
	v8 =	vand.u32 $0xFFFFFF80, v20;
	v20, _, _ =	vpop (xrf2);
	(xrf2) =	vadd.scan.msk.f32 $0xffff, v62  }
0x46e: {  	v31 =	vld [tilespmem:s18+$0xFFFFFFEE];
	v9 =	vand.u32 $0x7F, v18;
	vm1 =	vne.s32 v59, v18;
	vm10 =	vmor vm0, vm12  }
0x46f: {  	vm11 =	vmor vm1, vm5;
	v18 =	vsub.s32 v30, v1;
	[tilespmem:v26+s23+$0x0] =	vst.idx.add.f32.msk vm2, v10;
	v26 =	vsub.f32 v20, v12  }
0x470: {  	vm0 =	vne.s32 v27, v30;
	vm1 =	vne.s32 v28, v30;
	v27 =	vsub.s32 v29, v1;
	v28 =	vld [tilespmem:s18+$0xFFFFFFFE]  }
0x471: {  	v44 =	vnsel vm11, $0x0, v20;
	v12 =	vand.u32 $0xFFFFFF80, v18;
	v20 =	vld [tilespmem:s18+$0xFFFFFFFF];
	v18 =	vnsel vm10, $0x0, v26  }
0x472: {  	v26 =	vsub.f32 v44, v18;
	v18 =	vand.u32 $0xFFFFFF80, v27;
	v27 =	vld [tilespmem:s18+$0xF]  }
0x473: {  	v52 =	vld [tilespmem:s18+$0x10];
	vm3 =	vne.s32 v45, v29  }
0x474: {  	vm14 =	vmor vm3, vm5;
	v10 =	vand.u32 $0x7F, v30;
	v30, _, _ =	vpop (xrf2)  }
0x475: {  	v48 =	vld [tilespmem:s18+$0x0];
	vm13 =	vmor vm0, vm12;
	vm0 =	vmor vm1, vm5;
	vm1 =	vne.s32 v31, v29;
	v50, _, _ =	vpop (xrf2)  }
0x476: {  	[tilespmem:v24+s23+$0x0] =	vst.idx.add.f32.msk vm7, v11;
	vm2 =	vmor vm1, vm12;
	v51 =	vsub.f32 v50, v60;
	v55, _, _ =	vpop (xrf2);
	vm1 =	vne.s32 v28, v20  }
0x477: {  	[tilespmem:v25+s23+$0x0] =	vst.idx.add.f32.msk vm8, v13;
	v56 =	vsub.f32 v55, v61;
	vm3 =	vmor vm1, vm12;
	vm1 =	vne.s32 v49, v27;
	v60, _, _ =	vpop (xrf2)  }
0x478: {  	[tilespmem:v23+s23+$0x0] =	vst.idx.add.f32.msk vm9, v14;
	vm15 =	vmor vm1, vm12;
	vm1 =	vne.s32 v52, v27;
	v61 =	vsub.f32 v60, v62  }
0x479: {  	v57 =	vld [tilespmem:s18+$0x20];
	(xrf2) =	vadd.scan.msk.f32 $0xffff, v63;
	vm1 =	vmor vm1, vm5  }
0x47a: {  	v28 =	vld [tilespmem:s18+$0x1F];
	v11 =	vnsel vm1, $0x0, v60;
	v13 =	vnsel vm15, $0x0, v61  }
0x47b: {  	v46 =	vsub.f32 v30, v19;
	v23 =	vsub.f32 v11, v13;
	v11 =	vld [tilespmem:$0x1FC10]  }
0x47c: {  	v21 =	vor.u32 v21, v36;
	(xrf2) =	vadd.scan.msk.f32 $0xffff, v17  }
0x47d: {  	v47 =	vnsel vm0, $0x0, v30;
	v19 =	vand.u32 $0x7F, v29;
	v31 =	vnsel vm13, $0x0, v46  }
0x47e: {  	v54 =	vld [tilespmem:s18+$0x1E];
	vm6 =	vne.s32 v48, v20;
	v29 =	vsub.f32 v47, v31;
	v31 =	vnsel vm14, $0x0, v50  }
0x47f: {  	v59 =	vld [tilespmem:s18+$0x2E];
	v53 =	vnsel vm2, $0x0, v51;
	vm6 =	vmor vm6, vm5;
	vm8 =	vne.s32 v57, v28  }
0x480: {  	v32 =	vsub.f32 v31, v53;
	v31 =	vld [tilespmem:s18+$0x2F];
	vm9 =	vmor vm8, vm5;
	vm5 =	vnez.u8 v11  }
0x481: {  	v62 =	vld [tilespmem:s18+$0x30]  }
0x482: {  	v30 =	vsub.s32 v20, v1;
	v34 =	vnsel vm6, $0x0, v55;
	v58 =	vnsel vm3, $0x0, v56  }
0x483: {  	v33 =	vsub.s32 v27, v1;
	v34 =	vsub.f32 v34, v58;
	vm7 =	vne.s32 v54, v28;
	v25, _, _ =	vpop (xrf2)  }
0x484: {  	v35 =	vsub.s32 v28, v1;
	vm7 =	vmor vm7, vm12;
	v63 =	vsub.f32 v25, v63  }
0x485: {  	v24 =	vsub.s32 v31, v1;
	vm8 =	vne.s32 v59, v31;
	v14 =	vnsel vm9, $0x0, v25;
	[tilespmem:v21+s23+$0x0] =	vst.idx.add.f32.msk vm4, v16  }
0x486: {  	s11 =	simm.s32 $0x8;
	s19 =	simm.s32 $0xC4C0;
	vm8 =	vmor vm8, vm12;
	v13 =	vnsel vm7, $0x0, v63;
	vm4 =	vne.s32 v62, v31;
	[tilespmem:v22+s23+$0x0] =	vst.idx.add.f32.msk vm5, v15;
	v15, _, _ =	vpop (xrf2)  }
.LBB2_28:
0x487: {  	v11 =	vmov v23;
	v23 =	vld [tilespmem:s19+$0xFFFFFFF0]  }
0x488: {  	v36 =	vsub.f32 v15, v17;
	v41 =	vld [tilespmem:$0x1FBF0]  }
0x489: {  	vm0 =	vmor vm13, vm0;
	v50 =	vimm.s32 $0x0;
	v51 =	vimm.s32 $0x0  }
0x48a: {  	v62 =	vnsel vm8, $0x0, v36;
	v36 =	vsel vm0, $0xFFFFFFFF, v50;
	vm0 =	vmor vm2, vm14  }
0x48b: {  	v38 =	vimm.s32 $0x0;
	[tilespmem:$0x1FB90] =	vst v36;
	v36 =	vsel vm0, $0xFFFFFFFF, v51;
	vm0 =	vmor vm3, vm6  }
0x48c: {  	v21 =	vld [tilespmem:s19+$0x30];
	v38 =	vsel vm0, $0xFFFFFFFF, v38  }
0x48d: {  	v17 =	vld [tilespmem:s19+$0xFFFFFFD0];
	v40 =	vshrl.u32 v23, $0x1;
	v23 =	vshll.u32 v23, $0x4;
	vm0 =	vnez.u8 v41  }
0x48e: {  	vm5 =	vcmask $0x3F3C;
	v54 =	vand.u32 $0x10, v23;
	v23 =	vld [tilespmem:$0x1FC00]  }
0x48f: {  	v48 =	vld [tilespmem:s19+$0x10];
	vm4 =	vmor vm4, vm5  }
0x490: {  	v37 =	vld [tilespmem:s19+$0x20];
	v25 =	vnsel vm4, $0x0, v15  }
0x491: {  	v63 =	vand.u32 $0xFFFFFF80, v24;
	v24 =	vsub.f32 v25, v62;
	v25 =	vld [tilespmem:s19+$0x0]  }
0x492: {  	v53 =	vld [tilespmem:s19+$0xFFFFFFC0];
	v49 =	vshrl.u32 v21, $0x1  }
0x493: {  	v52 =	vshrl.u32 v17, $0x1;
	[tilespmem:v6+s23+$0x0] =	vst.idx.add.f32.msk vm0, v4;
	vm0 =	vnez.u8 v23  }
0x494: {  	v22 =	vsub.f32 v14, v13;
	s7 =	sadd.s32 $0x80, s7;
	v16 =	vmov v26;
	v26 =	vand.u32 $0xFFFFFF80, v30;
	v30 =	vld [tilespmem:s19+$0xFFFFFFE0]  }
0x495: {  	s18 =	sadd.s32 $0x80, s18;
	v45 =	vld [tilespmem:s7+$0x30]  }
0x496: {  	v50 =	vld [tilespmem:s18+$0xE];
	v4 =	vmov v22;
	v22 =	vshll.u32 v25, $0x4  }
0x497: {  	v58 =	vshrl.u32 v53, $0x1;
	v55 =	vld.idx.msk [tilespmem:v49+s9+$0x0], $0xffff;
	v42 =	vand.u32 $0x10, v22;
	v22 =	vshll.u32 v48, $0x4  }
0x498: {  	v56 =	vld.idx.msk [tilespmem:v52+s9+$0x0], $0xffff;
	v6 =	vshrl.u32 v25, $0x1;
	v57 =	vand.u32 $0x10, v22;
	v22 =	vshll.u32 v37, $0x4  }
0x499: {  	v60 =	vand.u32 $0x10, v22;
	v22 =	vimm.s32 $0x0;
	[tilespmem:v7+s23+$0x0] =	vst.idx.add.f32.msk vm0, v5;
	vm0 =	vmor vm15, vm1  }
0x49a: {  	v43 =	vshrl.u32 v37, $0x1;
	v39 =	vshrl.u32 v30, $0x1;
	v40 =	vld.idx.msk [tilespmem:v40+s9+$0x0], $0xffff;
	v22 =	vsel vm0, $0xFFFFFFFF, v22  }
0x49b: {  	v49 =	vld [tilespmem:s18+$0x0];
	v25 =	vor.u32 v9, v8;
	vm0 =	vmor vm7, vm9;
	[tilespmem:$0x1FBC0] =	vst v22;
	v22 =	vimm.s32 $0x0  }
0x49c: {  	v52 =	vld [tilespmem:s18+$0x10];
	v8 =	vimm.s32 $0x0;
	v22 =	vsel vm0, $0xFFFFFFFF, v22;
	vm0 =	vmor vm8, vm4  }
0x49d: {  	v21 =	vshll.u32 v21, $0x4;
	v5 =	vmovc v24;
	v24 =	vor.u32 v10, v12;
	v10 =	vld.idx.msk [tilespmem:v58+s9+$0x0], $0xffff;
	v8 =	vsel vm0, $0xFFFFFFFF, v8  }
0x49e: {  	v20 =	vand.u32 $0x7F, v20;
	[tilespmem:$0x1FC00] =	vst v8;
	v8 =	vld.idx.msk [tilespmem:v6+s9+$0x0], $0xffff;
	v6 =	vand.u32 $0x10, v21  }
0x49f: {  	v23 =	vshll.u32 v53, $0x4;
	v59 =	vld.idx.msk [tilespmem:v39+s9+$0x0], $0xffff;
	v7 =	vshrl.u32 v48, $0x1;
	v6 =	vshrl.u32 v55, v6  }
0x4a0: {  	v44 =	vand.u32 $0x10, v23;
	v23 =	vor.u32 v19, v18;
	v19 =	vld [tilespmem:s7+$0xFFFFFFC0];
	v12 =	vshll.u32 v6, $0x10  }
0x4a1: {  	v14 =	vmovc v29;
	v29 =	vand.u32 $0xFFFFFF80, v33;
	[tilespmem:$0x1FBF0] =	vst v22;
	v22 =	vor.u32 v20, v26;
	v26 =	vld [tilespmem:s7+$0xFFFFFFD0];
	v12 =	vmul.f32 v12, v45  }
0x4a2: {  	v61 =	vand.u32 $0xFFFFFF80, v35;
	v28 =	vand.u32 $0x7F, v28;
	v17 =	vshll.u32 v17, $0x4;
	v18 =	vld.idx.msk [tilespmem:v43+s9+$0x0], $0xffff  }
0x4a3: {  	v17 =	vand.u32 $0x10, v17;
	v30 =	vshll.u32 v30, $0x4;
	v43 =	vld [tilespmem:s18+$0xFFFFFFD0];
	v10 =	vshrl.u32 v10, v44;
	(xrf2) =	vadd.scan.msk.f32 $0xffff, v12  }
0x4a4: {  	v30 =	vand.u32 $0x10, v30;
	v9 =	vld.idx.msk [tilespmem:v7+s9+$0x0], $0xffff;
	v7 =	vshrl.u32 v56, v17;
	v10 =	vshll.u32 v10, $0x10  }
0x4a5: {  	v17 =	vshll.u32 v7, $0x10;
	v7 =	vshrl.u32 v59, v30;
	v30 =	vld [tilespmem:s18+$0x40];
	v19 =	vmul.f32 v10, v19  }
0x4a6: {  	v27 =	vand.u32 $0x7F, v27;
	v6 =	vor.u32 v28, v61;
	v28 =	vld [tilespmem:s18+$0x3F];
	v61 =	vmul.f32 v17, v26  }
0x4a7: {  	v21 =	vor.u32 v27, v29;
	v29 =	vld [tilespmem:s18+$0x3E];
	(xrf2) =	vadd.scan.msk.f32 $0xffff, v19  }
0x4a8: {  	vm10 =	vmor vm10, vm11;
	v31 =	vand.u32 $0x7F, v31;
	v27 =	vshrl.u32 v40, v54;
	v10 =	vld [tilespmem:s7+$0xFFFFFFF0];
	(xrf2) =	vadd.scan.msk.f32 $0xffff, v61  }
0x4a9: {  	v18 =	vshrl.u32 v18, v60;
	v20 =	vshll.u32 v7, $0x10;
	v7 =	vor.u32 v31, v63;
	v31 =	vld [tilespmem:s7+$0xFFFFFFE0]  }
0x4aa: {  	v47 =	vimm.s32 $0x0;
	v27 =	vshll.u32 v27, $0x10;
	v63 =	vld [tilespmem:s18+$0xFFFFFFCE];
	v17 =	vshll.u32 v18, $0x10  }
0x4ab: {  	v26 =	vld [tilespmem:s7+$0x10];
	v8 =	vshrl.u32 v8, v42;
	v9 =	vshrl.u32 v9, v57;
	vm0 =	vne.s32 v30, v28  }
0x4ac: {  	v18 =	vld [tilespmem:s7+$0x0];
	vm1 =	vne.s32 v29, v28;
	v30 =	vsub.s32 v28, v1;
	v28 =	vand.u32 $0x7F, v28  }
0x4ad: {  	v29 =	vld [tilespmem:s18+$0xFFFFFFCF];
	v44 =	vmul.f32 v27, v10;
	vm2 =	vmor vm0, vm5;
	vm1 =	vmor vm1, vm12;
	v42, _, _ =	vpop (xrf2)  }
0x4ae: {  	v27 =	vld [tilespmem:s18+$0xFFFFFFEE];
	v30 =	vand.u32 $0xFFFFFF80, v30;
	vm0 =	vmor vm1, vm2;
	v12 =	vsub.f32 v42, v12  }
0x4af: {  	v9 =	vshll.u32 v9, $0x10;
	v31 =	vmul.f32 v20, v31;
	v20 =	vor.u32 v28, v30;
	v28 =	vld [tilespmem:s18+$0xFFFFFFDF]  }
0x4b0: {  	v8 =	vshll.u32 v8, $0x10;
	v46 =	vmul.f32 v9, v26;
	v9 =	vnsel vm1, $0x0, v12;
	v12 =	vld [tilespmem:s18+$0xFFFFFFE0]  }
0x4b1: {  	v33 =	vsel vm10, $0xFFFFFFFF, v47;
	v45 =	vmul.f32 v8, v18;
	v18 =	vld [tilespmem:s18+$0xFFFFFFDE];
	v8 =	vnsel vm2, $0x0, v42;
	v26, _, _ =	vpop (xrf2)  }
0x4b2: {  	[tilespmem:$0x1FB80] =	vst v33;
	v30 =	vld [tilespmem:s18+$0xFFFFFFEF];
	v48, _, _ =	vpop (xrf2);
	v47 =	vsub.f32 v8, v9  }
0x4b3: {  	v15 =	vmov v32;
	v10 =	vsub.s32 v29, v1;
	v32 =	vsub.f32 v48, v61;
	v61 =	vld [tilespmem:$0x1FB80]  }
0x4b4: {  	vm1 =	vne.s32 v63, v29;
	[tilespmem:v20+s23+$0x0] =	vst.idx.add.f32.msk vm0, v47;
	v20 =	vsub.s32 v28, v1  }
0x4b5: {  	vm10 =	vmor vm1, vm12;
	vm1 =	vne.s32 v12, v28;
	v12 =	vand.u32 $0xFFFFFF80, v20;
	v20 =	vld [tilespmem:s18+$0xFFFFFFFF]  }
0x4b6: {  	v8 =	vand.u32 $0xFFFFFF80, v10;
	v10 =	vand.u32 $0x7F, v28;
	vm0 =	vne.s32 v18, v28;
	v28 =	vld [tilespmem:s18+$0xFFFFFFFE]  }
0x4b7: {  	v62 =	vld [tilespmem:s7+$0x20]  }
0x4b8: {  	vm2 =	vne.s32 v43, v29;
	v9 =	vand.u32 $0x7F, v29;
	v29 =	vld [tilespmem:s18+$0xFFFFFFF0]  }
0x4b9: {  	v54 =	vld [tilespmem:s18+$0x1E];
	vm11 =	vmor vm2, vm5  }
0x4ba: {  	vm13 =	vmor vm0, vm12;
	vm0 =	vmor vm1, vm5;
	vm1 =	vne.s32 v27, v30;
	v27 =	vld [tilespmem:s18+$0xF]  }
0x4bb: {  	vm7 =	vnez.u8 v61;
	vm2 =	vmor vm1, vm12;
	vm1 =	vne.s32 v28, v20;
	v28 =	vld [tilespmem:s18+$0x1F]  }
0x4bc: {  	v17 =	vmul.f32 v17, v62;
	v62 =	vld [tilespmem:$0x1FB90]  }
0x4bd: {  	vm3 =	vne.s32 v29, v30  }
0x4be: {  	vm14 =	vmor vm3, vm5;
	vm4 =	vne.s32 v49, v20;
	vm3 =	vmor vm1, vm12  }
0x4bf: {  	vm6 =	vmor vm4, vm5;
	vm1 =	vne.s32 v50, v27;
	vm4 =	vne.s32 v52, v27  }
0x4c0: {  	vm15 =	vmor vm1, vm12;
	vm1 =	vmor vm4, vm5;
	vm4 =	vne.s32 v54, v28  }
0x4c1: {  	[tilespmem:v25+s23+$0x0] =	vst.idx.add.f32.msk vm7, v16;
	vm7 =	vmor vm4, vm12;
	vm4 =	vnez.u8 v62;
	_ =	sdelay $0x3  }
0x4c2: {  	(xrf2) =	vadd.scan.msk.f32 $0xffff, v31  }
0x4c3: {  	[tilespmem:$0x1FBA0] =	vst v36;
	(xrf2) =	vadd.scan.msk.f32 $0xffff, v44  }
0x4c4: {  	(xrf2) =	vadd.scan.msk.f32 $0xffff, v45;
	[tilespmem:v24+s23+$0x0] =	vst.idx.add.f32.msk vm4, v14  }
0x4c5: {  	v14 =	vld [tilespmem:$0x1FBA0];
	_ =	sdelay $0x4  }
0x4c6: {  	vm4 =	vnez.u8 v14;
	_ =	sdelay $0x1  }
0x4c7: {  	v51, _, _ =	vpop (xrf2)  }
0x4c8: {  	v55, _, _ =	vpop (xrf2)  }
0x4c9: {  	v58, _, _ =	vpop (xrf2)  }
0x4ca: {  	[tilespmem:$0x1FBB0] =	vst v38;
	v56 =	vld [tilespmem:s18+$0x20];
	v38 =	vsub.f32 v58, v45  }
0x4cb: {  	(xrf2) =	vadd.scan.msk.f32 $0xffff, v46;
	[tilespmem:v23+s23+$0x0] =	vst.idx.add.f32.msk vm4, v15  }
0x4cc: {  	v60 =	vnsel vm1, $0x0, v58;
	v16 =	vnsel vm15, $0x0, v38;
	v15 =	vld [tilespmem:$0x1FBB0]  }
0x4cd: {  	v23 =	vsub.f32 v60, v16;
	v16 =	vld [tilespmem:$0x1FBC0]  }
0x4ce: {  	v19 =	vsub.f32 v26, v19;
	(xrf2) =	vadd.scan.msk.f32 $0xffff, v17;
	v31 =	vsub.f32 v51, v31  }
0x4cf: {  	v26 =	vnsel vm11, $0x0, v26;
	v32 =	vnsel vm13, $0x0, v32;
	v33 =	vnsel vm0, $0x0, v48  }
0x4d0: {  	v57 =	vld [tilespmem:s18+$0x2E];
	v29 =	vsub.f32 v33, v32;
	v53 =	vnsel vm14, $0x0, v51;
	v31 =	vnsel vm2, $0x0, v31  }
0x4d1: {  	v32 =	vsub.f32 v53, v31;
	v31 =	vld [tilespmem:s18+$0x2F];
	vm8 =	vne.s32 v56, v28;
	vm4 =	vnez.u8 v15  }
0x4d2: {  	s11 =	sadd.s32 $0x8, s11;
	v18 =	vnsel vm10, $0x0, v19;
	vm9 =	vmor vm8, vm5;
	vm5 =	vnez.u8 v16  }
0x4d3: {  	p1 =	slt.u32 s11, $0xF8;
	v59 =	vld [tilespmem:s18+$0x30];
	v19 =	vsub.s32 v30, v1;
	v26 =	vsub.f32 v26, v18;
	v37 =	vsub.f32 v55, v44  }
.Ltmp22:
0x4d4: {  	v13 =	vmovc v34;
	v18 =	vand.u32 $0xFFFFFF80, v19;
	v19 =	vand.u32 $0x7F, v30;
	v30 =	vsub.s32 v20, v1;
	(pc) =	sbr.rel @p1 .LBB2_28-.Ltmp22, $4  }
0x4d5: {  	v33 =	vsub.s32 v27, v1;
	v25, _, _ =	vpop (xrf2);
	v34 =	vnsel vm6, $0x0, v55;
	v37 =	vnsel vm3, $0x0, v37  }
0x4d6: {  	v63 =	vsub.f32 v25, v46;
	v34 =	vsub.f32 v34, v37;
	vm8 =	vne.s32 v57, v31  }
0x4d7: {  	v35 =	vsub.s32 v28, v1;
	vm8 =	vmor vm8, vm12;
	v24 =	vsub.s32 v31, v1;
	[tilespmem:v22+s23+$0x0] =	vst.idx.add.f32.msk vm4, v13  }
0x4d8: {  	s19 =	sadd.s32 $0x80, s19;
	v14 =	vnsel vm9, $0x0, v25;
	v15, _, _ =	vpop (xrf2);
	v13 =	vnsel vm7, $0x0, v63;
	vm4 =	vne.s32 v59, v31;
	[tilespmem:v21+s23+$0x0] =	vst.idx.add.f32.msk vm5, v11  }
0x4d9: {  	v55 =	vld [tilespmem:$0x1FBF0];
	_ =	sdelay $0x4  }
0x4da: {  	vm0 =	vmor vm13, vm0;
	vm13 =	vnez.u8 v55;
	_ =	sdelay $0x5  }
0x4db: {  	[tilespmem:v6+s23+$0x0] =	vst.idx.add.f32.msk vm13, v4  }
0x4dc: {  	v57 =	vld [tilespmem:$0x1FC00];
	_ =	sdelay $0x3  }
0x4dd: {  	vm10 =	vmor vm10, vm11;
	vm2 =	vmor vm2, vm14  }
0x4de: {  	vm3 =	vmor vm3, vm6;
	v8 =	vor.u32 v9, v8;
	vm14 =	vnez.u8 v57  }
0x4df: {  	vm1 =	vmor vm15, vm1;
	vm12 =	vmor vm7, vm9;
	vm9 =	vcmask $0x3F3C  }
0x4e0: {  	v53 =	vand.u32 $0xFFFFFF80, v30;
	v10 =	vor.u32 v10, v12;
	v11 =	vand.u32 $0xFFFFFF80, v33  }
0x4e1: {  	v54 =	vand.u32 $0x7F, v20;
	v16 =	vor.u32 v19, v18;
	v56 =	vand.u32 $0x7F, v27  }
0x4e2: {  	v58 =	vand.u32 $0x7F, v28;
	v59 =	vand.u32 $0x7F, v31;
	v9 =	vor.u32 v54, v53  }
0x4e3: {  	vm4 =	vmor vm4, vm9;
	v4 =	vand.u32 $0xFFFFFF80, v35;
	v6 =	vor.u32 v56, v11;
	[tilespmem:v8+s23+$0x0] =	vst.idx.add.f32.msk vm10, v26  }
0x4e4: {  	vm15 =	vmor vm8, vm4;
	v4 =	vor.u32 v58, v4;
	[tilespmem:v7+s23+$0x0] =	vst.idx.add.f32.msk vm14, v5;
	v5 =	vand.u32 $0xFFFFFF80, v24  }
0x4e5: {  	v60 =	vsub.f32 v15, v17;
	[tilespmem:v10+s23+$0x0] =	vst.idx.add.f32.msk vm0, v29;
	v5 =	vor.u32 v59, v5  }
.Ltmp23:
0x4e6: {  	[tilespmem:v16+s23+$0x0] =	vst.idx.add.f32.msk vm2, v32;
	(pc) =	sbr.rel .LBB2_30-.Ltmp23, $4  }
0x4e7: {  	v62 =	vsub.f32 v14, v13;
	v61 =	vnsel vm4, $0x0, v15;
	[tilespmem:v9+s23+$0x0] =	vst.idx.add.f32.msk vm3, v34;
	v7 =	vnsel vm8, $0x0, v60  }
0x4e8: {  	[tilespmem:v6+s23+$0x0] =	vst.idx.add.f32.msk vm1, v23;
	v63 =	vsub.f32 v61, v7  }
0x4e9: {  	[tilespmem:v4+s23+$0x0] =	vst.idx.add.f32.msk vm12, v62  }
0x4ea: {  	[tilespmem:v5+s23+$0x0] =	vst.idx.add.f32.msk vm15, v63  }
.LBB2_24:
0x4eb: {  	s11 =	simm.s32 @p1 $0xC3C0  }
0x4ec: {  	v4 =	vld [tilespmem:s11+$0x30]  }
0x4ed: {  	v5 =	vld [tilespmem:s11+$0xFFFFFFD0]  }
0x4ee: {  	v6 =	vld [tilespmem:s11+$0xFFFFFFE0]  }
0x4ef: {  	v7 =	vld [tilespmem:s11+$0xFFFFFFF0]  }
0x4f0: {  	v9 =	vld [tilespmem:s11+$0x0]  }
0x4f1: {  	v11 =	vld [tilespmem:s11+$0xFFFFFFC0];
	v8 =	vshrl.u32 v4, $0x1  }
0x4f2: {  	v12 =	vld [tilespmem:s11+$0x10];
	v10 =	vshrl.u32 v5, $0x1  }
0x4f3: {  	s7 =	simm.s32 @p1 $0xE3C1;
	v13 =	vld [tilespmem:s11+$0x20];
	v14 =	vshrl.u32 v6, $0x1  }
0x4f4: {  	s18 =	simm.s32 @p1 $0xD3C0;
	v18 =	vld [tilespmem:s7+$0x3F];
	v15 =	vshrl.u32 v7, $0x1  }
0x4f5: {  	v20 =	vld [tilespmem:s18+$0x30];
	v16 =	vshrl.u32 v9, $0x1  }
0x4f6: {  	v17 =	vshrl.u32 v11, $0x1;
	v8 =	vld.idx.msk [tilespmem:v8+s9+$0x0], $0xffff  }
0x4f7: {  	v19 =	vshrl.u32 v12, $0x1;
	v10 =	vld.idx.msk [tilespmem:v10+s9+$0x0], $0xffff  }
0x4f8: {  	v21 =	vshrl.u32 v13, $0x1;
	v14 =	vld.idx.msk [tilespmem:v14+s9+$0x0], $0xffff  }
0x4f9: {  	v5 =	vshll.u32 v5, $0x4;
	v4 =	vshll.u32 v4, $0x4;
	v6 =	vshll.u32 v6, $0x4;
	v15 =	vld.idx.msk [tilespmem:v15+s9+$0x0], $0xffff  }
0x4fa: {  	v7 =	vshll.u32 v7, $0x4;
	v12 =	vshll.u32 v12, $0x4;
	v4 =	vand.u32 $0x10, v4;
	v16 =	vld.idx.msk [tilespmem:v16+s9+$0x0], $0xffff  }
0x4fb: {  	v13 =	vshll.u32 v13, $0x4;
	v4 =	vshrl.u32 v8, v4;
	v8 =	vshll.u32 v9, $0x4;
	v9 =	vld.idx.msk [tilespmem:v17+s9+$0x0], $0xffff  }
0x4fc: {  	v11 =	vshll.u32 v11, $0x4;
	v5 =	vand.u32 $0x10, v5;
	v17 =	vld.idx.msk [tilespmem:v19+s9+$0x0], $0xffff;
	v4 =	vshll.u32 v4, $0x10  }
0x4fd: {  	v6 =	vand.u32 $0x10, v6;
	v19 =	vsub.s32 v18, v1;
	v4 =	vmul.f32 v4, v20;
	v20 =	vld.idx.msk [tilespmem:v21+s9+$0x0], $0xffff  }
0x4fe: {  	v7 =	vand.u32 $0x10, v7;
	v12 =	vand.u32 $0x10, v12;
	vm0 =	vlt.u32 v19, $0x1000;
	v21 =	vld [tilespmem:s7+$0xFFFFFFCF]  }
0x4ff: {  	v11 =	vand.u32 $0x10, v11;
	v5 =	vshrl.u32 v10, v5;
	v22 =	vnsel vm0, $0x0, v4  }
0x500: {  	v4 =	vand.u32 $0x10, v13;
	v13 =	vshll.u32 v5, $0x10;
	v5 =	vshrl.u32 v14, v6  }
0x501: {  	v10 =	vld [tilespmem:s18+$0xFFFFFFC0];
	v8 =	vand.u32 $0x10, v8;
	v6 =	vshrl.u32 v15, v7;
	v15 =	vshll.u32 v5, $0x10  }
0x502: {  	v14 =	vld [tilespmem:s7+$0x3E];
	v23 =	vshll.u32 v6, $0x10;
	v5 =	vshrl.u32 v16, v8;
	v7 =	vshrl.u32 v9, v11  }
0x503: {  	(xrf2) =	vadd.scan.msk.f32 $0xffff, v22;
	v8 =	vld [tilespmem:s7+$0x40];
	v11 =	vshll.u32 v5, $0x10;
	v5 =	vshrl.u32 v17, v12;
	v9 =	vsub.s32 v21, v1  }
0x504: {  	v6 =	vld [tilespmem:s7+$0xFFFFFFDF];
	v7 =	vshll.u32 v7, $0x10;
	v4 =	vshrl.u32 v20, v4;
	vm1 =	vlt.u32 v9, $0x1000  }
0x505: {  	v12 =	vld [tilespmem:s18+$0xFFFFFFD0];
	v20 =	vshll.u32 v4, $0x10;
	v4 =	vand.u32 $0xFFFFFF80, v9;
	v9 =	vimm.s32 $0x0  }
0x506: {  	v17 =	vld [tilespmem:s18+$0xFFFFFFE0];
	v10 =	vmul.f32 v7, v10;
	v9 =	vsel vm1, $0xFFFFFFFF, v9  }
0x507: {  	v19 =	vand.u32 $0xFFFFFF80, v19;
	v16 =	vshll.u32 v5, $0x10;
	v7 =	vld [tilespmem:s7+$0xFFFFFFEF];
	[tilespmem:$0x1FC70] =	vst v9  }
0x508: {  	v24 =	vnsel vm1, $0x0, v10;
	vm2 =	vne.s32 v14, v18;
	vm1 =	vne.s32 v8, v18;
	v9 =	vld [tilespmem:s7+$0xFFFFFFFF]  }
0x509: {  	v25 =	vsub.s32 v6, v1;
	vm2 =	vmor vm2, vm12;
	v10 =	vld [tilespmem:s18+$0xFFFFFFF0];
	vm1 =	vmor vm1, vm9  }
0x50a: {  	v8 =	vimm.s32 $0x0;
	v18 =	vand.u32 $0x7F, v18;
	v14 =	vld [tilespmem:s7+$0xF];
	vm3 =	vmor vm2, vm1  }
0x50b: {  	v12 =	vmul.f32 v13, v12;
	vm4 =	vlt.u32 v25, $0x1000;
	v13 =	vld [tilespmem:s18+$0x0];
	vm0 =	vmand vm0, vm3  }
0x50c: {  	v27 =	vor.u32 v18, v19;
	v18 =	vimm.s32 $0x0;
	v8 =	vsel vm0, $0xFFFFFFFF, v8  }
0x50d: {  	(xrf2) =	vadd.scan.msk.f32 $0xffff, v24;
	v15 =	vmul.f32 v15, v17;
	v18 =	vsel vm4, $0xFFFFFFFF, v18;
	[tilespmem:$0x1FCE0] =	vst v8;
	v26, _, _ =	vpop (xrf2)  }
0x50e: {  	v12 =	vnsel vm4, $0x0, v12;
	v8 =	vld [tilespmem:s7+$0x1F];
	v17 =	vsub.f32 v26, v22;
	[tilespmem:$0x1FC80] =	vst v18;
	v18 =	vsub.s32 v7, v1  }
0x50f: {  	v19 =	vsub.s32 v9, v1;
	v23 =	vmul.f32 v23, v10;
	v26 =	vnsel vm1, $0x0, v26  }
0x510: {  	v28 =	vsub.s32 v14, v1;
	v11 =	vmul.f32 v11, v13;
	v13 =	vimm.s32 $0x0;
	v22 =	vld [tilespmem:s18+$0x10]  }
0x511: {  	v10 =	vld [tilespmem:s7+$0x2F];
	vm0 =	vlt.u32 v18, $0x1000;
	vm1 =	vlt.u32 v28, $0x1000;
	v17 =	vnsel vm2, $0x0, v17  }
0x512: {  	(xrf2) =	vadd.scan.msk.f32 $0xffff, v12;
	v29 =	vld [tilespmem:s18+$0x20];
	vm2 =	vlt.u32 v19, $0x1000;
	v13 =	vsel vm0, $0xFFFFFFFF, v13;
	v26 =	vsub.f32 v26, v17  }
0x513: {  	v30 =	vld [tilespmem:s7+$0xFFFFFFCE];
	[tilespmem:$0x1FC90] =	vst v13;
	v13 =	vnsel vm0, $0x0, v15;
	v15 =	vimm.s32 $0x0;
	v17 =	vimm.s32 $0x0  }
0x514: {  	v32 =	vnsel vm1, $0x0, v11;
	v15 =	vsel vm2, $0xFFFFFFFF, v15;
	v17 =	vsel vm1, $0xFFFFFFFF, v17;
	(xrf2) =	vadd.scan.msk.f32 $0xffff, v13  }
0x515: {  	[tilespmem:$0x1FCA0] =	vst v15;
	v15 =	vnsel vm2, $0x0, v23;
	v23 =	vsub.s32 v8, v1;
	v11 =	vmul.f32 v16, v22  }
0x516: {  	v31 =	vld [tilespmem:s7+$0xFFFFFFD0];
	[tilespmem:$0x1FCB0] =	vst v17;
	vm0 =	vlt.u32 v23, $0x1000;
	v16 =	vand.u32 $0xFFFFFF80, v18;
	v18 =	vimm.s32 $0x0  }
0x517: {  	v34, _, _ =	vpop (xrf2);
	v17 =	vand.u32 $0xFFFFFF80, v25;
	v33 =	vsub.s32 v10, v1;
	(xrf2) =	vadd.scan.msk.f32 $0xffff, v15;
	v22 =	vld [tilespmem:s7+$0xFFFFFFDE];
	v18 =	vsel vm0, $0xFFFFFFFF, v18  }
0x518: {  	v25 =	vimm.s32 $0x0;
	v35 =	vld [tilespmem:s7+$0xFFFFFFE0];
	vm1 =	vlt.u32 v33, $0x1000;
	[tilespmem:$0x1FCC0] =	vst v18;
	v36 =	vnsel vm0, $0x0, v11  }
0x519: {  	v11 =	vmul.f32 v20, v29;
	v20 =	vsub.f32 v34, v24;
	v25 =	vsel vm1, $0xFFFFFFFF, v25;
	v24 =	vld [tilespmem:s7+$0xFFFFFFEE]  }
0x51a: {  	v29 =	vld [tilespmem:s7+$0xFFFFFFF0];
	[tilespmem:$0x1FCD0] =	vst v25  }
0x51b: {  	vm0 =	vne.s32 v30, v21;
	v18 =	vand.u32 $0xFFFFFF80, v19;
	v19 =	vand.u32 $0xFFFFFF80, v28;
	v28 =	vld [tilespmem:s7+$0xFFFFFFFE]  }
0x51c: {  	(xrf2) =	vadd.scan.msk.f32 $0xffff, v32;
	vm2 =	vmor vm0, vm12;
	vm0 =	vne.s32 v31, v21  }
0x51d: {  	vm11 =	vmor vm0, vm9;
	vm0 =	vne.s32 v22, v6;
	v22 =	vld [tilespmem:s7+$0x0]  }
0x51e: {  	vm10 =	vmmov vm12;
	v25 =	vnsel vm1, $0x0, v11;
	v11 =	vnsel vm2, $0x0, v20;
	v59 =	vld [tilespmem:s7+$0xE]  }
0x51f: {  	v20 =	vand.u32 $0xFFFFFF80, v23;
	v23, _, _ =	vpop (xrf2);
	vm3 =	vmor vm0, vm12;
	vm0 =	vne.s32 v24, v7;
	v24 =	vld [tilespmem:s7+$0x10]  }
0x520: {  	vm1 =	vne.s32 v35, v6;
	v61, _, _ =	vpop (xrf2);
	vm13 =	vmor vm0, vm10;
	vm0 =	vne.s32 v28, v9;
	v28 =	vld [tilespmem:s7+$0x20]  }
0x521: {  	vm12 =	vmor vm1, vm9;
	vm1 =	vne.s32 v29, v7;
	v29 =	vld [tilespmem:s7+$0x1E];
	v63, _, _ =	vpop (xrf2)  }
0x522: {  	vm14 =	vmor vm1, vm9;
	vm1 =	vne.s32 v22, v9;
	v22 =	vld [tilespmem:s7+$0x2E];
	v15 =	vsub.f32 v63, v15  }
0x523: {  	vm15 =	vmor vm0, vm10;
	vm0 =	vne.s32 v59, v14  }
0x524: {  	vm4 =	vmor vm0, vm10;
	vm0 =	vne.s32 v24, v14  }
0x525: {  	vm6 =	vmor vm0, vm9;
	vm5 =	vne.s32 v28, v8  }
0x526: {  	vm0 =	vne.s32 v29, v8;
	v28 =	vnsel vm15, $0x0, v15;
	vm7 =	vmor vm5, vm9;
	v15, _, _ =	vpop (xrf2)  }
0x527: {  	(xrf2) =	vadd.scan.msk.f32 $0xffff, v36;
	v29 =	vsub.f32 v15, v32;
	vm5 =	vne.s32 v22, v10;
	v22 =	vnsel vm6, $0x0, v15;
	v15 =	vld [tilespmem:$0x1FCE0];
	_ =	sdelay $0x3  }
0x528: {  	s19 =	simm.s32 @p1 $0xFFFFFFF8;
	v5 =	vand.u32 $0x7F, v21;
	v62 =	vld [tilespmem:s7+$0x30];
	v12 =	vsub.f32 v23, v12  }
0x529: {  	s19 =	sadd.s32 $0x8, s19;
	vm0 =	vmor vm0, vm10;
	vm5 =	vmor vm5, vm10;
	vm10 =	vnez.u8 v15  }
0x52a: {  	p1 =	slt.u32 s19, $0xF8;
	v21 =	vand.u32 $0xFFFFFF80, v33;
	v60 =	vnsel vm11, $0x0, v34;
	v13 =	vsub.f32 v61, v13  }
.Ltmp24:
0x52b: {  	v12 =	vnsel vm3, $0x0, v12;
	v23 =	vnsel vm12, $0x0, v23;
	v11 =	vsub.f32 v60, v11;
	(pc) =	sbr.rel @!p1 .LBB2_26-.Ltmp24, $4  }
0x52c: {  	v33 =	vnsel vm14, $0x0, v61;
	v13 =	vnsel vm13, $0x0, v13;
	vm1 =	vmor vm1, vm9  }
0x52d: {  	vm8 =	vne.s32 v62, v10;
	v13 =	vsub.f32 v33, v13;
	v24 =	vnsel vm1, $0x0, v63  }
0x52e: {  	vm8 =	vmor vm8, vm9;
	(xrf2) =	vadd.scan.msk.f32 $0xffff, v25;
	v15 =	vsub.f32 v23, v12;
	v23, _, _ =	vpop (xrf2);
	v12 =	vsub.f32 v24, v28  }
0x52f: {  	s11 =	sadd.s32 $0x80, s11;
	v24 =	vsub.f32 v23, v36;
	v23 =	vnsel vm7, $0x0, v23;
	[tilespmem:v27+s23+$0x0] =	vst.idx.add.f32.msk vm10, v26;
	v27 =	vnsel vm4, $0x0, v29  }
.LBB2_25:
0x530: {  	_ =	sdelay $0x7  }
0x531: {  	v26 =	vld [tilespmem:s11+$0x30];
	v24 =	vnsel vm0, $0x0, v24;
	v28, _, _ =	vpop (xrf2)  }
0x532: {  	v23 =	vsub.f32 v23, v24;
	v24 =	vsub.f32 v28, v25;
	v25 =	vnsel vm8, $0x0, v28;
	v28 =	vld [tilespmem:s11+$0xFFFFFFF0]  }
0x533: {  	v30 =	vld [tilespmem:s11+$0x0]  }
0x534: {  	vm2 =	vmor vm2, vm11;
	v22 =	vsub.f32 v22, v27;
	v27 =	vld [tilespmem:s11+$0xFFFFFFD0]  }
0x535: {  	vm3 =	vmor vm3, vm12;
	vm11 =	vmor vm13, vm14;
	vm1 =	vmor vm15, vm1;
	v29 =	vld [tilespmem:s11+$0xFFFFFFE0]  }
0x536: {  	vm6 =	vmor vm4, vm6;
	vm7 =	vmor vm0, vm7;
	vm4 =	vmor vm5, vm8;
	v31 =	vld [tilespmem:s11+$0x10]  }
0x537: {  	v6 =	vand.u32 $0x7F, v6;
	v43 =	vld [tilespmem:$0x1FC70];
	v36 =	vshrl.u32 v28, $0x1;
	v28 =	vshll.u32 v28, $0x4  }
0x538: {  	v7 =	vand.u32 $0x7F, v7;
	v33 =	vld [tilespmem:s11+$0x20];
	v37 =	vand.u32 $0x10, v28;
	v28 =	vshrl.u32 v30, $0x1  }
0x539: {  	v9 =	vand.u32 $0x7F, v9;
	v14 =	vand.u32 $0x7F, v14;
	v8 =	vand.u32 $0x7F, v8;
	v55 =	vld [tilespmem:$0x1FC80]  }
0x53a: {  	v34 =	vld [tilespmem:s11+$0xFFFFFFC0];
	v10 =	vand.u32 $0x7F, v10;
	v56 =	vimm.s32 $0x0;
	v58 =	vimm.s32 $0x0  }
0x53b: {  	v57 =	vld [tilespmem:$0x1FC90];
	v32 =	vshrl.u32 v26, $0x1;
	v35 =	vshrl.u32 v29, $0x1;
	v29 =	vshll.u32 v29, $0x4  }
0x53c: {  	v59 =	vld [tilespmem:$0x1FCA0];
	v38 =	vshrl.u32 v31, $0x1;
	v31 =	vshll.u32 v31, $0x4;
	vm0 =	vnez.u8 v43  }
0x53d: {  	v54 =	vshrl.u32 v33, $0x1;
	vm0 =	vmand vm0, vm2;
	v24 =	vnsel vm5, $0x0, v24;
	v60 =	vld.idx.msk [tilespmem:v28+s9+$0x0], $0xffff  }
0x53e: {  	s7 =	sadd.s32 $0x80, s7;
	vm2 =	vnez.u8 v55;
	v24 =	vsub.f32 v25, v24;
	v25 =	vshrl.u32 v27, $0x1;
	v28 =	vld [tilespmem:$0x1FCB0]  }
0x53f: {  	v41 =	vld [tilespmem:s7+$0x3F];
	v33 =	vshll.u32 v33, $0x4;
	v40 =	vshrl.u32 v34, $0x1;
	vm2 =	vmand vm2, vm3  }
0x540: {  	v45 =	vld [tilespmem:s7+$0xFFFFFFCF];
	v34 =	vshll.u32 v34, $0x4;
	v43 =	vsel vm2, $0xFFFFFFFF, v56;
	vm2 =	vnez.u8 v57  }
0x541: {  	v26 =	vshll.u32 v26, $0x4;
	v29 =	vand.u32 $0x10, v29;
	vm2 =	vmand vm2, vm11;
	v32 =	vld.idx.msk [tilespmem:v32+s9+$0x0], $0xffff  }
0x542: {  	v39 =	vand.u32 $0x10, v31;
	[tilespmem:$0x1FC20] =	vst v43;
	v35 =	vld.idx.msk [tilespmem:v35+s9+$0x0], $0xffff;
	v43 =	vsel vm2, $0xFFFFFFFF, v58;
	vm2 =	vnez.u8 v59  }
0x543: {  	v33 =	vand.u32 $0x10, v33;
	vm8 =	vmand vm2, vm1;
	v25 =	vld.idx.msk [tilespmem:v25+s9+$0x0], $0xffff;
	vm1 =	vnez.u8 v28  }
0x544: {  	s18 =	sadd.s32 $0x80, s18;
	v34 =	vand.u32 $0x10, v34;
	v61 =	vld.idx.msk [tilespmem:v54+s9+$0x0], $0xffff;
	v28 =	vimm.s32 $0x0;
	vm1 =	vmand vm1, vm6  }
0x545: {  	v42 =	vld [tilespmem:s18+$0x30];
	v26 =	vand.u32 $0x10, v26;
	v44 =	vsub.s32 v41, v1;
	v28 =	vsel vm1, $0xFFFFFFFF, v28  }
0x546: {  	v31 =	vor.u32 v8, v20;
	v8 =	vsub.s32 v45, v1;
	v27 =	vshll.u32 v27, $0x4;
	[tilespmem:$0x1FC40] =	vst v28;
	v28 =	vld [tilespmem:$0x1FCC0]  }
0x547: {  	vm2 =	vlt.u32 v8, $0x1000;
	v27 =	vand.u32 $0x10, v27;
	v26 =	vshrl.u32 v32, v26  }
0x548: {  	v32 =	vor.u32 v5, v4;
	v4 =	vshrl.u32 v35, v29;
	v25 =	vshrl.u32 v25, v27;
	v27 =	vld [tilespmem:$0x1FCD0]  }
0x549: {  	v29 =	vor.u32 v9, v18;
	v9 =	vshrl.u32 v61, v33;
	v30 =	vshll.u32 v30, $0x4  }
0x54a: {  	v26 =	vshll.u32 v26, $0x10;
	v33 =	vshll.u32 v9, $0x10;
	v9 =	vimm.s32 $0x0;
	v36 =	vld.idx.msk [tilespmem:v36+s9+$0x0], $0xffff  }
0x54b: {  	v62 =	vld [tilespmem:s7+$0x3E];
	v30 =	vand.u32 $0x10, v30;
	v26 =	vmul.f32 v26, v42;
	vm1 =	vnez.u8 v28  }
0x54c: {  	v40 =	vld.idx.msk [tilespmem:v40+s9+$0x0], $0xffff;
	v9 =	vsel vm2, $0xFFFFFFFF, v9;
	v28 =	vimm.s32 $0x0;
	vm1 =	vmand vm1, vm7  }
0x54d: {  	v46 =	vld [tilespmem:s18+$0xFFFFFFF0];
	v28 =	vsel vm1, $0xFFFFFFFF, v28;
	vm1 =	vnez.u8 v27;
	v27 =	vimm.s32 $0x0  }
0x54e: {  	v5 =	vld [tilespmem:s18+$0xFFFFFFC0];
	[tilespmem:$0x1FC50] =	vst v28;
	vm1 =	vmand vm1, vm4;
	v28 =	vor.u32 v7, v16;
	v16 =	vshll.u32 v4, $0x10  }
0x54f: {  	v38 =	vld.idx.msk [tilespmem:v38+s9+$0x0], $0xffff;
	v4 =	vshrl.u32 v36, v37;
	v27 =	vsel vm1, $0xFFFFFFFF, v27;
	vm1 =	vlt.u32 v44, $0x1000  }
0x550: {  	[tilespmem:$0x1FC70] =	vst v9;
	v18 =	vshll.u32 v4, $0x10;
	v4 =	vshrl.u32 v60, v30;
	v30 =	vor.u32 v14, v19;
	v14 =	vld [tilespmem:s7+$0x40]  }
0x551: {  	v9 =	vld [tilespmem:s7+$0xFFFFFFFF];
	[tilespmem:$0x1FC60] =	vst v27;
	v27 =	vor.u32 v6, v17;
	v17 =	vnsel vm1, $0x0, v26;
	v6 =	vshrl.u32 v40, v34  }
0x552: {  	v19 =	vshll.u32 v4, $0x10;
	v26 =	vor.u32 v10, v21;
	v10 =	vld [tilespmem:s18+$0xFFFFFFD0];
	v4 =	vshll.u32 v6, $0x10  }
0x553: {  	(xrf2) =	vadd.scan.msk.f32 $0xffff, v17;
	v6 =	vld [tilespmem:s7+$0xFFFFFFDF];
	v21 =	vmul.f32 v4, v5  }
0x554: {  	v4 =	vand.u32 $0xFFFFFF80, v8;
	v8 =	vld [tilespmem:s18+$0xFFFFFFE0]  }
0x555: {  	v21 =	vnsel vm2, $0x0, v21;
	vm2 =	vne.s32 v14, v41;
	v14 =	vld [tilespmem:$0x1FFF0]  }
0x556: {  	v50 =	vimm.s32 $0x0;
	v48 =	vand.u32 $0x7F, v41;
	v7 =	vshrl.u32 v38, v39  }
0x557: {  	vm3 =	vne.s32 v62, v41;
	v25 =	vshll.u32 v25, $0x10;
	v20 =	vshll.u32 v7, $0x10;
	v7 =	vld [tilespmem:s7+$0xFFFFFFEF]  }
0x558: {  	v47 =	vand.u32 $0xFFFFFF80, v44;
	v52 =	vsub.s32 v9, v1;
	v10 =	vmul.f32 v25, v10;
	v25 =	vld [tilespmem:s18+$0x0]  }
0x559: {  	v53 =	vld [tilespmem:s18+$0x10];
	v36 =	vor.u32 v48, v47;
	v18 =	vmul.f32 v18, v46;
	v63 =	vsub.s32 v6, v1  }
0x55a: {  	vm5 =	vlt.u32 v63, $0x1000;
	v16 =	vmul.f32 v16, v8;
	v8 =	vld [tilespmem:s7+$0x1F];
	vm10 =	vnez.u8 v14  }
0x55b: {  	v56 =	vld [tilespmem:s18+$0x20];
	vm2 =	vmor vm2, vm9;
	v37 =	vsel vm5, $0xFFFFFFFF, v50;
	vm3 =	vmor vm3, vm10  }
0x55c: {  	v51 =	vsub.s32 v7, v1;
	v14 =	vld [tilespmem:s7+$0xF];
	[tilespmem:$0x1FC80] =	vst v37;
	v37 =	vnsel vm5, $0x0, v10;
	vm4 =	vmor vm3, vm2  }
0x55d: {  	v10 =	vld [tilespmem:s7+$0x2F];
	v19 =	vmul.f32 v19, v25;
	v25 =	vimm.s32 $0x0;
	v49, _, _ =	vpop (xrf2);
	vm1 =	vmand vm1, vm4  }
0x55e: {  	v17 =	vsub.f32 v49, v17;
	v54 =	vnsel vm2, $0x0, v49;
	vm2 =	vlt.u32 v51, $0x1000  }
0x55f: {  	vm4 =	vlt.u32 v52, $0x1000;
	v46 =	vsub.s32 v8, v1;
	v25 =	vsel vm2, $0xFFFFFFFF, v25  }
0x560: {  	[tilespmem:$0x1FC30] =	vst v43;
	v43 =	vnsel vm2, $0x0, v16;
	v16 =	vimm.s32 $0x0;
	v44 =	vnsel vm4, $0x0, v18  }
0x561: {  	v57 =	vld [tilespmem:s7+$0xFFFFFFCE];
	v18 =	vmul.f32 v20, v53;
	v20 =	vmul.f32 v33, v56;
	v17 =	vnsel vm3, $0x0, v17  }
0x562: {  	v58 =	vld [tilespmem:s7+$0xFFFFFFD0];
	v55 =	vsub.s32 v14, v1;
	v16 =	vsel vm4, $0xFFFFFFFF, v16;
	v60 =	vsub.s32 v10, v1  }
0x563: {  	v59 =	vld [tilespmem:s7+$0xFFFFFFDE];
	v17 =	vsub.f32 v54, v17;
	vm3 =	vlt.u32 v55, $0x1000;
	[tilespmem:$0x1FCA0] =	vst v16;
	v16 =	vimm.s32 $0x0  }
0x564: {  	v62 =	vld [tilespmem:s7+$0xFFFFFFEE];
	[tilespmem:$0x1FC90] =	vst v25;
	v25 =	vimm.s32 $0x0;
	v16 =	vsel vm3, $0xFFFFFFFF, v16;
	v47 =	vnsel vm3, $0x0, v19  }
0x565: {  	v19 =	vimm.s32 $0x0;
	vm3 =	vlt.u32 v60, $0x1000;
	[tilespmem:v36+s23+$0x0] =	vst.idx.add.f32.msk vm1, v17;
	vm1 =	vlt.u32 v46, $0x1000  }
0x566: {  	v19 =	vsel vm1, $0xFFFFFFFF, v19;
	v49 =	vnsel vm1, $0x0, v18;
	vm1 =	vne.s32 v57, v45  }
0x567: {  	v25 =	vsel vm3, $0xFFFFFFFF, v25;
	vm2 =	vmor vm1, vm10;
	vm1 =	vne.s32 v58, v45  }
0x568: {  	[tilespmem:$0x1FCC0] =	vst v19;
	v19 =	vand.u32 $0xFFFFFF80, v55;
	v55 =	vld [tilespmem:s7+$0x10];
	vm11 =	vmor vm1, vm9;
	vm1 =	vne.s32 v59, v6  }
0x569: {  	[tilespmem:$0x1FCD0] =	vst v25;
	v25 =	vnsel vm3, $0x0, v20;
	vm3 =	vmor vm1, vm10;
	vm1 =	vne.s32 v62, v7;
	v62 =	vld [tilespmem:$0x1FC20]  }
0x56a: {  	(xrf2) =	vadd.scan.msk.f32 $0xffff, v21;
	_ =	sdelay $0x2  }
0x56b: {  	vm5 =	vne.s32 v55, v14  }
0x56c: {  	vm6 =	vmor vm5, vm9;
	vm5 =	vnez.u8 v62;
	_ =	sdelay $0x3  }
0x56d: {  	(xrf2) =	vadd.scan.msk.f32 $0xffff, v37  }
0x56e: {  	v48 =	vld [tilespmem:s7+$0xFFFFFFE0];
	(xrf2) =	vadd.scan.msk.f32 $0xffff, v43  }
0x56f: {  	v61, _, _ =	vpop (xrf2);
	(xrf2) =	vadd.scan.msk.f32 $0xffff, v44;
	[tilespmem:v27+s23+$0x0] =	vst.idx.add.f32.msk vm5, v15  }
0x570: {  	v15 =	vld [tilespmem:$0x1FC30];
	_ =	sdelay $0x2  }
0x571: {  	[tilespmem:v32+s23+$0x0] =	vst.idx.add.f32.msk vm0, v11  }
0x572: {  	v56 =	vld [tilespmem:s7+$0x1E]  }
0x573: {  	[tilespmem:$0x1FCB0] =	vst v16;
	v16 =	vand.u32 $0xFFFFFF80, v51;
	v51 =	vld [tilespmem:s7+$0xFFFFFFFE];
	vm7 =	vnez.u8 v15  }
0x574: {  	v54 =	vld [tilespmem:s7+$0xE]  }
0x575: {  	v17 =	vand.u32 $0xFFFFFF80, v63;
	v63 =	vld [tilespmem:s7+$0xFFFFFFF0];
	v53, _, _ =	vpop (xrf2)  }
0x576: {  	v18 =	vand.u32 $0xFFFFFF80, v52;
	v52 =	vld [tilespmem:s7+$0x0];
	v58, _, _ =	vpop (xrf2)  }
0x577: {  	v21 =	vsub.f32 v61, v21;
	v57 =	vld [tilespmem:s7+$0x20];
	v39 =	vnsel vm11, $0x0, v61;
	v61, _, _ =	vpop (xrf2)  }
0x578: {  	v59 =	vld [tilespmem:s7+$0x2E];
	vm13 =	vmor vm1, vm10;
	vm1 =	vne.s32 v51, v9;
	v11 =	vsub.f32 v61, v44  }
0x579: {  	vm15 =	vmor vm1, vm10;
	[tilespmem:v28+s23+$0x0] =	vst.idx.add.f32.msk vm7, v13  }
0x57a: {  	vm4 =	vne.s32 v48, v6;
	v28 =	vnsel vm15, $0x0, v11;
	v11 =	vld [tilespmem:$0x1FC40]  }
0x57b: {  	vm12 =	vmor vm4, vm9;
	(xrf2) =	vadd.scan.msk.f32 $0xffff, v47;
	vm4 =	vne.s32 v63, v7  }
0x57c: {  	vm0 =	vne.s32 v56, v8;
	vm14 =	vmor vm4, vm9;
	vm4 =	vne.s32 v52, v9  }
0x57d: {  	vm0 =	vmor vm0, vm10;
	vm1 =	vmor vm4, vm9;
	vm5 =	vne.s32 v57, v8  }
0x57e: {  	vm4 =	vne.s32 v54, v14;
	vm7 =	vmor vm5, vm9;
	vm5 =	vne.s32 v59, v10  }
0x57f: {  	vm4 =	vmor vm4, vm10;
	vm5 =	vmor vm5, vm10;
	vm10 =	vnez.u8 v11;
	_ =	sdelay $0x4  }
0x580: {  	[tilespmem:v29+s23+$0x0] =	vst.idx.add.f32.msk vm8, v12  }
0x581: {  	v13, _, _ =	vpop (xrf2);
	[tilespmem:v30+s23+$0x0] =	vst.idx.add.f32.msk vm10, v22  }
0x582: {  	v12 =	vsub.f32 v13, v47;
	v22 =	vnsel vm6, $0x0, v13;
	v13 =	vld [tilespmem:$0x1FC50];
	_ =	sdelay $0x4  }
0x583: {  	vm10 =	vnez.u8 v13  }
0x584: {  	(xrf2) =	vadd.scan.msk.f32 $0xffff, v49;
	v27 =	vnsel vm4, $0x0, v12;
	v12 =	vld [tilespmem:$0x1FC60];
	_ =	sdelay $0x3  }
0x585: {  	v50 =	vnsel vm2, $0x0, v21;
	v21 =	vand.u32 $0xFFFFFF80, v60;
	v60 =	vld [tilespmem:s7+$0x30]  }
0x586: {  	s19 =	sadd.s32 $0x8, s19;
	[tilespmem:v31+s23+$0x0] =	vst.idx.add.f32.msk vm10, v23;
	vm10 =	vnez.u8 v12  }
0x587: {  	p1 =	slt.u32 s19, $0xF8;
	v5 =	vand.u32 $0x7F, v45;
	v37 =	vsub.f32 v53, v37  }
.Ltmp25:
0x588: {  	v20 =	vand.u32 $0xFFFFFF80, v46;
	v34 =	vnsel vm12, $0x0, v53;
	v43 =	vsub.f32 v58, v43;
	(pc) =	sbr.rel @p1 .LBB2_25-.Ltmp25, $4  }
0x589: {  	v37 =	vnsel vm3, $0x0, v37;
	v42 =	vnsel vm14, $0x0, v58;
	v63 =	vnsel vm1, $0x0, v61  }
0x58a: {  	vm8 =	vne.s32 v60, v10;
	v43 =	vnsel vm13, $0x0, v43;
	v15 =	vsub.f32 v34, v37  }
0x58b: {  	(xrf2) =	vadd.scan.msk.f32 $0xffff, v25;
	vm8 =	vmor vm8, vm9;
	v11 =	vsub.f32 v39, v50;
	v13 =	vsub.f32 v42, v43;
	v23, _, _ =	vpop (xrf2)  }
0x58c: {  	s11 =	sadd.s32 $0x80, s11;
	v12 =	vsub.f32 v63, v28;
	[tilespmem:v26+s23+$0x0] =	vst.idx.add.f32.msk vm10, v24;
	v24 =	vsub.f32 v23, v49;
	v23 =	vnsel vm7, $0x0, v23  }
.LBB2_26:
0x58d: {  	v26 =	vld [tilespmem:$0x1FC70]  }
0x58e: {  	v54 =	vld [tilespmem:$0x1FC80]  }
0x58f: {  	v55 =	vld [tilespmem:$0x1FC90]  }
0x590: {  	vm2 =	vmor vm2, vm11;
	vm3 =	vmor vm3, vm12;
	vm11 =	vmor vm13, vm14;
	v56 =	vld [tilespmem:$0x1FCA0]  }
0x591: {  	vm1 =	vmor vm15, vm1;
	vm4 =	vmor vm4, vm6;
	v4 =	vor.u32 v5, v4;
	v5 =	vld [tilespmem:$0x1FCB0]  }
0x592: {  	v6 =	vand.u32 $0x7F, v6;
	vm7 =	vmor vm0, vm7;
	v57 =	vand.u32 $0x7F, v9  }
0x593: {  	v58 =	vand.u32 $0x7F, v14;
	v59 =	vld [tilespmem:$0x1FCC0];
	v6 =	vor.u32 v6, v17;
	vm13 =	vnez.u8 v26  }
0x594: {  	v60 =	vld [tilespmem:$0x1FCD0];
	vm14 =	vnez.u8 v54;
	vm15 =	vnez.u8 v55;
	vm2 =	vmand vm13, vm2  }
0x595: {  	vm10 =	vnez.u8 v56;
	vm3 =	vmand vm14, vm3;
	vm6 =	vmand vm15, vm11  }
0x596: {  	vm1 =	vmand vm10, vm1;
	vm10 =	vnez.u8 v5;
	v5 =	vand.u32 $0x7F, v7  }
0x597: {  	v8 =	vand.u32 $0x7F, v8;
	v9 =	vor.u32 v58, v19;
	v5 =	vor.u32 v5, v16  }
0x598: {  	v7 =	vor.u32 v57, v18;
	vm4 =	vmand vm10, vm4;
	vm10 =	vnez.u8 v59  }
0x599: {  	vm11 =	vmor vm5, vm8;
	vm7 =	vmand vm10, vm7;
	vm10 =	vnez.u8 v60  }
0x59a: {  	v10 =	vand.u32 $0x7F, v10;
	v8 =	vor.u32 v8, v20;
	vm10 =	vmand vm10, vm11;
	[tilespmem:v4+s23+$0x0] =	vst.idx.add.f32.msk vm2, v11;
	v4, _, _ =	vpop (xrf2)  }
0x59b: {  	v10 =	vor.u32 v10, v21;
	[tilespmem:v6+s23+$0x0] =	vst.idx.add.f32.msk vm3, v15;
	v61 =	vsub.f32 v4, v25  }
0x59c: {  	v62 =	vnsel vm0, $0x0, v24;
	[tilespmem:v5+s23+$0x0] =	vst.idx.add.f32.msk vm6, v13;
	v5 =	vsub.f32 v22, v27  }
0x59d: {  	v63 =	vsub.f32 v23, v62;
	[tilespmem:v7+s23+$0x0] =	vst.idx.add.f32.msk vm1, v12;
	v4 =	vnsel vm8, $0x0, v4;
	v6 =	vnsel vm5, $0x0, v61  }
0x59e: {  	[tilespmem:v9+s23+$0x0] =	vst.idx.add.f32.msk vm4, v5;
	v4 =	vsub.f32 v4, v6  }
0x59f: {  	[tilespmem:v8+s23+$0x0] =	vst.idx.add.f32.msk vm7, v63  }
0x5a0: {  	[tilespmem:v10+s23+$0x0] =	vst.idx.add.f32.msk vm10, v4  }
.LBB2_30:
0x5a1: {  	s3 =	sadd.s32 $0x2, s3  }
0x5a2: {  	p1 =	sge.s32 s3, s29  }
0x5a3: {  	s7 =	sshll.u32 @!p1 s3, $0x9  }
0x5a4: {  	s7 =	sand.u32 @!p1 $0x1FFFFE00, s7  }
0x5a5: {  	s18 =	simm.s32 @!p1 $0x0;
	s19 =	simm.s32 @!p1 $0xC380;
	s11 =	sadd.s32 @!p1 s1, s7  }
0x5a6: {  	v4 =	vld [tilespmem:$0x1FFF0];
	[tilespmem:s19], [sflag:$0x1] =	stream.linear.gather @!p1 [hbm4b:s11+s18], $0x1000, $0x38  }
.Ltmp26:
0x5a7: {  	_ = 	snop;
	(pc) =	sbr.rel @p0 .LBB2_38-.Ltmp26, $4  }
0x5a8: {  	s11 =	sadd.s32 @!p1 s0, s7;
	s19 =	simm.s32 @!p1 $0xD380  }
0x5a9: {  	[tilespmem:s19], [sflag:$0x1] =	stream.linear.gather @!p1 [hbm4b:s11+s18], $0x1000, $0x38;
	[tilespmem:$0x1B580] =	vst v63  }
0x5aa: {  	s7 =	sadd.s32 @!p1 s2, s7;
	s11 =	simm.s32 @!p1 $0xE390  }
0x5ab: {  	vm12 =	vnez.u8 v4;
	[tilespmem:s11], [sflag:$0x1] =	stream.linear.gather @!p1 [hbm4b:s7+s18], $0x1000, $0x38;
	[tilespmem:$0x1B580] =	vst v63  }
0x5ac: {  	_ =	swait.ge [sflag:s22], $0x1000  }
0x5ad: {  	p0 =	slt.s32 s8, s25;
	s3 =	sshll.u32 s3, $0xC;
	[sflag:s22] =	ssyncset.done $0x0  }
0x5ae: {  	p1 =	sle.s32 @!p0 s3, s26;
	[sflag:s22] =	ssyncadd.s32 $0xFFFFF000  }
0x5af: {  	p1 =	por p0, !p1;
	_ =	swait.ge [sflag:s22], $0x1000  }
.Ltmp27:
0x5b0: {  	[sflag:s22] =	ssyncset.done $0x0;
	(pc) =	sbr.rel @p1 .LBB2_32-.Ltmp27, $4  }
0x5b1: {  	[sflag:s22] =	ssyncadd.s32 $0xFFFFF000  }
0x5b2: {  	_ =	swait.ge [sflag:s22], $0x1000  }
0x5b3: {  	s8 =	simm.s32 $0xFFFFFFF8;
	s7 =	simm.s32 $0x10440;
	[sflag:s22] =	ssyncset.done $0x0  }
0x5b4: {  	s11 =	simm.s32 $0xF440;
	s3 =	simm.s32 $0x11441;
	[sflag:s22] =	ssyncadd.s32 $0xFFFFF000  }
0x5b5: {  	v4 =	vld [tilespmem:s11+$0x30]  }
0x5b6: {  	v5 =	vld [tilespmem:s11+$0xFFFFFFD0]  }
0x5b7: {  	v6 =	vld [tilespmem:s11+$0xFFFFFFE0]  }
0x5b8: {  	v7 =	vld [tilespmem:s11+$0xFFFFFFF0]  }
0x5b9: {  	v8 =	vld [tilespmem:s11+$0x0]  }
0x5ba: {  	v12 =	vld [tilespmem:s11+$0xFFFFFFC0];
	v9 =	vshrl.u32 v4, $0x1  }
0x5bb: {  	v10 =	vld [tilespmem:s11+$0x10]  }
0x5bc: {  	v14 =	vld [tilespmem:s11+$0x20];
	v11 =	vshrl.u32 v5, $0x1  }
0x5bd: {  	v20 =	vld [tilespmem:s7+$0x30];
	v13 =	vshrl.u32 v6, $0x1  }
0x5be: {  	v21 =	vld [tilespmem:s3+$0x3F];
	v15 =	vshrl.u32 v7, $0x1  }
0x5bf: {  	v18 =	vshrl.u32 v12, $0x1;
	v9 =	vld.idx.msk [tilespmem:v9+s9+$0x0], $0xffff  }
0x5c0: {  	v22 =	vld [tilespmem:s3+$0x3E];
	v16 =	vshrl.u32 v8, $0x1  }
0x5c1: {  	v17 =	vshrl.u32 v10, $0x1;
	v11 =	vld.idx.msk [tilespmem:v11+s9+$0x0], $0xffff  }
0x5c2: {  	v19 =	vshrl.u32 v14, $0x1;
	v4 =	vshll.u32 v4, $0x4;
	v13 =	vld.idx.msk [tilespmem:v13+s9+$0x0], $0xffff  }
0x5c3: {  	v4 =	vand.u32 $0x10, v4;
	v15 =	vld.idx.msk [tilespmem:v15+s9+$0x0], $0xffff  }
0x5c4: {  	v4 =	vshrl.u32 v9, v4;
	v9 =	vld.idx.msk [tilespmem:v18+s9+$0x0], $0xffff  }
0x5c5: {  	v16 =	vld.idx.msk [tilespmem:v16+s9+$0x0], $0xffff  }
0x5c6: {  	v5 =	vshll.u32 v5, $0x4;
	v6 =	vshll.u32 v6, $0x4;
	v17 =	vld.idx.msk [tilespmem:v17+s9+$0x0], $0xffff;
	v4 =	vshll.u32 v4, $0x10  }
0x5c7: {  	v7 =	vshll.u32 v7, $0x4;
	v12 =	vshll.u32 v12, $0x4;
	v18 =	vld.idx.msk [tilespmem:v19+s9+$0x0], $0xffff;
	v4 =	vmul.f32 v4, v20  }
0x5c8: {  	v8 =	vshll.u32 v8, $0x4;
	v10 =	vshll.u32 v10, $0x4;
	v12 =	vand.u32 $0x10, v12;
	v19 =	vld [tilespmem:s7+$0xFFFFFFC0]  }
0x5c9: {  	v14 =	vshll.u32 v14, $0x4;
	vm1 =	vne.s32 v22, v21;
	(xrf2) =	vadd.scan.msk.f32 $0xffff, v4;
	v9 =	vshrl.u32 v9, v12;
	v12 =	vld [tilespmem:s3+$0x40]  }
0x5ca: {  	v5 =	vand.u32 $0x10, v5;
	v6 =	vand.u32 $0x10, v6;
	v7 =	vand.u32 $0x10, v7;
	v20 =	vld [tilespmem:s7+$0xFFFFFFD0]  }
0x5cb: {  	v8 =	vand.u32 $0x10, v8;
	v10 =	vand.u32 $0x10, v10;
	v14 =	vand.u32 $0x10, v14  }
0x5cc: {  	vm1 =	vmor vm1, vm12;
	v5 =	vshrl.u32 v11, v5;
	v6 =	vshrl.u32 v13, v6;
	v11 =	vld [tilespmem:s7+$0xFFFFFFE0]  }
0x5cd: {  	v13 =	vld [tilespmem:s7+$0xFFFFFFF0];
	v7 =	vshrl.u32 v15, v7;
	v8 =	vshrl.u32 v16, v8;
	v10 =	vshrl.u32 v17, v10  }
0x5ce: {  	v15 =	vld [tilespmem:s7+$0x0];
	v5 =	vshll.u32 v5, $0x10;
	v9 =	vshll.u32 v9, $0x10;
	vm0 =	vne.s32 v12, v21  }
0x5cf: {  	v9 =	vmul.f32 v9, v19;
	v5 =	vmul.f32 v5, v20;
	v19 =	vld [tilespmem:s3+$0xFFFFFFCE];
	vm0 =	vmor vm0, vm9  }
0x5d0: {  	v20 =	vimm.s32 $0x0;
	v12 =	vshrl.u32 v18, v14;
	v14 =	vld [tilespmem:s3+$0xFFFFFFCF];
	vm2 =	vmor vm1, vm0  }
0x5d1: {  	v16 =	vld [tilespmem:s7+$0x10];
	v6 =	vshll.u32 v6, $0x10;
	v7 =	vshll.u32 v7, $0x10;
	(xrf2) =	vadd.scan.msk.f32 $0xffff, v9;
	v20 =	vsel vm2, $0xFFFFFFFF, v20  }
0x5d2: {  	v17 =	vld [tilespmem:s7+$0x20];
	v8 =	vshll.u32 v8, $0x10;
	v10 =	vshll.u32 v10, $0x10;
	v18 =	vsub.s32 v21, v1;
	[tilespmem:$0x1FA60] =	vst v20  }
0x5d3: {  	v23 =	vmul.f32 v6, v11;
	(xrf2) =	vadd.scan.msk.f32 $0xffff, v5;
	v18 =	vand.u32 $0xFFFFFF80, v18;
	v20 =	vand.u32 $0x7F, v21;
	v21, _, _ =	vpop (xrf2);
	v22 =	vld [tilespmem:s3+$0xFFFFFFD0]  }
0x5d4: {  	v15 =	vmul.f32 v8, v15;
	v4 =	vsub.f32 v21, v4;
	v18 =	vor.u32 v20, v18;
	v11 =	vld [tilespmem:s3+$0xFFFFFFDF]  }
0x5d5: {  	(xrf2) =	vadd.scan.msk.f32 $0xffff, v23;
	v20 =	vmul.f32 v7, v13;
	v13 =	vld [tilespmem:s3+$0xFFFFFFDE];
	v6 =	vnsel vm0, $0x0, v21;
	vm0 =	vne.s32 v19, v14  }
0x5d6: {  	v8 =	vimm.s32 $0x0;
	v4 =	vnsel vm1, $0x0, v4;
	vm1 =	vmor vm0, vm12  }
0x5d7: {  	v16 =	vmul.f32 v10, v16;
	v10 =	vld [tilespmem:s3+$0xFFFFFFE0];
	v8 =	vsel vm1, $0xFFFFFFFF, v8  }
0x5d8: {  	v7 =	vsub.s32 v14, v1;
	v21 =	vsub.f32 v6, v4;
	v4 =	vld [tilespmem:s3+$0xFFFFFFEF];
	[tilespmem:$0x1FA70] =	vst v8  }
0x5d9: {  	v6 =	vand.u32 $0xFFFFFF80, v7;
	v7 =	vand.u32 $0x7F, v14;
	vm2 =	vne.s32 v22, v14;
	v14 =	vld [tilespmem:s3+$0xFFFFFFEE]  }
0x5da: {  	v12 =	vshll.u32 v12, $0x10;
	(xrf2) =	vadd.scan.msk.f32 $0xffff, v20;
	vm0 =	vne.s32 v13, v11;
	v13 =	vld [tilespmem:s3+$0xFFFFFFF0]  }
0x5db: {  	v17 =	vmul.f32 v12, v17;
	v19, _, _ =	vpop (xrf2);
	v12 =	vsub.s32 v11, v1;
	v24 =	vld [tilespmem:s3+$0xFFFFFFFF]  }
0x5dc: {  	v8 =	vand.u32 $0x7F, v11;
	v22 =	vsub.f32 v19, v9;
	vm4 =	vne.s32 v10, v11;
	v26 =	vld [tilespmem:s3+$0xF]  }
0x5dd: {  	v25, _, _ =	vpop (xrf2);
	v28 =	vld [tilespmem:s3+$0x10];
	vm7 =	vmor vm2, vm9;
	vm3 =	vmor vm0, vm12;
	vm4 =	vmor vm4, vm9  }
0x5de: {  	(xrf2) =	vadd.scan.msk.f32 $0xffff, v15;
	v5 =	vsub.f32 v25, v5;
	v19 =	vnsel vm7, $0x0, v19;
	v10 =	vnsel vm1, $0x0, v22;
	v22 =	vld [tilespmem:s3+$0xFFFFFFFE]  }
0x5df: {  	v11 =	vsub.f32 v19, v10;
	v19 =	vnsel vm4, $0x0, v25;
	v25 =	vld [tilespmem:s3+$0x0];
	vm0 =	vne.s32 v14, v4;
	v14, _, _ =	vpop (xrf2)  }
0x5e0: {  	vm5 =	vmmov vm9;
	s19 =	simm.s32 $0xF4C0;
	v29 =	vld [tilespmem:s3+$0x20];
	v9 =	vand.u32 $0xFFFFFF80, v12;
	v23 =	vsub.f32 v14, v23  }
0x5e1: {  	(xrf2) =	vadd.scan.msk.f32 $0xffff, v16;
	v34 =	vld [tilespmem:s19+$0xFFFFFFE0];
	v12 =	vsub.s32 v4, v1;
	v5 =	vnsel vm3, $0x0, v5;
	vm1 =	vne.s32 v13, v4  }
0x5e2: {  	v10 =	vand.u32 $0xFFFFFF80, v12;
	v12 =	vand.u32 $0x7F, v4;
	v4 =	vld [tilespmem:s3+$0xE];
	vm10 =	vmor vm1, vm5  }
0x5e3: {  	v13 =	vsub.f32 v19, v5;
	v19 =	vld [tilespmem:s3+$0x1F];
	vm9 =	vmor vm0, vm12;
	v5 =	vnsel vm10, $0x0, v14  }
0x5e4: {  	vm0 =	vne.s32 v22, v24;
	v22 =	vld [tilespmem:s3+$0x1E];
	v14 =	vnsel vm9, $0x0, v23;
	vm1 =	vne.s32 v25, v24;
	v23, _, _ =	vpop (xrf2)  }
0x5e5: {  	v32 =	vld [tilespmem:s3+$0x30];
	vm14 =	vmor vm1, vm5;
	v20 =	vsub.f32 v23, v20  }
0x5e6: {  	(xrf2) =	vadd.scan.msk.f32 $0xffff, v17;
	vm2 =	vmor vm0, vm12;
	v14 =	vsub.f32 v5, v14;
	v5 =	vnsel vm14, $0x0, v23;
	v23 =	vld [tilespmem:s3+$0x2F]  }
0x5e7: {  	vm0 =	vne.s32 v4, v26;
	v4 =	vnsel vm2, $0x0, v20;
	v20 =	vld [tilespmem:s3+$0x2E]  }
0x5e8: {  	v39 =	vld [tilespmem:$0x1FA60];
	vm6 =	vne.s32 v28, v26;
	v37 =	vshrl.u32 v34, $0x1;
	vm8 =	vne.s32 v29, v19;
	v28, _, _ =	vpop (xrf2)  }
0x5e9: {  	vm1 =	vmor vm0, vm12;
	v30 =	vsub.f32 v28, v15;
	vm0 =	vne.s32 v22, v19  }
0x5ea: {  	vm6 =	vmor vm6, vm5;
	vm13 =	vmor vm8, vm5;
	v22 =	vld [tilespmem:s19+$0x30];
	vm11 =	vmor vm0, vm12  }
0x5eb: {  	v15 =	vsub.f32 v5, v4;
	v4 =	vnsel vm6, $0x0, v28;
	v5 =	vnsel vm1, $0x0, v30;
	v28, _, _ =	vpop (xrf2)  }
0x5ec: {  	v29 =	vld [tilespmem:s19+$0xFFFFFFD0];
	v30 =	vsub.f32 v28, v16;
	vm8 =	vne.s32 v32, v23;
	vm0 =	vne.s32 v20, v23  }
0x5ed: {  	v48 =	vld [tilespmem:s19+$0x10];
	vm15 =	vmor vm0, vm12;
	vm0 =	vmor vm8, vm5;
	vm8 =	vnez.u8 v39  }
0x5ee: {  	v38 =	vld [tilespmem:s19+$0x20];
	v25 =	vsub.s32 v26, v1;
	v16 =	vsub.f32 v4, v5  }
0x5ef: {  	v4 =	vnsel vm13, $0x0, v28;
	v28 =	vld [tilespmem:s19+$0xFFFFFFF0];
	v5 =	vnsel vm11, $0x0, v30;
	v30 =	vshrl.u32 v22, $0x1  }
0x5f0: {  	v36 =	vand.u32 $0xFFFFFF80, v25;
	v25 =	vld [tilespmem:s19+$0xFFFFFFC0];
	v20, _, _ =	vpop (xrf2)  }
0x5f1: {  	v37 =	vld.idx.msk [tilespmem:v37+s9+$0x0], $0xffff;
	v35 =	vshrl.u32 v29, $0x1;
	v4 =	vsub.f32 v4, v5;
	v5 =	vsub.f32 v20, v17  }
0x5f2: {  	v40 =	vimm.s32 $0x0;
	v27 =	vsub.s32 v24, v1;
	v17 =	vld [tilespmem:s19+$0x0]  }
0x5f3: {  	vm2 =	vmor vm2, vm14;
	v20 =	vnsel vm0, $0x0, v20;
	v5 =	vnsel vm15, $0x0, v5;
	[tilespmem:v18+s23+$0x0] =	vst.idx.add.f32.msk vm8, v21  }
0x5f4: {  	v18 =	vand.u32 $0x7F, v24;
	v21 =	vand.u32 $0x7F, v26;
	v24 =	vshrl.u32 v28, $0x1;
	v26 =	vld.idx.msk [tilespmem:v30+s9+$0x0], $0xffff  }
0x5f5: {  	v50 =	vshrl.u32 v38, $0x1;
	v40 =	vsel vm2, $0xFFFFFFFF, v40;
	v5 =	vsub.f32 v20, v5;
	v20 =	vld [tilespmem:$0x1FA70]  }
0x5f6: {  	v34 =	vshll.u32 v34, $0x4;
	v27 =	vand.u32 $0xFFFFFF80, v27;
	v31 =	vsub.s32 v19, v1;
	s3 =	simm.s32 $0x104C0;
	v35 =	vld.idx.msk [tilespmem:v35+s9+$0x0], $0xffff;
	[tilespmem:$0x1FAA0] =	vst v40  }
0x5f7: {  	v49 =	vshrl.u32 v25, $0x1;
	v33 =	vsub.s32 v23, v1;
	v22 =	vshll.u32 v22, $0x4;
	v41 =	vld [tilespmem:s3+$0x30]  }
0x5f8: {  	v22 =	vand.u32 $0x10, v22;
	v30 =	vand.u32 $0x7F, v23;
	v23 =	vshrl.u32 v48, $0x1  }
0x5f9: {  	vm0 =	vmor vm15, vm0;
	v42 =	vld.idx.msk [tilespmem:v24+s9+$0x0], $0xffff;
	v24 =	vshll.u32 v28, $0x4;
	v22 =	vshrl.u32 v26, v22  }
0x5fa: {  	vm8 =	vnez.u8 v20;
	v20 =	vshrl.u32 v17, $0x1;
	v28 =	vand.u32 $0x10, v24  }
0x5fb: {  	v51 =	vld.idx.msk [tilespmem:v50+s9+$0x0], $0xffff;
	v22 =	vshll.u32 v22, $0x10;
	v24 =	vshll.u32 v38, $0x4;
	vm7 =	vmor vm8, vm7  }
0x5fc: {  	v44 =	vld [tilespmem:s3+$0xFFFFFFC0];
	vm8 =	vmor vm3, vm4;
	v52 =	vmul.f32 v22, v41;
	v54 =	vand.u32 $0x10, v24  }
0x5fd: {  	v43 =	vld.idx.msk [tilespmem:v23+s9+$0x0], $0xffff;
	vm4 =	vmor vm1, vm6;
	vm1 =	vmor vm11, vm13;
	v22 =	vimm.s32 $0x0  }
0x5fe: {  	v26 =	vld.idx.msk [tilespmem:v49+s9+$0x0], $0xffff;
	v24 =	vor.u32 v7, v6;
	v6 =	vimm.s32 $0x0;
	v22 =	vsel vm1, $0xFFFFFFFF, v22  }
0x5ff: {  	v34 =	vand.u32 $0x10, v34;
	v31 =	vand.u32 $0xFFFFFF80, v31;
	v6 =	vsel vm0, $0xFFFFFFFF, v6;
	v20 =	vld.idx.msk [tilespmem:v20+s9+$0x0], $0xffff;
	[tilespmem:$0x1FA80] =	vst v22  }
0x600: {  	s7 =	simm.s32 $0x114C1;
	v19 =	vand.u32 $0x7F, v19;
	v25 =	vshll.u32 v25, $0x4;
	v29 =	vshll.u32 v29, $0x4;
	v45 =	vld [tilespmem:s3+$0xFFFFFFD0];
	[tilespmem:$0x1FA90] =	vst v6  }
0x601: {  	v55 =	vand.u32 $0x10, v25;
	v25 =	vor.u32 v8, v9;
	v23 =	vshll.u32 v48, $0x4;
	v8 =	vld [tilespmem:s7+$0x3F]  }
0x602: {  	v29 =	vand.u32 $0x10, v29;
	v33 =	vand.u32 $0xFFFFFF80, v33;
	v53 =	vand.u32 $0x10, v23;
	(xrf2) =	vadd.scan.msk.f32 $0xffff, v52;
	v9 =	vld [tilespmem:s7+$0x3E]  }
0x603: {  	v23 =	vor.u32 v12, v10;
	v12 =	vshrl.u32 v26, v55;
	v22 =	vor.u32 v18, v27;
	v18 =	vld [tilespmem:s7+$0x40]  }
0x604: {  	v17 =	vshll.u32 v17, $0x4;
	v10 =	vshrl.u32 v37, v34;
	v12 =	vshll.u32 v12, $0x10;
	v26 =	vld [tilespmem:s3+$0xFFFFFFE0]  }
0x605: {  	v17 =	vand.u32 $0x10, v17;
	v27 =	vshrl.u32 v42, v28;
	v12 =	vmul.f32 v12, v44;
	v28 =	vld [tilespmem:s3+$0xFFFFFFF0]  }
0x606: {  	v7 =	vshrl.u32 v35, v29;
	v10 =	vshll.u32 v10, $0x10;
	v6 =	vor.u32 v19, v31;
	v29 =	vld [tilespmem:s3+$0x0]  }
0x607: {  	v19 =	vshll.u32 v7, $0x10;
	v7 =	vor.u32 v30, v33;
	v27 =	vshll.u32 v27, $0x10;
	v31 =	vld [tilespmem:s3+$0x10];
	(xrf2) =	vadd.scan.msk.f32 $0xffff, v12  }
0x608: {  	v30 =	vshrl.u32 v51, v54;
	v56 =	vld [tilespmem:s3+$0x20];
	v17 =	vshrl.u32 v20, v17;
	v20 =	vshrl.u32 v43, v53  }
0x609: {  	v17 =	vshll.u32 v17, $0x10;
	v20 =	vshll.u32 v20, $0x10;
	vm0 =	vne.s32 v18, v8;
	v18 =	vld [tilespmem:s7+$0xFFFFFFCF]  }
0x60a: {  	v57 =	vld [tilespmem:s7+$0xFFFFFFCE];
	v19 =	vmul.f32 v19, v45;
	vm1 =	vne.s32 v9, v8;
	v9 =	vsub.s32 v8, v1  }
0x60b: {  	v59 =	vld [tilespmem:s7+$0xFFFFFFD0];
	v8 =	vand.u32 $0x7F, v8;
	v60 =	vmul.f32 v10, v26;
	v61 =	vmul.f32 v27, v28  }
0x60c: {  	v27 =	vld [tilespmem:s7+$0xFFFFFFDE];
	v63 =	vmul.f32 v20, v31;
	vm0 =	vmor vm0, vm5;
	vm1 =	vmor vm1, vm12;
	v58, _, _ =	vpop (xrf2)  }
0x60d: {  	v28 =	vld [tilespmem:s7+$0xFFFFFFE0];
	v9 =	vand.u32 $0xFFFFFF80, v9;
	vm2 =	vmor vm1, vm0;
	v10 =	vsub.f32 v58, v52  }
0x60e: {  	(xrf2) =	vadd.scan.msk.f32 $0xffff, v19;
	v26 =	vor.u32 v8, v9;
	v8 =	vshll.u32 v30, $0x10;
	v30 =	vld [tilespmem:s7+$0xFFFFFFDF];
	v20 =	vsub.s32 v18, v1  }
0x60f: {  	vm9 =	vmor vm9, vm10;
	v62 =	vmul.f32 v17, v29;
	v29 =	vld [tilespmem:s7+$0xFFFFFFEF];
	(xrf2) =	vadd.scan.msk.f32 $0xffff, v60  }
0x610: {  	v49 =	vld [tilespmem:s7+$0xE];
	v9 =	vnsel vm0, $0x0, v58;
	v17 =	vmul.f32 v8, v56;
	(xrf2) =	vadd.scan.msk.f32 $0xffff, v61;
	v10 =	vnsel vm1, $0x0, v10  }
0x611: {  	v45 =	vld [tilespmem:s7+$0xFFFFFFF0];
	v10 =	vsub.f32 v9, v10;
	vm0 =	vne.s32 v57, v18;
	v8 =	vand.u32 $0xFFFFFF80, v20;
	v20, _, _ =	vpop (xrf2);
	(xrf2) =	vadd.scan.msk.f32 $0xffff, v62  }
0x612: {  	v31 =	vld [tilespmem:s7+$0xFFFFFFEE];
	v9 =	vand.u32 $0x7F, v18;
	vm1 =	vne.s32 v59, v18;
	vm10 =	vmor vm0, vm12  }
0x613: {  	vm11 =	vmor vm1, vm5;
	v18 =	vsub.s32 v30, v1;
	[tilespmem:v26+s23+$0x0] =	vst.idx.add.f32.msk vm2, v10;
	v26 =	vsub.f32 v20, v12  }
0x614: {  	vm0 =	vne.s32 v27, v30;
	vm1 =	vne.s32 v28, v30;
	v27 =	vsub.s32 v29, v1;
	v28 =	vld [tilespmem:s7+$0xFFFFFFFE]  }
0x615: {  	v44 =	vnsel vm11, $0x0, v20;
	v12 =	vand.u32 $0xFFFFFF80, v18;
	v20 =	vld [tilespmem:s7+$0xFFFFFFFF];
	v18 =	vnsel vm10, $0x0, v26  }
0x616: {  	v26 =	vsub.f32 v44, v18;
	v18 =	vand.u32 $0xFFFFFF80, v27;
	v27 =	vld [tilespmem:s7+$0xF]  }
0x617: {  	v52 =	vld [tilespmem:s7+$0x10];
	vm3 =	vne.s32 v45, v29  }
0x618: {  	vm14 =	vmor vm3, vm5;
	v10 =	vand.u32 $0x7F, v30;
	v30, _, _ =	vpop (xrf2)  }
0x619: {  	v48 =	vld [tilespmem:s7+$0x0];
	vm13 =	vmor vm0, vm12;
	vm0 =	vmor vm1, vm5;
	vm1 =	vne.s32 v31, v29;
	v50, _, _ =	vpop (xrf2)  }
0x61a: {  	[tilespmem:v24+s23+$0x0] =	vst.idx.add.f32.msk vm7, v11;
	vm2 =	vmor vm1, vm12;
	v51 =	vsub.f32 v50, v60;
	v55, _, _ =	vpop (xrf2);
	vm1 =	vne.s32 v28, v20  }
0x61b: {  	[tilespmem:v25+s23+$0x0] =	vst.idx.add.f32.msk vm8, v13;
	v56 =	vsub.f32 v55, v61;
	vm3 =	vmor vm1, vm12;
	vm1 =	vne.s32 v49, v27;
	v60, _, _ =	vpop (xrf2)  }
0x61c: {  	[tilespmem:v23+s23+$0x0] =	vst.idx.add.f32.msk vm9, v14;
	vm15 =	vmor vm1, vm12;
	vm1 =	vne.s32 v52, v27;
	v61 =	vsub.f32 v60, v62  }
0x61d: {  	v57 =	vld [tilespmem:s7+$0x20];
	(xrf2) =	vadd.scan.msk.f32 $0xffff, v63;
	vm1 =	vmor vm1, vm5  }
0x61e: {  	v28 =	vld [tilespmem:s7+$0x1F];
	v11 =	vnsel vm1, $0x0, v60;
	v13 =	vnsel vm15, $0x0, v61  }
0x61f: {  	v46 =	vsub.f32 v30, v19;
	v23 =	vsub.f32 v11, v13;
	v11 =	vld [tilespmem:$0x1FAA0]  }
0x620: {  	v21 =	vor.u32 v21, v36;
	(xrf2) =	vadd.scan.msk.f32 $0xffff, v17  }
0x621: {  	v47 =	vnsel vm0, $0x0, v30;
	v19 =	vand.u32 $0x7F, v29;
	v31 =	vnsel vm13, $0x0, v46  }
0x622: {  	v54 =	vld [tilespmem:s7+$0x1E];
	vm6 =	vne.s32 v48, v20;
	v29 =	vsub.f32 v47, v31;
	v31 =	vnsel vm14, $0x0, v50  }
0x623: {  	v59 =	vld [tilespmem:s7+$0x2E];
	v53 =	vnsel vm2, $0x0, v51;
	vm6 =	vmor vm6, vm5;
	vm8 =	vne.s32 v57, v28  }
0x624: {  	v32 =	vsub.f32 v31, v53;
	v31 =	vld [tilespmem:s7+$0x2F];
	vm9 =	vmor vm8, vm5;
	vm5 =	vnez.u8 v11  }
0x625: {  	v62 =	vld [tilespmem:s7+$0x30]  }
0x626: {  	v30 =	vsub.s32 v20, v1;
	v34 =	vnsel vm6, $0x0, v55;
	v58 =	vnsel vm3, $0x0, v56  }
0x627: {  	v33 =	vsub.s32 v27, v1;
	v34 =	vsub.f32 v34, v58;
	vm7 =	vne.s32 v54, v28;
	v25, _, _ =	vpop (xrf2)  }
0x628: {  	v35 =	vsub.s32 v28, v1;
	vm7 =	vmor vm7, vm12;
	v63 =	vsub.f32 v25, v63  }
0x629: {  	v24 =	vsub.s32 v31, v1;
	vm8 =	vne.s32 v59, v31;
	v14 =	vnsel vm9, $0x0, v25;
	[tilespmem:v21+s23+$0x0] =	vst.idx.add.f32.msk vm4, v16  }
0x62a: {  	s8 =	simm.s32 $0x8;
	s11 =	simm.s32 $0xF540;
	vm8 =	vmor vm8, vm12;
	v13 =	vnsel vm7, $0x0, v63;
	vm4 =	vne.s32 v62, v31;
	[tilespmem:v22+s23+$0x0] =	vst.idx.add.f32.msk vm5, v15;
	v15, _, _ =	vpop (xrf2)  }
.LBB2_36:
0x62b: {  	v11 =	vmov v23;
	v23 =	vld [tilespmem:s11+$0xFFFFFFF0]  }
0x62c: {  	v36 =	vsub.f32 v15, v17;
	v41 =	vld [tilespmem:$0x1FA80]  }
0x62d: {  	vm0 =	vmor vm13, vm0;
	v50 =	vimm.s32 $0x0;
	v51 =	vimm.s32 $0x0  }
0x62e: {  	v62 =	vnsel vm8, $0x0, v36;
	v36 =	vsel vm0, $0xFFFFFFFF, v50;
	vm0 =	vmor vm2, vm14  }
0x62f: {  	v38 =	vimm.s32 $0x0;
	[tilespmem:$0x1FA20] =	vst v36;
	v36 =	vsel vm0, $0xFFFFFFFF, v51;
	vm0 =	vmor vm3, vm6  }
0x630: {  	v21 =	vld [tilespmem:s11+$0x30];
	v38 =	vsel vm0, $0xFFFFFFFF, v38  }
0x631: {  	v17 =	vld [tilespmem:s11+$0xFFFFFFD0];
	v40 =	vshrl.u32 v23, $0x1;
	v23 =	vshll.u32 v23, $0x4;
	vm0 =	vnez.u8 v41  }
0x632: {  	vm5 =	vcmask $0x3F3C;
	v54 =	vand.u32 $0x10, v23;
	v23 =	vld [tilespmem:$0x1FA90]  }
0x633: {  	v48 =	vld [tilespmem:s11+$0x10];
	vm4 =	vmor vm4, vm5  }
0x634: {  	v37 =	vld [tilespmem:s11+$0x20];
	v25 =	vnsel vm4, $0x0, v15  }
0x635: {  	v63 =	vand.u32 $0xFFFFFF80, v24;
	v24 =	vsub.f32 v25, v62;
	v25 =	vld [tilespmem:s11+$0x0]  }
0x636: {  	v53 =	vld [tilespmem:s11+$0xFFFFFFC0];
	v49 =	vshrl.u32 v21, $0x1  }
0x637: {  	v52 =	vshrl.u32 v17, $0x1;
	[tilespmem:v6+s23+$0x0] =	vst.idx.add.f32.msk vm0, v4;
	vm0 =	vnez.u8 v23  }
0x638: {  	v22 =	vsub.f32 v14, v13;
	s3 =	sadd.s32 $0x80, s3;
	v16 =	vmov v26;
	v26 =	vand.u32 $0xFFFFFF80, v30;
	v30 =	vld [tilespmem:s11+$0xFFFFFFE0]  }
0x639: {  	s7 =	sadd.s32 $0x80, s7;
	v45 =	vld [tilespmem:s3+$0x30]  }
0x63a: {  	v50 =	vld [tilespmem:s7+$0xE];
	v4 =	vmov v22;
	v22 =	vshll.u32 v25, $0x4  }
0x63b: {  	v58 =	vshrl.u32 v53, $0x1;
	v55 =	vld.idx.msk [tilespmem:v49+s9+$0x0], $0xffff;
	v42 =	vand.u32 $0x10, v22;
	v22 =	vshll.u32 v48, $0x4  }
0x63c: {  	v56 =	vld.idx.msk [tilespmem:v52+s9+$0x0], $0xffff;
	v6 =	vshrl.u32 v25, $0x1;
	v57 =	vand.u32 $0x10, v22;
	v22 =	vshll.u32 v37, $0x4  }
0x63d: {  	v60 =	vand.u32 $0x10, v22;
	v22 =	vimm.s32 $0x0;
	[tilespmem:v7+s23+$0x0] =	vst.idx.add.f32.msk vm0, v5;
	vm0 =	vmor vm15, vm1  }
0x63e: {  	v43 =	vshrl.u32 v37, $0x1;
	v39 =	vshrl.u32 v30, $0x1;
	v40 =	vld.idx.msk [tilespmem:v40+s9+$0x0], $0xffff;
	v22 =	vsel vm0, $0xFFFFFFFF, v22  }
0x63f: {  	v49 =	vld [tilespmem:s7+$0x0];
	v25 =	vor.u32 v9, v8;
	vm0 =	vmor vm7, vm9;
	[tilespmem:$0x1FA50] =	vst v22;
	v22 =	vimm.s32 $0x0  }
0x640: {  	v52 =	vld [tilespmem:s7+$0x10];
	v8 =	vimm.s32 $0x0;
	v22 =	vsel vm0, $0xFFFFFFFF, v22;
	vm0 =	vmor vm8, vm4  }
0x641: {  	v21 =	vshll.u32 v21, $0x4;
	v5 =	vmovc v24;
	v24 =	vor.u32 v10, v12;
	v10 =	vld.idx.msk [tilespmem:v58+s9+$0x0], $0xffff;
	v8 =	vsel vm0, $0xFFFFFFFF, v8  }
0x642: {  	v20 =	vand.u32 $0x7F, v20;
	[tilespmem:$0x1FA90] =	vst v8;
	v8 =	vld.idx.msk [tilespmem:v6+s9+$0x0], $0xffff;
	v6 =	vand.u32 $0x10, v21  }
0x643: {  	v23 =	vshll.u32 v53, $0x4;
	v59 =	vld.idx.msk [tilespmem:v39+s9+$0x0], $0xffff;
	v7 =	vshrl.u32 v48, $0x1;
	v6 =	vshrl.u32 v55, v6  }
0x644: {  	v44 =	vand.u32 $0x10, v23;
	v23 =	vor.u32 v19, v18;
	v19 =	vld [tilespmem:s3+$0xFFFFFFC0];
	v12 =	vshll.u32 v6, $0x10  }
0x645: {  	v14 =	vmovc v29;
	v29 =	vand.u32 $0xFFFFFF80, v33;
	[tilespmem:$0x1FA80] =	vst v22;
	v22 =	vor.u32 v20, v26;
	v26 =	vld [tilespmem:s3+$0xFFFFFFD0];
	v12 =	vmul.f32 v12, v45  }
0x646: {  	v61 =	vand.u32 $0xFFFFFF80, v35;
	v28 =	vand.u32 $0x7F, v28;
	v17 =	vshll.u32 v17, $0x4;
	v18 =	vld.idx.msk [tilespmem:v43+s9+$0x0], $0xffff  }
0x647: {  	v17 =	vand.u32 $0x10, v17;
	v30 =	vshll.u32 v30, $0x4;
	v43 =	vld [tilespmem:s7+$0xFFFFFFD0];
	v10 =	vshrl.u32 v10, v44;
	(xrf2) =	vadd.scan.msk.f32 $0xffff, v12  }
0x648: {  	v30 =	vand.u32 $0x10, v30;
	v9 =	vld.idx.msk [tilespmem:v7+s9+$0x0], $0xffff;
	v7 =	vshrl.u32 v56, v17;
	v10 =	vshll.u32 v10, $0x10  }
0x649: {  	v17 =	vshll.u32 v7, $0x10;
	v7 =	vshrl.u32 v59, v30;
	v30 =	vld [tilespmem:s7+$0x40];
	v19 =	vmul.f32 v10, v19  }
0x64a: {  	v27 =	vand.u32 $0x7F, v27;
	v6 =	vor.u32 v28, v61;
	v28 =	vld [tilespmem:s7+$0x3F];
	v61 =	vmul.f32 v17, v26  }
0x64b: {  	v21 =	vor.u32 v27, v29;
	v29 =	vld [tilespmem:s7+$0x3E];
	(xrf2) =	vadd.scan.msk.f32 $0xffff, v19  }
0x64c: {  	vm10 =	vmor vm10, vm11;
	v31 =	vand.u32 $0x7F, v31;
	v27 =	vshrl.u32 v40, v54;
	v10 =	vld [tilespmem:s3+$0xFFFFFFF0];
	(xrf2) =	vadd.scan.msk.f32 $0xffff, v61  }
0x64d: {  	v18 =	vshrl.u32 v18, v60;
	v20 =	vshll.u32 v7, $0x10;
	v7 =	vor.u32 v31, v63;
	v31 =	vld [tilespmem:s3+$0xFFFFFFE0]  }
0x64e: {  	v47 =	vimm.s32 $0x0;
	v27 =	vshll.u32 v27, $0x10;
	v63 =	vld [tilespmem:s7+$0xFFFFFFCE];
	v17 =	vshll.u32 v18, $0x10  }
0x64f: {  	v26 =	vld [tilespmem:s3+$0x10];
	v8 =	vshrl.u32 v8, v42;
	v9 =	vshrl.u32 v9, v57;
	vm0 =	vne.s32 v30, v28  }
0x650: {  	v18 =	vld [tilespmem:s3+$0x0];
	vm1 =	vne.s32 v29, v28;
	v30 =	vsub.s32 v28, v1;
	v28 =	vand.u32 $0x7F, v28  }
0x651: {  	v29 =	vld [tilespmem:s7+$0xFFFFFFCF];
	v44 =	vmul.f32 v27, v10;
	vm2 =	vmor vm0, vm5;
	vm1 =	vmor vm1, vm12;
	v42, _, _ =	vpop (xrf2)  }
0x652: {  	v27 =	vld [tilespmem:s7+$0xFFFFFFEE];
	v30 =	vand.u32 $0xFFFFFF80, v30;
	vm0 =	vmor vm1, vm2;
	v12 =	vsub.f32 v42, v12  }
0x653: {  	v9 =	vshll.u32 v9, $0x10;
	v31 =	vmul.f32 v20, v31;
	v20 =	vor.u32 v28, v30;
	v28 =	vld [tilespmem:s7+$0xFFFFFFDF]  }
0x654: {  	v8 =	vshll.u32 v8, $0x10;
	v46 =	vmul.f32 v9, v26;
	v9 =	vnsel vm1, $0x0, v12;
	v12 =	vld [tilespmem:s7+$0xFFFFFFE0]  }
0x655: {  	v33 =	vsel vm10, $0xFFFFFFFF, v47;
	v45 =	vmul.f32 v8, v18;
	v18 =	vld [tilespmem:s7+$0xFFFFFFDE];
	v8 =	vnsel vm2, $0x0, v42;
	v26, _, _ =	vpop (xrf2)  }
0x656: {  	[tilespmem:$0x1FA10] =	vst v33;
	v30 =	vld [tilespmem:s7+$0xFFFFFFEF];
	v48, _, _ =	vpop (xrf2);
	v47 =	vsub.f32 v8, v9  }
0x657: {  	v15 =	vmov v32;
	v10 =	vsub.s32 v29, v1;
	v32 =	vsub.f32 v48, v61;
	v61 =	vld [tilespmem:$0x1FA10]  }
0x658: {  	vm1 =	vne.s32 v63, v29;
	[tilespmem:v20+s23+$0x0] =	vst.idx.add.f32.msk vm0, v47;
	v20 =	vsub.s32 v28, v1  }
0x659: {  	vm10 =	vmor vm1, vm12;
	vm1 =	vne.s32 v12, v28;
	v12 =	vand.u32 $0xFFFFFF80, v20;
	v20 =	vld [tilespmem:s7+$0xFFFFFFFF]  }
0x65a: {  	v8 =	vand.u32 $0xFFFFFF80, v10;
	v10 =	vand.u32 $0x7F, v28;
	vm0 =	vne.s32 v18, v28;
	v28 =	vld [tilespmem:s7+$0xFFFFFFFE]  }
0x65b: {  	v62 =	vld [tilespmem:s3+$0x20]  }
0x65c: {  	vm2 =	vne.s32 v43, v29;
	v9 =	vand.u32 $0x7F, v29;
	v29 =	vld [tilespmem:s7+$0xFFFFFFF0]  }
0x65d: {  	v54 =	vld [tilespmem:s7+$0x1E];
	vm11 =	vmor vm2, vm5  }
0x65e: {  	vm13 =	vmor vm0, vm12;
	vm0 =	vmor vm1, vm5;
	vm1 =	vne.s32 v27, v30;
	v27 =	vld [tilespmem:s7+$0xF]  }
0x65f: {  	vm7 =	vnez.u8 v61;
	vm2 =	vmor vm1, vm12;
	vm1 =	vne.s32 v28, v20;
	v28 =	vld [tilespmem:s7+$0x1F]  }
0x660: {  	v17 =	vmul.f32 v17, v62;
	v62 =	vld [tilespmem:$0x1FA20]  }
0x661: {  	vm3 =	vne.s32 v29, v30  }
0x662: {  	vm14 =	vmor vm3, vm5;
	vm4 =	vne.s32 v49, v20;
	vm3 =	vmor vm1, vm12  }
0x663: {  	vm6 =	vmor vm4, vm5;
	vm1 =	vne.s32 v50, v27;
	vm4 =	vne.s32 v52, v27  }
0x664: {  	vm15 =	vmor vm1, vm12;
	vm1 =	vmor vm4, vm5;
	vm4 =	vne.s32 v54, v28  }
0x665: {  	[tilespmem:v25+s23+$0x0] =	vst.idx.add.f32.msk vm7, v16;
	vm7 =	vmor vm4, vm12;
	vm4 =	vnez.u8 v62;
	_ =	sdelay $0x3  }
0x666: {  	(xrf2) =	vadd.scan.msk.f32 $0xffff, v31  }
0x667: {  	[tilespmem:$0x1FA30] =	vst v36;
	(xrf2) =	vadd.scan.msk.f32 $0xffff, v44  }
0x668: {  	(xrf2) =	vadd.scan.msk.f32 $0xffff, v45;
	[tilespmem:v24+s23+$0x0] =	vst.idx.add.f32.msk vm4, v14  }
0x669: {  	v14 =	vld [tilespmem:$0x1FA30];
	_ =	sdelay $0x4  }
0x66a: {  	vm4 =	vnez.u8 v14;
	_ =	sdelay $0x1  }
0x66b: {  	v51, _, _ =	vpop (xrf2)  }
0x66c: {  	v55, _, _ =	vpop (xrf2)  }
0x66d: {  	v58, _, _ =	vpop (xrf2)  }
0x66e: {  	[tilespmem:$0x1FA40] =	vst v38;
	v56 =	vld [tilespmem:s7+$0x20];
	v38 =	vsub.f32 v58, v45  }
0x66f: {  	(xrf2) =	vadd.scan.msk.f32 $0xffff, v46;
	[tilespmem:v23+s23+$0x0] =	vst.idx.add.f32.msk vm4, v15  }
0x670: {  	v60 =	vnsel vm1, $0x0, v58;
	v16 =	vnsel vm15, $0x0, v38;
	v15 =	vld [tilespmem:$0x1FA40]  }
0x671: {  	v23 =	vsub.f32 v60, v16;
	v16 =	vld [tilespmem:$0x1FA50]  }
0x672: {  	v19 =	vsub.f32 v26, v19;
	(xrf2) =	vadd.scan.msk.f32 $0xffff, v17;
	v31 =	vsub.f32 v51, v31  }
0x673: {  	v26 =	vnsel vm11, $0x0, v26;
	v32 =	vnsel vm13, $0x0, v32;
	v33 =	vnsel vm0, $0x0, v48  }
0x674: {  	v57 =	vld [tilespmem:s7+$0x2E];
	v29 =	vsub.f32 v33, v32;
	v53 =	vnsel vm14, $0x0, v51;
	v31 =	vnsel vm2, $0x0, v31  }
0x675: {  	v32 =	vsub.f32 v53, v31;
	v31 =	vld [tilespmem:s7+$0x2F];
	vm8 =	vne.s32 v56, v28;
	vm4 =	vnez.u8 v15  }
0x676: {  	s8 =	sadd.s32 $0x8, s8;
	v18 =	vnsel vm10, $0x0, v19;
	vm9 =	vmor vm8, vm5;
	vm5 =	vnez.u8 v16  }
0x677: {  	p0 =	slt.u32 s8, $0xF8;
	v59 =	vld [tilespmem:s7+$0x30];
	v19 =	vsub.s32 v30, v1;
	v26 =	vsub.f32 v26, v18;
	v37 =	vsub.f32 v55, v44  }
.Ltmp28:
0x678: {  	v13 =	vmovc v34;
	v18 =	vand.u32 $0xFFFFFF80, v19;
	v19 =	vand.u32 $0x7F, v30;
	v30 =	vsub.s32 v20, v1;
	(pc) =	sbr.rel @p0 .LBB2_36-.Ltmp28, $4  }
0x679: {  	v33 =	vsub.s32 v27, v1;
	v25, _, _ =	vpop (xrf2);
	v34 =	vnsel vm6, $0x0, v55;
	v37 =	vnsel vm3, $0x0, v37  }
0x67a: {  	v63 =	vsub.f32 v25, v46;
	v34 =	vsub.f32 v34, v37;
	vm8 =	vne.s32 v57, v31  }
0x67b: {  	v35 =	vsub.s32 v28, v1;
	vm8 =	vmor vm8, vm12;
	v24 =	vsub.s32 v31, v1;
	[tilespmem:v22+s23+$0x0] =	vst.idx.add.f32.msk vm4, v13  }
0x67c: {  	s11 =	sadd.s32 $0x80, s11;
	v14 =	vnsel vm9, $0x0, v25;
	v15, _, _ =	vpop (xrf2);
	v13 =	vnsel vm7, $0x0, v63;
	vm4 =	vne.s32 v59, v31;
	[tilespmem:v21+s23+$0x0] =	vst.idx.add.f32.msk vm5, v11  }
0x67d: {  	v55 =	vld [tilespmem:$0x1FA80];
	_ =	sdelay $0x4  }
0x67e: {  	vm3 =	vmor vm3, vm6;
	vm6 =	vmor vm7, vm9;
	vm7 =	vnez.u8 v55;
	_ =	sdelay $0x5  }
0x67f: {  	[tilespmem:v6+s23+$0x0] =	vst.idx.add.f32.msk vm7, v4  }
0x680: {  	v57 =	vld [tilespmem:$0x1FA90];
	_ =	sdelay $0x3  }
0x681: {  	vm10 =	vmor vm10, vm11  }
0x682: {  	vm0 =	vmor vm13, vm0;
	v8 =	vor.u32 v9, v8;
	vm7 =	vnez.u8 v57  }
0x683: {  	vm2 =	vmor vm2, vm14;
	vm1 =	vmor vm15, vm1;
	vm9 =	vcmask $0x3F3C  }
0x684: {  	v53 =	vand.u32 $0xFFFFFF80, v30;
	v10 =	vor.u32 v10, v12;
	v11 =	vand.u32 $0xFFFFFF80, v33  }
0x685: {  	v54 =	vand.u32 $0x7F, v20;
	v16 =	vor.u32 v19, v18;
	v56 =	vand.u32 $0x7F, v27  }
0x686: {  	v58 =	vand.u32 $0x7F, v28;
	v59 =	vand.u32 $0x7F, v31;
	v9 =	vor.u32 v54, v53  }
0x687: {  	vm4 =	vmor vm4, vm9;
	v4 =	vand.u32 $0xFFFFFF80, v35;
	v6 =	vor.u32 v56, v11;
	[tilespmem:v8+s23+$0x0] =	vst.idx.add.f32.msk vm10, v26  }
0x688: {  	v4 =	vor.u32 v58, v4;
	[tilespmem:v7+s23+$0x0] =	vst.idx.add.f32.msk vm7, v5;
	v5 =	vand.u32 $0xFFFFFF80, v24;
	vm7 =	vmor vm8, vm4  }
0x689: {  	v60 =	vsub.f32 v15, v17;
	[tilespmem:v10+s23+$0x0] =	vst.idx.add.f32.msk vm0, v29;
	v5 =	vor.u32 v59, v5  }
.Ltmp29:
0x68a: {  	[tilespmem:v16+s23+$0x0] =	vst.idx.add.f32.msk vm2, v32;
	(pc) =	sbr.rel .LBB2_38-.Ltmp29, $4  }
0x68b: {  	v62 =	vsub.f32 v14, v13;
	v61 =	vnsel vm4, $0x0, v15;
	[tilespmem:v9+s23+$0x0] =	vst.idx.add.f32.msk vm3, v34;
	v7 =	vnsel vm8, $0x0, v60  }
0x68c: {  	[tilespmem:v6+s23+$0x0] =	vst.idx.add.f32.msk vm1, v23;
	v63 =	vsub.f32 v61, v7  }
0x68d: {  	[tilespmem:v4+s23+$0x0] =	vst.idx.add.f32.msk vm6, v62  }
0x68e: {  	[tilespmem:v5+s23+$0x0] =	vst.idx.add.f32.msk vm7, v63  }
.LBB2_32:
0x68f: {  	s11 =	simm.s32 @p0 $0xF440  }
0x690: {  	v4 =	vld [tilespmem:s11+$0x30]  }
0x691: {  	v5 =	vld [tilespmem:s11+$0xFFFFFFD0]  }
0x692: {  	v6 =	vld [tilespmem:s11+$0xFFFFFFE0]  }
0x693: {  	v7 =	vld [tilespmem:s11+$0xFFFFFFF0]  }
0x694: {  	v9 =	vld [tilespmem:s11+$0x0]  }
0x695: {  	v11 =	vld [tilespmem:s11+$0xFFFFFFC0];
	v8 =	vshrl.u32 v4, $0x1  }
0x696: {  	v12 =	vld [tilespmem:s11+$0x10];
	v10 =	vshrl.u32 v5, $0x1  }
0x697: {  	s3 =	simm.s32 @p0 $0x11441;
	v13 =	vld [tilespmem:s11+$0x20];
	v14 =	vshrl.u32 v6, $0x1  }
0x698: {  	s7 =	simm.s32 @p0 $0x10440;
	v18 =	vld [tilespmem:s3+$0x3F];
	v15 =	vshrl.u32 v7, $0x1  }
0x699: {  	v20 =	vld [tilespmem:s7+$0x30];
	v16 =	vshrl.u32 v9, $0x1  }
0x69a: {  	v17 =	vshrl.u32 v11, $0x1;
	v8 =	vld.idx.msk [tilespmem:v8+s9+$0x0], $0xffff  }
0x69b: {  	v19 =	vshrl.u32 v12, $0x1;
	v10 =	vld.idx.msk [tilespmem:v10+s9+$0x0], $0xffff  }
0x69c: {  	v21 =	vshrl.u32 v13, $0x1;
	v14 =	vld.idx.msk [tilespmem:v14+s9+$0x0], $0xffff  }
0x69d: {  	v5 =	vshll.u32 v5, $0x4;
	v4 =	vshll.u32 v4, $0x4;
	v6 =	vshll.u32 v6, $0x4;
	v15 =	vld.idx.msk [tilespmem:v15+s9+$0x0], $0xffff  }
0x69e: {  	v7 =	vshll.u32 v7, $0x4;
	v12 =	vshll.u32 v12, $0x4;
	v4 =	vand.u32 $0x10, v4;
	v16 =	vld.idx.msk [tilespmem:v16+s9+$0x0], $0xffff  }
0x69f: {  	v13 =	vshll.u32 v13, $0x4;
	v4 =	vshrl.u32 v8, v4;
	v8 =	vshll.u32 v9, $0x4;
	v9 =	vld.idx.msk [tilespmem:v17+s9+$0x0], $0xffff  }
0x6a0: {  	v11 =	vshll.u32 v11, $0x4;
	v5 =	vand.u32 $0x10, v5;
	v17 =	vld.idx.msk [tilespmem:v19+s9+$0x0], $0xffff;
	v4 =	vshll.u32 v4, $0x10  }
0x6a1: {  	v6 =	vand.u32 $0x10, v6;
	v19 =	vsub.s32 v18, v1;
	v4 =	vmul.f32 v4, v20;
	v20 =	vld.idx.msk [tilespmem:v21+s9+$0x0], $0xffff  }
0x6a2: {  	v7 =	vand.u32 $0x10, v7;
	v12 =	vand.u32 $0x10, v12;
	vm0 =	vlt.u32 v19, $0x1000;
	v21 =	vld [tilespmem:s3+$0xFFFFFFCF]  }
0x6a3: {  	v11 =	vand.u32 $0x10, v11;
	v5 =	vshrl.u32 v10, v5;
	v22 =	vnsel vm0, $0x0, v4  }
0x6a4: {  	v4 =	vand.u32 $0x10, v13;
	v13 =	vshll.u32 v5, $0x10;
	v5 =	vshrl.u32 v14, v6  }
0x6a5: {  	v10 =	vld [tilespmem:s7+$0xFFFFFFC0];
	v8 =	vand.u32 $0x10, v8;
	v6 =	vshrl.u32 v15, v7;
	v15 =	vshll.u32 v5, $0x10  }
0x6a6: {  	v14 =	vld [tilespmem:s3+$0x3E];
	v23 =	vshll.u32 v6, $0x10;
	v5 =	vshrl.u32 v16, v8;
	v7 =	vshrl.u32 v9, v11  }
0x6a7: {  	(xrf2) =	vadd.scan.msk.f32 $0xffff, v22;
	v8 =	vld [tilespmem:s3+$0x40];
	v11 =	vshll.u32 v5, $0x10;
	v5 =	vshrl.u32 v17, v12;
	v9 =	vsub.s32 v21, v1  }
0x6a8: {  	v6 =	vld [tilespmem:s3+$0xFFFFFFDF];
	v7 =	vshll.u32 v7, $0x10;
	v4 =	vshrl.u32 v20, v4;
	vm1 =	vlt.u32 v9, $0x1000  }
0x6a9: {  	v12 =	vld [tilespmem:s7+$0xFFFFFFD0];
	v20 =	vshll.u32 v4, $0x10;
	v4 =	vand.u32 $0xFFFFFF80, v9;
	v9 =	vimm.s32 $0x0  }
0x6aa: {  	v17 =	vld [tilespmem:s7+$0xFFFFFFE0];
	v10 =	vmul.f32 v7, v10;
	v9 =	vsel vm1, $0xFFFFFFFF, v9  }
0x6ab: {  	v19 =	vand.u32 $0xFFFFFF80, v19;
	v16 =	vshll.u32 v5, $0x10;
	v7 =	vld [tilespmem:s3+$0xFFFFFFEF];
	[tilespmem:$0x1FB00] =	vst v9  }
0x6ac: {  	v24 =	vnsel vm1, $0x0, v10;
	vm2 =	vne.s32 v14, v18;
	vm1 =	vne.s32 v8, v18;
	v9 =	vld [tilespmem:s3+$0xFFFFFFFF]  }
0x6ad: {  	v25 =	vsub.s32 v6, v1;
	vm2 =	vmor vm2, vm12;
	v10 =	vld [tilespmem:s7+$0xFFFFFFF0];
	vm1 =	vmor vm1, vm9  }
0x6ae: {  	v8 =	vimm.s32 $0x0;
	v18 =	vand.u32 $0x7F, v18;
	v14 =	vld [tilespmem:s3+$0xF];
	vm3 =	vmor vm2, vm1  }
0x6af: {  	v12 =	vmul.f32 v13, v12;
	vm4 =	vlt.u32 v25, $0x1000;
	v13 =	vld [tilespmem:s7+$0x0];
	vm0 =	vmand vm0, vm3  }
0x6b0: {  	v27 =	vor.u32 v18, v19;
	v18 =	vimm.s32 $0x0;
	v8 =	vsel vm0, $0xFFFFFFFF, v8  }
0x6b1: {  	(xrf2) =	vadd.scan.msk.f32 $0xffff, v24;
	v15 =	vmul.f32 v15, v17;
	v18 =	vsel vm4, $0xFFFFFFFF, v18;
	[tilespmem:$0x1FB70] =	vst v8;
	v26, _, _ =	vpop (xrf2)  }
0x6b2: {  	v12 =	vnsel vm4, $0x0, v12;
	v8 =	vld [tilespmem:s3+$0x1F];
	v17 =	vsub.f32 v26, v22;
	[tilespmem:$0x1FB10] =	vst v18;
	v18 =	vsub.s32 v7, v1  }
0x6b3: {  	v19 =	vsub.s32 v9, v1;
	v23 =	vmul.f32 v23, v10;
	v26 =	vnsel vm1, $0x0, v26  }
0x6b4: {  	v28 =	vsub.s32 v14, v1;
	v11 =	vmul.f32 v11, v13;
	v13 =	vimm.s32 $0x0;
	v22 =	vld [tilespmem:s7+$0x10]  }
0x6b5: {  	v10 =	vld [tilespmem:s3+$0x2F];
	vm0 =	vlt.u32 v18, $0x1000;
	vm1 =	vlt.u32 v28, $0x1000;
	v17 =	vnsel vm2, $0x0, v17  }
0x6b6: {  	(xrf2) =	vadd.scan.msk.f32 $0xffff, v12;
	v29 =	vld [tilespmem:s7+$0x20];
	vm2 =	vlt.u32 v19, $0x1000;
	v13 =	vsel vm0, $0xFFFFFFFF, v13;
	v26 =	vsub.f32 v26, v17  }
0x6b7: {  	v30 =	vld [tilespmem:s3+$0xFFFFFFCE];
	[tilespmem:$0x1FB20] =	vst v13;
	v13 =	vnsel vm0, $0x0, v15;
	v15 =	vimm.s32 $0x0;
	v17 =	vimm.s32 $0x0  }
0x6b8: {  	v32 =	vnsel vm1, $0x0, v11;
	v15 =	vsel vm2, $0xFFFFFFFF, v15;
	v17 =	vsel vm1, $0xFFFFFFFF, v17;
	(xrf2) =	vadd.scan.msk.f32 $0xffff, v13  }
0x6b9: {  	[tilespmem:$0x1FB30] =	vst v15;
	v15 =	vnsel vm2, $0x0, v23;
	v23 =	vsub.s32 v8, v1;
	v11 =	vmul.f32 v16, v22  }
0x6ba: {  	v31 =	vld [tilespmem:s3+$0xFFFFFFD0];
	[tilespmem:$0x1FB40] =	vst v17;
	vm0 =	vlt.u32 v23, $0x1000;
	v16 =	vand.u32 $0xFFFFFF80, v18;
	v18 =	vimm.s32 $0x0  }
0x6bb: {  	v34, _, _ =	vpop (xrf2);
	v17 =	vand.u32 $0xFFFFFF80, v25;
	v33 =	vsub.s32 v10, v1;
	(xrf2) =	vadd.scan.msk.f32 $0xffff, v15;
	v22 =	vld [tilespmem:s3+$0xFFFFFFDE];
	v18 =	vsel vm0, $0xFFFFFFFF, v18  }
0x6bc: {  	v25 =	vimm.s32 $0x0;
	v35 =	vld [tilespmem:s3+$0xFFFFFFE0];
	vm1 =	vlt.u32 v33, $0x1000;
	[tilespmem:$0x1FB50] =	vst v18;
	v36 =	vnsel vm0, $0x0, v11  }
0x6bd: {  	v11 =	vmul.f32 v20, v29;
	v20 =	vsub.f32 v34, v24;
	v25 =	vsel vm1, $0xFFFFFFFF, v25;
	v24 =	vld [tilespmem:s3+$0xFFFFFFEE]  }
0x6be: {  	v29 =	vld [tilespmem:s3+$0xFFFFFFF0];
	[tilespmem:$0x1FB60] =	vst v25  }
0x6bf: {  	vm0 =	vne.s32 v30, v21;
	v18 =	vand.u32 $0xFFFFFF80, v19;
	v19 =	vand.u32 $0xFFFFFF80, v28;
	v28 =	vld [tilespmem:s3+$0xFFFFFFFE]  }
0x6c0: {  	(xrf2) =	vadd.scan.msk.f32 $0xffff, v32;
	vm2 =	vmor vm0, vm12;
	vm0 =	vne.s32 v31, v21  }
0x6c1: {  	vm11 =	vmor vm0, vm9;
	vm0 =	vne.s32 v22, v6;
	v22 =	vld [tilespmem:s3+$0x0]  }
0x6c2: {  	vm10 =	vmmov vm12;
	v25 =	vnsel vm1, $0x0, v11;
	v11 =	vnsel vm2, $0x0, v20;
	v59 =	vld [tilespmem:s3+$0xE]  }
0x6c3: {  	v20 =	vand.u32 $0xFFFFFF80, v23;
	v23, _, _ =	vpop (xrf2);
	vm3 =	vmor vm0, vm12;
	vm0 =	vne.s32 v24, v7;
	v24 =	vld [tilespmem:s3+$0x10]  }
0x6c4: {  	vm1 =	vne.s32 v35, v6;
	v61, _, _ =	vpop (xrf2);
	vm13 =	vmor vm0, vm10;
	vm0 =	vne.s32 v28, v9;
	v28 =	vld [tilespmem:s3+$0x20]  }
0x6c5: {  	vm12 =	vmor vm1, vm9;
	vm1 =	vne.s32 v29, v7;
	v29 =	vld [tilespmem:s3+$0x1E];
	v63, _, _ =	vpop (xrf2)  }
0x6c6: {  	vm14 =	vmor vm1, vm9;
	vm1 =	vne.s32 v22, v9;
	v22 =	vld [tilespmem:s3+$0x2E];
	v15 =	vsub.f32 v63, v15  }
0x6c7: {  	vm15 =	vmor vm0, vm10;
	vm0 =	vne.s32 v59, v14  }
0x6c8: {  	vm4 =	vmor vm0, vm10;
	vm0 =	vne.s32 v24, v14  }
0x6c9: {  	vm6 =	vmor vm0, vm9;
	vm5 =	vne.s32 v28, v8  }
0x6ca: {  	vm0 =	vne.s32 v29, v8;
	v28 =	vnsel vm15, $0x0, v15;
	vm7 =	vmor vm5, vm9;
	v15, _, _ =	vpop (xrf2)  }
0x6cb: {  	(xrf2) =	vadd.scan.msk.f32 $0xffff, v36;
	v29 =	vsub.f32 v15, v32;
	vm5 =	vne.s32 v22, v10;
	v22 =	vnsel vm6, $0x0, v15;
	v15 =	vld [tilespmem:$0x1FB70];
	_ =	sdelay $0x3  }
0x6cc: {  	s8 =	simm.s32 @p0 $0xFFFFFFF8;
	v5 =	vand.u32 $0x7F, v21;
	v62 =	vld [tilespmem:s3+$0x30];
	v12 =	vsub.f32 v23, v12  }
0x6cd: {  	s8 =	sadd.s32 $0x8, s8;
	vm0 =	vmor vm0, vm10;
	(xrf2) =	vadd.scan.msk.f32 $0xffff, v25;
	vm5 =	vmor vm5, vm10;
	vm10 =	vnez.u8 v15  }
0x6ce: {  	p0 =	slt.u32 s8, $0xF8;
	v21 =	vand.u32 $0xFFFFFF80, v33;
	v60 =	vnsel vm11, $0x0, v34;
	v13 =	vsub.f32 v61, v13  }
.Ltmp30:
0x6cf: {  	v12 =	vnsel vm3, $0x0, v12;
	v23 =	vnsel vm12, $0x0, v23;
	v11 =	vsub.f32 v60, v11;
	(pc) =	sbr.rel @!p0 .LBB2_34-.Ltmp30, $4  }
0x6d0: {  	v33 =	vnsel vm14, $0x0, v61;
	v13 =	vnsel vm13, $0x0, v13;
	vm1 =	vmor vm1, vm9  }
0x6d1: {  	vm8 =	vne.s32 v62, v10;
	v13 =	vsub.f32 v33, v13;
	v24 =	vnsel vm1, $0x0, v63  }
0x6d2: {  	vm8 =	vmor vm8, vm9;
	v15 =	vsub.f32 v23, v12;
	v23, _, _ =	vpop (xrf2);
	v12 =	vsub.f32 v24, v28  }
0x6d3: {  	s11 =	sadd.s32 $0x80, s11;
	v24 =	vsub.f32 v23, v36;
	v23 =	vnsel vm7, $0x0, v23;
	[tilespmem:v27+s23+$0x0] =	vst.idx.add.f32.msk vm10, v26;
	v27 =	vnsel vm4, $0x0, v29  }
.LBB2_33:
0x6d4: {  	_ =	sdelay $0x2  }
0x6d5: {  	v26 =	vld [tilespmem:s11+$0x30];
	v24 =	vnsel vm0, $0x0, v24;
	v28, _, _ =	vpop (xrf2)  }
0x6d6: {  	v23 =	vsub.f32 v23, v24;
	v24 =	vsub.f32 v28, v25;
	v25 =	vnsel vm8, $0x0, v28;
	v28 =	vld [tilespmem:s11+$0xFFFFFFF0]  }
0x6d7: {  	v30 =	vld [tilespmem:s11+$0x0]  }
0x6d8: {  	vm2 =	vmor vm2, vm11;
	v22 =	vsub.f32 v22, v27;
	v27 =	vld [tilespmem:s11+$0xFFFFFFD0]  }
0x6d9: {  	vm3 =	vmor vm3, vm12;
	vm11 =	vmor vm13, vm14;
	vm1 =	vmor vm15, vm1;
	v29 =	vld [tilespmem:s11+$0xFFFFFFE0]  }
0x6da: {  	vm6 =	vmor vm4, vm6;
	vm7 =	vmor vm0, vm7;
	vm4 =	vmor vm5, vm8;
	v31 =	vld [tilespmem:s11+$0x10]  }
0x6db: {  	v6 =	vand.u32 $0x7F, v6;
	v43 =	vld [tilespmem:$0x1FB00];
	v36 =	vshrl.u32 v28, $0x1;
	v28 =	vshll.u32 v28, $0x4  }
0x6dc: {  	v7 =	vand.u32 $0x7F, v7;
	v33 =	vld [tilespmem:s11+$0x20];
	v37 =	vand.u32 $0x10, v28;
	v28 =	vshrl.u32 v30, $0x1  }
0x6dd: {  	v9 =	vand.u32 $0x7F, v9;
	v14 =	vand.u32 $0x7F, v14;
	v8 =	vand.u32 $0x7F, v8;
	v55 =	vld [tilespmem:$0x1FB10]  }
0x6de: {  	v34 =	vld [tilespmem:s11+$0xFFFFFFC0];
	v10 =	vand.u32 $0x7F, v10;
	v56 =	vimm.s32 $0x0;
	v58 =	vimm.s32 $0x0  }
0x6df: {  	v57 =	vld [tilespmem:$0x1FB20];
	v32 =	vshrl.u32 v26, $0x1;
	v35 =	vshrl.u32 v29, $0x1;
	v29 =	vshll.u32 v29, $0x4  }
0x6e0: {  	v59 =	vld [tilespmem:$0x1FB30];
	v38 =	vshrl.u32 v31, $0x1;
	v31 =	vshll.u32 v31, $0x4;
	vm0 =	vnez.u8 v43  }
0x6e1: {  	v54 =	vshrl.u32 v33, $0x1;
	vm0 =	vmand vm0, vm2;
	v24 =	vnsel vm5, $0x0, v24;
	v60 =	vld.idx.msk [tilespmem:v28+s9+$0x0], $0xffff  }
0x6e2: {  	s3 =	sadd.s32 $0x80, s3;
	vm2 =	vnez.u8 v55;
	v24 =	vsub.f32 v25, v24;
	v25 =	vshrl.u32 v27, $0x1;
	v28 =	vld [tilespmem:$0x1FB40]  }
0x6e3: {  	v41 =	vld [tilespmem:s3+$0x3F];
	v33 =	vshll.u32 v33, $0x4;
	v40 =	vshrl.u32 v34, $0x1;
	vm2 =	vmand vm2, vm3  }
0x6e4: {  	v45 =	vld [tilespmem:s3+$0xFFFFFFCF];
	v34 =	vshll.u32 v34, $0x4;
	v43 =	vsel vm2, $0xFFFFFFFF, v56;
	vm2 =	vnez.u8 v57  }
0x6e5: {  	v26 =	vshll.u32 v26, $0x4;
	v29 =	vand.u32 $0x10, v29;
	vm2 =	vmand vm2, vm11;
	v32 =	vld.idx.msk [tilespmem:v32+s9+$0x0], $0xffff  }
0x6e6: {  	v39 =	vand.u32 $0x10, v31;
	[tilespmem:$0x1FAB0] =	vst v43;
	v35 =	vld.idx.msk [tilespmem:v35+s9+$0x0], $0xffff;
	v43 =	vsel vm2, $0xFFFFFFFF, v58;
	vm2 =	vnez.u8 v59  }
0x6e7: {  	v33 =	vand.u32 $0x10, v33;
	vm8 =	vmand vm2, vm1;
	v25 =	vld.idx.msk [tilespmem:v25+s9+$0x0], $0xffff;
	vm1 =	vnez.u8 v28  }
0x6e8: {  	s7 =	sadd.s32 $0x80, s7;
	v34 =	vand.u32 $0x10, v34;
	v61 =	vld.idx.msk [tilespmem:v54+s9+$0x0], $0xffff;
	v28 =	vimm.s32 $0x0;
	vm1 =	vmand vm1, vm6  }
0x6e9: {  	v42 =	vld [tilespmem:s7+$0x30];
	v26 =	vand.u32 $0x10, v26;
	v44 =	vsub.s32 v41, v1;
	v28 =	vsel vm1, $0xFFFFFFFF, v28  }
0x6ea: {  	v31 =	vor.u32 v8, v20;
	v8 =	vsub.s32 v45, v1;
	v27 =	vshll.u32 v27, $0x4;
	[tilespmem:$0x1FAD0] =	vst v28;
	v28 =	vld [tilespmem:$0x1FB50]  }
0x6eb: {  	v27 =	vand.u32 $0x10, v27;
	v30 =	vshll.u32 v30, $0x4;
	vm2 =	vlt.u32 v8, $0x1000  }
0x6ec: {  	v26 =	vshrl.u32 v32, v26;
	v32 =	vor.u32 v5, v4;
	v25 =	vshrl.u32 v25, v27;
	v27 =	vld [tilespmem:$0x1FB60]  }
0x6ed: {  	v4 =	vshrl.u32 v35, v29;
	v29 =	vor.u32 v9, v18;
	v9 =	vshrl.u32 v61, v33  }
0x6ee: {  	v30 =	vand.u32 $0x10, v30;
	v36 =	vld.idx.msk [tilespmem:v36+s9+$0x0], $0xffff;
	v26 =	vshll.u32 v26, $0x10;
	v33 =	vshll.u32 v9, $0x10  }
0x6ef: {  	v62 =	vld [tilespmem:s3+$0x3E];
	v9 =	vimm.s32 $0x0;
	v26 =	vmul.f32 v26, v42;
	vm1 =	vnez.u8 v28  }
0x6f0: {  	v40 =	vld.idx.msk [tilespmem:v40+s9+$0x0], $0xffff;
	v9 =	vsel vm2, $0xFFFFFFFF, v9;
	v28 =	vimm.s32 $0x0;
	vm1 =	vmand vm1, vm7  }
0x6f1: {  	v46 =	vld [tilespmem:s7+$0xFFFFFFF0];
	v28 =	vsel vm1, $0xFFFFFFFF, v28;
	vm1 =	vnez.u8 v27;
	v27 =	vimm.s32 $0x0  }
0x6f2: {  	v5 =	vld [tilespmem:s7+$0xFFFFFFC0];
	[tilespmem:$0x1FAE0] =	vst v28;
	vm1 =	vmand vm1, vm4;
	v28 =	vor.u32 v7, v16;
	v16 =	vshll.u32 v4, $0x10  }
0x6f3: {  	v38 =	vld.idx.msk [tilespmem:v38+s9+$0x0], $0xffff;
	v4 =	vshrl.u32 v36, v37;
	v27 =	vsel vm1, $0xFFFFFFFF, v27;
	vm1 =	vlt.u32 v44, $0x1000  }
0x6f4: {  	[tilespmem:$0x1FB00] =	vst v9;
	v18 =	vshll.u32 v4, $0x10;
	v4 =	vshrl.u32 v60, v30;
	v30 =	vor.u32 v14, v19;
	v14 =	vld [tilespmem:s3+$0x40]  }
0x6f5: {  	v9 =	vld [tilespmem:s3+$0xFFFFFFFF];
	[tilespmem:$0x1FAF0] =	vst v27;
	v27 =	vor.u32 v6, v17;
	v17 =	vnsel vm1, $0x0, v26;
	v6 =	vshrl.u32 v40, v34  }
0x6f6: {  	v19 =	vshll.u32 v4, $0x10;
	v26 =	vor.u32 v10, v21;
	v10 =	vld [tilespmem:s7+$0xFFFFFFD0];
	v4 =	vshll.u32 v6, $0x10  }
0x6f7: {  	(xrf2) =	vadd.scan.msk.f32 $0xffff, v17;
	v6 =	vld [tilespmem:s3+$0xFFFFFFDF];
	v21 =	vmul.f32 v4, v5  }
0x6f8: {  	v4 =	vand.u32 $0xFFFFFF80, v8;
	v8 =	vld [tilespmem:s7+$0xFFFFFFE0]  }
0x6f9: {  	v21 =	vnsel vm2, $0x0, v21;
	vm2 =	vne.s32 v14, v41;
	v14 =	vld [tilespmem:$0x1FFF0]  }
0x6fa: {  	v50 =	vimm.s32 $0x0;
	v48 =	vand.u32 $0x7F, v41;
	v7 =	vshrl.u32 v38, v39  }
0x6fb: {  	vm3 =	vne.s32 v62, v41;
	v25 =	vshll.u32 v25, $0x10;
	v20 =	vshll.u32 v7, $0x10;
	v7 =	vld [tilespmem:s3+$0xFFFFFFEF]  }
0x6fc: {  	v47 =	vand.u32 $0xFFFFFF80, v44;
	v52 =	vsub.s32 v9, v1;
	v10 =	vmul.f32 v25, v10;
	v25 =	vld [tilespmem:s7+$0x0]  }
0x6fd: {  	v53 =	vld [tilespmem:s7+$0x10];
	v36 =	vor.u32 v48, v47;
	v18 =	vmul.f32 v18, v46;
	v63 =	vsub.s32 v6, v1  }
0x6fe: {  	vm5 =	vlt.u32 v63, $0x1000;
	v16 =	vmul.f32 v16, v8;
	v8 =	vld [tilespmem:s3+$0x1F];
	vm10 =	vnez.u8 v14  }
0x6ff: {  	v56 =	vld [tilespmem:s7+$0x20];
	vm2 =	vmor vm2, vm9;
	v37 =	vsel vm5, $0xFFFFFFFF, v50;
	vm3 =	vmor vm3, vm10  }
0x700: {  	v51 =	vsub.s32 v7, v1;
	v14 =	vld [tilespmem:s3+$0xF];
	[tilespmem:$0x1FB10] =	vst v37;
	v37 =	vnsel vm5, $0x0, v10;
	vm4 =	vmor vm3, vm2  }
0x701: {  	v10 =	vld [tilespmem:s3+$0x2F];
	v19 =	vmul.f32 v19, v25;
	v25 =	vimm.s32 $0x0;
	v49, _, _ =	vpop (xrf2);
	vm1 =	vmand vm1, vm4  }
0x702: {  	v17 =	vsub.f32 v49, v17;
	v54 =	vnsel vm2, $0x0, v49;
	vm2 =	vlt.u32 v51, $0x1000  }
0x703: {  	vm4 =	vlt.u32 v52, $0x1000;
	v46 =	vsub.s32 v8, v1;
	v25 =	vsel vm2, $0xFFFFFFFF, v25  }
0x704: {  	[tilespmem:$0x1FAC0] =	vst v43;
	v43 =	vnsel vm2, $0x0, v16;
	v16 =	vimm.s32 $0x0;
	v44 =	vnsel vm4, $0x0, v18  }
0x705: {  	v57 =	vld [tilespmem:s3+$0xFFFFFFCE];
	v18 =	vmul.f32 v20, v53;
	v20 =	vmul.f32 v33, v56;
	v17 =	vnsel vm3, $0x0, v17  }
0x706: {  	v58 =	vld [tilespmem:s3+$0xFFFFFFD0];
	v55 =	vsub.s32 v14, v1;
	v16 =	vsel vm4, $0xFFFFFFFF, v16;
	v60 =	vsub.s32 v10, v1  }
0x707: {  	v59 =	vld [tilespmem:s3+$0xFFFFFFDE];
	v17 =	vsub.f32 v54, v17;
	vm3 =	vlt.u32 v55, $0x1000;
	[tilespmem:$0x1FB30] =	vst v16;
	v16 =	vimm.s32 $0x0  }
0x708: {  	v62 =	vld [tilespmem:s3+$0xFFFFFFEE];
	[tilespmem:$0x1FB20] =	vst v25;
	v25 =	vimm.s32 $0x0;
	v16 =	vsel vm3, $0xFFFFFFFF, v16;
	v47 =	vnsel vm3, $0x0, v19  }
0x709: {  	v19 =	vimm.s32 $0x0;
	vm3 =	vlt.u32 v60, $0x1000;
	[tilespmem:v36+s23+$0x0] =	vst.idx.add.f32.msk vm1, v17;
	vm1 =	vlt.u32 v46, $0x1000  }
0x70a: {  	v19 =	vsel vm1, $0xFFFFFFFF, v19;
	v49 =	vnsel vm1, $0x0, v18;
	vm1 =	vne.s32 v57, v45  }
0x70b: {  	v25 =	vsel vm3, $0xFFFFFFFF, v25;
	vm2 =	vmor vm1, vm10;
	vm1 =	vne.s32 v58, v45  }
0x70c: {  	[tilespmem:$0x1FB50] =	vst v19;
	v19 =	vand.u32 $0xFFFFFF80, v55;
	v55 =	vld [tilespmem:s3+$0x10];
	vm11 =	vmor vm1, vm9;
	vm1 =	vne.s32 v59, v6  }
0x70d: {  	[tilespmem:$0x1FB60] =	vst v25;
	v25 =	vnsel vm3, $0x0, v20;
	vm3 =	vmor vm1, vm10;
	vm1 =	vne.s32 v62, v7;
	v62 =	vld [tilespmem:$0x1FAB0]  }
0x70e: {  	(xrf2) =	vadd.scan.msk.f32 $0xffff, v21;
	_ =	sdelay $0x2  }
0x70f: {  	vm5 =	vne.s32 v55, v14  }
0x710: {  	vm6 =	vmor vm5, vm9;
	vm5 =	vnez.u8 v62;
	_ =	sdelay $0x3  }
0x711: {  	(xrf2) =	vadd.scan.msk.f32 $0xffff, v37  }
0x712: {  	v48 =	vld [tilespmem:s3+$0xFFFFFFE0];
	(xrf2) =	vadd.scan.msk.f32 $0xffff, v43  }
0x713: {  	v61, _, _ =	vpop (xrf2);
	(xrf2) =	vadd.scan.msk.f32 $0xffff, v44;
	[tilespmem:v27+s23+$0x0] =	vst.idx.add.f32.msk vm5, v15  }
0x714: {  	v15 =	vld [tilespmem:$0x1FAC0];
	_ =	sdelay $0x2  }
0x715: {  	[tilespmem:v32+s23+$0x0] =	vst.idx.add.f32.msk vm0, v11  }
0x716: {  	v56 =	vld [tilespmem:s3+$0x1E]  }
0x717: {  	[tilespmem:$0x1FB40] =	vst v16;
	v16 =	vand.u32 $0xFFFFFF80, v51;
	v51 =	vld [tilespmem:s3+$0xFFFFFFFE];
	vm7 =	vnez.u8 v15  }
0x718: {  	v54 =	vld [tilespmem:s3+$0xE]  }
0x719: {  	v17 =	vand.u32 $0xFFFFFF80, v63;
	v63 =	vld [tilespmem:s3+$0xFFFFFFF0];
	v53, _, _ =	vpop (xrf2)  }
0x71a: {  	v18 =	vand.u32 $0xFFFFFF80, v52;
	v52 =	vld [tilespmem:s3+$0x0];
	v58, _, _ =	vpop (xrf2)  }
0x71b: {  	v21 =	vsub.f32 v61, v21;
	v57 =	vld [tilespmem:s3+$0x20];
	v39 =	vnsel vm11, $0x0, v61;
	v61, _, _ =	vpop (xrf2)  }
0x71c: {  	v59 =	vld [tilespmem:s3+$0x2E];
	vm13 =	vmor vm1, vm10;
	vm1 =	vne.s32 v51, v9;
	v11 =	vsub.f32 v61, v44  }
0x71d: {  	vm15 =	vmor vm1, vm10;
	[tilespmem:v28+s23+$0x0] =	vst.idx.add.f32.msk vm7, v13  }
0x71e: {  	vm4 =	vne.s32 v48, v6;
	v28 =	vnsel vm15, $0x0, v11;
	v11 =	vld [tilespmem:$0x1FAD0]  }
0x71f: {  	vm12 =	vmor vm4, vm9;
	(xrf2) =	vadd.scan.msk.f32 $0xffff, v47;
	vm4 =	vne.s32 v63, v7  }
0x720: {  	vm0 =	vne.s32 v56, v8;
	vm14 =	vmor vm4, vm9;
	vm4 =	vne.s32 v52, v9  }
0x721: {  	vm0 =	vmor vm0, vm10;
	vm1 =	vmor vm4, vm9;
	vm5 =	vne.s32 v57, v8  }
0x722: {  	vm4 =	vne.s32 v54, v14;
	vm7 =	vmor vm5, vm9;
	vm5 =	vne.s32 v59, v10  }
0x723: {  	vm4 =	vmor vm4, vm10;
	vm5 =	vmor vm5, vm10;
	vm10 =	vnez.u8 v11;
	_ =	sdelay $0x4  }
0x724: {  	[tilespmem:v29+s23+$0x0] =	vst.idx.add.f32.msk vm8, v12  }
0x725: {  	v13, _, _ =	vpop (xrf2);
	[tilespmem:v30+s23+$0x0] =	vst.idx.add.f32.msk vm10, v22  }
0x726: {  	v12 =	vsub.f32 v13, v47;
	v22 =	vnsel vm6, $0x0, v13;
	v13 =	vld [tilespmem:$0x1FAE0];
	_ =	sdelay $0x4  }
0x727: {  	vm10 =	vnez.u8 v13  }
0x728: {  	(xrf2) =	vadd.scan.msk.f32 $0xffff, v49;
	v27 =	vnsel vm4, $0x0, v12;
	v12 =	vld [tilespmem:$0x1FAF0];
	_ =	sdelay $0x3  }
0x729: {  	v50 =	vnsel vm2, $0x0, v21;
	v21 =	vand.u32 $0xFFFFFF80, v60;
	v60 =	vld [tilespmem:s3+$0x30]  }
0x72a: {  	s8 =	sadd.s32 $0x8, s8;
	[tilespmem:v31+s23+$0x0] =	vst.idx.add.f32.msk vm10, v23;
	vm10 =	vnez.u8 v12  }
0x72b: {  	p0 =	slt.u32 s8, $0xF8;
	v5 =	vand.u32 $0x7F, v45;
	v37 =	vsub.f32 v53, v37  }
.Ltmp31:
0x72c: {  	v20 =	vand.u32 $0xFFFFFF80, v46;
	v34 =	vnsel vm12, $0x0, v53;
	v43 =	vsub.f32 v58, v43;
	(pc) =	sbr.rel @p0 .LBB2_33-.Ltmp31, $4  }
0x72d: {  	v37 =	vnsel vm3, $0x0, v37;
	v42 =	vnsel vm14, $0x0, v58;
	v63 =	vnsel vm1, $0x0, v61  }
0x72e: {  	vm8 =	vne.s32 v60, v10;
	v43 =	vnsel vm13, $0x0, v43;
	v15 =	vsub.f32 v34, v37  }
0x72f: {  	(xrf2) =	vadd.scan.msk.f32 $0xffff, v25;
	vm8 =	vmor vm8, vm9;
	v11 =	vsub.f32 v39, v50;
	v13 =	vsub.f32 v42, v43;
	v23, _, _ =	vpop (xrf2)  }
0x730: {  	s11 =	sadd.s32 $0x80, s11;
	v12 =	vsub.f32 v63, v28;
	[tilespmem:v26+s23+$0x0] =	vst.idx.add.f32.msk vm10, v24;
	v24 =	vsub.f32 v23, v49;
	v23 =	vnsel vm7, $0x0, v23  }
.Ltmp32:
0x731: {  	_ = 	snop;
	(pc) =	sbr.rel .LBB2_34-.Ltmp32, $1  }
0x732: {  	_ =	sdelay $0x3  }
.LBB2_40:
0x733: {  	_ =	sfence.sel $0x180000  }
0x734: {  	[bflag:$0x0] =	sbarrier.arrive $0xFFFF  }
0x735: {  	_ =	strace $0x90000047  }
0x736: {  	s0 =	stileid.u32;
	[bflag:$0x2] =	sbarrier.arrive $0xFFFF  }
0x737: {  	p0 =	sne.s32 s0, $0x0;
	s0 =	rddreg [dreg:$0x8]  }
0x738: {  	s0 =	sadd.s32 @!p0 $0x100000, s0  }
0x739: {  	[sflag:s0] =	ssyncadd.tile.s32 @!p0 $0x1;
	_ =	shalt  }
.Lfunc_end2:
_tile_overlayer_lowered:
.L_overlay_start_2:
0x73a: {  	(tag) =	ssettag $0x2  }
0x73b: {  	s0 =	rddreg [dreg:$0x0];
	s2 =	stileid.u32  }
0x73c: {  	s1 =	rddreg [dreg:$0x1];
	p0 =	sne.s32 s2, $0x0  }
0x73d: {  	s3 =	rddreg [dreg:$0x2];
	[bflag:$0x3] =	sbarrier.arrive $0xFFFF;
	s2 =	simm.s32 @!p0 $0x1C03  }
0x73e: {  	[timem:s3], [sflag:s2] =	dma.local @!p0 [hbm:s0], s1  }
0x73f: {  	s0 =	simm.s32 @!p0 $0x3  }
0x740: {  	_ =	swait.ge @!p0 [sflag:s0], s1  }
0x741: {  	s1 =	ssub.s32 @!p0 $0x0, s1;
	[sflag:s0] =	ssyncset.done @!p0 $0x0  }
0x742: {  	[sflag:s0] =	ssyncadd.s32 @!p0 s1  }
0x743: {  	[bflag:$0x3] =	sbarrier.arrive $0xFFFF  }
0x744: {  	_ =	shalt  }

</sc_bundles>
